<compile_context>
chip_gen: v7x
topology: tpu7x:2x2x1
jax: 0.10.2.dev20260603
libtpu: 0.0.44.dev20260713+nightly
codegen_flags: <defaults>
</compile_context>

<pallas_src>
import jax
import jax.numpy as jnp
from jax import lax
from jax.experimental import pallas as pl
from jax.experimental.pallas import tpu as pltpu
from jax.experimental.pallas import tpu_sc as plsc

N = 100000
E = 1600000
NF = 128
NH = 128
NC = 32
HALF = 16
NSUB = 16
NCORE = 2
NUM_LAYERS = 10
ALPHA = 0.1

EB = 256
K = 8
NRING = 3
RPT = 400
NSB = RPT // K
ROWS = RPT * NSUB
EPAD = ROWS * EB
DEG_RPW = ROWS // (NSUB * NCORE)

NPAD = 100096
NPT = NPAD // NSUB
NB = 136
NBLK = NPT // NB

BN = 2000
GRID = N // BN

_mesh = plsc.VectorSubcoreMesh(
    core_axis_name="c", subcore_axis_name="s", num_cores=NCORE,
    num_subcores=NSUB)
_sc_params = pltpu.CompilerParams(use_tc_tiling_on_sc=False)


def _deg_body(dst2, out_a, out_b, deg_sh, zbuf, ones, idx):
    c = lax.axis_index("c")
    s = lax.axis_index("s")

    def zero16(i, _):
        zbuf[pl.ds(i * 16, 16)] = jnp.zeros((16,), jnp.float32)
        return 0

    lax.fori_loop(0, NPT // 16, zero16, 0)

    def one16(i, _):
        ones[pl.ds(i * 16, 16)] = jnp.ones((16,), jnp.float32)
        return 0

    lax.fori_loop(0, EB // 16, one16, 0)
    pltpu.sync_copy(zbuf, deg_sh.at[pl.ds(s * NPT, NPT)])
    plsc.subcore_barrier()

    w = s * NCORE + c
    base = w * DEG_RPW

    def scat(j, _):
        pltpu.sync_copy(dst2.at[base + j], idx.at[0])
        pltpu.sync_copy(ones, deg_sh.at[idx.at[0]], add=True)
        return 0

    lax.fori_loop(0, DEG_RPW, scat, 0)
    plsc.subcore_barrier()

    chunk = pl.ds(s * NPT, NPT)

    @pl.when(c == 0)
    def _():
        pltpu.sync_copy(deg_sh.at[chunk], out_a.at[chunk])

    @pl.when(c == 1)
    def _():
        pltpu.sync_copy(deg_sh.at[chunk], out_b.at[chunk])


_deg = pl.kernel(
    _deg_body,
    out_type=(jax.ShapeDtypeStruct((NPAD,), jnp.float32),
              jax.ShapeDtypeStruct((NPAD,), jnp.float32)),
    mesh=_mesh,
    scratch_types=[
        pltpu.VMEM_SHARED((NPAD,), jnp.float32),
        pltpu.VMEM((NPT,), jnp.float32),
        pltpu.VMEM((EB,), jnp.float32),
        pltpu.VMEM((1, EB), jnp.int32),
    ],
    compiler_params=_sc_params,
)


def _core_prog(s, g0p, wref, src2, dst2, gout, acc_sh, idx_s, idx_d, rows,
               acc_b, g0_b, w_b, gsem, ssem):
    nbase = s * NPT
    ebase = s * RPT

    def _drain(ds):
        for d in ds:
            d.wait()

    def p1(b, _):
        nd = pl.ds(nbase + b * NB, NB)
        pltpu.sync_copy(g0p.at[nd], acc_b.at[0])
        pltpu.sync_copy(acc_b.at[0], acc_sh.at[nd])
        pltpu.sync_copy(acc_b.at[0], gout.at[nd])
        return 0

    lax.fori_loop(0, NBLK, p1, 0)
    plsc.subcore_barrier()

    def iteration(it, _):
        def body(bi, _):
            er = pl.ds(ebase + bi * K, K)
            pltpu.sync_copy(src2.at[er], idx_s)
            pltpu.sync_copy(dst2.at[er], idx_d)
            g = [None] * K
            s = [None] * K
            for r in range(NRING - 1):
                g[r] = pltpu.async_copy(gout.at[idx_s.at[r]],
                                        rows.at[r % NRING], gsem)
            for r in range(K):
                g[r].wait()
                s[r] = pltpu.async_copy(rows.at[r % NRING],
                                        acc_sh.at[idx_d.at[r]], ssem,
                                        add=True)
                if r >= 1:
                    s[r - 1].wait()
                if r + NRING - 1 < K:
                    g[r + NRING - 1] = pltpu.async_copy(
                        gout.at[idx_s.at[r + NRING - 1]],
                        rows.at[(r + NRING - 1) % NRING], gsem)
            s[K - 1].wait()
            return 0

        with jax.named_scope("p2_edges"):
            lax.fori_loop(0, NSB, body, 0)
            plsc.subcore_barrier()

        def p3_fma(u):
            def rows4(r4, _):
                for j in range(4):
                    r = r4 * 4 + j
                    acc_b[u, r] = (w_b[u, r] * acc_b[u, r]
                                   + ALPHA * g0_b[u, r])
                return 0

            lax.fori_loop(0, NB // 4, rows4, 0)

        def p3blk(nd, u):
            lds = [pltpu.async_copy(g0p.at[nd], g0_b.at[u], gsem),
                   pltpu.async_copy(wref.at[nd], w_b.at[u], gsem)]
            pltpu.sync_copy(acc_sh.at[nd], acc_b.at[u])
            _drain(lds)
            p3_fma(u)
            st = pltpu.async_copy(acc_b.at[u], gout.at[nd], ssem)
            pltpu.sync_copy(acc_b.at[u], acc_sh.at[nd])
            return st

        def p3pair(t, _):
            st0 = p3blk(pl.ds(nbase + (2 * t) * NB, NB), 0)
            st1 = p3blk(pl.ds(nbase + (2 * t + 1) * NB, NB), 1)
            st0.wait()
            st1.wait()
            return 0

        with jax.named_scope("p3_combine"):
            lax.fori_loop(0, NBLK // 2, p3pair, 0)
            plsc.subcore_barrier()
        return 0

    lax.fori_loop(0, NUM_LAYERS, iteration, 0)


def _prop_body(g0a, g0b, wref, src2, dst2, out_a, out_b, acc_sh, idx_s,
               idx_d, rows, acc_b, g0_b, w_b, gsem, ssem):
    c = lax.axis_index("c")
    s = lax.axis_index("s")

    @pl.when(c == 0)
    def _():
        _core_prog(s, g0a, wref, src2, dst2, out_a, acc_sh, idx_s, idx_d,
                   rows, acc_b, g0_b, w_b, gsem, ssem)

    @pl.when(c == 1)
    def _():
        _core_prog(s, g0b, wref, src2, dst2, out_b, acc_sh, idx_s, idx_d,
                   rows, acc_b, g0_b, w_b, gsem, ssem)


_prop = pl.kernel(
    _prop_body,
    out_type=(jax.ShapeDtypeStruct((NPAD, HALF), jnp.float32),
              jax.ShapeDtypeStruct((NPAD, HALF), jnp.float32)),
    mesh=_mesh,
    scratch_types=[
        pltpu.VMEM_SHARED((NPAD, HALF), jnp.float32),
        pltpu.VMEM((K, EB), jnp.int32),
        pltpu.VMEM((K, EB), jnp.int32),
        pltpu.VMEM((NRING, EB, HALF), jnp.float32),
        pltpu.VMEM((2, NB, HALF), jnp.float32),
        pltpu.VMEM((2, NB, HALF), jnp.float32),
        pltpu.VMEM((2, NB, HALF), jnp.float32),
        pltpu.SemaphoreType.DMA,
        pltpu.SemaphoreType.DMA,
    ],
    compiler_params=_sc_params,
)


def _mlp_body(x_ref, w1_ref, b1_ref, w2_ref, b2_ref, o_ref):
    h = jnp.dot(x_ref[...], w1_ref[...], preferred_element_type=jnp.float32)
    h = jnp.maximum(h + b1_ref[...], 0.0)
    o_ref[...] = jnp.dot(h, w2_ref[...],
                         preferred_element_type=jnp.float32) + b2_ref[...]


_mlp = pl.pallas_call(
    _mlp_body,
    grid=(GRID,),
    in_specs=[
        pl.BlockSpec((BN, NF), lambda i: (i, 0)),
        pl.BlockSpec((NF, NH), lambda i: (0, 0)),
        pl.BlockSpec((1, NH), lambda i: (0, 0)),
        pl.BlockSpec((NH, NC), lambda i: (0, 0)),
        pl.BlockSpec((1, NC), lambda i: (0, 0)),
    ],
    out_specs=pl.BlockSpec((BN, NC), lambda i: (i, 0)),
    out_shape=jax.ShapeDtypeStruct((N, NC), jnp.float32),
)


def _norm_body(h0_ref, da_ref, db_ref, ga_ref, gb_ref, w_ref, sd_ref):
    deg = da_ref[...] + db_ref[...] + 1.0
    dinv = lax.rsqrt(deg)
    h0 = h0_ref[...]
    ga_ref[...] = h0[:, :HALF] * dinv
    gb_ref[...] = h0[:, HALF:] * dinv
    w_ref[...] = jnp.broadcast_to((1.0 - ALPHA) * dinv * dinv, (BN, HALF))
    sd_ref[...] = deg * dinv


_norm = pl.pallas_call(
    _norm_body,
    grid=(GRID,),
    in_specs=[
        pl.BlockSpec((BN, NC), lambda i: (i, 0)),
        pl.BlockSpec((BN, 1), lambda i: (i, 0)),
        pl.BlockSpec((BN, 1), lambda i: (i, 0)),
    ],
    out_specs=[
        pl.BlockSpec((BN, HALF), lambda i: (i, 0)),
        pl.BlockSpec((BN, HALF), lambda i: (i, 0)),
        pl.BlockSpec((BN, HALF), lambda i: (i, 0)),
        pl.BlockSpec((BN, 1), lambda i: (i, 0)),
    ],
    out_shape=(
        jax.ShapeDtypeStruct((N, HALF), jnp.float32),
        jax.ShapeDtypeStruct((N, HALF), jnp.float32),
        jax.ShapeDtypeStruct((N, HALF), jnp.float32),
        jax.ShapeDtypeStruct((N, 1), jnp.float32),
    ),
)


def _soft_body(ga_ref, gb_ref, sd_ref, o_ref):
    sd = sd_ref[...]
    h = jnp.concatenate([ga_ref[...] * sd, gb_ref[...] * sd], axis=1)
    m = jnp.max(h, axis=1, keepdims=True)
    e = jnp.exp(h - m)
    o_ref[...] = e / jnp.sum(e, axis=1, keepdims=True)


_soft = pl.pallas_call(
    _soft_body,
    grid=(GRID,),
    in_specs=[
        pl.BlockSpec((BN, HALF), lambda i: (i, 0)),
        pl.BlockSpec((BN, HALF), lambda i: (i, 0)),
        pl.BlockSpec((BN, 1), lambda i: (i, 0)),
    ],
    out_specs=pl.BlockSpec((BN, NC), lambda i: (i, 0)),
    out_shape=jax.ShapeDtypeStruct((N, NC), jnp.float32),
)


def kernel(x, edge_index, W1, b1, W2, b2):
    src = edge_index[0].astype(jnp.int32)
    dst = edge_index[1].astype(jnp.int32)
    pad = jnp.full((EPAD - E,), N, jnp.int32)
    src2 = jnp.concatenate([src, pad]).reshape(ROWS, EB)
    dst2 = jnp.concatenate([dst, pad]).reshape(ROWS, EB)

    deg_a, deg_b = _deg(dst2)
    h0 = _mlp(x, W1, b1.reshape(1, NH), W2, b2.reshape(1, NC))
    ga, gb, w, sdeg = _norm(h0, deg_a[:N, None], deg_b[:N, None])

    zpad = ((0, NPAD - N), (0, 0))
    g10a, g10b = _prop(jnp.pad(ga, zpad), jnp.pad(gb, zpad),
                       jnp.pad(w, zpad), src2, dst2)
    return _soft(g10a[:N], g10b[:N], sdeg)

# --- scband reference (transcript-rebuilt; emitter-appended) ---
"""Pipeline reference for scband-appnpmodel-78795470012807 (READ-ONLY COPY).

The authoritative reference and input builder live on the scoring server;
editing this copy changes nothing except your own understanding.
"""

import jax, jax.numpy as jnp
import numpy as np

N_NODES = 100000
N_EDGES = 1600000
NUM_FEATURES = 128
HIDDEN = 128
NUM_CLASSES = 32
NUM_LAYERS = 10
ALPHA = 0.1


def setup_inputs(seed: int = 0) -> dict:
    key = jax.random.key(seed)
    k_x, k_e, k_w1, k_b1, k_w2, k_b2 = jax.random.split(key, 6)
    x = jax.random.normal(k_x, (N_NODES, NUM_FEATURES), dtype=jnp.float32)
    edge_index = jax.random.randint(k_e, (2, N_EDGES), 0, N_NODES, dtype=jnp.int64)
    # nn.Linear default init: U(-1/sqrt(fan_in), 1/sqrt(fan_in))
    lim1 = 1.0 / np.sqrt(NUM_FEATURES)
    W1 = jax.random.uniform(k_w1, (NUM_FEATURES, HIDDEN), dtype=jnp.float32, minval=-lim1, maxval=lim1)
    b1 = jax.random.uniform(k_b1, (HIDDEN,), dtype=jnp.float32, minval=-lim1, maxval=lim1)
    lim2 = 1.0 / np.sqrt(HIDDEN)
    W2 = jax.random.uniform(k_w2, (HIDDEN, NUM_CLASSES), dtype=jnp.float32, minval=-lim2, maxval=lim2)
    b2 = jax.random.uniform(k_b2, (NUM_CLASSES,), dtype=jnp.float32, minval=-lim2, maxval=lim2)
    return {"x": x, "edge_index": edge_index, "W1": W1, "b1": b1, "W2": W2, "b2": b2}


def _appnp_propagate(h0, edge_index, num_layers=NUM_LAYERS, alpha=ALPHA):
    N = h0.shape[0]
    src = edge_index[0]
    dst = edge_index[1]
    # gcn_norm with self-loops (APPNP default normalization)
    loop = jnp.arange(N, dtype=src.dtype)
    src = jnp.concatenate([src, loop])
    dst = jnp.concatenate([dst, loop])
    deg = jnp.zeros((N,), dtype=h0.dtype).at[dst].add(1.0)
    deg_inv_sqrt = jnp.where(deg > 0, 1.0 / jnp.sqrt(deg), 0.0)
    norm = deg_inv_sqrt[src] * deg_inv_sqrt[dst]
    h = h0
    for _ in range(num_layers):
        msg = h[src] * norm[:, None]
        agg = jnp.zeros_like(h).at[dst].add(msg)
        h = (1.0 - alpha) * agg + alpha * h0
    return h


def reference(x, edge_index, W1, b1, W2, b2):
    # conv1: Linear + relu
    h = jnp.dot(x, W1) + b1
    h = jax.nn.relu(h)
    # conv2: Linear
    h = jnp.dot(h, W2) + b2
    # APPNP propagation (eval mode: edge dropout is identity)
    h = _appnp_propagate(h, edge_index)
    return jax.nn.softmax(h, axis=1)

if __name__ == "__main__":
    import jax
    _d = setup_inputs()
    print(jax.jit(kernel)(*tuple(_d.values())))

</pallas_src>

<mosaic_0001>
#map = affine_map<(d0, d1) -> (0, 0)>
module attributes {stable_mosaic.version = 14 : i64} {
  func.func @_prop_body(%arg0: i32, %arg1: i32, %arg2: memref<100096x16xf32, #tpu.memory_space<hbm>>, %arg3: memref<100096x16xf32, #tpu.memory_space<hbm>>, %arg4: memref<100096x16xf32, #tpu.memory_space<hbm>>, %arg5: memref<6400x256xi32, #tpu.memory_space<hbm>>, %arg6: memref<6400x256xi32, #tpu.memory_space<hbm>>, %arg7: memref<100096x16xf32, #tpu.memory_space<hbm>>, %arg8: memref<100096x16xf32, #tpu.memory_space<hbm>>, %arg9: memref<100096x16xf32, #tpu.memory_space<vmem_shared>>, %arg10: memref<8x256xi32, #tpu.memory_space<vmem>>, %arg11: memref<8x256xi32, #tpu.memory_space<vmem>>, %arg12: memref<3x256x16xf32, #tpu.memory_space<vmem>>, %arg13: memref<2x136x16xf32, #tpu.memory_space<vmem>>, %arg14: memref<2x136x16xf32, #tpu.memory_space<vmem>>, %arg15: memref<2x136x16xf32, #tpu.memory_space<vmem>>, %arg16: memref<!tpu.dma_semaphore, #tpu.memory_space<semaphore_mem>>, %arg17: memref<!tpu.dma_semaphore, #tpu.memory_space<semaphore_mem>>) attributes {dimension_semantics = [#tpu.dimension_semantics<core_parallel>, #tpu.dimension_semantics<subcore_parallel>], iteration_bounds = array<i64: 2, 16>, scalar_prefetch = 0 : i64, scratch_operands = 9 : i64, tpu.core_type = #tpu.core_type<sc_vector_subcore>, window_params = [{transform_indices = #map}, {transform_indices = #map}, {transform_indices = #map}, {transform_indices = #map}, {transform_indices = #map}, {transform_indices = #map}, {transform_indices = #map}]} {
    %eq3A = arith.constant 0 : i32
    %eq3A_0 = arith.cmpi eq, %arg0, %eq3A : i32
    %convert_element_type3A = arith.extui %eq3A_0 : i1 to i32
    %cond3A = arith.constant 0 : i32
    %cond3A_1 = arith.cmpi ne, %convert_element_type3A, %cond3A : i32
    scf.if %cond3A_1 {
      %mul3A = arith.constant 6256 : i32
      %mul3A_7 = arith.muli %arg1, %mul3A : i32
      %mul3A_8 = arith.constant 400 : i32
      %mul3A_9 = arith.muli %arg1, %mul3A_8 : i32
      %scan3A = arith.constant 0 : i32
      %scan3A_10 = arith.constant 0 : i32
      %scan3A_11 = arith.constant 46 : i32
      %scan3A_12 = arith.addi %scan3A_10, %scan3A_11 : i32
      %scan3A_13 = arith.constant 1 : i32
      %scan3A_14 = scf.for %scan3A_23 = %scan3A_10 to %scan3A_12 step %scan3A_13 iter_args(%scan3A_24 = %scan3A) -> (i32)  : i32 {
        %mul3A_25 = arith.constant 136 : i32
        %mul3A_26 = arith.muli %scan3A_23, %mul3A_25 : i32
        %add3A = arith.addi %mul3A_7, %mul3A_26 : i32
        %run_scoped3A = arith.constant 0 : i32
        "tpu.region"() ({
          %run_scoped3A_30 = tpu.sem_alloc : memref<!tpu.dma_semaphore, #tpu.memory_space<semaphore_mem>>
          %dma_start3A = arith.constant 0 : i32
          %dma_start3A_31 = arith.constant 0 : i32
          %dma_start3A_32 = tpu.memref_slice %arg13[%run_scoped3A, %dma_start3A, %dma_start3A_31] : memref<2x136x16xf32, #tpu.memory_space<vmem>> -> memref<1x136x16xf32, #tpu.memory_space<vmem>>
          %dma_start3A_33 = tpu.memref_squeeze %dma_start3A_32 : memref<1x136x16xf32, #tpu.memory_space<vmem>> -> memref<136x16xf32, #tpu.memory_space<vmem>>
          %dma_start3A_34 = arith.constant 0 : i32
          %dma_start3A_35 = tpu.memref_slice %arg2[%add3A, %dma_start3A_34] : memref<100096x16xf32, #tpu.memory_space<hbm>> -> memref<136x16xf32, #tpu.memory_space<hbm>>
          %dma_start3A_36 = arith.constant 0 : i32
          %dma_start3A_37 = arith.constant 0 : i32
          %dma_start3A_38 = tpu.memref_slice %arg13[%run_scoped3A, %dma_start3A_36, %dma_start3A_37] : memref<2x136x16xf32, #tpu.memory_space<vmem>> -> memref<1x136x16xf32, #tpu.memory_space<vmem>>
          %dma_start3A_39 = tpu.memref_squeeze %dma_start3A_38 : memref<1x136x16xf32, #tpu.memory_space<vmem>> -> memref<136x16xf32, #tpu.memory_space<vmem>>
          %dma_start3A_40 = arith.constant 0 : i32
          %dma_start3A_41 = tpu.memref_slice %arg2[%add3A, %dma_start3A_40] : memref<100096x16xf32, #tpu.memory_space<hbm>> -> memref<136x16xf32, #tpu.memory_space<hbm>>
          tpu.enqueue_dma source(%dma_start3A_41 : memref<136x16xf32, #tpu.memory_space<hbm>>) target(%dma_start3A_39 : memref<136x16xf32, #tpu.memory_space<vmem>>) target_semaphore(%run_scoped3A_30 : memref<!tpu.dma_semaphore, #tpu.memory_space<semaphore_mem>>)
          %dma_wait3A = arith.constant 0 : i32
          %dma_wait3A_42 = arith.constant 0 : i32
          %dma_wait3A_43 = tpu.memref_slice %arg13[%run_scoped3A, %dma_wait3A, %dma_wait3A_42] : memref<2x136x16xf32, #tpu.memory_space<vmem>> -> memref<1x136x16xf32, #tpu.memory_space<vmem>>
          %dma_wait3A_44 = tpu.memref_squeeze %dma_wait3A_43 : memref<1x136x16xf32, #tpu.memory_space<vmem>> -> memref<136x16xf32, #tpu.memory_space<vmem>>
          %dma_wait3A_45 = arith.constant 0 : i32
          %dma_wait3A_46 = tpu.memref_slice %arg2[%add3A, %dma_wait3A_45] : memref<100096x16xf32, #tpu.memory_space<hbm>> -> memref<136x16xf32, #tpu.memory_space<hbm>>
          %dma_wait3A_47 = arith.constant 0 : i32
          %dma_wait3A_48 = arith.constant 0 : i32
          %dma_wait3A_49 = tpu.memref_slice %arg13[%run_scoped3A, %dma_wait3A_47, %dma_wait3A_48] : memref<2x136x16xf32, #tpu.memory_space<vmem>> -> memref<1x136x16xf32, #tpu.memory_space<vmem>>
          %dma_wait3A_50 = tpu.memref_squeeze %dma_wait3A_49 : memref<1x136x16xf32, #tpu.memory_space<vmem>> -> memref<136x16xf32, #tpu.memory_space<vmem>>
          %dma_wait3A_51 = arith.constant 0 : i32
          %dma_wait3A_52 = tpu.memref_slice %arg2[%add3A, %dma_wait3A_51] : memref<100096x16xf32, #tpu.memory_space<hbm>> -> memref<136x16xf32, #tpu.memory_space<hbm>>
          tpu.wait_dma2 semaphore(%run_scoped3A_30 : memref<!tpu.dma_semaphore, #tpu.memory_space<semaphore_mem>>) src(%dma_wait3A_52 : memref<136x16xf32, #tpu.memory_space<hbm>>) dst(%dma_wait3A_50 : memref<136x16xf32, #tpu.memory_space<vmem>>)
          tpu.yield
        }) : () -> ()
        %run_scoped3A_27 = arith.constant 0 : i32
        "tpu.region"() ({
          %run_scoped3A_30 = tpu.sem_alloc : memref<!tpu.dma_semaphore, #tpu.memory_space<semaphore_mem>>
          %dma_start3A = arith.constant 0 : i32
          %dma_start3A_31 = arith.constant 0 : i32
          %dma_start3A_32 = tpu.memref_slice %arg13[%run_scoped3A_27, %dma_start3A, %dma_start3A_31] : memref<2x136x16xf32, #tpu.memory_space<vmem>> -> memref<1x136x16xf32, #tpu.memory_space<vmem>>
          %dma_start3A_33 = tpu.memref_squeeze %dma_start3A_32 : memref<1x136x16xf32, #tpu.memory_space<vmem>> -> memref<136x16xf32, #tpu.memory_space<vmem>>
          %dma_start3A_34 = arith.constant 0 : i32
          %dma_start3A_35 = tpu.memref_slice %arg9[%add3A, %dma_start3A_34] : memref<100096x16xf32, #tpu.memory_space<vmem_shared>> -> memref<136x16xf32, #tpu.memory_space<vmem_shared>>
          %dma_start3A_36 = arith.constant 0 : i32
          %dma_start3A_37 = tpu.memref_slice %arg9[%add3A, %dma_start3A_36] : memref<100096x16xf32, #tpu.memory_space<vmem_shared>> -> memref<136x16xf32, #tpu.memory_space<vmem_shared>>
          %dma_start3A_38 = arith.constant 0 : i32
          %dma_start3A_39 = arith.constant 0 : i32
          %dma_start3A_40 = tpu.memref_slice %arg13[%run_scoped3A_27, %dma_start3A_38, %dma_start3A_39] : memref<2x136x16xf32, #tpu.memory_space<vmem>> -> memref<1x136x16xf32, #tpu.memory_space<vmem>>
          %dma_start3A_41 = tpu.memref_squeeze %dma_start3A_40 : memref<1x136x16xf32, #tpu.memory_space<vmem>> -> memref<136x16xf32, #tpu.memory_space<vmem>>
          tpu.enqueue_dma source(%dma_start3A_41 : memref<136x16xf32, #tpu.memory_space<vmem>>) target(%dma_start3A_37 : memref<136x16xf32, #tpu.memory_space<vmem_shared>>) target_semaphore(%run_scoped3A_30 : memref<!tpu.dma_semaphore, #tpu.memory_space<semaphore_mem>>)
          %dma_wait3A = arith.constant 0 : i32
          %dma_wait3A_42 = arith.constant 0 : i32
          %dma_wait3A_43 = tpu.memref_slice %arg13[%run_scoped3A_27, %dma_wait3A, %dma_wait3A_42] : memref<2x136x16xf32, #tpu.memory_space<vmem>> -> memref<1x136x16xf32, #tpu.memory_space<vmem>>
          %dma_wait3A_44 = tpu.memref_squeeze %dma_wait3A_43 : memref<1x136x16xf32, #tpu.memory_space<vmem>> -> memref<136x16xf32, #tpu.memory_space<vmem>>
          %dma_wait3A_45 = arith.constant 0 : i32
          %dma_wait3A_46 = tpu.memref_slice %arg9[%add3A, %dma_wait3A_45] : memref<100096x16xf32, #tpu.memory_space<vmem_shared>> -> memref<136x16xf32, #tpu.memory_space<vmem_shared>>
          %dma_wait3A_47 = arith.constant 0 : i32
          %dma_wait3A_48 = tpu.memref_slice %arg9[%add3A, %dma_wait3A_47] : memref<100096x16xf32, #tpu.memory_space<vmem_shared>> -> memref<136x16xf32, #tpu.memory_space<vmem_shared>>
          %dma_wait3A_49 = arith.constant 0 : i32
          %dma_wait3A_50 = arith.constant 0 : i32
          %dma_wait3A_51 = tpu.memref_slice %arg13[%run_scoped3A_27, %dma_wait3A_49, %dma_wait3A_50] : memref<2x136x16xf32, #tpu.memory_space<vmem>> -> memref<1x136x16xf32, #tpu.memory_space<vmem>>
          %dma_wait3A_52 = tpu.memref_squeeze %dma_wait3A_51 : memref<1x136x16xf32, #tpu.memory_space<vmem>> -> memref<136x16xf32, #tpu.memory_space<vmem>>
          tpu.wait_dma2 semaphore(%run_scoped3A_30 : memref<!tpu.dma_semaphore, #tpu.memory_space<semaphore_mem>>) src(%dma_wait3A_52 : memref<136x16xf32, #tpu.memory_space<vmem>>) dst(%dma_wait3A_48 : memref<136x16xf32, #tpu.memory_space<vmem_shared>>)
          tpu.yield
        }) : () -> ()
        %run_scoped3A_28 = arith.constant 0 : i32
        "tpu.region"() ({
          %run_scoped3A_30 = tpu.sem_alloc : memref<!tpu.dma_semaphore, #tpu.memory_space<semaphore_mem>>
          %dma_start3A = arith.constant 0 : i32
          %dma_start3A_31 = arith.constant 0 : i32
          %dma_start3A_32 = tpu.memref_slice %arg13[%run_scoped3A_28, %dma_start3A, %dma_start3A_31] : memref<2x136x16xf32, #tpu.memory_space<vmem>> -> memref<1x136x16xf32, #tpu.memory_space<vmem>>
          %dma_start3A_33 = tpu.memref_squeeze %dma_start3A_32 : memref<1x136x16xf32, #tpu.memory_space<vmem>> -> memref<136x16xf32, #tpu.memory_space<vmem>>
          %dma_start3A_34 = arith.constant 0 : i32
          %dma_start3A_35 = tpu.memref_slice %arg7[%add3A, %dma_start3A_34] : memref<100096x16xf32, #tpu.memory_space<hbm>> -> memref<136x16xf32, #tpu.memory_space<hbm>>
          %dma_start3A_36 = arith.constant 0 : i32
          %dma_start3A_37 = tpu.memref_slice %arg7[%add3A, %dma_start3A_36] : memref<100096x16xf32, #tpu.memory_space<hbm>> -> memref<136x16xf32, #tpu.memory_space<hbm>>
          %dma_start3A_38 = arith.constant 0 : i32
          %dma_start3A_39 = arith.constant 0 : i32
          %dma_start3A_40 = tpu.memref_slice %arg13[%run_scoped3A_28, %dma_start3A_38, %dma_start3A_39] : memref<2x136x16xf32, #tpu.memory_space<vmem>> -> memref<1x136x16xf32, #tpu.memory_space<vmem>>
          %dma_start3A_41 = tpu.memref_squeeze %dma_start3A_40 : memref<1x136x16xf32, #tpu.memory_space<vmem>> -> memref<136x16xf32, #tpu.memory_space<vmem>>
          tpu.enqueue_dma source(%dma_start3A_41 : memref<136x16xf32, #tpu.memory_space<vmem>>) target(%dma_start3A_37 : memref<136x16xf32, #tpu.memory_space<hbm>>) target_semaphore(%run_scoped3A_30 : memref<!tpu.dma_semaphore, #tpu.memory_space<semaphore_mem>>)
          %dma_wait3A = arith.constant 0 : i32
          %dma_wait3A_42 = arith.constant 0 : i32
          %dma_wait3A_43 = tpu.memref_slice %arg13[%run_scoped3A_28, %dma_wait3A, %dma_wait3A_42] : memref<2x136x16xf32, #tpu.memory_space<vmem>> -> memref<1x136x16xf32, #tpu.memory_space<vmem>>
          %dma_wait3A_44 = tpu.memref_squeeze %dma_wait3A_43 : memref<1x136x16xf32, #tpu.memory_space<vmem>> -> memref<136x16xf32, #tpu.memory_space<vmem>>
          %dma_wait3A_45 = arith.constant 0 : i32
          %dma_wait3A_46 = tpu.memref_slice %arg7[%add3A, %dma_wait3A_45] : memref<100096x16xf32, #tpu.memory_space<hbm>> -> memref<136x16xf32, #tpu.memory_space<hbm>>
          %dma_wait3A_47 = arith.constant 0 : i32
          %dma_wait3A_48 = tpu.memref_slice %arg7[%add3A, %dma_wait3A_47] : memref<100096x16xf32, #tpu.memory_space<hbm>> -> memref<136x16xf32, #tpu.memory_space<hbm>>
          %dma_wait3A_49 = arith.constant 0 : i32
          %dma_wait3A_50 = arith.constant 0 : i32
          %dma_wait3A_51 = tpu.memref_slice %arg13[%run_scoped3A_28, %dma_wait3A_49, %dma_wait3A_50] : memref<2x136x16xf32, #tpu.memory_space<vmem>> -> memref<1x136x16xf32, #tpu.memory_space<vmem>>
          %dma_wait3A_52 = tpu.memref_squeeze %dma_wait3A_51 : memref<1x136x16xf32, #tpu.memory_space<vmem>> -> memref<136x16xf32, #tpu.memory_space<vmem>>
          tpu.wait_dma2 semaphore(%run_scoped3A_30 : memref<!tpu.dma_semaphore, #tpu.memory_space<semaphore_mem>>) src(%dma_wait3A_52 : memref<136x16xf32, #tpu.memory_space<vmem>>) dst(%dma_wait3A_48 : memref<136x16xf32, #tpu.memory_space<hbm>>)
          tpu.yield
        }) : () -> ()
        %scan3A_29 = arith.constant 0 : i32
        scf.yield %scan3A_29 : i32
      }
      %scan3A_15 = arith.constant 46 : i32
      %barrier3A = arith.constant 0 : index
      tpu.barrier barrier_id(%barrier3A)
      %scan3A_16 = arith.constant 0 : i32
      %scan3A_17 = arith.constant 0 : i32
      %scan3A_18 = arith.constant 10 : i32
      %scan3A_19 = arith.addi %scan3A_17, %scan3A_18 : i32
      %scan3A_20 = arith.constant 1 : i32
      %scan3A_21 = scf.for %scan3A_23 = %scan3A_17 to %scan3A_19 step %scan3A_20 iter_args(%scan3A_24 = %scan3A_16) -> (i32)  : i32 {
        "tpu.trace_start"() <{level = 10 : i32, message = "p2_edges"}> : () -> ()
        %scan3A_25 = arith.constant 0 : i32
        %scan3A_26 = arith.constant 0 : i32
        %scan3A_27 = arith.constant 50 : i32
        %scan3A_28 = arith.addi %scan3A_26, %scan3A_27 : i32
        %scan3A_29 = arith.constant 1 : i32
        %scan3A_30 = scf.for %scan3A_42 = %scan3A_26 to %scan3A_28 step %scan3A_29 iter_args(%scan3A_43 = %scan3A_25) -> (i32)  : i32 {
          %mul3A_44 = arith.constant 8 : i32
          %mul3A_45 = arith.muli %scan3A_42, %mul3A_44 : i32
          %add3A = arith.addi %mul3A_9, %mul3A_45 : i32
          "tpu.region"() ({
            %run_scoped3A = tpu.sem_alloc : memref<!tpu.dma_semaphore, #tpu.memory_space<semaphore_mem>>
            %dma_start3A_429 = arith.constant 0 : i32
            %dma_start3A_430 = tpu.memref_slice %arg5[%add3A, %dma_start3A_429] : memref<6400x256xi32, #tpu.memory_space<hbm>> -> memref<8x256xi32, #tpu.memory_space<hbm>>
            %dma_start3A_431 = arith.constant 0 : i32
            %dma_start3A_432 = tpu.memref_slice %arg5[%add3A, %dma_start3A_431] : memref<6400x256xi32, #tpu.memory_space<hbm>> -> memref<8x256xi32, #tpu.memory_space<hbm>>
            tpu.enqueue_dma source(%dma_start3A_432 : memref<8x256xi32, #tpu.memory_space<hbm>>) target(%arg10 : memref<8x256xi32, #tpu.memory_space<vmem>>) target_semaphore(%run_scoped3A : memref<!tpu.dma_semaphore, #tpu.memory_space<semaphore_mem>>)
            %dma_wait3A_433 = arith.constant 0 : i32
            %dma_wait3A_434 = tpu.memref_slice %arg5[%add3A, %dma_wait3A_433] : memref<6400x256xi32, #tpu.memory_space<hbm>> -> memref<8x256xi32, #tpu.memory_space<hbm>>
            %dma_wait3A_435 = arith.constant 0 : i32
            %dma_wait3A_436 = tpu.memref_slice %arg5[%add3A, %dma_wait3A_435] : memref<6400x256xi32, #tpu.memory_space<hbm>> -> memref<8x256xi32, #tpu.memory_space<hbm>>
            tpu.wait_dma2 semaphore(%run_scoped3A : memref<!tpu.dma_semaphore, #tpu.memory_space<semaphore_mem>>) src(%dma_wait3A_436 : memref<8x256xi32, #tpu.memory_space<hbm>>) dst(%arg10 : memref<8x256xi32, #tpu.memory_space<vmem>>)
            tpu.yield
          }) : () -> ()
          "tpu.region"() ({
            %run_scoped3A = tpu.sem_alloc : memref<!tpu.dma_semaphore, #tpu.memory_space<semaphore_mem>>
            %dma_start3A_429 = arith.constant 0 : i32
            %dma_start3A_430 = tpu.memref_slice %arg6[%add3A, %dma_start3A_429] : memref<6400x256xi32, #tpu.memory_space<hbm>> -> memref<8x256xi32, #tpu.memory_space<hbm>>
            %dma_start3A_431 = arith.constant 0 : i32
            %dma_start3A_432 = tpu.memref_slice %arg6[%add3A, %dma_start3A_431] : memref<6400x256xi32, #tpu.memory_space<hbm>> -> memref<8x256xi32, #tpu.memory_space<hbm>>
            tpu.enqueue_dma source(%dma_start3A_432 : memref<8x256xi32, #tpu.memory_space<hbm>>) target(%arg11 : memref<8x256xi32, #tpu.memory_space<vmem>>) target_semaphore(%run_scoped3A : memref<!tpu.dma_semaphore, #tpu.memory_space<semaphore_mem>>)
            %dma_wait3A_433 = arith.constant 0 : i32
            %dma_wait3A_434 = tpu.memref_slice %arg6[%add3A, %dma_wait3A_433] : memref<6400x256xi32, #tpu.memory_space<hbm>> -> memref<8x256xi32, #tpu.memory_space<hbm>>
            %dma_wait3A_435 = arith.constant 0 : i32
            %dma_wait3A_436 = tpu.memref_slice %arg6[%add3A, %dma_wait3A_435] : memref<6400x256xi32, #tpu.memory_space<hbm>> -> memref<8x256xi32, #tpu.memory_space<hbm>>
            tpu.wait_dma2 semaphore(%run_scoped3A : memref<!tpu.dma_semaphore, #tpu.memory_space<semaphore_mem>>) src(%dma_wait3A_436 : memref<8x256xi32, #tpu.memory_space<hbm>>) dst(%arg11 : memref<8x256xi32, #tpu.memory_space<vmem>>)
            tpu.yield
          }) : () -> ()
          %dma_start3A = arith.constant 0 : i32
          %dma_start3A_46 = arith.constant 0 : i32
          %dma_start3A_47 = arith.constant 0 : i32
          %dma_start3A_48 = arith.constant 0 : i32
          %dma_start3A_49 = tpu.memref_slice %arg12[%dma_start3A_46, %dma_start3A_47, %dma_start3A_48] : memref<3x256x16xf32, #tpu.memory_space<vmem>> -> memref<1x256x16xf32, #tpu.memory_space<vmem>>
          %dma_start3A_50 = tpu.memref_squeeze %dma_start3A_49 : memref<1x256x16xf32, #tpu.memory_space<vmem>> -> memref<256x16xf32, #tpu.memory_space<vmem>>
          %dma_start3A_51 = arith.constant 0 : i32
          %dma_start3A_52 = tpu.memref_slice %arg10[%dma_start3A, %dma_start3A_51] : memref<8x256xi32, #tpu.memory_space<vmem>> -> memref<1x256xi32, #tpu.memory_space<vmem>>
          %dma_start3A_53 = tpu.memref_squeeze %dma_start3A_52 : memref<1x256xi32, #tpu.memory_space<vmem>> -> memref<256xi32, #tpu.memory_space<vmem>>
          %dma_start3A_54 = arith.constant 0 : i32
          %dma_start3A_55 = arith.constant 0 : i32
          %dma_start3A_56 = tpu.memref_slice %arg7[%dma_start3A_54, %dma_start3A_55] : memref<100096x16xf32, #tpu.memory_space<hbm>> -> memref<100096x16xf32, #tpu.memory_space<hbm>>
          tpu.enqueue_indirect_dma source(%dma_start3A_56 : memref<100096x16xf32, #tpu.memory_space<hbm>>) target(%dma_start3A_50 : memref<256x16xf32, #tpu.memory_space<vmem>>) offsets(%dma_start3A_53 : memref<256xi32, #tpu.memory_space<vmem>>) semaphore(%arg16 : memref<!tpu.dma_semaphore, #tpu.memory_space<semaphore_mem>>)
          %dma_start3A_57 = arith.constant 1 : i32
          %dma_start3A_58 = arith.constant 1 : i32
          %dma_start3A_59 = arith.constant 0 : i32
          %dma_start3A_60 = arith.constant 0 : i32
          %dma_start3A_61 = tpu.memref_slice %arg12[%dma_start3A_58, %dma_start3A_59, %dma_start3A_60] : memref<3x256x16xf32, #tpu.memory_space<vmem>> -> memref<1x256x16xf32, #tpu.memory_space<vmem>>
          %dma_start3A_62 = tpu.memref_squeeze %dma_start3A_61 : memref<1x256x16xf32, #tpu.memory_space<vmem>> -> memref<256x16xf32, #tpu.memory_space<vmem>>
          %dma_start3A_63 = arith.constant 0 : i32
          %dma_start3A_64 = tpu.memref_slice %arg10[%dma_start3A_57, %dma_start3A_63] : memref<8x256xi32, #tpu.memory_space<vmem>> -> memref<1x256xi32, #tpu.memory_space<vmem>>
          %dma_start3A_65 = tpu.memref_squeeze %dma_start3A_64 : memref<1x256xi32, #tpu.memory_space<vmem>> -> memref<256xi32, #tpu.memory_space<vmem>>
          %dma_start3A_66 = arith.constant 0 : i32
          %dma_start3A_67 = arith.constant 0 : i32
          %dma_start3A_68 = tpu.memref_slice %arg7[%dma_start3A_66, %dma_start3A_67] : memref<100096x16xf32, #tpu.memory_space<hbm>> -> memref<100096x16xf32, #tpu.memory_space<hbm>>
          tpu.enqueue_indirect_dma source(%dma_start3A_68 : memref<100096x16xf32, #tpu.memory_space<hbm>>) target(%dma_start3A_62 : memref<256x16xf32, #tpu.memory_space<vmem>>) offsets(%dma_start3A_65 : memref<256xi32, #tpu.memory_space<vmem>>) semaphore(%arg16 : memref<!tpu.dma_semaphore, #tpu.memory_space<semaphore_mem>>)
          %dma_wait3A = arith.constant 0 : i32
          %dma_wait3A_69 = arith.constant 0 : i32
          %dma_wait3A_70 = arith.constant 0 : i32
          %dma_wait3A_71 = arith.constant 0 : i32
          %dma_wait3A_72 = tpu.memref_slice %arg12[%dma_wait3A_69, %dma_wait3A_70, %dma_wait3A_71] : memref<3x256x16xf32, #tpu.memory_space<vmem>> -> memref<1x256x16xf32, #tpu.memory_space<vmem>>
          %dma_wait3A_73 = tpu.memref_squeeze %dma_wait3A_72 : memref<1x256x16xf32, #tpu.memory_space<vmem>> -> memref<256x16xf32, #tpu.memory_space<vmem>>
          %dma_wait3A_74 = arith.constant 0 : i32
          %dma_wait3A_75 = tpu.memref_slice %arg10[%dma_wait3A, %dma_wait3A_74] : memref<8x256xi32, #tpu.memory_space<vmem>> -> memref<1x256xi32, #tpu.memory_space<vmem>>
          %dma_wait3A_76 = tpu.memref_squeeze %dma_wait3A_75 : memref<1x256xi32, #tpu.memory_space<vmem>> -> memref<256xi32, #tpu.memory_space<vmem>>
          %dma_wait3A_77 = arith.constant 0 : i32
          %dma_wait3A_78 = arith.constant 0 : i32
          %dma_wait3A_79 = tpu.memref_slice %arg7[%dma_wait3A_77, %dma_wait3A_78] : memref<100096x16xf32, #tpu.memory_space<hbm>> -> memref<100096x16xf32, #tpu.memory_space<hbm>>
          tpu.wait_indirect_dma semaphore(%arg16 : memref<!tpu.dma_semaphore, #tpu.memory_space<semaphore_mem>>) src(%dma_wait3A_79 : memref<100096x16xf32, #tpu.memory_space<hbm>>) dst(%dma_wait3A_73 : memref<256x16xf32, #tpu.memory_space<vmem>>)
          %dma_start3A_80 = arith.constant 0 : i32
          %dma_start3A_81 = arith.constant 0 : i32
          %dma_start3A_82 = arith.constant 0 : i32
          %dma_start3A_83 = arith.constant 0 : i32
          %dma_start3A_84 = tpu.memref_slice %arg12[%dma_start3A_80, %dma_start3A_82, %dma_start3A_83] : memref<3x256x16xf32, #tpu.memory_space<vmem>> -> memref<1x256x16xf32, #tpu.memory_space<vmem>>
          %dma_start3A_85 = tpu.memref_squeeze %dma_start3A_84 : memref<1x256x16xf32, #tpu.memory_space<vmem>> -> memref<256x16xf32, #tpu.memory_space<vmem>>
          %dma_start3A_86 = arith.constant 0 : i32
          %dma_start3A_87 = tpu.memref_slice %arg11[%dma_start3A_81, %dma_start3A_86] : memref<8x256xi32, #tpu.memory_space<vmem>> -> memref<1x256xi32, #tpu.memory_space<vmem>>
          %dma_start3A_88 = tpu.memref_squeeze %dma_start3A_87 : memref<1x256xi32, #tpu.memory_space<vmem>> -> memref<256xi32, #tpu.memory_space<vmem>>
          %dma_start3A_89 = arith.constant 0 : i32
          %dma_start3A_90 = arith.constant 0 : i32
          %dma_start3A_91 = tpu.memref_slice %arg9[%dma_start3A_89, %dma_start3A_90] : memref<100096x16xf32, #tpu.memory_space<vmem_shared>> -> memref<100096x16xf32, #tpu.memory_space<vmem_shared>>
          tpu.enqueue_indirect_dma source(%dma_start3A_85 : memref<256x16xf32, #tpu.memory_space<vmem>>) target(%dma_start3A_91 : memref<100096x16xf32, #tpu.memory_space<vmem_shared>>) offsets(%dma_start3A_88 : memref<256xi32, #tpu.memory_space<vmem>>) semaphore(%arg17 : memref<!tpu.dma_semaphore, #tpu.memory_space<semaphore_mem>>) {add = true}
          %dma_start3A_92 = arith.constant 2 : i32
          %dma_start3A_93 = arith.constant 2 : i32
          %dma_start3A_94 = arith.constant 0 : i32
          %dma_start3A_95 = arith.constant 0 : i32
          %dma_start3A_96 = tpu.memref_slice %arg12[%dma_start3A_93, %dma_start3A_94, %dma_start3A_95] : memref<3x256x16xf32, #tpu.memory_space<vmem>> -> memref<1x256x16xf32, #tpu.memory_space<vmem>>
          %dma_start3A_97 = tpu.memref_squeeze %dma_start3A_96 : memref<1x256x16xf32, #tpu.memory_space<vmem>> -> memref<256x16xf32, #tpu.memory_space<vmem>>
          %dma_start3A_98 = arith.constant 0 : i32
          %dma_start3A_99 = tpu.memref_slice %arg10[%dma_start3A_92, %dma_start3A_98] : memref<8x256xi32, #tpu.memory_space<vmem>> -> memref<1x256xi32, #tpu.memory_space<vmem>>
          %dma_start3A_100 = tpu.memref_squeeze %dma_start3A_99 : memref<1x256xi32, #tpu.memory_space<vmem>> -> memref<256xi32, #tpu.memory_space<vmem>>
          %dma_start3A_101 = arith.constant 0 : i32
          %dma_start3A_102 = arith.constant 0 : i32
          %dma_start3A_103 = tpu.memref_slice %arg7[%dma_start3A_101, %dma_start3A_102] : memref<100096x16xf32, #tpu.memory_space<hbm>> -> memref<100096x16xf32, #tpu.memory_space<hbm>>
          tpu.enqueue_indirect_dma source(%dma_start3A_103 : memref<100096x16xf32, #tpu.memory_space<hbm>>) target(%dma_start3A_97 : memref<256x16xf32, #tpu.memory_space<vmem>>) offsets(%dma_start3A_100 : memref<256xi32, #tpu.memory_space<vmem>>) semaphore(%arg16 : memref<!tpu.dma_semaphore, #tpu.memory_space<semaphore_mem>>)
          %dma_wait3A_104 = arith.constant 1 : i32
          %dma_wait3A_105 = arith.constant 1 : i32
          %dma_wait3A_106 = arith.constant 0 : i32
          %dma_wait3A_107 = arith.constant 0 : i32
          %dma_wait3A_108 = tpu.memref_slice %arg12[%dma_wait3A_105, %dma_wait3A_106, %dma_wait3A_107] : memref<3x256x16xf32, #tpu.memory_space<vmem>> -> memref<1x256x16xf32, #tpu.memory_space<vmem>>
          %dma_wait3A_109 = tpu.memref_squeeze %dma_wait3A_108 : memref<1x256x16xf32, #tpu.memory_space<vmem>> -> memref<256x16xf32, #tpu.memory_space<vmem>>
          %dma_wait3A_110 = arith.constant 0 : i32
          %dma_wait3A_111 = tpu.memref_slice %arg10[%dma_wait3A_104, %dma_wait3A_110] : memref<8x256xi32, #tpu.memory_space<vmem>> -> memref<1x256xi32, #tpu.memory_space<vmem>>
          %dma_wait3A_112 = tpu.memref_squeeze %dma_wait3A_111 : memref<1x256xi32, #tpu.memory_space<vmem>> -> memref<256xi32, #tpu.memory_space<vmem>>
          %dma_wait3A_113 = arith.constant 0 : i32
          %dma_wait3A_114 = arith.constant 0 : i32
          %dma_wait3A_115 = tpu.memref_slice %arg7[%dma_wait3A_113, %dma_wait3A_114] : memref<100096x16xf32, #tpu.memory_space<hbm>> -> memref<100096x16xf32, #tpu.memory_space<hbm>>
          tpu.wait_indirect_dma semaphore(%arg16 : memref<!tpu.dma_semaphore, #tpu.memory_space<semaphore_mem>>) src(%dma_wait3A_115 : memref<100096x16xf32, #tpu.memory_space<hbm>>) dst(%dma_wait3A_109 : memref<256x16xf32, #tpu.memory_space<vmem>>)
          %dma_start3A_116 = arith.constant 1 : i32
          %dma_start3A_117 = arith.constant 1 : i32
          %dma_start3A_118 = arith.constant 0 : i32
          %dma_start3A_119 = arith.constant 0 : i32
          %dma_start3A_120 = tpu.memref_slice %arg12[%dma_start3A_116, %dma_start3A_118, %dma_start3A_119] : memref<3x256x16xf32, #tpu.memory_space<vmem>> -> memref<1x256x16xf32, #tpu.memory_space<vmem>>
          %dma_start3A_121 = tpu.memref_squeeze %dma_start3A_120 : memref<1x256x16xf32, #tpu.memory_space<vmem>> -> memref<256x16xf32, #tpu.memory_space<vmem>>
          %dma_start3A_122 = arith.constant 0 : i32
          %dma_start3A_123 = tpu.memref_slice %arg11[%dma_start3A_117, %dma_start3A_122] : memref<8x256xi32, #tpu.memory_space<vmem>> -> memref<1x256xi32, #tpu.memory_space<vmem>>
          %dma_start3A_124 = tpu.memref_squeeze %dma_start3A_123 : memref<1x256xi32, #tpu.memory_space<vmem>> -> memref<256xi32, #tpu.memory_space<vmem>>
          %dma_start3A_125 = arith.constant 0 : i32
          %dma_start3A_126 = arith.constant 0 : i32
          %dma_start3A_127 = tpu.memref_slice %arg9[%dma_start3A_125, %dma_start3A_126] : memref<100096x16xf32, #tpu.memory_space<vmem_shared>> -> memref<100096x16xf32, #tpu.memory_space<vmem_shared>>
          tpu.enqueue_indirect_dma source(%dma_start3A_121 : memref<256x16xf32, #tpu.memory_space<vmem>>) target(%dma_start3A_127 : memref<100096x16xf32, #tpu.memory_space<vmem_shared>>) offsets(%dma_start3A_124 : memref<256xi32, #tpu.memory_space<vmem>>) semaphore(%arg17 : memref<!tpu.dma_semaphore, #tpu.memory_space<semaphore_mem>>) {add = true}
          %dma_wait3A_128 = arith.constant 0 : i32
          %dma_wait3A_129 = arith.constant 0 : i32
          %dma_wait3A_130 = arith.constant 0 : i32
          %dma_wait3A_131 = arith.constant 0 : i32
          %dma_wait3A_132 = tpu.memref_slice %arg12[%dma_wait3A_128, %dma_wait3A_130, %dma_wait3A_131] : memref<3x256x16xf32, #tpu.memory_space<vmem>> -> memref<1x256x16xf32, #tpu.memory_space<vmem>>
          %dma_wait3A_133 = tpu.memref_squeeze %dma_wait3A_132 : memref<1x256x16xf32, #tpu.memory_space<vmem>> -> memref<256x16xf32, #tpu.memory_space<vmem>>
          %dma_wait3A_134 = arith.constant 0 : i32
          %dma_wait3A_135 = tpu.memref_slice %arg11[%dma_wait3A_129, %dma_wait3A_134] : memref<8x256xi32, #tpu.memory_space<vmem>> -> memref<1x256xi32, #tpu.memory_space<vmem>>
          %dma_wait3A_136 = tpu.memref_squeeze %dma_wait3A_135 : memref<1x256xi32, #tpu.memory_space<vmem>> -> memref<256xi32, #tpu.memory_space<vmem>>
          %dma_wait3A_137 = arith.constant 0 : i32
          %dma_wait3A_138 = arith.constant 0 : i32
          %dma_wait3A_139 = tpu.memref_slice %arg9[%dma_wait3A_137, %dma_wait3A_138] : memref<100096x16xf32, #tpu.memory_space<vmem_shared>> -> memref<100096x16xf32, #tpu.memory_space<vmem_shared>>
          tpu.wait_indirect_dma semaphore(%arg17 : memref<!tpu.dma_semaphore, #tpu.memory_space<semaphore_mem>>) src(%dma_wait3A_133 : memref<256x16xf32, #tpu.memory_space<vmem>>) dst(%dma_wait3A_139 : memref<100096x16xf32, #tpu.memory_space<vmem_shared>>)
          %dma_start3A_140 = arith.constant 3 : i32
          %dma_start3A_141 = arith.constant 0 : i32
          %dma_start3A_142 = arith.constant 0 : i32
          %dma_start3A_143 = arith.constant 0 : i32
          %dma_start3A_144 = tpu.memref_slice %arg12[%dma_start3A_141, %dma_start3A_142, %dma_start3A_143] : memref<3x256x16xf32, #tpu.memory_space<vmem>> -> memref<1x256x16xf32, #tpu.memory_space<vmem>>
          %dma_start3A_145 = tpu.memref_squeeze %dma_start3A_144 : memref<1x256x16xf32, #tpu.memory_space<vmem>> -> memref<256x16xf32, #tpu.memory_space<vmem>>
          %dma_start3A_146 = arith.constant 0 : i32
          %dma_start3A_147 = tpu.memref_slice %arg10[%dma_start3A_140, %dma_start3A_146] : memref<8x256xi32, #tpu.memory_space<vmem>> -> memref<1x256xi32, #tpu.memory_space<vmem>>
          %dma_start3A_148 = tpu.memref_squeeze %dma_start3A_147 : memref<1x256xi32, #tpu.memory_space<vmem>> -> memref<256xi32, #tpu.memory_space<vmem>>
          %dma_start3A_149 = arith.constant 0 : i32
          %dma_start3A_150 = arith.constant 0 : i32
          %dma_start3A_151 = tpu.memref_slice %arg7[%dma_start3A_149, %dma_start3A_150] : memref<100096x16xf32, #tpu.memory_space<hbm>> -> memref<100096x16xf32, #tpu.memory_space<hbm>>
          tpu.enqueue_indirect_dma source(%dma_start3A_151 : memref<100096x16xf32, #tpu.memory_space<hbm>>) target(%dma_start3A_145 : memref<256x16xf32, #tpu.memory_space<vmem>>) offsets(%dma_start3A_148 : memref<256xi32, #tpu.memory_space<vmem>>) semaphore(%arg16 : memref<!tpu.dma_semaphore, #tpu.memory_space<semaphore_mem>>)
          %dma_wait3A_152 = arith.constant 2 : i32
          %dma_wait3A_153 = arith.constant 2 : i32
          %dma_wait3A_154 = arith.constant 0 : i32
          %dma_wait3A_155 = arith.constant 0 : i32
          %dma_wait3A_156 = tpu.memref_slice %arg12[%dma_wait3A_153, %dma_wait3A_154, %dma_wait3A_155] : memref<3x256x16xf32, #tpu.memory_space<vmem>> -> memref<1x256x16xf32, #tpu.memory_space<vmem>>
          %dma_wait3A_157 = tpu.memref_squeeze %dma_wait3A_156 : memref<1x256x16xf32, #tpu.memory_space<vmem>> -> memref<256x16xf32, #tpu.memory_space<vmem>>
          %dma_wait3A_158 = arith.constant 0 : i32
          %dma_wait3A_159 = tpu.memref_slice %arg10[%dma_wait3A_152, %dma_wait3A_158] : memref<8x256xi32, #tpu.memory_space<vmem>> -> memref<1x256xi32, #tpu.memory_space<vmem>>
          %dma_wait3A_160 = tpu.memref_squeeze %dma_wait3A_159 : memref<1x256xi32, #tpu.memory_space<vmem>> -> memref<256xi32, #tpu.memory_space<vmem>>
          %dma_wait3A_161 = arith.constant 0 : i32
          %dma_wait3A_162 = arith.constant 0 : i32
          %dma_wait3A_163 = tpu.memref_slice %arg7[%dma_wait3A_161, %dma_wait3A_162] : memref<100096x16xf32, #tpu.memory_space<hbm>> -> memref<100096x16xf32, #tpu.memory_space<hbm>>
          tpu.wait_indirect_dma semaphore(%arg16 : memref<!tpu.dma_semaphore, #tpu.memory_space<semaphore_mem>>) src(%dma_wait3A_163 : memref<100096x16xf32, #tpu.memory_space<hbm>>) dst(%dma_wait3A_157 : memref<256x16xf32, #tpu.memory_space<vmem>>)
          %dma_start3A_164 = arith.constant 2 : i32
          %dma_start3A_165 = arith.constant 2 : i32
          %dma_start3A_166 = arith.constant 0 : i32
          %dma_start3A_167 = arith.constant 0 : i32
          %dma_start3A_168 = tpu.memref_slice %arg12[%dma_start3A_164, %dma_start3A_166, %dma_start3A_167] : memref<3x256x16xf32, #tpu.memory_space<vmem>> -> memref<1x256x16xf32, #tpu.memory_space<vmem>>
          %dma_start3A_169 = tpu.memref_squeeze %dma_start3A_168 : memref<1x256x16xf32, #tpu.memory_space<vmem>> -> memref<256x16xf32, #tpu.memory_space<vmem>>
          %dma_start3A_170 = arith.constant 0 : i32
          %dma_start3A_171 = tpu.memref_slice %arg11[%dma_start3A_165, %dma_start3A_170] : memref<8x256xi32, #tpu.memory_space<vmem>> -> memref<1x256xi32, #tpu.memory_space<vmem>>
          %dma_start3A_172 = tpu.memref_squeeze %dma_start3A_171 : memref<1x256xi32, #tpu.memory_space<vmem>> -> memref<256xi32, #tpu.memory_space<vmem>>
          %dma_start3A_173 = arith.constant 0 : i32
          %dma_start3A_174 = arith.constant 0 : i32
          %dma_start3A_175 = tpu.memref_slice %arg9[%dma_start3A_173, %dma_start3A_174] : memref<100096x16xf32, #tpu.memory_space<vmem_shared>> -> memref<100096x16xf32, #tpu.memory_space<vmem_shared>>
          tpu.enqueue_indirect_dma source(%dma_start3A_169 : memref<256x16xf32, #tpu.memory_space<vmem>>) target(%dma_start3A_175 : memref<100096x16xf32, #tpu.memory_space<vmem_shared>>) offsets(%dma_start3A_172 : memref<256xi32, #tpu.memory_space<vmem>>) semaphore(%arg17 : memref<!tpu.dma_semaphore, #tpu.memory_space<semaphore_mem>>) {add = true}
          %dma_wait3A_176 = arith.constant 1 : i32
          %dma_wait3A_177 = arith.constant 1 : i32
          %dma_wait3A_178 = arith.constant 0 : i32
          %dma_wait3A_179 = arith.constant 0 : i32
          %dma_wait3A_180 = tpu.memref_slice %arg12[%dma_wait3A_176, %dma_wait3A_178, %dma_wait3A_179] : memref<3x256x16xf32, #tpu.memory_space<vmem>> -> memref<1x256x16xf32, #tpu.memory_space<vmem>>
          %dma_wait3A_181 = tpu.memref_squeeze %dma_wait3A_180 : memref<1x256x16xf32, #tpu.memory_space<vmem>> -> memref<256x16xf32, #tpu.memory_space<vmem>>
          %dma_wait3A_182 = arith.constant 0 : i32
          %dma_wait3A_183 = tpu.memref_slice %arg11[%dma_wait3A_177, %dma_wait3A_182] : memref<8x256xi32, #tpu.memory_space<vmem>> -> memref<1x256xi32, #tpu.memory_space<vmem>>
          %dma_wait3A_184 = tpu.memref_squeeze %dma_wait3A_183 : memref<1x256xi32, #tpu.memory_space<vmem>> -> memref<256xi32, #tpu.memory_space<vmem>>
          %dma_wait3A_185 = arith.constant 0 : i32
          %dma_wait3A_186 = arith.constant 0 : i32
          %dma_wait3A_187 = tpu.memref_slice %arg9[%dma_wait3A_185, %dma_wait3A_186] : memref<100096x16xf32, #tpu.memory_space<vmem_shared>> -> memref<100096x16xf32, #tpu.memory_space<vmem_shared>>
          tpu.wait_indirect_dma semaphore(%arg17 : memref<!tpu.dma_semaphore, #tpu.memory_space<semaphore_mem>>) src(%dma_wait3A_181 : memref<256x16xf32, #tpu.memory_space<vmem>>) dst(%dma_wait3A_187 : memref<100096x16xf32, #tpu.memory_space<vmem_shared>>)
          %dma_start3A_188 = arith.constant 4 : i32
          %dma_start3A_189 = arith.constant 1 : i32
          %dma_start3A_190 = arith.constant 0 : i32
          %dma_start3A_191 = arith.constant 0 : i32
          %dma_start3A_192 = tpu.memref_slice %arg12[%dma_start3A_189, %dma_start3A_190, %dma_start3A_191] : memref<3x256x16xf32, #tpu.memory_space<vmem>> -> memref<1x256x16xf32, #tpu.memory_space<vmem>>
          %dma_start3A_193 = tpu.memref_squeeze %dma_start3A_192 : memref<1x256x16xf32, #tpu.memory_space<vmem>> -> memref<256x16xf32, #tpu.memory_space<vmem>>
          %dma_start3A_194 = arith.constant 0 : i32
          %dma_start3A_195 = tpu.memref_slice %arg10[%dma_start3A_188, %dma_start3A_194] : memref<8x256xi32, #tpu.memory_space<vmem>> -> memref<1x256xi32, #tpu.memory_space<vmem>>
          %dma_start3A_196 = tpu.memref_squeeze %dma_start3A_195 : memref<1x256xi32, #tpu.memory_space<vmem>> -> memref<256xi32, #tpu.memory_space<vmem>>
          %dma_start3A_197 = arith.constant 0 : i32
          %dma_start3A_198 = arith.constant 0 : i32
          %dma_start3A_199 = tpu.memref_slice %arg7[%dma_start3A_197, %dma_start3A_198] : memref<100096x16xf32, #tpu.memory_space<hbm>> -> memref<100096x16xf32, #tpu.memory_space<hbm>>
          tpu.enqueue_indirect_dma source(%dma_start3A_199 : memref<100096x16xf32, #tpu.memory_space<hbm>>) target(%dma_start3A_193 : memref<256x16xf32, #tpu.memory_space<vmem>>) offsets(%dma_start3A_196 : memref<256xi32, #tpu.memory_space<vmem>>) semaphore(%arg16 : memref<!tpu.dma_semaphore, #tpu.memory_space<semaphore_mem>>)
          %dma_wait3A_200 = arith.constant 3 : i32
          %dma_wait3A_201 = arith.constant 0 : i32
          %dma_wait3A_202 = arith.constant 0 : i32
          %dma_wait3A_203 = arith.constant 0 : i32
          %dma_wait3A_204 = tpu.memref_slice %arg12[%dma_wait3A_201, %dma_wait3A_202, %dma_wait3A_203] : memref<3x256x16xf32, #tpu.memory_space<vmem>> -> memref<1x256x16xf32, #tpu.memory_space<vmem>>
          %dma_wait3A_205 = tpu.memref_squeeze %dma_wait3A_204 : memref<1x256x16xf32, #tpu.memory_space<vmem>> -> memref<256x16xf32, #tpu.memory_space<vmem>>
          %dma_wait3A_206 = arith.constant 0 : i32
          %dma_wait3A_207 = tpu.memref_slice %arg10[%dma_wait3A_200, %dma_wait3A_206] : memref<8x256xi32, #tpu.memory_space<vmem>> -> memref<1x256xi32, #tpu.memory_space<vmem>>
          %dma_wait3A_208 = tpu.memref_squeeze %dma_wait3A_207 : memref<1x256xi32, #tpu.memory_space<vmem>> -> memref<256xi32, #tpu.memory_space<vmem>>
          %dma_wait3A_209 = arith.constant 0 : i32
          %dma_wait3A_210 = arith.constant 0 : i32
          %dma_wait3A_211 = tpu.memref_slice %arg7[%dma_wait3A_209, %dma_wait3A_210] : memref<100096x16xf32, #tpu.memory_space<hbm>> -> memref<100096x16xf32, #tpu.memory_space<hbm>>
          tpu.wait_indirect_dma semaphore(%arg16 : memref<!tpu.dma_semaphore, #tpu.memory_space<semaphore_mem>>) src(%dma_wait3A_211 : memref<100096x16xf32, #tpu.memory_space<hbm>>) dst(%dma_wait3A_205 : memref<256x16xf32, #tpu.memory_space<vmem>>)
          %dma_start3A_212 = arith.constant 0 : i32
          %dma_start3A_213 = arith.constant 3 : i32
          %dma_start3A_214 = arith.constant 0 : i32
          %dma_start3A_215 = arith.constant 0 : i32
          %dma_start3A_216 = tpu.memref_slice %arg12[%dma_start3A_212, %dma_start3A_214, %dma_start3A_215] : memref<3x256x16xf32, #tpu.memory_space<vmem>> -> memref<1x256x16xf32, #tpu.memory_space<vmem>>
          %dma_start3A_217 = tpu.memref_squeeze %dma_start3A_216 : memref<1x256x16xf32, #tpu.memory_space<vmem>> -> memref<256x16xf32, #tpu.memory_space<vmem>>
          %dma_start3A_218 = arith.constant 0 : i32
          %dma_start3A_219 = tpu.memref_slice %arg11[%dma_start3A_213, %dma_start3A_218] : memref<8x256xi32, #tpu.memory_space<vmem>> -> memref<1x256xi32, #tpu.memory_space<vmem>>
          %dma_start3A_220 = tpu.memref_squeeze %dma_start3A_219 : memref<1x256xi32, #tpu.memory_space<vmem>> -> memref<256xi32, #tpu.memory_space<vmem>>
          %dma_start3A_221 = arith.constant 0 : i32
          %dma_start3A_222 = arith.constant 0 : i32
          %dma_start3A_223 = tpu.memref_slice %arg9[%dma_start3A_221, %dma_start3A_222] : memref<100096x16xf32, #tpu.memory_space<vmem_shared>> -> memref<100096x16xf32, #tpu.memory_space<vmem_shared>>
          tpu.enqueue_indirect_dma source(%dma_start3A_217 : memref<256x16xf32, #tpu.memory_space<vmem>>) target(%dma_start3A_223 : memref<100096x16xf32, #tpu.memory_space<vmem_shared>>) offsets(%dma_start3A_220 : memref<256xi32, #tpu.memory_space<vmem>>) semaphore(%arg17 : memref<!tpu.dma_semaphore, #tpu.memory_space<semaphore_mem>>) {add = true}
          %dma_wait3A_224 = arith.constant 2 : i32
          %dma_wait3A_225 = arith.constant 2 : i32
          %dma_wait3A_226 = arith.constant 0 : i32
          %dma_wait3A_227 = arith.constant 0 : i32
          %dma_wait3A_228 = tpu.memref_slice %arg12[%dma_wait3A_224, %dma_wait3A_226, %dma_wait3A_227] : memref<3x256x16xf32, #tpu.memory_space<vmem>> -> memref<1x256x16xf32, #tpu.memory_space<vmem>>
          %dma_wait3A_229 = tpu.memref_squeeze %dma_wait3A_228 : memref<1x256x16xf32, #tpu.memory_space<vmem>> -> memref<256x16xf32, #tpu.memory_space<vmem>>
          %dma_wait3A_230 = arith.constant 0 : i32
          %dma_wait3A_231 = tpu.memref_slice %arg11[%dma_wait3A_225, %dma_wait3A_230] : memref<8x256xi32, #tpu.memory_space<vmem>> -> memref<1x256xi32, #tpu.memory_space<vmem>>
          %dma_wait3A_232 = tpu.memref_squeeze %dma_wait3A_231 : memref<1x256xi32, #tpu.memory_space<vmem>> -> memref<256xi32, #tpu.memory_space<vmem>>
          %dma_wait3A_233 = arith.constant 0 : i32
          %dma_wait3A_234 = arith.constant 0 : i32
          %dma_wait3A_235 = tpu.memref_slice %arg9[%dma_wait3A_233, %dma_wait3A_234] : memref<100096x16xf32, #tpu.memory_space<vmem_shared>> -> memref<100096x16xf32, #tpu.memory_space<vmem_shared>>
          tpu.wait_indirect_dma semaphore(%arg17 : memref<!tpu.dma_semaphore, #tpu.memory_space<semaphore_mem>>) src(%dma_wait3A_229 : memref<256x16xf32, #tpu.memory_space<vmem>>) dst(%dma_wait3A_235 : memref<100096x16xf32, #tpu.memory_space<vmem_shared>>)
          %dma_start3A_236 = arith.constant 5 : i32
          %dma_start3A_237 = arith.constant 2 : i32
          %dma_start3A_238 = arith.constant 0 : i32
          %dma_start3A_239 = arith.constant 0 : i32
          %dma_start3A_240 = tpu.memref_slice %arg12[%dma_start3A_237, %dma_start3A_238, %dma_start3A_239] : memref<3x256x16xf32, #tpu.memory_space<vmem>> -> memref<1x256x16xf32, #tpu.memory_space<vmem>>
          %dma_start3A_241 = tpu.memref_squeeze %dma_start3A_240 : memref<1x256x16xf32, #tpu.memory_space<vmem>> -> memref<256x16xf32, #tpu.memory_space<vmem>>
          %dma_start3A_242 = arith.constant 0 : i32
          %dma_start3A_243 = tpu.memref_slice %arg10[%dma_start3A_236, %dma_start3A_242] : memref<8x256xi32, #tpu.memory_space<vmem>> -> memref<1x256xi32, #tpu.memory_space<vmem>>
          %dma_start3A_244 = tpu.memref_squeeze %dma_start3A_243 : memref<1x256xi32, #tpu.memory_space<vmem>> -> memref<256xi32, #tpu.memory_space<vmem>>
          %dma_start3A_245 = arith.constant 0 : i32
          %dma_start3A_246 = arith.constant 0 : i32
          %dma_start3A_247 = tpu.memref_slice %arg7[%dma_start3A_245, %dma_start3A_246] : memref<100096x16xf32, #tpu.memory_space<hbm>> -> memref<100096x16xf32, #tpu.memory_space<hbm>>
          tpu.enqueue_indirect_dma source(%dma_start3A_247 : memref<100096x16xf32, #tpu.memory_space<hbm>>) target(%dma_start3A_241 : memref<256x16xf32, #tpu.memory_space<vmem>>) offsets(%dma_start3A_244 : memref<256xi32, #tpu.memory_space<vmem>>) semaphore(%arg16 : memref<!tpu.dma_semaphore, #tpu.memory_space<semaphore_mem>>)
          %dma_wait3A_248 = arith.constant 4 : i32
          %dma_wait3A_249 = arith.constant 1 : i32
          %dma_wait3A_250 = arith.constant 0 : i32
          %dma_wait3A_251 = arith.constant 0 : i32
          %dma_wait3A_252 = tpu.memref_slice %arg12[%dma_wait3A_249, %dma_wait3A_250, %dma_wait3A_251] : memref<3x256x16xf32, #tpu.memory_space<vmem>> -> memref<1x256x16xf32, #tpu.memory_space<vmem>>
          %dma_wait3A_253 = tpu.memref_squeeze %dma_wait3A_252 : memref<1x256x16xf32, #tpu.memory_space<vmem>> -> memref<256x16xf32, #tpu.memory_space<vmem>>
          %dma_wait3A_254 = arith.constant 0 : i32
          %dma_wait3A_255 = tpu.memref_slice %arg10[%dma_wait3A_248, %dma_wait3A_254] : memref<8x256xi32, #tpu.memory_space<vmem>> -> memref<1x256xi32, #tpu.memory_space<vmem>>
          %dma_wait3A_256 = tpu.memref_squeeze %dma_wait3A_255 : memref<1x256xi32, #tpu.memory_space<vmem>> -> memref<256xi32, #tpu.memory_space<vmem>>
          %dma_wait3A_257 = arith.constant 0 : i32
          %dma_wait3A_258 = arith.constant 0 : i32
          %dma_wait3A_259 = tpu.memref_slice %arg7[%dma_wait3A_257, %dma_wait3A_258] : memref<100096x16xf32, #tpu.memory_space<hbm>> -> memref<100096x16xf32, #tpu.memory_space<hbm>>
          tpu.wait_indirect_dma semaphore(%arg16 : memref<!tpu.dma_semaphore, #tpu.memory_space<semaphore_mem>>) src(%dma_wait3A_259 : memref<100096x16xf32, #tpu.memory_space<hbm>>) dst(%dma_wait3A_253 : memref<256x16xf32, #tpu.memory_space<vmem>>)
          %dma_start3A_260 = arith.constant 1 : i32
          %dma_start3A_261 = arith.constant 4 : i32
          %dma_start3A_262 = arith.constant 0 : i32
          %dma_start3A_263 = arith.constant 0 : i32
          %dma_start3A_264 = tpu.memref_slice %arg12[%dma_start3A_260, %dma_start3A_262, %dma_start3A_263] : memref<3x256x16xf32, #tpu.memory_space<vmem>> -> memref<1x256x16xf32, #tpu.memory_space<vmem>>
          %dma_start3A_265 = tpu.memref_squeeze %dma_start3A_264 : memref<1x256x16xf32, #tpu.memory_space<vmem>> -> memref<256x16xf32, #tpu.memory_space<vmem>>
          %dma_start3A_266 = arith.constant 0 : i32
          %dma_start3A_267 = tpu.memref_slice %arg11[%dma_start3A_261, %dma_start3A_266] : memref<8x256xi32, #tpu.memory_space<vmem>> -> memref<1x256xi32, #tpu.memory_space<vmem>>
          %dma_start3A_268 = tpu.memref_squeeze %dma_start3A_267 : memref<1x256xi32, #tpu.memory_space<vmem>> -> memref<256xi32, #tpu.memory_space<vmem>>
          %dma_start3A_269 = arith.constant 0 : i32
          %dma_start3A_270 = arith.constant 0 : i32
          %dma_start3A_271 = tpu.memref_slice %arg9[%dma_start3A_269, %dma_start3A_270] : memref<100096x16xf32, #tpu.memory_space<vmem_shared>> -> memref<100096x16xf32, #tpu.memory_space<vmem_shared>>
          tpu.enqueue_indirect_dma source(%dma_start3A_265 : memref<256x16xf32, #tpu.memory_space<vmem>>) target(%dma_start3A_271 : memref<100096x16xf32, #tpu.memory_space<vmem_shared>>) offsets(%dma_start3A_268 : memref<256xi32, #tpu.memory_space<vmem>>) semaphore(%arg17 : memref<!tpu.dma_semaphore, #tpu.memory_space<semaphore_mem>>) {add = true}
          %dma_wait3A_272 = arith.constant 0 : i32
          %dma_wait3A_273 = arith.constant 3 : i32
          %dma_wait3A_274 = arith.constant 0 : i32
          %dma_wait3A_275 = arith.constant 0 : i32
          %dma_wait3A_276 = tpu.memref_slice %arg12[%dma_wait3A_272, %dma_wait3A_274, %dma_wait3A_275] : memref<3x256x16xf32, #tpu.memory_space<vmem>> -> memref<1x256x16xf32, #tpu.memory_space<vmem>>
          %dma_wait3A_277 = tpu.memref_squeeze %dma_wait3A_276 : memref<1x256x16xf32, #tpu.memory_space<vmem>> -> memref<256x16xf32, #tpu.memory_space<vmem>>
          %dma_wait3A_278 = arith.constant 0 : i32
          %dma_wait3A_279 = tpu.memref_slice %arg11[%dma_wait3A_273, %dma_wait3A_278] : memref<8x256xi32, #tpu.memory_space<vmem>> -> memref<1x256xi32, #tpu.memory_space<vmem>>
          %dma_wait3A_280 = tpu.memref_squeeze %dma_wait3A_279 : memref<1x256xi32, #tpu.memory_space<vmem>> -> memref<256xi32, #tpu.memory_space<vmem>>
          %dma_wait3A_281 = arith.constant 0 : i32
          %dma_wait3A_282 = arith.constant 0 : i32
          %dma_wait3A_283 = tpu.memref_slice %arg9[%dma_wait3A_281, %dma_wait3A_282] : memref<100096x16xf32, #tpu.memory_space<vmem_shared>> -> memref<100096x16xf32, #tpu.memory_space<vmem_shared>>
          tpu.wait_indirect_dma semaphore(%arg17 : memref<!tpu.dma_semaphore, #tpu.memory_space<semaphore_mem>>) src(%dma_wait3A_277 : memref<256x16xf32, #tpu.memory_space<vmem>>) dst(%dma_wait3A_283 : memref<100096x16xf32, #tpu.memory_space<vmem_shared>>)
          %dma_start3A_284 = arith.constant 6 : i32
          %dma_start3A_285 = arith.constant 0 : i32
          %dma_start3A_286 = arith.constant 0 : i32
          %dma_start3A_287 = arith.constant 0 : i32
          %dma_start3A_288 = tpu.memref_slice %arg12[%dma_start3A_285, %dma_start3A_286, %dma_start3A_287] : memref<3x256x16xf32, #tpu.memory_space<vmem>> -> memref<1x256x16xf32, #tpu.memory_space<vmem>>
          %dma_start3A_289 = tpu.memref_squeeze %dma_start3A_288 : memref<1x256x16xf32, #tpu.memory_space<vmem>> -> memref<256x16xf32, #tpu.memory_space<vmem>>
          %dma_start3A_290 = arith.constant 0 : i32
          %dma_start3A_291 = tpu.memref_slice %arg10[%dma_start3A_284, %dma_start3A_290] : memref<8x256xi32, #tpu.memory_space<vmem>> -> memref<1x256xi32, #tpu.memory_space<vmem>>
          %dma_start3A_292 = tpu.memref_squeeze %dma_start3A_291 : memref<1x256xi32, #tpu.memory_space<vmem>> -> memref<256xi32, #tpu.memory_space<vmem>>
          %dma_start3A_293 = arith.constant 0 : i32
          %dma_start3A_294 = arith.constant 0 : i32
          %dma_start3A_295 = tpu.memref_slice %arg7[%dma_start3A_293, %dma_start3A_294] : memref<100096x16xf32, #tpu.memory_space<hbm>> -> memref<100096x16xf32, #tpu.memory_space<hbm>>
          tpu.enqueue_indirect_dma source(%dma_start3A_295 : memref<100096x16xf32, #tpu.memory_space<hbm>>) target(%dma_start3A_289 : memref<256x16xf32, #tpu.memory_space<vmem>>) offsets(%dma_start3A_292 : memref<256xi32, #tpu.memory_space<vmem>>) semaphore(%arg16 : memref<!tpu.dma_semaphore, #tpu.memory_space<semaphore_mem>>)
          %dma_wait3A_296 = arith.constant 5 : i32
          %dma_wait3A_297 = arith.constant 2 : i32
          %dma_wait3A_298 = arith.constant 0 : i32
          %dma_wait3A_299 = arith.constant 0 : i32
          %dma_wait3A_300 = tpu.memref_slice %arg12[%dma_wait3A_297, %dma_wait3A_298, %dma_wait3A_299] : memref<3x256x16xf32, #tpu.memory_space<vmem>> -> memref<1x256x16xf32, #tpu.memory_space<vmem>>
          %dma_wait3A_301 = tpu.memref_squeeze %dma_wait3A_300 : memref<1x256x16xf32, #tpu.memory_space<vmem>> -> memref<256x16xf32, #tpu.memory_space<vmem>>
          %dma_wait3A_302 = arith.constant 0 : i32
          %dma_wait3A_303 = tpu.memref_slice %arg10[%dma_wait3A_296, %dma_wait3A_302] : memref<8x256xi32, #tpu.memory_space<vmem>> -> memref<1x256xi32, #tpu.memory_space<vmem>>
          %dma_wait3A_304 = tpu.memref_squeeze %dma_wait3A_303 : memref<1x256xi32, #tpu.memory_space<vmem>> -> memref<256xi32, #tpu.memory_space<vmem>>
          %dma_wait3A_305 = arith.constant 0 : i32
          %dma_wait3A_306 = arith.constant 0 : i32
          %dma_wait3A_307 = tpu.memref_slice %arg7[%dma_wait3A_305, %dma_wait3A_306] : memref<100096x16xf32, #tpu.memory_space<hbm>> -> memref<100096x16xf32, #tpu.memory_space<hbm>>
          tpu.wait_indirect_dma semaphore(%arg16 : memref<!tpu.dma_semaphore, #tpu.memory_space<semaphore_mem>>) src(%dma_wait3A_307 : memref<100096x16xf32, #tpu.memory_space<hbm>>) dst(%dma_wait3A_301 : memref<256x16xf32, #tpu.memory_space<vmem>>)
          %dma_start3A_308 = arith.constant 2 : i32
          %dma_start3A_309 = arith.constant 5 : i32
          %dma_start3A_310 = arith.constant 0 : i32
          %dma_start3A_311 = arith.constant 0 : i32
          %dma_start3A_312 = tpu.memref_slice %arg12[%dma_start3A_308, %dma_start3A_310, %dma_start3A_311] : memref<3x256x16xf32, #tpu.memory_space<vmem>> -> memref<1x256x16xf32, #tpu.memory_space<vmem>>
          %dma_start3A_313 = tpu.memref_squeeze %dma_start3A_312 : memref<1x256x16xf32, #tpu.memory_space<vmem>> -> memref<256x16xf32, #tpu.memory_space<vmem>>
          %dma_start3A_314 = arith.constant 0 : i32
          %dma_start3A_315 = tpu.memref_slice %arg11[%dma_start3A_309, %dma_start3A_314] : memref<8x256xi32, #tpu.memory_space<vmem>> -> memref<1x256xi32, #tpu.memory_space<vmem>>
          %dma_start3A_316 = tpu.memref_squeeze %dma_start3A_315 : memref<1x256xi32, #tpu.memory_space<vmem>> -> memref<256xi32, #tpu.memory_space<vmem>>
          %dma_start3A_317 = arith.constant 0 : i32
          %dma_start3A_318 = arith.constant 0 : i32
          %dma_start3A_319 = tpu.memref_slice %arg9[%dma_start3A_317, %dma_start3A_318] : memref<100096x16xf32, #tpu.memory_space<vmem_shared>> -> memref<100096x16xf32, #tpu.memory_space<vmem_shared>>
          tpu.enqueue_indirect_dma source(%dma_start3A_313 : memref<256x16xf32, #tpu.memory_space<vmem>>) target(%dma_start3A_319 : memref<100096x16xf32, #tpu.memory_space<vmem_shared>>) offsets(%dma_start3A_316 : memref<256xi32, #tpu.memory_space<vmem>>) semaphore(%arg17 : memref<!tpu.dma_semaphore, #tpu.memory_space<semaphore_mem>>) {add = true}
          %dma_wait3A_320 = arith.constant 1 : i32
          %dma_wait3A_321 = arith.constant 4 : i32
          %dma_wait3A_322 = arith.constant 0 : i32
          %dma_wait3A_323 = arith.constant 0 : i32
          %dma_wait3A_324 = tpu.memref_slice %arg12[%dma_wait3A_320, %dma_wait3A_322, %dma_wait3A_323] : memref<3x256x16xf32, #tpu.memory_space<vmem>> -> memref<1x256x16xf32, #tpu.memory_space<vmem>>
          %dma_wait3A_325 = tpu.memref_squeeze %dma_wait3A_324 : memref<1x256x16xf32, #tpu.memory_space<vmem>> -> memref<256x16xf32, #tpu.memory_space<vmem>>
          %dma_wait3A_326 = arith.constant 0 : i32
          %dma_wait3A_327 = tpu.memref_slice %arg11[%dma_wait3A_321, %dma_wait3A_326] : memref<8x256xi32, #tpu.memory_space<vmem>> -> memref<1x256xi32, #tpu.memory_space<vmem>>
          %dma_wait3A_328 = tpu.memref_squeeze %dma_wait3A_327 : memref<1x256xi32, #tpu.memory_space<vmem>> -> memref<256xi32, #tpu.memory_space<vmem>>
          %dma_wait3A_329 = arith.constant 0 : i32
          %dma_wait3A_330 = arith.constant 0 : i32
          %dma_wait3A_331 = tpu.memref_slice %arg9[%dma_wait3A_329, %dma_wait3A_330] : memref<100096x16xf32, #tpu.memory_space<vmem_shared>> -> memref<100096x16xf32, #tpu.memory_space<vmem_shared>>
          tpu.wait_indirect_dma semaphore(%arg17 : memref<!tpu.dma_semaphore, #tpu.memory_space<semaphore_mem>>) src(%dma_wait3A_325 : memref<256x16xf32, #tpu.memory_space<vmem>>) dst(%dma_wait3A_331 : memref<100096x16xf32, #tpu.memory_space<vmem_shared>>)
          %dma_start3A_332 = arith.constant 7 : i32
          %dma_start3A_333 = arith.constant 1 : i32
          %dma_start3A_334 = arith.constant 0 : i32
          %dma_start3A_335 = arith.constant 0 : i32
          %dma_start3A_336 = tpu.memref_slice %arg12[%dma_start3A_333, %dma_start3A_334, %dma_start3A_335] : memref<3x256x16xf32, #tpu.memory_space<vmem>> -> memref<1x256x16xf32, #tpu.memory_space<vmem>>
          %dma_start3A_337 = tpu.memref_squeeze %dma_start3A_336 : memref<1x256x16xf32, #tpu.memory_space<vmem>> -> memref<256x16xf32, #tpu.memory_space<vmem>>
          %dma_start3A_338 = arith.constant 0 : i32
          %dma_start3A_339 = tpu.memref_slice %arg10[%dma_start3A_332, %dma_start3A_338] : memref<8x256xi32, #tpu.memory_space<vmem>> -> memref<1x256xi32, #tpu.memory_space<vmem>>
          %dma_start3A_340 = tpu.memref_squeeze %dma_start3A_339 : memref<1x256xi32, #tpu.memory_space<vmem>> -> memref<256xi32, #tpu.memory_space<vmem>>
          %dma_start3A_341 = arith.constant 0 : i32
          %dma_start3A_342 = arith.constant 0 : i32
          %dma_start3A_343 = tpu.memref_slice %arg7[%dma_start3A_341, %dma_start3A_342] : memref<100096x16xf32, #tpu.memory_space<hbm>> -> memref<100096x16xf32, #tpu.memory_space<hbm>>
          tpu.enqueue_indirect_dma source(%dma_start3A_343 : memref<100096x16xf32, #tpu.memory_space<hbm>>) target(%dma_start3A_337 : memref<256x16xf32, #tpu.memory_space<vmem>>) offsets(%dma_start3A_340 : memref<256xi32, #tpu.memory_space<vmem>>) semaphore(%arg16 : memref<!tpu.dma_semaphore, #tpu.memory_space<semaphore_mem>>)
          %dma_wait3A_344 = arith.constant 6 : i32
          %dma_wait3A_345 = arith.constant 0 : i32
          %dma_wait3A_346 = arith.constant 0 : i32
          %dma_wait3A_347 = arith.constant 0 : i32
          %dma_wait3A_348 = tpu.memref_slice %arg12[%dma_wait3A_345, %dma_wait3A_346, %dma_wait3A_347] : memref<3x256x16xf32, #tpu.memory_space<vmem>> -> memref<1x256x16xf32, #tpu.memory_space<vmem>>
          %dma_wait3A_349 = tpu.memref_squeeze %dma_wait3A_348 : memref<1x256x16xf32, #tpu.memory_space<vmem>> -> memref<256x16xf32, #tpu.memory_space<vmem>>
          %dma_wait3A_350 = arith.constant 0 : i32
          %dma_wait3A_351 = tpu.memref_slice %arg10[%dma_wait3A_344, %dma_wait3A_350] : memref<8x256xi32, #tpu.memory_space<vmem>> -> memref<1x256xi32, #tpu.memory_space<vmem>>
          %dma_wait3A_352 = tpu.memref_squeeze %dma_wait3A_351 : memref<1x256xi32, #tpu.memory_space<vmem>> -> memref<256xi32, #tpu.memory_space<vmem>>
          %dma_wait3A_353 = arith.constant 0 : i32
          %dma_wait3A_354 = arith.constant 0 : i32
          %dma_wait3A_355 = tpu.memref_slice %arg7[%dma_wait3A_353, %dma_wait3A_354] : memref<100096x16xf32, #tpu.memory_space<hbm>> -> memref<100096x16xf32, #tpu.memory_space<hbm>>
          tpu.wait_indirect_dma semaphore(%arg16 : memref<!tpu.dma_semaphore, #tpu.memory_space<semaphore_mem>>) src(%dma_wait3A_355 : memref<100096x16xf32, #tpu.memory_space<hbm>>) dst(%dma_wait3A_349 : memref<256x16xf32, #tpu.memory_space<vmem>>)
          %dma_start3A_356 = arith.constant 0 : i32
          %dma_start3A_357 = arith.constant 6 : i32
          %dma_start3A_358 = arith.constant 0 : i32
          %dma_start3A_359 = arith.constant 0 : i32
          %dma_start3A_360 = tpu.memref_slice %arg12[%dma_start3A_356, %dma_start3A_358, %dma_start3A_359] : memref<3x256x16xf32, #tpu.memory_space<vmem>> -> memref<1x256x16xf32, #tpu.memory_space<vmem>>
          %dma_start3A_361 = tpu.memref_squeeze %dma_start3A_360 : memref<1x256x16xf32, #tpu.memory_space<vmem>> -> memref<256x16xf32, #tpu.memory_space<vmem>>
          %dma_start3A_362 = arith.constant 0 : i32
          %dma_start3A_363 = tpu.memref_slice %arg11[%dma_start3A_357, %dma_start3A_362] : memref<8x256xi32, #tpu.memory_space<vmem>> -> memref<1x256xi32, #tpu.memory_space<vmem>>
          %dma_start3A_364 = tpu.memref_squeeze %dma_start3A_363 : memref<1x256xi32, #tpu.memory_space<vmem>> -> memref<256xi32, #tpu.memory_space<vmem>>
          %dma_start3A_365 = arith.constant 0 : i32
          %dma_start3A_366 = arith.constant 0 : i32
          %dma_start3A_367 = tpu.memref_slice %arg9[%dma_start3A_365, %dma_start3A_366] : memref<100096x16xf32, #tpu.memory_space<vmem_shared>> -> memref<100096x16xf32, #tpu.memory_space<vmem_shared>>
          tpu.enqueue_indirect_dma source(%dma_start3A_361 : memref<256x16xf32, #tpu.memory_space<vmem>>) target(%dma_start3A_367 : memref<100096x16xf32, #tpu.memory_space<vmem_shared>>) offsets(%dma_start3A_364 : memref<256xi32, #tpu.memory_space<vmem>>) semaphore(%arg17 : memref<!tpu.dma_semaphore, #tpu.memory_space<semaphore_mem>>) {add = true}
          %dma_wait3A_368 = arith.constant 2 : i32
          %dma_wait3A_369 = arith.constant 5 : i32
          %dma_wait3A_370 = arith.constant 0 : i32
          %dma_wait3A_371 = arith.constant 0 : i32
          %dma_wait3A_372 = tpu.memref_slice %arg12[%dma_wait3A_368, %dma_wait3A_370, %dma_wait3A_371] : memref<3x256x16xf32, #tpu.memory_space<vmem>> -> memref<1x256x16xf32, #tpu.memory_space<vmem>>
          %dma_wait3A_373 = tpu.memref_squeeze %dma_wait3A_372 : memref<1x256x16xf32, #tpu.memory_space<vmem>> -> memref<256x16xf32, #tpu.memory_space<vmem>>
          %dma_wait3A_374 = arith.constant 0 : i32
          %dma_wait3A_375 = tpu.memref_slice %arg11[%dma_wait3A_369, %dma_wait3A_374] : memref<8x256xi32, #tpu.memory_space<vmem>> -> memref<1x256xi32, #tpu.memory_space<vmem>>
          %dma_wait3A_376 = tpu.memref_squeeze %dma_wait3A_375 : memref<1x256xi32, #tpu.memory_space<vmem>> -> memref<256xi32, #tpu.memory_space<vmem>>
          %dma_wait3A_377 = arith.constant 0 : i32
          %dma_wait3A_378 = arith.constant 0 : i32
          %dma_wait3A_379 = tpu.memref_slice %arg9[%dma_wait3A_377, %dma_wait3A_378] : memref<100096x16xf32, #tpu.memory_space<vmem_shared>> -> memref<100096x16xf32, #tpu.memory_space<vmem_shared>>
          tpu.wait_indirect_dma semaphore(%arg17 : memref<!tpu.dma_semaphore, #tpu.memory_space<semaphore_mem>>) src(%dma_wait3A_373 : memref<256x16xf32, #tpu.memory_space<vmem>>) dst(%dma_wait3A_379 : memref<100096x16xf32, #tpu.memory_space<vmem_shared>>)
          %dma_wait3A_380 = arith.constant 7 : i32
          %dma_wait3A_381 = arith.constant 1 : i32
          %dma_wait3A_382 = arith.constant 0 : i32
          %dma_wait3A_383 = arith.constant 0 : i32
          %dma_wait3A_384 = tpu.memref_slice %arg12[%dma_wait3A_381, %dma_wait3A_382, %dma_wait3A_383] : memref<3x256x16xf32, #tpu.memory_space<vmem>> -> memref<1x256x16xf32, #tpu.memory_space<vmem>>
          %dma_wait3A_385 = tpu.memref_squeeze %dma_wait3A_384 : memref<1x256x16xf32, #tpu.memory_space<vmem>> -> memref<256x16xf32, #tpu.memory_space<vmem>>
          %dma_wait3A_386 = arith.constant 0 : i32
          %dma_wait3A_387 = tpu.memref_slice %arg10[%dma_wait3A_380, %dma_wait3A_386] : memref<8x256xi32, #tpu.memory_space<vmem>> -> memref<1x256xi32, #tpu.memory_space<vmem>>
          %dma_wait3A_388 = tpu.memref_squeeze %dma_wait3A_387 : memref<1x256xi32, #tpu.memory_space<vmem>> -> memref<256xi32, #tpu.memory_space<vmem>>
          %dma_wait3A_389 = arith.constant 0 : i32
          %dma_wait3A_390 = arith.constant 0 : i32
          %dma_wait3A_391 = tpu.memref_slice %arg7[%dma_wait3A_389, %dma_wait3A_390] : memref<100096x16xf32, #tpu.memory_space<hbm>> -> memref<100096x16xf32, #tpu.memory_space<hbm>>
          tpu.wait_indirect_dma semaphore(%arg16 : memref<!tpu.dma_semaphore, #tpu.memory_space<semaphore_mem>>) src(%dma_wait3A_391 : memref<100096x16xf32, #tpu.memory_space<hbm>>) dst(%dma_wait3A_385 : memref<256x16xf32, #tpu.memory_space<vmem>>)
          %dma_start3A_392 = arith.constant 1 : i32
          %dma_start3A_393 = arith.constant 7 : i32
          %dma_start3A_394 = arith.constant 0 : i32
          %dma_start3A_395 = arith.constant 0 : i32
          %dma_start3A_396 = tpu.memref_slice %arg12[%dma_start3A_392, %dma_start3A_394, %dma_start3A_395] : memref<3x256x16xf32, #tpu.memory_space<vmem>> -> memref<1x256x16xf32, #tpu.memory_space<vmem>>
          %dma_start3A_397 = tpu.memref_squeeze %dma_start3A_396 : memref<1x256x16xf32, #tpu.memory_space<vmem>> -> memref<256x16xf32, #tpu.memory_space<vmem>>
          %dma_start3A_398 = arith.constant 0 : i32
          %dma_start3A_399 = tpu.memref_slice %arg11[%dma_start3A_393, %dma_start3A_398] : memref<8x256xi32, #tpu.memory_space<vmem>> -> memref<1x256xi32, #tpu.memory_space<vmem>>
          %dma_start3A_400 = tpu.memref_squeeze %dma_start3A_399 : memref<1x256xi32, #tpu.memory_space<vmem>> -> memref<256xi32, #tpu.memory_space<vmem>>
          %dma_start3A_401 = arith.constant 0 : i32
          %dma_start3A_402 = arith.constant 0 : i32
          %dma_start3A_403 = tpu.memref_slice %arg9[%dma_start3A_401, %dma_start3A_402] : memref<100096x16xf32, #tpu.memory_space<vmem_shared>> -> memref<100096x16xf32, #tpu.memory_space<vmem_shared>>
          tpu.enqueue_indirect_dma source(%dma_start3A_397 : memref<256x16xf32, #tpu.memory_space<vmem>>) target(%dma_start3A_403 : memref<100096x16xf32, #tpu.memory_space<vmem_shared>>) offsets(%dma_start3A_400 : memref<256xi32, #tpu.memory_space<vmem>>) semaphore(%arg17 : memref<!tpu.dma_semaphore, #tpu.memory_space<semaphore_mem>>) {add = true}
          %dma_wait3A_404 = arith.constant 0 : i32
          %dma_wait3A_405 = arith.constant 6 : i32
          %dma_wait3A_406 = arith.constant 0 : i32
          %dma_wait3A_407 = arith.constant 0 : i32
          %dma_wait3A_408 = tpu.memref_slice %arg12[%dma_wait3A_404, %dma_wait3A_406, %dma_wait3A_407] : memref<3x256x16xf32, #tpu.memory_space<vmem>> -> memref<1x256x16xf32, #tpu.memory_space<vmem>>
          %dma_wait3A_409 = tpu.memref_squeeze %dma_wait3A_408 : memref<1x256x16xf32, #tpu.memory_space<vmem>> -> memref<256x16xf32, #tpu.memory_space<vmem>>
          %dma_wait3A_410 = arith.constant 0 : i32
          %dma_wait3A_411 = tpu.memref_slice %arg11[%dma_wait3A_405, %dma_wait3A_410] : memref<8x256xi32, #tpu.memory_space<vmem>> -> memref<1x256xi32, #tpu.memory_space<vmem>>
          %dma_wait3A_412 = tpu.memref_squeeze %dma_wait3A_411 : memref<1x256xi32, #tpu.memory_space<vmem>> -> memref<256xi32, #tpu.memory_space<vmem>>
          %dma_wait3A_413 = arith.constant 0 : i32
          %dma_wait3A_414 = arith.constant 0 : i32
          %dma_wait3A_415 = tpu.memref_slice %arg9[%dma_wait3A_413, %dma_wait3A_414] : memref<100096x16xf32, #tpu.memory_space<vmem_shared>> -> memref<100096x16xf32, #tpu.memory_space<vmem_shared>>
          tpu.wait_indirect_dma semaphore(%arg17 : memref<!tpu.dma_semaphore, #tpu.memory_space<semaphore_mem>>) src(%dma_wait3A_409 : memref<256x16xf32, #tpu.memory_space<vmem>>) dst(%dma_wait3A_415 : memref<100096x16xf32, #tpu.memory_space<vmem_shared>>)
          %dma_wait3A_416 = arith.constant 1 : i32
          %dma_wait3A_417 = arith.constant 7 : i32
          %dma_wait3A_418 = arith.constant 0 : i32
          %dma_wait3A_419 = arith.constant 0 : i32
          %dma_wait3A_420 = tpu.memref_slice %arg12[%dma_wait3A_416, %dma_wait3A_418, %dma_wait3A_419] : memref<3x256x16xf32, #tpu.memory_space<vmem>> -> memref<1x256x16xf32, #tpu.memory_space<vmem>>
          %dma_wait3A_421 = tpu.memref_squeeze %dma_wait3A_420 : memref<1x256x16xf32, #tpu.memory_space<vmem>> -> memref<256x16xf32, #tpu.memory_space<vmem>>
          %dma_wait3A_422 = arith.constant 0 : i32
          %dma_wait3A_423 = tpu.memref_slice %arg11[%dma_wait3A_417, %dma_wait3A_422] : memref<8x256xi32, #tpu.memory_space<vmem>> -> memref<1x256xi32, #tpu.memory_space<vmem>>
          %dma_wait3A_424 = tpu.memref_squeeze %dma_wait3A_423 : memref<1x256xi32, #tpu.memory_space<vmem>> -> memref<256xi32, #tpu.memory_space<vmem>>
          %dma_wait3A_425 = arith.constant 0 : i32
          %dma_wait3A_426 = arith.constant 0 : i32
          %dma_wait3A_427 = tpu.memref_slice %arg9[%dma_wait3A_425, %dma_wait3A_426] : memref<100096x16xf32, #tpu.memory_space<vmem_shared>> -> memref<100096x16xf32, #tpu.memory_space<vmem_shared>>
          tpu.wait_indirect_dma semaphore(%arg17 : memref<!tpu.dma_semaphore, #tpu.memory_space<semaphore_mem>>) src(%dma_wait3A_421 : memref<256x16xf32, #tpu.memory_space<vmem>>) dst(%dma_wait3A_427 : memref<100096x16xf32, #tpu.memory_space<vmem_shared>>)
          %scan3A_428 = arith.constant 0 : i32
          scf.yield %scan3A_428 : i32
        }
        %scan3A_31 = arith.constant 50 : i32
        %barrier3A_32 = arith.constant 0 : index
        tpu.barrier barrier_id(%barrier3A_32)
        "tpu.trace_stop"() : () -> ()
        "tpu.trace_start"() <{level = 10 : i32, message = "p3_combine"}> : () -> ()
        %scan3A_33 = arith.constant 0 : i32
        %scan3A_34 = arith.constant 0 : i32
        %scan3A_35 = arith.constant 23 : i32
        %scan3A_36 = arith.addi %scan3A_34, %scan3A_35 : i32
        %scan3A_37 = arith.constant 1 : i32
        %scan3A_38 = scf.for %scan3A_42 = %scan3A_34 to %scan3A_36 step %scan3A_37 iter_args(%scan3A_43 = %scan3A_33) -> (i32)  : i32 {
          %mul3A_44 = arith.constant 2 : i32
          %mul3A_45 = arith.muli %mul3A_44, %scan3A_42 : i32
          %mul3A_46 = arith.constant 136 : i32
          %mul3A_47 = arith.muli %mul3A_45, %mul3A_46 : i32
          %add3A = arith.addi %mul3A_7, %mul3A_47 : i32
          %dma_start3A = arith.constant 0 : i32
          %dma_start3A_48 = arith.constant 0 : i32
          %dma_start3A_49 = arith.constant 0 : i32
          %dma_start3A_50 = tpu.memref_slice %arg14[%dma_start3A, %dma_start3A_48, %dma_start3A_49] : memref<2x136x16xf32, #tpu.memory_space<vmem>> -> memref<1x136x16xf32, #tpu.memory_space<vmem>>
          %dma_start3A_51 = tpu.memref_squeeze %dma_start3A_50 : memref<1x136x16xf32, #tpu.memory_space<vmem>> -> memref<136x16xf32, #tpu.memory_space<vmem>>
          %dma_start3A_52 = arith.constant 0 : i32
          %dma_start3A_53 = tpu.memref_slice %arg2[%add3A, %dma_start3A_52] : memref<100096x16xf32, #tpu.memory_space<hbm>> -> memref<136x16xf32, #tpu.memory_space<hbm>>
          %dma_start3A_54 = arith.constant 0 : i32
          %dma_start3A_55 = arith.constant 0 : i32
          %dma_start3A_56 = tpu.memref_slice %arg14[%dma_start3A, %dma_start3A_54, %dma_start3A_55] : memref<2x136x16xf32, #tpu.memory_space<vmem>> -> memref<1x136x16xf32, #tpu.memory_space<vmem>>
          %dma_start3A_57 = tpu.memref_squeeze %dma_start3A_56 : memref<1x136x16xf32, #tpu.memory_space<vmem>> -> memref<136x16xf32, #tpu.memory_space<vmem>>
          %dma_start3A_58 = arith.constant 0 : i32
          %dma_start3A_59 = tpu.memref_slice %arg2[%add3A, %dma_start3A_58] : memref<100096x16xf32, #tpu.memory_space<hbm>> -> memref<136x16xf32, #tpu.memory_space<hbm>>
          tpu.enqueue_dma source(%dma_start3A_59 : memref<136x16xf32, #tpu.memory_space<hbm>>) target(%dma_start3A_57 : memref<136x16xf32, #tpu.memory_space<vmem>>) target_semaphore(%arg16 : memref<!tpu.dma_semaphore, #tpu.memory_space<semaphore_mem>>)
          %dma_start3A_60 = arith.constant 0 : i32
          %dma_start3A_61 = arith.constant 0 : i32
          %dma_start3A_62 = arith.constant 0 : i32
          %dma_start3A_63 = tpu.memref_slice %arg15[%dma_start3A_60, %dma_start3A_61, %dma_start3A_62] : memref<2x136x16xf32, #tpu.memory_space<vmem>> -> memref<1x136x16xf32, #tpu.memory_space<vmem>>
          %dma_start3A_64 = tpu.memref_squeeze %dma_start3A_63 : memref<1x136x16xf32, #tpu.memory_space<vmem>> -> memref<136x16xf32, #tpu.memory_space<vmem>>
          %dma_start3A_65 = arith.constant 0 : i32
          %dma_start3A_66 = tpu.memref_slice %arg4[%add3A, %dma_start3A_65] : memref<100096x16xf32, #tpu.memory_space<hbm>> -> memref<136x16xf32, #tpu.memory_space<hbm>>
          %dma_start3A_67 = arith.constant 0 : i32
          %dma_start3A_68 = arith.constant 0 : i32
          %dma_start3A_69 = tpu.memref_slice %arg15[%dma_start3A_60, %dma_start3A_67, %dma_start3A_68] : memref<2x136x16xf32, #tpu.memory_space<vmem>> -> memref<1x136x16xf32, #tpu.memory_space<vmem>>
          %dma_start3A_70 = tpu.memref_squeeze %dma_start3A_69 : memref<1x136x16xf32, #tpu.memory_space<vmem>> -> memref<136x16xf32, #tpu.memory_space<vmem>>
          %dma_start3A_71 = arith.constant 0 : i32
          %dma_start3A_72 = tpu.memref_slice %arg4[%add3A, %dma_start3A_71] : memref<100096x16xf32, #tpu.memory_space<hbm>> -> memref<136x16xf32, #tpu.memory_space<hbm>>
          tpu.enqueue_dma source(%dma_start3A_72 : memref<136x16xf32, #tpu.memory_space<hbm>>) target(%dma_start3A_70 : memref<136x16xf32, #tpu.memory_space<vmem>>) target_semaphore(%arg16 : memref<!tpu.dma_semaphore, #tpu.memory_space<semaphore_mem>>)
          %run_scoped3A = arith.constant 0 : i32
          "tpu.region"() ({
            %run_scoped3A_227 = tpu.sem_alloc : memref<!tpu.dma_semaphore, #tpu.memory_space<semaphore_mem>>
            %dma_start3A_228 = arith.constant 0 : i32
            %dma_start3A_229 = arith.constant 0 : i32
            %dma_start3A_230 = tpu.memref_slice %arg13[%run_scoped3A, %dma_start3A_228, %dma_start3A_229] : memref<2x136x16xf32, #tpu.memory_space<vmem>> -> memref<1x136x16xf32, #tpu.memory_space<vmem>>
            %dma_start3A_231 = tpu.memref_squeeze %dma_start3A_230 : memref<1x136x16xf32, #tpu.memory_space<vmem>> -> memref<136x16xf32, #tpu.memory_space<vmem>>
            %dma_start3A_232 = arith.constant 0 : i32
            %dma_start3A_233 = tpu.memref_slice %arg9[%add3A, %dma_start3A_232] : memref<100096x16xf32, #tpu.memory_space<vmem_shared>> -> memref<136x16xf32, #tpu.memory_space<vmem_shared>>
            %dma_start3A_234 = arith.constant 0 : i32
            %dma_start3A_235 = arith.constant 0 : i32
            %dma_start3A_236 = tpu.memref_slice %arg13[%run_scoped3A, %dma_start3A_234, %dma_start3A_235] : memref<2x136x16xf32, #tpu.memory_space<vmem>> -> memref<1x136x16xf32, #tpu.memory_space<vmem>>
            %dma_start3A_237 = tpu.memref_squeeze %dma_start3A_236 : memref<1x136x16xf32, #tpu.memory_space<vmem>> -> memref<136x16xf32, #tpu.memory_space<vmem>>
            %dma_start3A_238 = arith.constant 0 : i32
            %dma_start3A_239 = tpu.memref_slice %arg9[%add3A, %dma_start3A_238] : memref<100096x16xf32, #tpu.memory_space<vmem_shared>> -> memref<136x16xf32, #tpu.memory_space<vmem_shared>>
            tpu.enqueue_dma source(%dma_start3A_239 : memref<136x16xf32, #tpu.memory_space<vmem_shared>>) target(%dma_start3A_237 : memref<136x16xf32, #tpu.memory_space<vmem>>) target_semaphore(%run_scoped3A_227 : memref<!tpu.dma_semaphore, #tpu.memory_space<semaphore_mem>>)
            %dma_wait3A_240 = arith.constant 0 : i32
            %dma_wait3A_241 = arith.constant 0 : i32
            %dma_wait3A_242 = tpu.memref_slice %arg13[%run_scoped3A, %dma_wait3A_240, %dma_wait3A_241] : memref<2x136x16xf32, #tpu.memory_space<vmem>> -> memref<1x136x16xf32, #tpu.memory_space<vmem>>
            %dma_wait3A_243 = tpu.memref_squeeze %dma_wait3A_242 : memref<1x136x16xf32, #tpu.memory_space<vmem>> -> memref<136x16xf32, #tpu.memory_space<vmem>>
            %dma_wait3A_244 = arith.constant 0 : i32
            %dma_wait3A_245 = tpu.memref_slice %arg9[%add3A, %dma_wait3A_244] : memref<100096x16xf32, #tpu.memory_space<vmem_shared>> -> memref<136x16xf32, #tpu.memory_space<vmem_shared>>
            %dma_wait3A_246 = arith.constant 0 : i32
            %dma_wait3A_247 = arith.constant 0 : i32
            %dma_wait3A_248 = tpu.memref_slice %arg13[%run_scoped3A, %dma_wait3A_246, %dma_wait3A_247] : memref<2x136x16xf32, #tpu.memory_space<vmem>> -> memref<1x136x16xf32, #tpu.memory_space<vmem>>
            %dma_wait3A_249 = tpu.memref_squeeze %dma_wait3A_248 : memref<1x136x16xf32, #tpu.memory_space<vmem>> -> memref<136x16xf32, #tpu.memory_space<vmem>>
            %dma_wait3A_250 = arith.constant 0 : i32
            %dma_wait3A_251 = tpu.memref_slice %arg9[%add3A, %dma_wait3A_250] : memref<100096x16xf32, #tpu.memory_space<vmem_shared>> -> memref<136x16xf32, #tpu.memory_space<vmem_shared>>
            tpu.wait_dma2 semaphore(%run_scoped3A_227 : memref<!tpu.dma_semaphore, #tpu.memory_space<semaphore_mem>>) src(%dma_wait3A_251 : memref<136x16xf32, #tpu.memory_space<vmem_shared>>) dst(%dma_wait3A_249 : memref<136x16xf32, #tpu.memory_space<vmem>>)
            tpu.yield
          }) : () -> ()
          %dma_wait3A = arith.constant 0 : i32
          %dma_wait3A_73 = arith.constant 0 : i32
          %dma_wait3A_74 = arith.constant 0 : i32
          %dma_wait3A_75 = tpu.memref_slice %arg14[%dma_wait3A, %dma_wait3A_73, %dma_wait3A_74] : memref<2x136x16xf32, #tpu.memory_space<vmem>> -> memref<1x136x16xf32, #tpu.memory_space<vmem>>
          %dma_wait3A_76 = tpu.memref_squeeze %dma_wait3A_75 : memref<1x136x16xf32, #tpu.memory_space<vmem>> -> memref<136x16xf32, #tpu.memory_space<vmem>>
          %dma_wait3A_77 = arith.constant 0 : i32
          %dma_wait3A_78 = tpu.memref_slice %arg2[%add3A, %dma_wait3A_77] : memref<100096x16xf32, #tpu.memory_space<hbm>> -> memref<136x16xf32, #tpu.memory_space<hbm>>
          %dma_wait3A_79 = arith.constant 0 : i32
          %dma_wait3A_80 = arith.constant 0 : i32
          %dma_wait3A_81 = tpu.memref_slice %arg14[%dma_wait3A, %dma_wait3A_79, %dma_wait3A_80] : memref<2x136x16xf32, #tpu.memory_space<vmem>> -> memref<1x136x16xf32, #tpu.memory_space<vmem>>
          %dma_wait3A_82 = tpu.memref_squeeze %dma_wait3A_81 : memref<1x136x16xf32, #tpu.memory_space<vmem>> -> memref<136x16xf32, #tpu.memory_space<vmem>>
          %dma_wait3A_83 = arith.constant 0 : i32
          %dma_wait3A_84 = tpu.memref_slice %arg2[%add3A, %dma_wait3A_83] : memref<100096x16xf32, #tpu.memory_space<hbm>> -> memref<136x16xf32, #tpu.memory_space<hbm>>
          tpu.wait_dma2 semaphore(%arg16 : memref<!tpu.dma_semaphore, #tpu.memory_space<semaphore_mem>>) src(%dma_wait3A_84 : memref<136x16xf32, #tpu.memory_space<hbm>>) dst(%dma_wait3A_82 : memref<136x16xf32, #tpu.memory_space<vmem>>)
          %dma_wait3A_85 = arith.constant 0 : i32
          %dma_wait3A_86 = arith.constant 0 : i32
          %dma_wait3A_87 = arith.constant 0 : i32
          %dma_wait3A_88 = tpu.memref_slice %arg15[%dma_wait3A_85, %dma_wait3A_86, %dma_wait3A_87] : memref<2x136x16xf32, #tpu.memory_space<vmem>> -> memref<1x136x16xf32, #tpu.memory_space<vmem>>
          %dma_wait3A_89 = tpu.memref_squeeze %dma_wait3A_88 : memref<1x136x16xf32, #tpu.memory_space<vmem>> -> memref<136x16xf32, #tpu.memory_space<vmem>>
          %dma_wait3A_90 = arith.constant 0 : i32
          %dma_wait3A_91 = tpu.memref_slice %arg4[%add3A, %dma_wait3A_90] : memref<100096x16xf32, #tpu.memory_space<hbm>> -> memref<136x16xf32, #tpu.memory_space<hbm>>
          %dma_wait3A_92 = arith.constant 0 : i32
          %dma_wait3A_93 = arith.constant 0 : i32
          %dma_wait3A_94 = tpu.memref_slice %arg15[%dma_wait3A_85, %dma_wait3A_92, %dma_wait3A_93] : memref<2x136x16xf32, #tpu.memory_space<vmem>> -> memref<1x136x16xf32, #tpu.memory_space<vmem>>
          %dma_wait3A_95 = tpu.memref_squeeze %dma_wait3A_94 : memref<1x136x16xf32, #tpu.memory_space<vmem>> -> memref<136x16xf32, #tpu.memory_space<vmem>>
          %dma_wait3A_96 = arith.constant 0 : i32
          %dma_wait3A_97 = tpu.memref_slice %arg4[%add3A, %dma_wait3A_96] : memref<100096x16xf32, #tpu.memory_space<hbm>> -> memref<136x16xf32, #tpu.memory_space<hbm>>
          tpu.wait_dma2 semaphore(%arg16 : memref<!tpu.dma_semaphore, #tpu.memory_space<semaphore_mem>>) src(%dma_wait3A_97 : memref<136x16xf32, #tpu.memory_space<hbm>>) dst(%dma_wait3A_95 : memref<136x16xf32, #tpu.memory_space<vmem>>)
          %scan3A_98 = arith.constant 0 : i32
          %scan3A_99 = arith.constant 0 : i32
          %scan3A_100 = arith.constant 34 : i32
          %scan3A_101 = arith.addi %scan3A_99, %scan3A_100 : i32
          %scan3A_102 = arith.constant 1 : i32
          %scan3A_103 = scf.for %scan3A_227 = %scan3A_99 to %scan3A_101 step %scan3A_102 iter_args(%scan3A_228 = %scan3A_98) -> (i32)  : i32 {
            %mul3A_229 = arith.constant 4 : i32
            %mul3A_230 = arith.muli %scan3A_227, %mul3A_229 : i32
            %add3A_231 = arith.constant 0 : i32
            %add3A_232 = arith.addi %mul3A_230, %add3A_231 : i32
            %get3A = arith.constant 0 : i32
            %get3A_233 = arith.index_cast %get3A : i32 to index
            %get3A_234 = arith.index_cast %add3A_232 : i32 to index
            %get3A_235 = arith.constant 0 : index
            %get3A_236 = tpu.vector_load %arg15[%get3A_233, %get3A_234, %get3A_235] {strides = array<i32>} : memref<2x136x16xf32, #tpu.memory_space<vmem>>, vector<1x1x16xf32>,
            %get3A_237 = vector.shape_cast %get3A_236 : vector<1x1x16xf32> to vector<16xf32>
            %get3A_238 = arith.constant 0 : i32
            %get3A_239 = arith.index_cast %get3A_238 : i32 to index
            %get3A_240 = arith.index_cast %add3A_232 : i32 to index
            %get3A_241 = arith.constant 0 : index
            %get3A_242 = tpu.vector_load %arg13[%get3A_239, %get3A_240, %get3A_241] {strides = array<i32>} : memref<2x136x16xf32, #tpu.memory_space<vmem>>, vector<1x1x16xf32>,
            %get3A_243 = vector.shape_cast %get3A_242 : vector<1x1x16xf32> to vector<16xf32>
            %mul3A_244 = arith.mulf %get3A_237, %get3A_243 : vector<16xf32>
            %get3A_245 = arith.constant 0 : i32
            %get3A_246 = arith.index_cast %get3A_245 : i32 to index
            %get3A_247 = arith.index_cast %add3A_232 : i32 to index
            %get3A_248 = arith.constant 0 : index
            %get3A_249 = tpu.vector_load %arg14[%get3A_246, %get3A_247, %get3A_248] {strides = array<i32>} : memref<2x136x16xf32, #tpu.memory_space<vmem>>, vector<1x1x16xf32>,
            %get3A_250 = vector.shape_cast %get3A_249 : vector<1x1x16xf32> to vector<16xf32>
            %mul3A_251 = arith.constant 1.000000e-01 : f32
            %mul3A_252 = vector.broadcast %mul3A_251 : f32 to vector<16xf32>
            %mul3A_253 = arith.mulf %mul3A_252, %get3A_250 : vector<16xf32>
            %add3A_254 = arith.addf %mul3A_244, %mul3A_253 : vector<16xf32>
            %swap3A = arith.constant 0 : i32
            %swap3A_255 = arith.index_cast %swap3A : i32 to index
            %swap3A_256 = arith.index_cast %add3A_232 : i32 to index
            %swap3A_257 = arith.constant 0 : index
            %swap3A_258 = tpu.vector_load %arg13[%swap3A_255, %swap3A_256, %swap3A_257] {strides = array<i32>} : memref<2x136x16xf32, #tpu.memory_space<vmem>>, vector<1x1x16xf32>,
            %swap3A_259 = vector.shape_cast %swap3A_258 : vector<1x1x16xf32> to vector<16xf32>
            %swap3A_260 = vector.shape_cast %add3A_254 : vector<16xf32> to vector<1x1x16xf32>
            tpu.vector_store %arg13[%swap3A_255, %swap3A_256, %swap3A_257], %swap3A_260 {strides = array<i32>} : memref<2x136x16xf32, #tpu.memory_space<vmem>>, vector<1x1x16xf32>,
            %mul3A_261 = arith.constant 4 : i32
            %mul3A_262 = arith.muli %scan3A_227, %mul3A_261 : i32
            %add3A_263 = arith.constant 1 : i32
            %add3A_264 = arith.addi %mul3A_262, %add3A_263 : i32
            %get3A_265 = arith.constant 0 : i32
            %get3A_266 = arith.index_cast %get3A_265 : i32 to index
            %get3A_267 = arith.index_cast %add3A_264 : i32 to index
            %get3A_268 = arith.constant 0 : index
            %get3A_269 = tpu.vector_load %arg15[%get3A_266, %get3A_267, %get3A_268] {strides = array<i32>} : memref<2x136x16xf32, #tpu.memory_space<vmem>>, vector<1x1x16xf32>,
            %get3A_270 = vector.shape_cast %get3A_269 : vector<1x1x16xf32> to vector<16xf32>
            %get3A_271 = arith.constant 0 : i32
            %get3A_272 = arith.index_cast %get3A_271 : i32 to index
            %get3A_273 = arith.index_cast %add3A_264 : i32 to index
            %get3A_274 = arith.constant 0 : index
            %get3A_275 = tpu.vector_load %arg13[%get3A_272, %get3A_273, %get3A_274] {strides = array<i32>} : memref<2x136x16xf32, #tpu.memory_space<vmem>>, vector<1x1x16xf32>,
            %get3A_276 = vector.shape_cast %get3A_275 : vector<1x1x16xf32> to vector<16xf32>
            %mul3A_277 = arith.mulf %get3A_270, %get3A_276 : vector<16xf32>
            %get3A_278 = arith.constant 0 : i32
            %get3A_279 = arith.index_cast %get3A_278 : i32 to index
            %get3A_280 = arith.index_cast %add3A_264 : i32 to index
            %get3A_281 = arith.constant 0 : index
            %get3A_282 = tpu.vector_load %arg14[%get3A_279, %get3A_280, %get3A_281] {strides = array<i32>} : memref<2x136x16xf32, #tpu.memory_space<vmem>>, vector<1x1x16xf32>,
            %get3A_283 = vector.shape_cast %get3A_282 : vector<1x1x16xf32> to vector<16xf32>
            %mul3A_284 = arith.constant 1.000000e-01 : f32
            %mul3A_285 = vector.broadcast %mul3A_284 : f32 to vector<16xf32>
            %mul3A_286 = arith.mulf %mul3A_285, %get3A_283 : vector<16xf32>
            %add3A_287 = arith.addf %mul3A_277, %mul3A_286 : vector<16xf32>
            %swap3A_288 = arith.constant 0 : i32
            %swap3A_289 = arith.index_cast %swap3A_288 : i32 to index
            %swap3A_290 = arith.index_cast %add3A_264 : i32 to index
            %swap3A_291 = arith.constant 0 : index
            %swap3A_292 = tpu.vector_load %arg13[%swap3A_289, %swap3A_290, %swap3A_291] {strides = array<i32>} : memref<2x136x16xf32, #tpu.memory_space<vmem>>, vector<1x1x16xf32>,
            %swap3A_293 = vector.shape_cast %swap3A_292 : vector<1x1x16xf32> to vector<16xf32>
            %swap3A_294 = vector.shape_cast %add3A_287 : vector<16xf32> to vector<1x1x16xf32>
            tpu.vector_store %arg13[%swap3A_289, %swap3A_290, %swap3A_291], %swap3A_294 {strides = array<i32>} : memref<2x136x16xf32, #tpu.memory_space<vmem>>, vector<1x1x16xf32>,
            %mul3A_295 = arith.constant 4 : i32
            %mul3A_296 = arith.muli %scan3A_227, %mul3A_295 : i32
            %add3A_297 = arith.constant 2 : i32
            %add3A_298 = arith.addi %mul3A_296, %add3A_297 : i32
            %get3A_299 = arith.constant 0 : i32
            %get3A_300 = arith.index_cast %get3A_299 : i32 to index
            %get3A_301 = arith.index_cast %add3A_298 : i32 to index
            %get3A_302 = arith.constant 0 : index
            %get3A_303 = tpu.vector_load %arg15[%get3A_300, %get3A_301, %get3A_302] {strides = array<i32>} : memref<2x136x16xf32, #tpu.memory_space<vmem>>, vector<1x1x16xf32>,
            %get3A_304 = vector.shape_cast %get3A_303 : vector<1x1x16xf32> to vector<16xf32>
            %get3A_305 = arith.constant 0 : i32
            %get3A_306 = arith.index_cast %get3A_305 : i32 to index
            %get3A_307 = arith.index_cast %add3A_298 : i32 to index
            %get3A_308 = arith.constant 0 : index
            %get3A_309 = tpu.vector_load %arg13[%get3A_306, %get3A_307, %get3A_308] {strides = array<i32>} : memref<2x136x16xf32, #tpu.memory_space<vmem>>, vector<1x1x16xf32>,
            %get3A_310 = vector.shape_cast %get3A_309 : vector<1x1x16xf32> to vector<16xf32>
            %mul3A_311 = arith.mulf %get3A_304, %get3A_310 : vector<16xf32>
            %get3A_312 = arith.constant 0 : i32
            %get3A_313 = arith.index_cast %get3A_312 : i32 to index
            %get3A_314 = arith.index_cast %add3A_298 : i32 to index
            %get3A_315 = arith.constant 0 : index
            %get3A_316 = tpu.vector_load %arg14[%get3A_313, %get3A_314, %get3A_315] {strides = array<i32>} : memref<2x136x16xf32, #tpu.memory_space<vmem>>, vector<1x1x16xf32>,
            %get3A_317 = vector.shape_cast %get3A_316 : vector<1x1x16xf32> to vector<16xf32>
            %mul3A_318 = arith.constant 1.000000e-01 : f32
            %mul3A_319 = vector.broadcast %mul3A_318 : f32 to vector<16xf32>
            %mul3A_320 = arith.mulf %mul3A_319, %get3A_317 : vector<16xf32>
            %add3A_321 = arith.addf %mul3A_311, %mul3A_320 : vector<16xf32>
            %swap3A_322 = arith.constant 0 : i32
            %swap3A_323 = arith.index_cast %swap3A_322 : i32 to index
            %swap3A_324 = arith.index_cast %add3A_298 : i32 to index
            %swap3A_325 = arith.constant 0 : index
            %swap3A_326 = tpu.vector_load %arg13[%swap3A_323, %swap3A_324, %swap3A_325] {strides = array<i32>} : memref<2x136x16xf32, #tpu.memory_space<vmem>>, vector<1x1x16xf32>,
            %swap3A_327 = vector.shape_cast %swap3A_326 : vector<1x1x16xf32> to vector<16xf32>
            %swap3A_328 = vector.shape_cast %add3A_321 : vector<16xf32> to vector<1x1x16xf32>
            tpu.vector_store %arg13[%swap3A_323, %swap3A_324, %swap3A_325], %swap3A_328 {strides = array<i32>} : memref<2x136x16xf32, #tpu.memory_space<vmem>>, vector<1x1x16xf32>,
            %mul3A_329 = arith.constant 4 : i32
            %mul3A_330 = arith.muli %scan3A_227, %mul3A_329 : i32
            %add3A_331 = arith.constant 3 : i32
            %add3A_332 = arith.addi %mul3A_330, %add3A_331 : i32
            %get3A_333 = arith.constant 0 : i32
            %get3A_334 = arith.index_cast %get3A_333 : i32 to index
            %get3A_335 = arith.index_cast %add3A_332 : i32 to index
            %get3A_336 = arith.constant 0 : index
            %get3A_337 = tpu.vector_load %arg15[%get3A_334, %get3A_335, %get3A_336] {strides = array<i32>} : memref<2x136x16xf32, #tpu.memory_space<vmem>>, vector<1x1x16xf32>,
            %get3A_338 = vector.shape_cast %get3A_337 : vector<1x1x16xf32> to vector<16xf32>
            %get3A_339 = arith.constant 0 : i32
            %get3A_340 = arith.index_cast %get3A_339 : i32 to index
            %get3A_341 = arith.index_cast %add3A_332 : i32 to index
            %get3A_342 = arith.constant 0 : index
            %get3A_343 = tpu.vector_load %arg13[%get3A_340, %get3A_341, %get3A_342] {strides = array<i32>} : memref<2x136x16xf32, #tpu.memory_space<vmem>>, vector<1x1x16xf32>,
            %get3A_344 = vector.shape_cast %get3A_343 : vector<1x1x16xf32> to vector<16xf32>
            %mul3A_345 = arith.mulf %get3A_338, %get3A_344 : vector<16xf32>
            %get3A_346 = arith.constant 0 : i32
            %get3A_347 = arith.index_cast %get3A_346 : i32 to index
            %get3A_348 = arith.index_cast %add3A_332 : i32 to index
            %get3A_349 = arith.constant 0 : index
            %get3A_350 = tpu.vector_load %arg14[%get3A_347, %get3A_348, %get3A_349] {strides = array<i32>} : memref<2x136x16xf32, #tpu.memory_space<vmem>>, vector<1x1x16xf32>,
            %get3A_351 = vector.shape_cast %get3A_350 : vector<1x1x16xf32> to vector<16xf32>
            %mul3A_352 = arith.constant 1.000000e-01 : f32
            %mul3A_353 = vector.broadcast %mul3A_352 : f32 to vector<16xf32>
            %mul3A_354 = arith.mulf %mul3A_353, %get3A_351 : vector<16xf32>
            %add3A_355 = arith.addf %mul3A_345, %mul3A_354 : vector<16xf32>
            %swap3A_356 = arith.constant 0 : i32
            %swap3A_357 = arith.index_cast %swap3A_356 : i32 to index
            %swap3A_358 = arith.index_cast %add3A_332 : i32 to index
            %swap3A_359 = arith.constant 0 : index
            %swap3A_360 = tpu.vector_load %arg13[%swap3A_357, %swap3A_358, %swap3A_359] {strides = array<i32>} : memref<2x136x16xf32, #tpu.memory_space<vmem>>, vector<1x1x16xf32>,
            %swap3A_361 = vector.shape_cast %swap3A_360 : vector<1x1x16xf32> to vector<16xf32>
            %swap3A_362 = vector.shape_cast %add3A_355 : vector<16xf32> to vector<1x1x16xf32>
            tpu.vector_store %arg13[%swap3A_357, %swap3A_358, %swap3A_359], %swap3A_362 {strides = array<i32>} : memref<2x136x16xf32, #tpu.memory_space<vmem>>, vector<1x1x16xf32>,
            %scan3A_363 = arith.constant 0 : i32
            scf.yield %scan3A_363 : i32
          }
          %scan3A_104 = arith.constant 34 : i32
          %dma_start3A_105 = arith.constant 0 : i32
          %dma_start3A_106 = arith.constant 0 : i32
          %dma_start3A_107 = arith.constant 0 : i32
          %dma_start3A_108 = tpu.memref_slice %arg13[%dma_start3A_105, %dma_start3A_106, %dma_start3A_107] : memref<2x136x16xf32, #tpu.memory_space<vmem>> -> memref<1x136x16xf32, #tpu.memory_space<vmem>>
          %dma_start3A_109 = tpu.memref_squeeze %dma_start3A_108 : memref<1x136x16xf32, #tpu.memory_space<vmem>> -> memref<136x16xf32, #tpu.memory_space<vmem>>
          %dma_start3A_110 = arith.constant 0 : i32
          %dma_start3A_111 = tpu.memref_slice %arg7[%add3A, %dma_start3A_110] : memref<100096x16xf32, #tpu.memory_space<hbm>> -> memref<136x16xf32, #tpu.memory_space<hbm>>
          %dma_start3A_112 = arith.constant 0 : i32
          %dma_start3A_113 = tpu.memref_slice %arg7[%add3A, %dma_start3A_112] : memref<100096x16xf32, #tpu.memory_space<hbm>> -> memref<136x16xf32, #tpu.memory_space<hbm>>
          %dma_start3A_114 = arith.constant 0 : i32
          %dma_start3A_115 = arith.constant 0 : i32
          %dma_start3A_116 = tpu.memref_slice %arg13[%dma_start3A_105, %dma_start3A_114, %dma_start3A_115] : memref<2x136x16xf32, #tpu.memory_space<vmem>> -> memref<1x136x16xf32, #tpu.memory_space<vmem>>
          %dma_start3A_117 = tpu.memref_squeeze %dma_start3A_116 : memref<1x136x16xf32, #tpu.memory_space<vmem>> -> memref<136x16xf32, #tpu.memory_space<vmem>>
          tpu.enqueue_dma source(%dma_start3A_117 : memref<136x16xf32, #tpu.memory_space<vmem>>) target(%dma_start3A_113 : memref<136x16xf32, #tpu.memory_space<hbm>>) target_semaphore(%arg17 : memref<!tpu.dma_semaphore, #tpu.memory_space<semaphore_mem>>)
          %run_scoped3A_118 = arith.constant 0 : i32
          "tpu.region"() ({
            %run_scoped3A_227 = tpu.sem_alloc : memref<!tpu.dma_semaphore, #tpu.memory_space<semaphore_mem>>
            %dma_start3A_228 = arith.constant 0 : i32
            %dma_start3A_229 = arith.constant 0 : i32
            %dma_start3A_230 = tpu.memref_slice %arg13[%run_scoped3A_118, %dma_start3A_228, %dma_start3A_229] : memref<2x136x16xf32, #tpu.memory_space<vmem>> -> memref<1x136x16xf32, #tpu.memory_space<vmem>>
            %dma_start3A_231 = tpu.memref_squeeze %dma_start3A_230 : memref<1x136x16xf32, #tpu.memory_space<vmem>> -> memref<136x16xf32, #tpu.memory_space<vmem>>
            %dma_start3A_232 = arith.constant 0 : i32
            %dma_start3A_233 = tpu.memref_slice %arg9[%add3A, %dma_start3A_232] : memref<100096x16xf32, #tpu.memory_space<vmem_shared>> -> memref<136x16xf32, #tpu.memory_space<vmem_shared>>
            %dma_start3A_234 = arith.constant 0 : i32
            %dma_start3A_235 = tpu.memref_slice %arg9[%add3A, %dma_start3A_234] : memref<100096x16xf32, #tpu.memory_space<vmem_shared>> -> memref<136x16xf32, #tpu.memory_space<vmem_shared>>
            %dma_start3A_236 = arith.constant 0 : i32
            %dma_start3A_237 = arith.constant 0 : i32
            %dma_start3A_238 = tpu.memref_slice %arg13[%run_scoped3A_118, %dma_start3A_236, %dma_start3A_237] : memref<2x136x16xf32, #tpu.memory_space<vmem>> -> memref<1x136x16xf32, #tpu.memory_space<vmem>>
            %dma_start3A_239 = tpu.memref_squeeze %dma_start3A_238 : memref<1x136x16xf32, #tpu.memory_space<vmem>> -> memref<136x16xf32, #tpu.memory_space<vmem>>
            tpu.enqueue_dma source(%dma_start3A_239 : memref<136x16xf32, #tpu.memory_space<vmem>>) target(%dma_start3A_235 : memref<136x16xf32, #tpu.memory_space<vmem_shared>>) target_semaphore(%run_scoped3A_227 : memref<!tpu.dma_semaphore, #tpu.memory_space<semaphore_mem>>)
            %dma_wait3A_240 = arith.constant 0 : i32
            %dma_wait3A_241 = arith.constant 0 : i32
            %dma_wait3A_242 = tpu.memref_slice %arg13[%run_scoped3A_118, %dma_wait3A_240, %dma_wait3A_241] : memref<2x136x16xf32, #tpu.memory_space<vmem>> -> memref<1x136x16xf32, #tpu.memory_space<vmem>>
            %dma_wait3A_243 = tpu.memref_squeeze %dma_wait3A_242 : memref<1x136x16xf32, #tpu.memory_space<vmem>> -> memref<136x16xf32, #tpu.memory_space<vmem>>
            %dma_wait3A_244 = arith.constant 0 : i32
            %dma_wait3A_245 = tpu.memref_slice %arg9[%add3A, %dma_wait3A_244] : memref<100096x16xf32, #tpu.memory_space<vmem_shared>> -> memref<136x16xf32, #tpu.memory_space<vmem_shared>>
            %dma_wait3A_246 = arith.constant 0 : i32
            %dma_wait3A_247 = tpu.memref_slice %arg9[%add3A, %dma_wait3A_246] : memref<100096x16xf32, #tpu.memory_space<vmem_shared>> -> memref<136x16xf32, #tpu.memory_space<vmem_shared>>
            %dma_wait3A_248 = arith.constant 0 : i32
            %dma_wait3A_249 = arith.constant 0 : i32
            %dma_wait3A_250 = tpu.memref_slice %arg13[%run_scoped3A_118, %dma_wait3A_248, %dma_wait3A_249] : memref<2x136x16xf32, #tpu.memory_space<vmem>> -> memref<1x136x16xf32, #tpu.memory_space<vmem>>
            %dma_wait3A_251 = tpu.memref_squeeze %dma_wait3A_250 : memref<1x136x16xf32, #tpu.memory_space<vmem>> -> memref<136x16xf32, #tpu.memory_space<vmem>>
            tpu.wait_dma2 semaphore(%run_scoped3A_227 : memref<!tpu.dma_semaphore, #tpu.memory_space<semaphore_mem>>) src(%dma_wait3A_251 : memref<136x16xf32, #tpu.memory_space<vmem>>) dst(%dma_wait3A_247 : memref<136x16xf32, #tpu.memory_space<vmem_shared>>)
            tpu.yield
          }) : () -> ()
          %mul3A_119 = arith.constant 2 : i32
          %mul3A_120 = arith.muli %mul3A_119, %scan3A_42 : i32
          %add3A_121 = arith.constant 1 : i32
          %add3A_122 = arith.addi %mul3A_120, %add3A_121 : i32
          %mul3A_123 = arith.constant 136 : i32
          %mul3A_124 = arith.muli %add3A_122, %mul3A_123 : i32
          %add3A_125 = arith.addi %mul3A_7, %mul3A_124 : i32
          %dma_start3A_126 = arith.constant 1 : i32
          %dma_start3A_127 = arith.constant 0 : i32
          %dma_start3A_128 = arith.constant 0 : i32
          %dma_start3A_129 = tpu.memref_slice %arg14[%dma_start3A_126, %dma_start3A_127, %dma_start3A_128] : memref<2x136x16xf32, #tpu.memory_space<vmem>> -> memref<1x136x16xf32, #tpu.memory_space<vmem>>
          %dma_start3A_130 = tpu.memref_squeeze %dma_start3A_129 : memref<1x136x16xf32, #tpu.memory_space<vmem>> -> memref<136x16xf32, #tpu.memory_space<vmem>>
          %dma_start3A_131 = arith.constant 0 : i32
          %dma_start3A_132 = tpu.memref_slice %arg2[%add3A_125, %dma_start3A_131] : memref<100096x16xf32, #tpu.memory_space<hbm>> -> memref<136x16xf32, #tpu.memory_space<hbm>>
          %dma_start3A_133 = arith.constant 0 : i32
          %dma_start3A_134 = arith.constant 0 : i32
          %dma_start3A_135 = tpu.memref_slice %arg14[%dma_start3A_126, %dma_start3A_133, %dma_start3A_134] : memref<2x136x16xf32, #tpu.memory_space<vmem>> -> memref<1x136x16xf32, #tpu.memory_space<vmem>>
          %dma_start3A_136 = tpu.memref_squeeze %dma_start3A_135 : memref<1x136x16xf32, #tpu.memory_space<vmem>> -> memref<136x16xf32, #tpu.memory_space<vmem>>
          %dma_start3A_137 = arith.constant 0 : i32
          %dma_start3A_138 = tpu.memref_slice %arg2[%add3A_125, %dma_start3A_137] : memref<100096x16xf32, #tpu.memory_space<hbm>> -> memref<136x16xf32, #tpu.memory_space<hbm>>
          tpu.enqueue_dma source(%dma_start3A_138 : memref<136x16xf32, #tpu.memory_space<hbm>>) target(%dma_start3A_136 : memref<136x16xf32, #tpu.memory_space<vmem>>) target_semaphore(%arg16 : memref<!tpu.dma_semaphore, #tpu.memory_space<semaphore_mem>>)
          %dma_start3A_139 = arith.constant 1 : i32
          %dma_start3A_140 = arith.constant 0 : i32
          %dma_start3A_141 = arith.constant 0 : i32
          %dma_start3A_142 = tpu.memref_slice %arg15[%dma_start3A_139, %dma_start3A_140, %dma_start3A_141] : memref<2x136x16xf32, #tpu.memory_space<vmem>> -> memref<1x136x16xf32, #tpu.memory_space<vmem>>
          %dma_start3A_143 = tpu.memref_squeeze %dma_start3A_142 : memref<1x136x16xf32, #tpu.memory_space<vmem>> -> memref<136x16xf32, #tpu.memory_space<vmem>>
          %dma_start3A_144 = arith.constant 0 : i32
          %dma_start3A_145 = tpu.memref_slice %arg4[%add3A_125, %dma_start3A_144] : memref<100096x16xf32, #tpu.memory_space<hbm>> -> memref<136x16xf32, #tpu.memory_space<hbm>>
          %dma_start3A_146 = arith.constant 0 : i32
          %dma_start3A_147 = arith.constant 0 : i32
          %dma_start3A_148 = tpu.memref_slice %arg15[%dma_start3A_139, %dma_start3A_146, %dma_start3A_147] : memref<2x136x16xf32, #tpu.memory_space<vmem>> -> memref<1x136x16xf32, #tpu.memory_space<vmem>>
          %dma_start3A_149 = tpu.memref_squeeze %dma_start3A_148 : memref<1x136x16xf32, #tpu.memory_space<vmem>> -> memref<136x16xf32, #tpu.memory_space<vmem>>
          %dma_start3A_150 = arith.constant 0 : i32
          %dma_start3A_151 = tpu.memref_slice %arg4[%add3A_125, %dma_start3A_150] : memref<100096x16xf32, #tpu.memory_space<hbm>> -> memref<136x16xf32, #tpu.memory_space<hbm>>
          tpu.enqueue_dma source(%dma_start3A_151 : memref<136x16xf32, #tpu.memory_space<hbm>>) target(%dma_start3A_149 : memref<136x16xf32, #tpu.memory_space<vmem>>) target_semaphore(%arg16 : memref<!tpu.dma_semaphore, #tpu.memory_space<semaphore_mem>>)
          %run_scoped3A_152 = arith.constant 1 : i32
          "tpu.region"() ({
            %run_scoped3A_227 = tpu.sem_alloc : memref<!tpu.dma_semaphore, #tpu.memory_space<semaphore_mem>>
            %dma_start3A_228 = arith.constant 0 : i32
            %dma_start3A_229 = arith.constant 0 : i32
            %dma_start3A_230 = tpu.memref_slice %arg13[%run_scoped3A_152, %dma_start3A_228, %dma_start3A_229] : memref<2x136x16xf32, #tpu.memory_space<vmem>> -> memref<1x136x16xf32, #tpu.memory_space<vmem>>
            %dma_start3A_231 = tpu.memref_squeeze %dma_start3A_230 : memref<1x136x16xf32, #tpu.memory_space<vmem>> -> memref<136x16xf32, #tpu.memory_space<vmem>>
            %dma_start3A_232 = arith.constant 0 : i32
            %dma_start3A_233 = tpu.memref_slice %arg9[%add3A_125, %dma_start3A_232] : memref<100096x16xf32, #tpu.memory_space<vmem_shared>> -> memref<136x16xf32, #tpu.memory_space<vmem_shared>>
            %dma_start3A_234 = arith.constant 0 : i32
            %dma_start3A_235 = arith.constant 0 : i32
            %dma_start3A_236 = tpu.memref_slice %arg13[%run_scoped3A_152, %dma_start3A_234, %dma_start3A_235] : memref<2x136x16xf32, #tpu.memory_space<vmem>> -> memref<1x136x16xf32, #tpu.memory_space<vmem>>
            %dma_start3A_237 = tpu.memref_squeeze %dma_start3A_236 : memref<1x136x16xf32, #tpu.memory_space<vmem>> -> memref<136x16xf32, #tpu.memory_space<vmem>>
            %dma_start3A_238 = arith.constant 0 : i32
            %dma_start3A_239 = tpu.memref_slice %arg9[%add3A_125, %dma_start3A_238] : memref<100096x16xf32, #tpu.memory_space<vmem_shared>> -> memref<136x16xf32, #tpu.memory_space<vmem_shared>>
            tpu.enqueue_dma source(%dma_start3A_239 : memref<136x16xf32, #tpu.memory_space<vmem_shared>>) target(%dma_start3A_237 : memref<136x16xf32, #tpu.memory_space<vmem>>) target_semaphore(%run_scoped3A_227 : memref<!tpu.dma_semaphore, #tpu.memory_space<semaphore_mem>>)
            %dma_wait3A_240 = arith.constant 0 : i32
            %dma_wait3A_241 = arith.constant 0 : i32
            %dma_wait3A_242 = tpu.memref_slice %arg13[%run_scoped3A_152, %dma_wait3A_240, %dma_wait3A_241] : memref<2x136x16xf32, #tpu.memory_space<vmem>> -> memref<1x136x16xf32, #tpu.memory_space<vmem>>
            %dma_wait3A_243 = tpu.memref_squeeze %dma_wait3A_242 : memref<1x136x16xf32, #tpu.memory_space<vmem>> -> memref<136x16xf32, #tpu.memory_space<vmem>>
            %dma_wait3A_244 = arith.constant 0 : i32
            %dma_wait3A_245 = tpu.memref_slice %arg9[%add3A_125, %dma_wait3A_244] : memref<100096x16xf32, #tpu.memory_space<vmem_shared>> -> memref<136x16xf32, #tpu.memory_space<vmem_shared>>
            %dma_wait3A_246 = arith.constant 0 : i32
            %dma_wait3A_247 = arith.constant 0 : i32
            %dma_wait3A_248 = tpu.memref_slice %arg13[%run_scoped3A_152, %dma_wait3A_246, %dma_wait3A_247] : memref<2x136x16xf32, #tpu.memory_space<vmem>> -> memref<1x136x16xf32, #tpu.memory_space<vmem>>
            %dma_wait3A_249 = tpu.memref_squeeze %dma_wait3A_248 : memref<1x136x16xf32, #tpu.memory_space<vmem>> -> memref<136x16xf32, #tpu.memory_space<vmem>>
            %dma_wait3A_250 = arith.constant 0 : i32
            %dma_wait3A_251 = tpu.memref_slice %arg9[%add3A_125, %dma_wait3A_250] : memref<100096x16xf32, #tpu.memory_space<vmem_shared>> -> memref<136x16xf32, #tpu.memory_space<vmem_shared>>
            tpu.wait_dma2 semaphore(%run_scoped3A_227 : memref<!tpu.dma_semaphore, #tpu.memory_space<semaphore_mem>>) src(%dma_wait3A_251 : memref<136x16xf32, #tpu.memory_space<vmem_shared>>) dst(%dma_wait3A_249 : memref<136x16xf32, #tpu.memory_space<vmem>>)
            tpu.yield
          }) : () -> ()
          %dma_wait3A_153 = arith.constant 1 : i32
          %dma_wait3A_154 = arith.constant 0 : i32
          %dma_wait3A_155 = arith.constant 0 : i32
          %dma_wait3A_156 = tpu.memref_slice %arg14[%dma_wait3A_153, %dma_wait3A_154, %dma_wait3A_155] : memref<2x136x16xf32, #tpu.memory_space<vmem>> -> memref<1x136x16xf32, #tpu.memory_space<vmem>>
          %dma_wait3A_157 = tpu.memref_squeeze %dma_wait3A_156 : memref<1x136x16xf32, #tpu.memory_space<vmem>> -> memref<136x16xf32, #tpu.memory_space<vmem>>
          %dma_wait3A_158 = arith.constant 0 : i32
          %dma_wait3A_159 = tpu.memref_slice %arg2[%add3A_125, %dma_wait3A_158] : memref<100096x16xf32, #tpu.memory_space<hbm>> -> memref<136x16xf32, #tpu.memory_space<hbm>>
          %dma_wait3A_160 = arith.constant 0 : i32
          %dma_wait3A_161 = arith.constant 0 : i32
          %dma_wait3A_162 = tpu.memref_slice %arg14[%dma_wait3A_153, %dma_wait3A_160, %dma_wait3A_161] : memref<2x136x16xf32, #tpu.memory_space<vmem>> -> memref<1x136x16xf32, #tpu.memory_space<vmem>>
          %dma_wait3A_163 = tpu.memref_squeeze %dma_wait3A_162 : memref<1x136x16xf32, #tpu.memory_space<vmem>> -> memref<136x16xf32, #tpu.memory_space<vmem>>
          %dma_wait3A_164 = arith.constant 0 : i32
          %dma_wait3A_165 = tpu.memref_slice %arg2[%add3A_125, %dma_wait3A_164] : memref<100096x16xf32, #tpu.memory_space<hbm>> -> memref<136x16xf32, #tpu.memory_space<hbm>>
          tpu.wait_dma2 semaphore(%arg16 : memref<!tpu.dma_semaphore, #tpu.memory_space<semaphore_mem>>) src(%dma_wait3A_165 : memref<136x16xf32, #tpu.memory_space<hbm>>) dst(%dma_wait3A_163 : memref<136x16xf32, #tpu.memory_space<vmem>>)
          %dma_wait3A_166 = arith.constant 1 : i32
          %dma_wait3A_167 = arith.constant 0 : i32
          %dma_wait3A_168 = arith.constant 0 : i32
          %dma_wait3A_169 = tpu.memref_slice %arg15[%dma_wait3A_166, %dma_wait3A_167, %dma_wait3A_168] : memref<2x136x16xf32, #tpu.memory_space<vmem>> -> memref<1x136x16xf32, #tpu.memory_space<vmem>>
          %dma_wait3A_170 = tpu.memref_squeeze %dma_wait3A_169 : memref<1x136x16xf32, #tpu.memory_space<vmem>> -> memref<136x16xf32, #tpu.memory_space<vmem>>
          %dma_wait3A_171 = arith.constant 0 : i32
          %dma_wait3A_172 = tpu.memref_slice %arg4[%add3A_125, %dma_wait3A_171] : memref<100096x16xf32, #tpu.memory_space<hbm>> -> memref<136x16xf32, #tpu.memory_space<hbm>>
          %dma_wait3A_173 = arith.constant 0 : i32
          %dma_wait3A_174 = arith.constant 0 : i32
          %dma_wait3A_175 = tpu.memref_slice %arg15[%dma_wait3A_166, %dma_wait3A_173, %dma_wait3A_174] : memref<2x136x16xf32, #tpu.memory_space<vmem>> -> memref<1x136x16xf32, #tpu.memory_space<vmem>>
          %dma_wait3A_176 = tpu.memref_squeeze %dma_wait3A_175 : memref<1x136x16xf32, #tpu.memory_space<vmem>> -> memref<136x16xf32, #tpu.memory_space<vmem>>
          %dma_wait3A_177 = arith.constant 0 : i32
          %dma_wait3A_178 = tpu.memref_slice %arg4[%add3A_125, %dma_wait3A_177] : memref<100096x16xf32, #tpu.memory_space<hbm>> -> memref<136x16xf32, #tpu.memory_space<hbm>>
          tpu.wait_dma2 semaphore(%arg16 : memref<!tpu.dma_semaphore, #tpu.memory_space<semaphore_mem>>) src(%dma_wait3A_178 : memref<136x16xf32, #tpu.memory_space<hbm>>) dst(%dma_wait3A_176 : memref<136x16xf32, #tpu.memory_space<vmem>>)
          %scan3A_179 = arith.constant 0 : i32
          %scan3A_180 = arith.constant 0 : i32
          %scan3A_181 = arith.constant 34 : i32
          %scan3A_182 = arith.addi %scan3A_180, %scan3A_181 : i32
          %scan3A_183 = arith.constant 1 : i32
          %scan3A_184 = scf.for %scan3A_227 = %scan3A_180 to %scan3A_182 step %scan3A_183 iter_args(%scan3A_228 = %scan3A_179) -> (i32)  : i32 {
            %mul3A_229 = arith.constant 4 : i32
            %mul3A_230 = arith.muli %scan3A_227, %mul3A_229 : i32
            %add3A_231 = arith.constant 0 : i32
            %add3A_232 = arith.addi %mul3A_230, %add3A_231 : i32
            %get3A = arith.constant 1 : i32
            %get3A_233 = arith.index_cast %get3A : i32 to index
            %get3A_234 = arith.index_cast %add3A_232 : i32 to index
            %get3A_235 = arith.constant 0 : index
            %get3A_236 = tpu.vector_load %arg15[%get3A_233, %get3A_234, %get3A_235] {strides = array<i32>} : memref<2x136x16xf32, #tpu.memory_space<vmem>>, vector<1x1x16xf32>,
            %get3A_237 = vector.shape_cast %get3A_236 : vector<1x1x16xf32> to vector<16xf32>
            %get3A_238 = arith.constant 1 : i32
            %get3A_239 = arith.index_cast %get3A_238 : i32 to index
            %get3A_240 = arith.index_cast %add3A_232 : i32 to index
            %get3A_241 = arith.constant 0 : index
            %get3A_242 = tpu.vector_load %arg13[%get3A_239, %get3A_240, %get3A_241] {strides = array<i32>} : memref<2x136x16xf32, #tpu.memory_space<vmem>>, vector<1x1x16xf32>,
            %get3A_243 = vector.shape_cast %get3A_242 : vector<1x1x16xf32> to vector<16xf32>
            %mul3A_244 = arith.mulf %get3A_237, %get3A_243 : vector<16xf32>
            %get3A_245 = arith.constant 1 : i32
            %get3A_246 = arith.index_cast %get3A_245 : i32 to index
            %get3A_247 = arith.index_cast %add3A_232 : i32 to index
            %get3A_248 = arith.constant 0 : index
            %get3A_249 = tpu.vector_load %arg14[%get3A_246, %get3A_247, %get3A_248] {strides = array<i32>} : memref<2x136x16xf32, #tpu.memory_space<vmem>>, vector<1x1x16xf32>,
            %get3A_250 = vector.shape_cast %get3A_249 : vector<1x1x16xf32> to vector<16xf32>
            %mul3A_251 = arith.constant 1.000000e-01 : f32
            %mul3A_252 = vector.broadcast %mul3A_251 : f32 to vector<16xf32>
            %mul3A_253 = arith.mulf %mul3A_252, %get3A_250 : vector<16xf32>
            %add3A_254 = arith.addf %mul3A_244, %mul3A_253 : vector<16xf32>
            %swap3A = arith.constant 1 : i32
            %swap3A_255 = arith.index_cast %swap3A : i32 to index
            %swap3A_256 = arith.index_cast %add3A_232 : i32 to index
            %swap3A_257 = arith.constant 0 : index
            %swap3A_258 = tpu.vector_load %arg13[%swap3A_255, %swap3A_256, %swap3A_257] {strides = array<i32>} : memref<2x136x16xf32, #tpu.memory_space<vmem>>, vector<1x1x16xf32>,
            %swap3A_259 = vector.shape_cast %swap3A_258 : vector<1x1x16xf32> to vector<16xf32>
            %swap3A_260 = vector.shape_cast %add3A_254 : vector<16xf32> to vector<1x1x16xf32>
            tpu.vector_store %arg13[%swap3A_255, %swap3A_256, %swap3A_257], %swap3A_260 {strides = array<i32>} : memref<2x136x16xf32, #tpu.memory_space<vmem>>, vector<1x1x16xf32>,
            %mul3A_261 = arith.constant 4 : i32
            %mul3A_262 = arith.muli %scan3A_227, %mul3A_261 : i32
            %add3A_263 = arith.constant 1 : i32
            %add3A_264 = arith.addi %mul3A_262, %add3A_263 : i32
            %get3A_265 = arith.constant 1 : i32
            %get3A_266 = arith.index_cast %get3A_265 : i32 to index
            %get3A_267 = arith.index_cast %add3A_264 : i32 to index
            %get3A_268 = arith.constant 0 : index
            %get3A_269 = tpu.vector_load %arg15[%get3A_266, %get3A_267, %get3A_268] {strides = array<i32>} : memref<2x136x16xf32, #tpu.memory_space<vmem>>, vector<1x1x16xf32>,
            %get3A_270 = vector.shape_cast %get3A_269 : vector<1x1x16xf32> to vector<16xf32>
            %get3A_271 = arith.constant 1 : i32
            %get3A_272 = arith.index_cast %get3A_271 : i32 to index
            %get3A_273 = arith.index_cast %add3A_264 : i32 to index
            %get3A_274 = arith.constant 0 : index
            %get3A_275 = tpu.vector_load %arg13[%get3A_272, %get3A_273, %get3A_274] {strides = array<i32>} : memref<2x136x16xf32, #tpu.memory_space<vmem>>, vector<1x1x16xf32>,
            %get3A_276 = vector.shape_cast %get3A_275 : vector<1x1x16xf32> to vector<16xf32>
            %mul3A_277 = arith.mulf %get3A_270, %get3A_276 : vector<16xf32>
            %get3A_278 = arith.constant 1 : i32
            %get3A_279 = arith.index_cast %get3A_278 : i32 to index
            %get3A_280 = arith.index_cast %add3A_264 : i32 to index
            %get3A_281 = arith.constant 0 : index
            %get3A_282 = tpu.vector_load %arg14[%get3A_279, %get3A_280, %get3A_281] {strides = array<i32>} : memref<2x136x16xf32, #tpu.memory_space<vmem>>, vector<1x1x16xf32>,
            %get3A_283 = vector.shape_cast %get3A_282 : vector<1x1x16xf32> to vector<16xf32>
            %mul3A_284 = arith.constant 1.000000e-01 : f32
            %mul3A_285 = vector.broadcast %mul3A_284 : f32 to vector<16xf32>
            %mul3A_286 = arith.mulf %mul3A_285, %get3A_283 : vector<16xf32>
            %add3A_287 = arith.addf %mul3A_277, %mul3A_286 : vector<16xf32>
            %swap3A_288 = arith.constant 1 : i32
            %swap3A_289 = arith.index_cast %swap3A_288 : i32 to index
            %swap3A_290 = arith.index_cast %add3A_264 : i32 to index
            %swap3A_291 = arith.constant 0 : index
            %swap3A_292 = tpu.vector_load %arg13[%swap3A_289, %swap3A_290, %swap3A_291] {strides = array<i32>} : memref<2x136x16xf32, #tpu.memory_space<vmem>>, vector<1x1x16xf32>,
            %swap3A_293 = vector.shape_cast %swap3A_292 : vector<1x1x16xf32> to vector<16xf32>
            %swap3A_294 = vector.shape_cast %add3A_287 : vector<16xf32> to vector<1x1x16xf32>
            tpu.vector_store %arg13[%swap3A_289, %swap3A_290, %swap3A_291], %swap3A_294 {strides = array<i32>} : memref<2x136x16xf32, #tpu.memory_space<vmem>>, vector<1x1x16xf32>,
            %mul3A_295 = arith.constant 4 : i32
            %mul3A_296 = arith.muli %scan3A_227, %mul3A_295 : i32
            %add3A_297 = arith.constant 2 : i32
            %add3A_298 = arith.addi %mul3A_296, %add3A_297 : i32
            %get3A_299 = arith.constant 1 : i32
            %get3A_300 = arith.index_cast %get3A_299 : i32 to index
            %get3A_301 = arith.index_cast %add3A_298 : i32 to index
            %get3A_302 = arith.constant 0 : index
            %get3A_303 = tpu.vector_load %arg15[%get3A_300, %get3A_301, %get3A_302] {strides = array<i32>} : memref<2x136x16xf32, #tpu.memory_space<vmem>>, vector<1x1x16xf32>,
            %get3A_304 = vector.shape_cast %get3A_303 : vector<1x1x16xf32> to vector<16xf32>
            %get3A_305 = arith.constant 1 : i32
            %get3A_306 = arith.index_cast %get3A_305 : i32 to index
            %get3A_307 = arith.index_cast %add3A_298 : i32 to index
            %get3A_308 = arith.constant 0 : index
            %get3A_309 = tpu.vector_load %arg13[%get3A_306, %get3A_307, %get3A_308] {strides = array<i32>} : memref<2x136x16xf32, #tpu.memory_space<vmem>>, vector<1x1x16xf32>,
            %get3A_310 = vector.shape_cast %get3A_309 : vector<1x1x16xf32> to vector<16xf32>
            %mul3A_311 = arith.mulf %get3A_304, %get3A_310 : vector<16xf32>
            %get3A_312 = arith.constant 1 : i32
            %get3A_313 = arith.index_cast %get3A_312 : i32 to index
            %get3A_314 = arith.index_cast %add3A_298 : i32 to index
            %get3A_315 = arith.constant 0 : index
            %get3A_316 = tpu.vector_load %arg14[%get3A_313, %get3A_314, %get3A_315] {strides = array<i32>} : memref<2x136x16xf32, #tpu.memory_space<vmem>>, vector<1x1x16xf32>,
            %get3A_317 = vector.shape_cast %get3A_316 : vector<1x1x16xf32> to vector<16xf32>
            %mul3A_318 = arith.constant 1.000000e-01 : f32
            %mul3A_319 = vector.broadcast %mul3A_318 : f32 to vector<16xf32>
            %mul3A_320 = arith.mulf %mul3A_319, %get3A_317 : vector<16xf32>
            %add3A_321 = arith.addf %mul3A_311, %mul3A_320 : vector<16xf32>
            %swap3A_322 = arith.constant 1 : i32
            %swap3A_323 = arith.index_cast %swap3A_322 : i32 to index
            %swap3A_324 = arith.index_cast %add3A_298 : i32 to index
            %swap3A_325 = arith.constant 0 : index
            %swap3A_326 = tpu.vector_load %arg13[%swap3A_323, %swap3A_324, %swap3A_325] {strides = array<i32>} : memref<2x136x16xf32, #tpu.memory_space<vmem>>, vector<1x1x16xf32>,
            %swap3A_327 = vector.shape_cast %swap3A_326 : vector<1x1x16xf32> to vector<16xf32>
            %swap3A_328 = vector.shape_cast %add3A_321 : vector<16xf32> to vector<1x1x16xf32>
            tpu.vector_store %arg13[%swap3A_323, %swap3A_324, %swap3A_325], %swap3A_328 {strides = array<i32>} : memref<2x136x16xf32, #tpu.memory_space<vmem>>, vector<1x1x16xf32>,
            %mul3A_329 = arith.constant 4 : i32
            %mul3A_330 = arith.muli %scan3A_227, %mul3A_329 : i32
            %add3A_331 = arith.constant 3 : i32
            %add3A_332 = arith.addi %mul3A_330, %add3A_331 : i32
            %get3A_333 = arith.constant 1 : i32
            %get3A_334 = arith.index_cast %get3A_333 : i32 to index
            %get3A_335 = arith.index_cast %add3A_332 : i32 to index
            %get3A_336 = arith.constant 0 : index
            %get3A_337 = tpu.vector_load %arg15[%get3A_334, %get3A_335, %get3A_336] {strides = array<i32>} : memref<2x136x16xf32, #tpu.memory_space<vmem>>, vector<1x1x16xf32>,
            %get3A_338 = vector.shape_cast %get3A_337 : vector<1x1x16xf32> to vector<16xf32>
            %get3A_339 = arith.constant 1 : i32
            %get3A_340 = arith.index_cast %get3A_339 : i32 to index
            %get3A_341 = arith.index_cast %add3A_332 : i32 to index
            %get3A_342 = arith.constant 0 : index
            %get3A_343 = tpu.vector_load %arg13[%get3A_340, %get3A_341, %get3A_342] {strides = array<i32>} : memref<2x136x16xf32, #tpu.memory_space<vmem>>, vector<1x1x16xf32>,
            %get3A_344 = vector.shape_cast %get3A_343 : vector<1x1x16xf32> to vector<16xf32>
            %mul3A_345 = arith.mulf %get3A_338, %get3A_344 : vector<16xf32>
            %get3A_346 = arith.constant 1 : i32
            %get3A_347 = arith.index_cast %get3A_346 : i32 to index
            %get3A_348 = arith.index_cast %add3A_332 : i32 to index
            %get3A_349 = arith.constant 0 : index
            %get3A_350 = tpu.vector_load %arg14[%get3A_347, %get3A_348, %get3A_349] {strides = array<i32>} : memref<2x136x16xf32, #tpu.memory_space<vmem>>, vector<1x1x16xf32>,
            %get3A_351 = vector.shape_cast %get3A_350 : vector<1x1x16xf32> to vector<16xf32>
            %mul3A_352 = arith.constant 1.000000e-01 : f32
            %mul3A_353 = vector.broadcast %mul3A_352 : f32 to vector<16xf32>
            %mul3A_354 = arith.mulf %mul3A_353, %get3A_351 : vector<16xf32>
            %add3A_355 = arith.addf %mul3A_345, %mul3A_354 : vector<16xf32>
            %swap3A_356 = arith.constant 1 : i32
            %swap3A_357 = arith.index_cast %swap3A_356 : i32 to index
            %swap3A_358 = arith.index_cast %add3A_332 : i32 to index
            %swap3A_359 = arith.constant 0 : index
            %swap3A_360 = tpu.vector_load %arg13[%swap3A_357, %swap3A_358, %swap3A_359] {strides = array<i32>} : memref<2x136x16xf32, #tpu.memory_space<vmem>>, vector<1x1x16xf32>,
            %swap3A_361 = vector.shape_cast %swap3A_360 : vector<1x1x16xf32> to vector<16xf32>
            %swap3A_362 = vector.shape_cast %add3A_355 : vector<16xf32> to vector<1x1x16xf32>
            tpu.vector_store %arg13[%swap3A_357, %swap3A_358, %swap3A_359], %swap3A_362 {strides = array<i32>} : memref<2x136x16xf32, #tpu.memory_space<vmem>>, vector<1x1x16xf32>,
            %scan3A_363 = arith.constant 0 : i32
            scf.yield %scan3A_363 : i32
          }
          %scan3A_185 = arith.constant 34 : i32
          %dma_start3A_186 = arith.constant 1 : i32
          %dma_start3A_187 = arith.constant 0 : i32
          %dma_start3A_188 = arith.constant 0 : i32
          %dma_start3A_189 = tpu.memref_slice %arg13[%dma_start3A_186, %dma_start3A_187, %dma_start3A_188] : memref<2x136x16xf32, #tpu.memory_space<vmem>> -> memref<1x136x16xf32, #tpu.memory_space<vmem>>
          %dma_start3A_190 = tpu.memref_squeeze %dma_start3A_189 : memref<1x136x16xf32, #tpu.memory_space<vmem>> -> memref<136x16xf32, #tpu.memory_space<vmem>>
          %dma_start3A_191 = arith.constant 0 : i32
          %dma_start3A_192 = tpu.memref_slice %arg7[%add3A_125, %dma_start3A_191] : memref<100096x16xf32, #tpu.memory_space<hbm>> -> memref<136x16xf32, #tpu.memory_space<hbm>>
          %dma_start3A_193 = arith.constant 0 : i32
          %dma_start3A_194 = tpu.memref_slice %arg7[%add3A_125, %dma_start3A_193] : memref<100096x16xf32, #tpu.memory_space<hbm>> -> memref<136x16xf32, #tpu.memory_space<hbm>>
          %dma_start3A_195 = arith.constant 0 : i32
          %dma_start3A_196 = arith.constant 0 : i32
          %dma_start3A_197 = tpu.memref_slice %arg13[%dma_start3A_186, %dma_start3A_195, %dma_start3A_196] : memref<2x136x16xf32, #tpu.memory_space<vmem>> -> memref<1x136x16xf32, #tpu.memory_space<vmem>>
          %dma_start3A_198 = tpu.memref_squeeze %dma_start3A_197 : memref<1x136x16xf32, #tpu.memory_space<vmem>> -> memref<136x16xf32, #tpu.memory_space<vmem>>
          tpu.enqueue_dma source(%dma_start3A_198 : memref<136x16xf32, #tpu.memory_space<vmem>>) target(%dma_start3A_194 : memref<136x16xf32, #tpu.memory_space<hbm>>) target_semaphore(%arg17 : memref<!tpu.dma_semaphore, #tpu.memory_space<semaphore_mem>>)
          %run_scoped3A_199 = arith.constant 1 : i32
          "tpu.region"() ({
            %run_scoped3A_227 = tpu.sem_alloc : memref<!tpu.dma_semaphore, #tpu.memory_space<semaphore_mem>>
            %dma_start3A_228 = arith.constant 0 : i32
            %dma_start3A_229 = arith.constant 0 : i32
            %dma_start3A_230 = tpu.memref_slice %arg13[%run_scoped3A_199, %dma_start3A_228, %dma_start3A_229] : memref<2x136x16xf32, #tpu.memory_space<vmem>> -> memref<1x136x16xf32, #tpu.memory_space<vmem>>
            %dma_start3A_231 = tpu.memref_squeeze %dma_start3A_230 : memref<1x136x16xf32, #tpu.memory_space<vmem>> -> memref<136x16xf32, #tpu.memory_space<vmem>>
            %dma_start3A_232 = arith.constant 0 : i32
            %dma_start3A_233 = tpu.memref_slice %arg9[%add3A_125, %dma_start3A_232] : memref<100096x16xf32, #tpu.memory_space<vmem_shared>> -> memref<136x16xf32, #tpu.memory_space<vmem_shared>>
            %dma_start3A_234 = arith.constant 0 : i32
            %dma_start3A_235 = tpu.memref_slice %arg9[%add3A_125, %dma_start3A_234] : memref<100096x16xf32, #tpu.memory_space<vmem_shared>> -> memref<136x16xf32, #tpu.memory_space<vmem_shared>>
            %dma_start3A_236 = arith.constant 0 : i32
            %dma_start3A_237 = arith.constant 0 : i32
            %dma_start3A_238 = tpu.memref_slice %arg13[%run_scoped3A_199, %dma_start3A_236, %dma_start3A_237] : memref<2x136x16xf32, #tpu.memory_space<vmem>> -> memref<1x136x16xf32, #tpu.memory_space<vmem>>
            %dma_start3A_239 = tpu.memref_squeeze %dma_start3A_238 : memref<1x136x16xf32, #tpu.memory_space<vmem>> -> memref<136x16xf32, #tpu.memory_space<vmem>>
            tpu.enqueue_dma source(%dma_start3A_239 : memref<136x16xf32, #tpu.memory_space<vmem>>) target(%dma_start3A_235 : memref<136x16xf32, #tpu.memory_space<vmem_shared>>) target_semaphore(%run_scoped3A_227 : memref<!tpu.dma_semaphore, #tpu.memory_space<semaphore_mem>>)
            %dma_wait3A_240 = arith.constant 0 : i32
            %dma_wait3A_241 = arith.constant 0 : i32
            %dma_wait3A_242 = tpu.memref_slice %arg13[%run_scoped3A_199, %dma_wait3A_240, %dma_wait3A_241] : memref<2x136x16xf32, #tpu.memory_space<vmem>> -> memref<1x136x16xf32, #tpu.memory_space<vmem>>
            %dma_wait3A_243 = tpu.memref_squeeze %dma_wait3A_242 : memref<1x136x16xf32, #tpu.memory_space<vmem>> -> memref<136x16xf32, #tpu.memory_space<vmem>>
            %dma_wait3A_244 = arith.constant 0 : i32
            %dma_wait3A_245 = tpu.memref_slice %arg9[%add3A_125, %dma_wait3A_244] : memref<100096x16xf32, #tpu.memory_space<vmem_shared>> -> memref<136x16xf32, #tpu.memory_space<vmem_shared>>
            %dma_wait3A_246 = arith.constant 0 : i32
            %dma_wait3A_247 = tpu.memref_slice %arg9[%add3A_125, %dma_wait3A_246] : memref<100096x16xf32, #tpu.memory_space<vmem_shared>> -> memref<136x16xf32, #tpu.memory_space<vmem_shared>>
            %dma_wait3A_248 = arith.constant 0 : i32
            %dma_wait3A_249 = arith.constant 0 : i32
            %dma_wait3A_250 = tpu.memref_slice %arg13[%run_scoped3A_199, %dma_wait3A_248, %dma_wait3A_249] : memref<2x136x16xf32, #tpu.memory_space<vmem>> -> memref<1x136x16xf32, #tpu.memory_space<vmem>>
            %dma_wait3A_251 = tpu.memref_squeeze %dma_wait3A_250 : memref<1x136x16xf32, #tpu.memory_space<vmem>> -> memref<136x16xf32, #tpu.memory_space<vmem>>
            tpu.wait_dma2 semaphore(%run_scoped3A_227 : memref<!tpu.dma_semaphore, #tpu.memory_space<semaphore_mem>>) src(%dma_wait3A_251 : memref<136x16xf32, #tpu.memory_space<vmem>>) dst(%dma_wait3A_247 : memref<136x16xf32, #tpu.memory_space<vmem_shared>>)
            tpu.yield
          }) : () -> ()
          %dma_wait3A_200 = arith.constant 0 : i32
          %dma_wait3A_201 = arith.constant 0 : i32
          %dma_wait3A_202 = arith.constant 0 : i32
          %dma_wait3A_203 = tpu.memref_slice %arg13[%dma_wait3A_200, %dma_wait3A_201, %dma_wait3A_202] : memref<2x136x16xf32, #tpu.memory_space<vmem>> -> memref<1x136x16xf32, #tpu.memory_space<vmem>>
          %dma_wait3A_204 = tpu.memref_squeeze %dma_wait3A_203 : memref<1x136x16xf32, #tpu.memory_space<vmem>> -> memref<136x16xf32, #tpu.memory_space<vmem>>
          %dma_wait3A_205 = arith.constant 0 : i32
          %dma_wait3A_206 = tpu.memref_slice %arg7[%add3A, %dma_wait3A_205] : memref<100096x16xf32, #tpu.memory_space<hbm>> -> memref<136x16xf32, #tpu.memory_space<hbm>>
          %dma_wait3A_207 = arith.constant 0 : i32
          %dma_wait3A_208 = tpu.memref_slice %arg7[%add3A, %dma_wait3A_207] : memref<100096x16xf32, #tpu.memory_space<hbm>> -> memref<136x16xf32, #tpu.memory_space<hbm>>
          %dma_wait3A_209 = arith.constant 0 : i32
          %dma_wait3A_210 = arith.constant 0 : i32
          %dma_wait3A_211 = tpu.memref_slice %arg13[%dma_wait3A_200, %dma_wait3A_209, %dma_wait3A_210] : memref<2x136x16xf32, #tpu.memory_space<vmem>> -> memref<1x136x16xf32, #tpu.memory_space<vmem>>
          %dma_wait3A_212 = tpu.memref_squeeze %dma_wait3A_211 : memref<1x136x16xf32, #tpu.memory_space<vmem>> -> memref<136x16xf32, #tpu.memory_space<vmem>>
          tpu.wait_dma2 semaphore(%arg17 : memref<!tpu.dma_semaphore, #tpu.memory_space<semaphore_mem>>) src(%dma_wait3A_212 : memref<136x16xf32, #tpu.memory_space<vmem>>) dst(%dma_wait3A_208 : memref<136x16xf32, #tpu.memory_space<hbm>>)
          %dma_wait3A_213 = arith.constant 1 : i32
          %dma_wait3A_214 = arith.constant 0 : i32
          %dma_wait3A_215 = arith.constant 0 : i32
          %dma_wait3A_216 = tpu.memref_slice %arg13[%dma_wait3A_213, %dma_wait3A_214, %dma_wait3A_215] : memref<2x136x16xf32, #tpu.memory_space<vmem>> -> memref<1x136x16xf32, #tpu.memory_space<vmem>>
          %dma_wait3A_217 = tpu.memref_squeeze %dma_wait3A_216 : memref<1x136x16xf32, #tpu.memory_space<vmem>> -> memref<136x16xf32, #tpu.memory_space<vmem>>
          %dma_wait3A_218 = arith.constant 0 : i32
          %dma_wait3A_219 = tpu.memref_slice %arg7[%add3A_125, %dma_wait3A_218] : memref<100096x16xf32, #tpu.memory_space<hbm>> -> memref<136x16xf32, #tpu.memory_space<hbm>>
          %dma_wait3A_220 = arith.constant 0 : i32
          %dma_wait3A_221 = tpu.memref_slice %arg7[%add3A_125, %dma_wait3A_220] : memref<100096x16xf32, #tpu.memory_space<hbm>> -> memref<136x16xf32, #tpu.memory_space<hbm>>
          %dma_wait3A_222 = arith.constant 0 : i32
          %dma_wait3A_223 = arith.constant 0 : i32
          %dma_wait3A_224 = tpu.memref_slice %arg13[%dma_wait3A_213, %dma_wait3A_222, %dma_wait3A_223] : memref<2x136x16xf32, #tpu.memory_space<vmem>> -> memref<1x136x16xf32, #tpu.memory_space<vmem>>
          %dma_wait3A_225 = tpu.memref_squeeze %dma_wait3A_224 : memref<1x136x16xf32, #tpu.memory_space<vmem>> -> memref<136x16xf32, #tpu.memory_space<vmem>>
          tpu.wait_dma2 semaphore(%arg17 : memref<!tpu.dma_semaphore, #tpu.memory_space<semaphore_mem>>) src(%dma_wait3A_225 : memref<136x16xf32, #tpu.memory_space<vmem>>) dst(%dma_wait3A_221 : memref<136x16xf32, #tpu.memory_space<hbm>>)
          %scan3A_226 = arith.constant 0 : i32
          scf.yield %scan3A_226 : i32
        }
        %scan3A_39 = arith.constant 23 : i32
        %barrier3A_40 = arith.constant 0 : index
        tpu.barrier barrier_id(%barrier3A_40)
        "tpu.trace_stop"() : () -> ()
        %scan3A_41 = arith.constant 0 : i32
        scf.yield %scan3A_41 : i32
      }
      %scan3A_22 = arith.constant 10 : i32
    } else {
    }
    %eq3A_2 = arith.constant 1 : i32
    %eq3A_3 = arith.cmpi eq, %arg0, %eq3A_2 : i32
    %convert_element_type3A_4 = arith.extui %eq3A_3 : i1 to i32
    %cond3A_5 = arith.constant 0 : i32
    %cond3A_6 = arith.cmpi ne, %convert_element_type3A_4, %cond3A_5 : i32
    scf.if %cond3A_6 {
      %mul3A = arith.constant 6256 : i32
      %mul3A_7 = arith.muli %arg1, %mul3A : i32
      %mul3A_8 = arith.constant 400 : i32
      %mul3A_9 = arith.muli %arg1, %mul3A_8 : i32
      %scan3A = arith.constant 0 : i32
      %scan3A_10 = arith.constant 0 : i32
      %scan3A_11 = arith.constant 46 : i32
      %scan3A_12 = arith.addi %scan3A_10, %scan3A_11 : i32
      %scan3A_13 = arith.constant 1 : i32
      %scan3A_14 = scf.for %scan3A_23 = %scan3A_10 to %scan3A_12 step %scan3A_13 iter_args(%scan3A_24 = %scan3A) -> (i32)  : i32 {
        %mul3A_25 = arith.constant 136 : i32
        %mul3A_26 = arith.muli %scan3A_23, %mul3A_25 : i32
        %add3A = arith.addi %mul3A_7, %mul3A_26 : i32
        %run_scoped3A = arith.constant 0 : i32
        "tpu.region"() ({
          %run_scoped3A_30 = tpu.sem_alloc : memref<!tpu.dma_semaphore, #tpu.memory_space<semaphore_mem>>
          %dma_start3A = arith.constant 0 : i32
          %dma_start3A_31 = arith.constant 0 : i32
          %dma_start3A_32 = tpu.memref_slice %arg13[%run_scoped3A, %dma_start3A, %dma_start3A_31] : memref<2x136x16xf32, #tpu.memory_space<vmem>> -> memref<1x136x16xf32, #tpu.memory_space<vmem>>
          %dma_start3A_33 = tpu.memref_squeeze %dma_start3A_32 : memref<1x136x16xf32, #tpu.memory_space<vmem>> -> memref<136x16xf32, #tpu.memory_space<vmem>>
          %dma_start3A_34 = arith.constant 0 : i32
          %dma_start3A_35 = tpu.memref_slice %arg3[%add3A, %dma_start3A_34] : memref<100096x16xf32, #tpu.memory_space<hbm>> -> memref<136x16xf32, #tpu.memory_space<hbm>>
          %dma_start3A_36 = arith.constant 0 : i32
          %dma_start3A_37 = arith.constant 0 : i32
          %dma_start3A_38 = tpu.memref_slice %arg13[%run_scoped3A, %dma_start3A_36, %dma_start3A_37] : memref<2x136x16xf32, #tpu.memory_space<vmem>> -> memref<1x136x16xf32, #tpu.memory_space<vmem>>
          %dma_start3A_39 = tpu.memref_squeeze %dma_start3A_38 : memref<1x136x16xf32, #tpu.memory_space<vmem>> -> memref<136x16xf32, #tpu.memory_space<vmem>>
          %dma_start3A_40 = arith.constant 0 : i32
          %dma_start3A_41 = tpu.memref_slice %arg3[%add3A, %dma_start3A_40] : memref<100096x16xf32, #tpu.memory_space<hbm>> -> memref<136x16xf32, #tpu.memory_space<hbm>>
          tpu.enqueue_dma source(%dma_start3A_41 : memref<136x16xf32, #tpu.memory_space<hbm>>) target(%dma_start3A_39 : memref<136x16xf32, #tpu.memory_space<vmem>>) target_semaphore(%run_scoped3A_30 : memref<!tpu.dma_semaphore, #tpu.memory_space<semaphore_mem>>)
          %dma_wait3A = arith.constant 0 : i32
          %dma_wait3A_42 = arith.constant 0 : i32
          %dma_wait3A_43 = tpu.memref_slice %arg13[%run_scoped3A, %dma_wait3A, %dma_wait3A_42] : memref<2x136x16xf32, #tpu.memory_space<vmem>> -> memref<1x136x16xf32, #tpu.memory_space<vmem>>
          %dma_wait3A_44 = tpu.memref_squeeze %dma_wait3A_43 : memref<1x136x16xf32, #tpu.memory_space<vmem>> -> memref<136x16xf32, #tpu.memory_space<vmem>>
          %dma_wait3A_45 = arith.constant 0 : i32
          %dma_wait3A_46 = tpu.memref_slice %arg3[%add3A, %dma_wait3A_45] : memref<100096x16xf32, #tpu.memory_space<hbm>> -> memref<136x16xf32, #tpu.memory_space<hbm>>
          %dma_wait3A_47 = arith.constant 0 : i32
          %dma_wait3A_48 = arith.constant 0 : i32
          %dma_wait3A_49 = tpu.memref_slice %arg13[%run_scoped3A, %dma_wait3A_47, %dma_wait3A_48] : memref<2x136x16xf32, #tpu.memory_space<vmem>> -> memref<1x136x16xf32, #tpu.memory_space<vmem>>
          %dma_wait3A_50 = tpu.memref_squeeze %dma_wait3A_49 : memref<1x136x16xf32, #tpu.memory_space<vmem>> -> memref<136x16xf32, #tpu.memory_space<vmem>>
          %dma_wait3A_51 = arith.constant 0 : i32
          %dma_wait3A_52 = tpu.memref_slice %arg3[%add3A, %dma_wait3A_51] : memref<100096x16xf32, #tpu.memory_space<hbm>> -> memref<136x16xf32, #tpu.memory_space<hbm>>
          tpu.wait_dma2 semaphore(%run_scoped3A_30 : memref<!tpu.dma_semaphore, #tpu.memory_space<semaphore_mem>>) src(%dma_wait3A_52 : memref<136x16xf32, #tpu.memory_space<hbm>>) dst(%dma_wait3A_50 : memref<136x16xf32, #tpu.memory_space<vmem>>)
          tpu.yield
        }) : () -> ()
        %run_scoped3A_27 = arith.constant 0 : i32
        "tpu.region"() ({
          %run_scoped3A_30 = tpu.sem_alloc : memref<!tpu.dma_semaphore, #tpu.memory_space<semaphore_mem>>
          %dma_start3A = arith.constant 0 : i32
          %dma_start3A_31 = arith.constant 0 : i32
          %dma_start3A_32 = tpu.memref_slice %arg13[%run_scoped3A_27, %dma_start3A, %dma_start3A_31] : memref<2x136x16xf32, #tpu.memory_space<vmem>> -> memref<1x136x16xf32, #tpu.memory_space<vmem>>
          %dma_start3A_33 = tpu.memref_squeeze %dma_start3A_32 : memref<1x136x16xf32, #tpu.memory_space<vmem>> -> memref<136x16xf32, #tpu.memory_space<vmem>>
          %dma_start3A_34 = arith.constant 0 : i32
          %dma_start3A_35 = tpu.memref_slice %arg9[%add3A, %dma_start3A_34] : memref<100096x16xf32, #tpu.memory_space<vmem_shared>> -> memref<136x16xf32, #tpu.memory_space<vmem_shared>>
          %dma_start3A_36 = arith.constant 0 : i32
          %dma_start3A_37 = tpu.memref_slice %arg9[%add3A, %dma_start3A_36] : memref<100096x16xf32, #tpu.memory_space<vmem_shared>> -> memref<136x16xf32, #tpu.memory_space<vmem_shared>>
          %dma_start3A_38 = arith.constant 0 : i32
          %dma_start3A_39 = arith.constant 0 : i32
          %dma_start3A_40 = tpu.memref_slice %arg13[%run_scoped3A_27, %dma_start3A_38, %dma_start3A_39] : memref<2x136x16xf32, #tpu.memory_space<vmem>> -> memref<1x136x16xf32, #tpu.memory_space<vmem>>
          %dma_start3A_41 = tpu.memref_squeeze %dma_start3A_40 : memref<1x136x16xf32, #tpu.memory_space<vmem>> -> memref<136x16xf32, #tpu.memory_space<vmem>>
          tpu.enqueue_dma source(%dma_start3A_41 : memref<136x16xf32, #tpu.memory_space<vmem>>) target(%dma_start3A_37 : memref<136x16xf32, #tpu.memory_space<vmem_shared>>) target_semaphore(%run_scoped3A_30 : memref<!tpu.dma_semaphore, #tpu.memory_space<semaphore_mem>>)
          %dma_wait3A = arith.constant 0 : i32
          %dma_wait3A_42 = arith.constant 0 : i32
          %dma_wait3A_43 = tpu.memref_slice %arg13[%run_scoped3A_27, %dma_wait3A, %dma_wait3A_42] : memref<2x136x16xf32, #tpu.memory_space<vmem>> -> memref<1x136x16xf32, #tpu.memory_space<vmem>>
          %dma_wait3A_44 = tpu.memref_squeeze %dma_wait3A_43 : memref<1x136x16xf32, #tpu.memory_space<vmem>> -> memref<136x16xf32, #tpu.memory_space<vmem>>
          %dma_wait3A_45 = arith.constant 0 : i32
          %dma_wait3A_46 = tpu.memref_slice %arg9[%add3A, %dma_wait3A_45] : memref<100096x16xf32, #tpu.memory_space<vmem_shared>> -> memref<136x16xf32, #tpu.memory_space<vmem_shared>>
          %dma_wait3A_47 = arith.constant 0 : i32
          %dma_wait3A_48 = tpu.memref_slice %arg9[%add3A, %dma_wait3A_47] : memref<100096x16xf32, #tpu.memory_space<vmem_shared>> -> memref<136x16xf32, #tpu.memory_space<vmem_shared>>
          %dma_wait3A_49 = arith.constant 0 : i32
          %dma_wait3A_50 = arith.constant 0 : i32
          %dma_wait3A_51 = tpu.memref_slice %arg13[%run_scoped3A_27, %dma_wait3A_49, %dma_wait3A_50] : memref<2x136x16xf32, #tpu.memory_space<vmem>> -> memref<1x136x16xf32, #tpu.memory_space<vmem>>
          %dma_wait3A_52 = tpu.memref_squeeze %dma_wait3A_51 : memref<1x136x16xf32, #tpu.memory_space<vmem>> -> memref<136x16xf32, #tpu.memory_space<vmem>>
          tpu.wait_dma2 semaphore(%run_scoped3A_30 : memref<!tpu.dma_semaphore, #tpu.memory_space<semaphore_mem>>) src(%dma_wait3A_52 : memref<136x16xf32, #tpu.memory_space<vmem>>) dst(%dma_wait3A_48 : memref<136x16xf32, #tpu.memory_space<vmem_shared>>)
          tpu.yield
        }) : () -> ()
        %run_scoped3A_28 = arith.constant 0 : i32
        "tpu.region"() ({
          %run_scoped3A_30 = tpu.sem_alloc : memref<!tpu.dma_semaphore, #tpu.memory_space<semaphore_mem>>
          %dma_start3A = arith.constant 0 : i32
          %dma_start3A_31 = arith.constant 0 : i32
          %dma_start3A_32 = tpu.memref_slice %arg13[%run_scoped3A_28, %dma_start3A, %dma_start3A_31] : memref<2x136x16xf32, #tpu.memory_space<vmem>> -> memref<1x136x16xf32, #tpu.memory_space<vmem>>
          %dma_start3A_33 = tpu.memref_squeeze %dma_start3A_32 : memref<1x136x16xf32, #tpu.memory_space<vmem>> -> memref<136x16xf32, #tpu.memory_space<vmem>>
          %dma_start3A_34 = arith.constant 0 : i32
          %dma_start3A_35 = tpu.memref_slice %arg8[%add3A, %dma_start3A_34] : memref<100096x16xf32, #tpu.memory_space<hbm>> -> memref<136x16xf32, #tpu.memory_space<hbm>>
          %dma_start3A_36 = arith.constant 0 : i32
          %dma_start3A_37 = tpu.memref_slice %arg8[%add3A, %dma_start3A_36] : memref<100096x16xf32, #tpu.memory_space<hbm>> -> memref<136x16xf32, #tpu.memory_space<hbm>>
          %dma_start3A_38 = arith.constant 0 : i32
          %dma_start3A_39 = arith.constant 0 : i32
          %dma_start3A_40 = tpu.memref_slice %arg13[%run_scoped3A_28, %dma_start3A_38, %dma_start3A_39] : memref<2x136x16xf32, #tpu.memory_space<vmem>> -> memref<1x136x16xf32, #tpu.memory_space<vmem>>
          %dma_start3A_41 = tpu.memref_squeeze %dma_start3A_40 : memref<1x136x16xf32, #tpu.memory_space<vmem>> -> memref<136x16xf32, #tpu.memory_space<vmem>>
          tpu.enqueue_dma source(%dma_start3A_41 : memref<136x16xf32, #tpu.memory_space<vmem>>) target(%dma_start3A_37 : memref<136x16xf32, #tpu.memory_space<hbm>>) target_semaphore(%run_scoped3A_30 : memref<!tpu.dma_semaphore, #tpu.memory_space<semaphore_mem>>)
          %dma_wait3A = arith.constant 0 : i32
          %dma_wait3A_42 = arith.constant 0 : i32
          %dma_wait3A_43 = tpu.memref_slice %arg13[%run_scoped3A_28, %dma_wait3A, %dma_wait3A_42] : memref<2x136x16xf32, #tpu.memory_space<vmem>> -> memref<1x136x16xf32, #tpu.memory_space<vmem>>
          %dma_wait3A_44 = tpu.memref_squeeze %dma_wait3A_43 : memref<1x136x16xf32, #tpu.memory_space<vmem>> -> memref<136x16xf32, #tpu.memory_space<vmem>>
          %dma_wait3A_45 = arith.constant 0 : i32
          %dma_wait3A_46 = tpu.memref_slice %arg8[%add3A, %dma_wait3A_45] : memref<100096x16xf32, #tpu.memory_space<hbm>> -> memref<136x16xf32, #tpu.memory_space<hbm>>
          %dma_wait3A_47 = arith.constant 0 : i32
          %dma_wait3A_48 = tpu.memref_slice %arg8[%add3A, %dma_wait3A_47] : memref<100096x16xf32, #tpu.memory_space<hbm>> -> memref<136x16xf32, #tpu.memory_space<hbm>>
          %dma_wait3A_49 = arith.constant 0 : i32
          %dma_wait3A_50 = arith.constant 0 : i32
          %dma_wait3A_51 = tpu.memref_slice %arg13[%run_scoped3A_28, %dma_wait3A_49, %dma_wait3A_50] : memref<2x136x16xf32, #tpu.memory_space<vmem>> -> memref<1x136x16xf32, #tpu.memory_space<vmem>>
          %dma_wait3A_52 = tpu.memref_squeeze %dma_wait3A_51 : memref<1x136x16xf32, #tpu.memory_space<vmem>> -> memref<136x16xf32, #tpu.memory_space<vmem>>
          tpu.wait_dma2 semaphore(%run_scoped3A_30 : memref<!tpu.dma_semaphore, #tpu.memory_space<semaphore_mem>>) src(%dma_wait3A_52 : memref<136x16xf32, #tpu.memory_space<vmem>>) dst(%dma_wait3A_48 : memref<136x16xf32, #tpu.memory_space<hbm>>)
          tpu.yield
        }) : () -> ()
        %scan3A_29 = arith.constant 0 : i32
        scf.yield %scan3A_29 : i32
      }
      %scan3A_15 = arith.constant 46 : i32
      %barrier3A = arith.constant 0 : index
      tpu.barrier barrier_id(%barrier3A)
      %scan3A_16 = arith.constant 0 : i32
      %scan3A_17 = arith.constant 0 : i32
      %scan3A_18 = arith.constant 10 : i32
      %scan3A_19 = arith.addi %scan3A_17, %scan3A_18 : i32
      %scan3A_20 = arith.constant 1 : i32
      %scan3A_21 = scf.for %scan3A_23 = %scan3A_17 to %scan3A_19 step %scan3A_20 iter_args(%scan3A_24 = %scan3A_16) -> (i32)  : i32 {
        "tpu.trace_start"() <{level = 10 : i32, message = "p2_edges"}> : () -> ()
        %scan3A_25 = arith.constant 0 : i32
        %scan3A_26 = arith.constant 0 : i32
        %scan3A_27 = arith.constant 50 : i32
        %scan3A_28 = arith.addi %scan3A_26, %scan3A_27 : i32
        %scan3A_29 = arith.constant 1 : i32
        %scan3A_30 = scf.for %scan3A_42 = %scan3A_26 to %scan3A_28 step %scan3A_29 iter_args(%scan3A_43 = %scan3A_25) -> (i32)  : i32 {
          %mul3A_44 = arith.constant 8 : i32
          %mul3A_45 = arith.muli %scan3A_42, %mul3A_44 : i32
          %add3A = arith.addi %mul3A_9, %mul3A_45 : i32
          "tpu.region"() ({
            %run_scoped3A = tpu.sem_alloc : memref<!tpu.dma_semaphore, #tpu.memory_space<semaphore_mem>>
            %dma_start3A_429 = arith.constant 0 : i32
            %dma_start3A_430 = tpu.memref_slice %arg5[%add3A, %dma_start3A_429] : memref<6400x256xi32, #tpu.memory_space<hbm>> -> memref<8x256xi32, #tpu.memory_space<hbm>>
            %dma_start3A_431 = arith.constant 0 : i32
            %dma_start3A_432 = tpu.memref_slice %arg5[%add3A, %dma_start3A_431] : memref<6400x256xi32, #tpu.memory_space<hbm>> -> memref<8x256xi32, #tpu.memory_space<hbm>>
            tpu.enqueue_dma source(%dma_start3A_432 : memref<8x256xi32, #tpu.memory_space<hbm>>) target(%arg10 : memref<8x256xi32, #tpu.memory_space<vmem>>) target_semaphore(%run_scoped3A : memref<!tpu.dma_semaphore, #tpu.memory_space<semaphore_mem>>)
            %dma_wait3A_433 = arith.constant 0 : i32
            %dma_wait3A_434 = tpu.memref_slice %arg5[%add3A, %dma_wait3A_433] : memref<6400x256xi32, #tpu.memory_space<hbm>> -> memref<8x256xi32, #tpu.memory_space<hbm>>
            %dma_wait3A_435 = arith.constant 0 : i32
            %dma_wait3A_436 = tpu.memref_slice %arg5[%add3A, %dma_wait3A_435] : memref<6400x256xi32, #tpu.memory_space<hbm>> -> memref<8x256xi32, #tpu.memory_space<hbm>>
            tpu.wait_dma2 semaphore(%run_scoped3A : memref<!tpu.dma_semaphore, #tpu.memory_space<semaphore_mem>>) src(%dma_wait3A_436 : memref<8x256xi32, #tpu.memory_space<hbm>>) dst(%arg10 : memref<8x256xi32, #tpu.memory_space<vmem>>)
            tpu.yield
          }) : () -> ()
          "tpu.region"() ({
            %run_scoped3A = tpu.sem_alloc : memref<!tpu.dma_semaphore, #tpu.memory_space<semaphore_mem>>
            %dma_start3A_429 = arith.constant 0 : i32
            %dma_start3A_430 = tpu.memref_slice %arg6[%add3A, %dma_start3A_429] : memref<6400x256xi32, #tpu.memory_space<hbm>> -> memref<8x256xi32, #tpu.memory_space<hbm>>
            %dma_start3A_431 = arith.constant 0 : i32
            %dma_start3A_432 = tpu.memref_slice %arg6[%add3A, %dma_start3A_431] : memref<6400x256xi32, #tpu.memory_space<hbm>> -> memref<8x256xi32, #tpu.memory_space<hbm>>
            tpu.enqueue_dma source(%dma_start3A_432 : memref<8x256xi32, #tpu.memory_space<hbm>>) target(%arg11 : memref<8x256xi32, #tpu.memory_space<vmem>>) target_semaphore(%run_scoped3A : memref<!tpu.dma_semaphore, #tpu.memory_space<semaphore_mem>>)
            %dma_wait3A_433 = arith.constant 0 : i32
            %dma_wait3A_434 = tpu.memref_slice %arg6[%add3A, %dma_wait3A_433] : memref<6400x256xi32, #tpu.memory_space<hbm>> -> memref<8x256xi32, #tpu.memory_space<hbm>>
            %dma_wait3A_435 = arith.constant 0 : i32
            %dma_wait3A_436 = tpu.memref_slice %arg6[%add3A, %dma_wait3A_435] : memref<6400x256xi32, #tpu.memory_space<hbm>> -> memref<8x256xi32, #tpu.memory_space<hbm>>
            tpu.wait_dma2 semaphore(%run_scoped3A : memref<!tpu.dma_semaphore, #tpu.memory_space<semaphore_mem>>) src(%dma_wait3A_436 : memref<8x256xi32, #tpu.memory_space<hbm>>) dst(%arg11 : memref<8x256xi32, #tpu.memory_space<vmem>>)
            tpu.yield
          }) : () -> ()
          %dma_start3A = arith.constant 0 : i32
          %dma_start3A_46 = arith.constant 0 : i32
          %dma_start3A_47 = arith.constant 0 : i32
          %dma_start3A_48 = arith.constant 0 : i32
          %dma_start3A_49 = tpu.memref_slice %arg12[%dma_start3A_46, %dma_start3A_47, %dma_start3A_48] : memref<3x256x16xf32, #tpu.memory_space<vmem>> -> memref<1x256x16xf32, #tpu.memory_space<vmem>>
          %dma_start3A_50 = tpu.memref_squeeze %dma_start3A_49 : memref<1x256x16xf32, #tpu.memory_space<vmem>> -> memref<256x16xf32, #tpu.memory_space<vmem>>
          %dma_start3A_51 = arith.constant 0 : i32
          %dma_start3A_52 = tpu.memref_slice %arg10[%dma_start3A, %dma_start3A_51] : memref<8x256xi32, #tpu.memory_space<vmem>> -> memref<1x256xi32, #tpu.memory_space<vmem>>
          %dma_start3A_53 = tpu.memref_squeeze %dma_start3A_52 : memref<1x256xi32, #tpu.memory_space<vmem>> -> memref<256xi32, #tpu.memory_space<vmem>>
          %dma_start3A_54 = arith.constant 0 : i32
          %dma_start3A_55 = arith.constant 0 : i32
          %dma_start3A_56 = tpu.memref_slice %arg8[%dma_start3A_54, %dma_start3A_55] : memref<100096x16xf32, #tpu.memory_space<hbm>> -> memref<100096x16xf32, #tpu.memory_space<hbm>>
          tpu.enqueue_indirect_dma source(%dma_start3A_56 : memref<100096x16xf32, #tpu.memory_space<hbm>>) target(%dma_start3A_50 : memref<256x16xf32, #tpu.memory_space<vmem>>) offsets(%dma_start3A_53 : memref<256xi32, #tpu.memory_space<vmem>>) semaphore(%arg16 : memref<!tpu.dma_semaphore, #tpu.memory_space<semaphore_mem>>)
          %dma_start3A_57 = arith.constant 1 : i32
          %dma_start3A_58 = arith.constant 1 : i32
          %dma_start3A_59 = arith.constant 0 : i32
          %dma_start3A_60 = arith.constant 0 : i32
          %dma_start3A_61 = tpu.memref_slice %arg12[%dma_start3A_58, %dma_start3A_59, %dma_start3A_60] : memref<3x256x16xf32, #tpu.memory_space<vmem>> -> memref<1x256x16xf32, #tpu.memory_space<vmem>>
          %dma_start3A_62 = tpu.memref_squeeze %dma_start3A_61 : memref<1x256x16xf32, #tpu.memory_space<vmem>> -> memref<256x16xf32, #tpu.memory_space<vmem>>
          %dma_start3A_63 = arith.constant 0 : i32
          %dma_start3A_64 = tpu.memref_slice %arg10[%dma_start3A_57, %dma_start3A_63] : memref<8x256xi32, #tpu.memory_space<vmem>> -> memref<1x256xi32, #tpu.memory_space<vmem>>
          %dma_start3A_65 = tpu.memref_squeeze %dma_start3A_64 : memref<1x256xi32, #tpu.memory_space<vmem>> -> memref<256xi32, #tpu.memory_space<vmem>>
          %dma_start3A_66 = arith.constant 0 : i32
          %dma_start3A_67 = arith.constant 0 : i32
          %dma_start3A_68 = tpu.memref_slice %arg8[%dma_start3A_66, %dma_start3A_67] : memref<100096x16xf32, #tpu.memory_space<hbm>> -> memref<100096x16xf32, #tpu.memory_space<hbm>>
          tpu.enqueue_indirect_dma source(%dma_start3A_68 : memref<100096x16xf32, #tpu.memory_space<hbm>>) target(%dma_start3A_62 : memref<256x16xf32, #tpu.memory_space<vmem>>) offsets(%dma_start3A_65 : memref<256xi32, #tpu.memory_space<vmem>>) semaphore(%arg16 : memref<!tpu.dma_semaphore, #tpu.memory_space<semaphore_mem>>)
          %dma_wait3A = arith.constant 0 : i32
          %dma_wait3A_69 = arith.constant 0 : i32
          %dma_wait3A_70 = arith.constant 0 : i32
          %dma_wait3A_71 = arith.constant 0 : i32
          %dma_wait3A_72 = tpu.memref_slice %arg12[%dma_wait3A_69, %dma_wait3A_70, %dma_wait3A_71] : memref<3x256x16xf32, #tpu.memory_space<vmem>> -> memref<1x256x16xf32, #tpu.memory_space<vmem>>
          %dma_wait3A_73 = tpu.memref_squeeze %dma_wait3A_72 : memref<1x256x16xf32, #tpu.memory_space<vmem>> -> memref<256x16xf32, #tpu.memory_space<vmem>>
          %dma_wait3A_74 = arith.constant 0 : i32
          %dma_wait3A_75 = tpu.memref_slice %arg10[%dma_wait3A, %dma_wait3A_74] : memref<8x256xi32, #tpu.memory_space<vmem>> -> memref<1x256xi32, #tpu.memory_space<vmem>>
          %dma_wait3A_76 = tpu.memref_squeeze %dma_wait3A_75 : memref<1x256xi32, #tpu.memory_space<vmem>> -> memref<256xi32, #tpu.memory_space<vmem>>
          %dma_wait3A_77 = arith.constant 0 : i32
          %dma_wait3A_78 = arith.constant 0 : i32
          %dma_wait3A_79 = tpu.memref_slice %arg8[%dma_wait3A_77, %dma_wait3A_78] : memref<100096x16xf32, #tpu.memory_space<hbm>> -> memref<100096x16xf32, #tpu.memory_space<hbm>>
          tpu.wait_indirect_dma semaphore(%arg16 : memref<!tpu.dma_semaphore, #tpu.memory_space<semaphore_mem>>) src(%dma_wait3A_79 : memref<100096x16xf32, #tpu.memory_space<hbm>>) dst(%dma_wait3A_73 : memref<256x16xf32, #tpu.memory_space<vmem>>)
          %dma_start3A_80 = arith.constant 0 : i32
          %dma_start3A_81 = arith.constant 0 : i32
          %dma_start3A_82 = arith.constant 0 : i32
          %dma_start3A_83 = arith.constant 0 : i32
          %dma_start3A_84 = tpu.memref_slice %arg12[%dma_start3A_80, %dma_start3A_82, %dma_start3A_83] : memref<3x256x16xf32, #tpu.memory_space<vmem>> -> memref<1x256x16xf32, #tpu.memory_space<vmem>>
          %dma_start3A_85 = tpu.memref_squeeze %dma_start3A_84 : memref<1x256x16xf32, #tpu.memory_space<vmem>> -> memref<256x16xf32, #tpu.memory_space<vmem>>
          %dma_start3A_86 = arith.constant 0 : i32
          %dma_start3A_87 = tpu.memref_slice %arg11[%dma_start3A_81, %dma_start3A_86] : memref<8x256xi32, #tpu.memory_space<vmem>> -> memref<1x256xi32, #tpu.memory_space<vmem>>
          %dma_start3A_88 = tpu.memref_squeeze %dma_start3A_87 : memref<1x256xi32, #tpu.memory_space<vmem>> -> memref<256xi32, #tpu.memory_space<vmem>>
          %dma_start3A_89 = arith.constant 0 : i32
          %dma_start3A_90 = arith.constant 0 : i32
          %dma_start3A_91 = tpu.memref_slice %arg9[%dma_start3A_89, %dma_start3A_90] : memref<100096x16xf32, #tpu.memory_space<vmem_shared>> -> memref<100096x16xf32, #tpu.memory_space<vmem_shared>>
          tpu.enqueue_indirect_dma source(%dma_start3A_85 : memref<256x16xf32, #tpu.memory_space<vmem>>) target(%dma_start3A_91 : memref<100096x16xf32, #tpu.memory_space<vmem_shared>>) offsets(%dma_start3A_88 : memref<256xi32, #tpu.memory_space<vmem>>) semaphore(%arg17 : memref<!tpu.dma_semaphore, #tpu.memory_space<semaphore_mem>>) {add = true}
          %dma_start3A_92 = arith.constant 2 : i32
          %dma_start3A_93 = arith.constant 2 : i32
          %dma_start3A_94 = arith.constant 0 : i32
          %dma_start3A_95 = arith.constant 0 : i32
          %dma_start3A_96 = tpu.memref_slice %arg12[%dma_start3A_93, %dma_start3A_94, %dma_start3A_95] : memref<3x256x16xf32, #tpu.memory_space<vmem>> -> memref<1x256x16xf32, #tpu.memory_space<vmem>>
          %dma_start3A_97 = tpu.memref_squeeze %dma_start3A_96 : memref<1x256x16xf32, #tpu.memory_space<vmem>> -> memref<256x16xf32, #tpu.memory_space<vmem>>
          %dma_start3A_98 = arith.constant 0 : i32
          %dma_start3A_99 = tpu.memref_slice %arg10[%dma_start3A_92, %dma_start3A_98] : memref<8x256xi32, #tpu.memory_space<vmem>> -> memref<1x256xi32, #tpu.memory_space<vmem>>
          %dma_start3A_100 = tpu.memref_squeeze %dma_start3A_99 : memref<1x256xi32, #tpu.memory_space<vmem>> -> memref<256xi32, #tpu.memory_space<vmem>>
          %dma_start3A_101 = arith.constant 0 : i32
          %dma_start3A_102 = arith.constant 0 : i32
          %dma_start3A_103 = tpu.memref_slice %arg8[%dma_start3A_101, %dma_start3A_102] : memref<100096x16xf32, #tpu.memory_space<hbm>> -> memref<100096x16xf32, #tpu.memory_space<hbm>>
          tpu.enqueue_indirect_dma source(%dma_start3A_103 : memref<100096x16xf32, #tpu.memory_space<hbm>>) target(%dma_start3A_97 : memref<256x16xf32, #tpu.memory_space<vmem>>) offsets(%dma_start3A_100 : memref<256xi32, #tpu.memory_space<vmem>>) semaphore(%arg16 : memref<!tpu.dma_semaphore, #tpu.memory_space<semaphore_mem>>)
          %dma_wait3A_104 = arith.constant 1 : i32
          %dma_wait3A_105 = arith.constant 1 : i32
          %dma_wait3A_106 = arith.constant 0 : i32
          %dma_wait3A_107 = arith.constant 0 : i32
          %dma_wait3A_108 = tpu.memref_slice %arg12[%dma_wait3A_105, %dma_wait3A_106, %dma_wait3A_107] : memref<3x256x16xf32, #tpu.memory_space<vmem>> -> memref<1x256x16xf32, #tpu.memory_space<vmem>>
          %dma_wait3A_109 = tpu.memref_squeeze %dma_wait3A_108 : memref<1x256x16xf32, #tpu.memory_space<vmem>> -> memref<256x16xf32, #tpu.memory_space<vmem>>
          %dma_wait3A_110 = arith.constant 0 : i32
          %dma_wait3A_111 = tpu.memref_slice %arg10[%dma_wait3A_104, %dma_wait3A_110] : memref<8x256xi32, #tpu.memory_space<vmem>> -> memref<1x256xi32, #tpu.memory_space<vmem>>
          %dma_wait3A_112 = tpu.memref_squeeze %dma_wait3A_111 : memref<1x256xi32, #tpu.memory_space<vmem>> -> memref<256xi32, #tpu.memory_space<vmem>>
          %dma_wait3A_113 = arith.constant 0 : i32
          %dma_wait3A_114 = arith.constant 0 : i32
          %dma_wait3A_115 = tpu.memref_slice %arg8[%dma_wait3A_113, %dma_wait3A_114] : memref<100096x16xf32, #tpu.memory_space<hbm>> -> memref<100096x16xf32, #tpu.memory_space<hbm>>
          tpu.wait_indirect_dma semaphore(%arg16 : memref<!tpu.dma_semaphore, #tpu.memory_space<semaphore_mem>>) src(%dma_wait3A_115 : memref<100096x16xf32, #tpu.memory_space<hbm>>) dst(%dma_wait3A_109 : memref<256x16xf32, #tpu.memory_space<vmem>>)
          %dma_start3A_116 = arith.constant 1 : i32
          %dma_start3A_117 = arith.constant 1 : i32
          %dma_start3A_118 = arith.constant 0 : i32
          %dma_start3A_119 = arith.constant 0 : i32
          %dma_start3A_120 = tpu.memref_slice %arg12[%dma_start3A_116, %dma_start3A_118, %dma_start3A_119] : memref<3x256x16xf32, #tpu.memory_space<vmem>> -> memref<1x256x16xf32, #tpu.memory_space<vmem>>
          %dma_start3A_121 = tpu.memref_squeeze %dma_start3A_120 : memref<1x256x16xf32, #tpu.memory_space<vmem>> -> memref<256x16xf32, #tpu.memory_space<vmem>>
          %dma_start3A_122 = arith.constant 0 : i32
          %dma_start3A_123 = tpu.memref_slice %arg11[%dma_start3A_117, %dma_start3A_122] : memref<8x256xi32, #tpu.memory_space<vmem>> -> memref<1x256xi32, #tpu.memory_space<vmem>>
          %dma_start3A_124 = tpu.memref_squeeze %dma_start3A_123 : memref<1x256xi32, #tpu.memory_space<vmem>> -> memref<256xi32, #tpu.memory_space<vmem>>
          %dma_start3A_125 = arith.constant 0 : i32
          %dma_start3A_126 = arith.constant 0 : i32
          %dma_start3A_127 = tpu.memref_slice %arg9[%dma_start3A_125, %dma_start3A_126] : memref<100096x16xf32, #tpu.memory_space<vmem_shared>> -> memref<100096x16xf32, #tpu.memory_space<vmem_shared>>
          tpu.enqueue_indirect_dma source(%dma_start3A_121 : memref<256x16xf32, #tpu.memory_space<vmem>>) target(%dma_start3A_127 : memref<100096x16xf32, #tpu.memory_space<vmem_shared>>) offsets(%dma_start3A_124 : memref<256xi32, #tpu.memory_space<vmem>>) semaphore(%arg17 : memref<!tpu.dma_semaphore, #tpu.memory_space<semaphore_mem>>) {add = true}
          %dma_wait3A_128 = arith.constant 0 : i32
          %dma_wait3A_129 = arith.constant 0 : i32
          %dma_wait3A_130 = arith.constant 0 : i32
          %dma_wait3A_131 = arith.constant 0 : i32
          %dma_wait3A_132 = tpu.memref_slice %arg12[%dma_wait3A_128, %dma_wait3A_130, %dma_wait3A_131] : memref<3x256x16xf32, #tpu.memory_space<vmem>> -> memref<1x256x16xf32, #tpu.memory_space<vmem>>
          %dma_wait3A_133 = tpu.memref_squeeze %dma_wait3A_132 : memref<1x256x16xf32, #tpu.memory_space<vmem>> -> memref<256x16xf32, #tpu.memory_space<vmem>>
          %dma_wait3A_134 = arith.constant 0 : i32
          %dma_wait3A_135 = tpu.memref_slice %arg11[%dma_wait3A_129, %dma_wait3A_134] : memref<8x256xi32, #tpu.memory_space<vmem>> -> memref<1x256xi32, #tpu.memory_space<vmem>>
          %dma_wait3A_136 = tpu.memref_squeeze %dma_wait3A_135 : memref<1x256xi32, #tpu.memory_space<vmem>> -> memref<256xi32, #tpu.memory_space<vmem>>
          %dma_wait3A_137 = arith.constant 0 : i32
          %dma_wait3A_138 = arith.constant 0 : i32
          %dma_wait3A_139 = tpu.memref_slice %arg9[%dma_wait3A_137, %dma_wait3A_138] : memref<100096x16xf32, #tpu.memory_space<vmem_shared>> -> memref<100096x16xf32, #tpu.memory_space<vmem_shared>>
          tpu.wait_indirect_dma semaphore(%arg17 : memref<!tpu.dma_semaphore, #tpu.memory_space<semaphore_mem>>) src(%dma_wait3A_133 : memref<256x16xf32, #tpu.memory_space<vmem>>) dst(%dma_wait3A_139 : memref<100096x16xf32, #tpu.memory_space<vmem_shared>>)
          %dma_start3A_140 = arith.constant 3 : i32
          %dma_start3A_141 = arith.constant 0 : i32
          %dma_start3A_142 = arith.constant 0 : i32
          %dma_start3A_143 = arith.constant 0 : i32
          %dma_start3A_144 = tpu.memref_slice %arg12[%dma_start3A_141, %dma_start3A_142, %dma_start3A_143] : memref<3x256x16xf32, #tpu.memory_space<vmem>> -> memref<1x256x16xf32, #tpu.memory_space<vmem>>
          %dma_start3A_145 = tpu.memref_squeeze %dma_start3A_144 : memref<1x256x16xf32, #tpu.memory_space<vmem>> -> memref<256x16xf32, #tpu.memory_space<vmem>>
          %dma_start3A_146 = arith.constant 0 : i32
          %dma_start3A_147 = tpu.memref_slice %arg10[%dma_start3A_140, %dma_start3A_146] : memref<8x256xi32, #tpu.memory_space<vmem>> -> memref<1x256xi32, #tpu.memory_space<vmem>>
          %dma_start3A_148 = tpu.memref_squeeze %dma_start3A_147 : memref<1x256xi32, #tpu.memory_space<vmem>> -> memref<256xi32, #tpu.memory_space<vmem>>
          %dma_start3A_149 = arith.constant 0 : i32
          %dma_start3A_150 = arith.constant 0 : i32
          %dma_start3A_151 = tpu.memref_slice %arg8[%dma_start3A_149, %dma_start3A_150] : memref<100096x16xf32, #tpu.memory_space<hbm>> -> memref<100096x16xf32, #tpu.memory_space<hbm>>
          tpu.enqueue_indirect_dma source(%dma_start3A_151 : memref<100096x16xf32, #tpu.memory_space<hbm>>) target(%dma_start3A_145 : memref<256x16xf32, #tpu.memory_space<vmem>>) offsets(%dma_start3A_148 : memref<256xi32, #tpu.memory_space<vmem>>) semaphore(%arg16 : memref<!tpu.dma_semaphore, #tpu.memory_space<semaphore_mem>>)
          %dma_wait3A_152 = arith.constant 2 : i32
          %dma_wait3A_153 = arith.constant 2 : i32
          %dma_wait3A_154 = arith.constant 0 : i32
          %dma_wait3A_155 = arith.constant 0 : i32
          %dma_wait3A_156 = tpu.memref_slice %arg12[%dma_wait3A_153, %dma_wait3A_154, %dma_wait3A_155] : memref<3x256x16xf32, #tpu.memory_space<vmem>> -> memref<1x256x16xf32, #tpu.memory_space<vmem>>
          %dma_wait3A_157 = tpu.memref_squeeze %dma_wait3A_156 : memref<1x256x16xf32, #tpu.memory_space<vmem>> -> memref<256x16xf32, #tpu.memory_space<vmem>>
          %dma_wait3A_158 = arith.constant 0 : i32
          %dma_wait3A_159 = tpu.memref_slice %arg10[%dma_wait3A_152, %dma_wait3A_158] : memref<8x256xi32, #tpu.memory_space<vmem>> -> memref<1x256xi32, #tpu.memory_space<vmem>>
          %dma_wait3A_160 = tpu.memref_squeeze %dma_wait3A_159 : memref<1x256xi32, #tpu.memory_space<vmem>> -> memref<256xi32, #tpu.memory_space<vmem>>
          %dma_wait3A_161 = arith.constant 0 : i32
          %dma_wait3A_162 = arith.constant 0 : i32
          %dma_wait3A_163 = tpu.memref_slice %arg8[%dma_wait3A_161, %dma_wait3A_162] : memref<100096x16xf32, #tpu.memory_space<hbm>> -> memref<100096x16xf32, #tpu.memory_space<hbm>>
          tpu.wait_indirect_dma semaphore(%arg16 : memref<!tpu.dma_semaphore, #tpu.memory_space<semaphore_mem>>) src(%dma_wait3A_163 : memref<100096x16xf32, #tpu.memory_space<hbm>>) dst(%dma_wait3A_157 : memref<256x16xf32, #tpu.memory_space<vmem>>)
          %dma_start3A_164 = arith.constant 2 : i32
          %dma_start3A_165 = arith.constant 2 : i32
          %dma_start3A_166 = arith.constant 0 : i32
          %dma_start3A_167 = arith.constant 0 : i32
          %dma_start3A_168 = tpu.memref_slice %arg12[%dma_start3A_164, %dma_start3A_166, %dma_start3A_167] : memref<3x256x16xf32, #tpu.memory_space<vmem>> -> memref<1x256x16xf32, #tpu.memory_space<vmem>>
          %dma_start3A_169 = tpu.memref_squeeze %dma_start3A_168 : memref<1x256x16xf32, #tpu.memory_space<vmem>> -> memref<256x16xf32, #tpu.memory_space<vmem>>
          %dma_start3A_170 = arith.constant 0 : i32
          %dma_start3A_171 = tpu.memref_slice %arg11[%dma_start3A_165, %dma_start3A_170] : memref<8x256xi32, #tpu.memory_space<vmem>> -> memref<1x256xi32, #tpu.memory_space<vmem>>
          %dma_start3A_172 = tpu.memref_squeeze %dma_start3A_171 : memref<1x256xi32, #tpu.memory_space<vmem>> -> memref<256xi32, #tpu.memory_space<vmem>>
          %dma_start3A_173 = arith.constant 0 : i32
          %dma_start3A_174 = arith.constant 0 : i32
          %dma_start3A_175 = tpu.memref_slice %arg9[%dma_start3A_173, %dma_start3A_174] : memref<100096x16xf32, #tpu.memory_space<vmem_shared>> -> memref<100096x16xf32, #tpu.memory_space<vmem_shared>>
          tpu.enqueue_indirect_dma source(%dma_start3A_169 : memref<256x16xf32, #tpu.memory_space<vmem>>) target(%dma_start3A_175 : memref<100096x16xf32, #tpu.memory_space<vmem_shared>>) offsets(%dma_start3A_172 : memref<256xi32, #tpu.memory_space<vmem>>) semaphore(%arg17 : memref<!tpu.dma_semaphore, #tpu.memory_space<semaphore_mem>>) {add = true}
          %dma_wait3A_176 = arith.constant 1 : i32
          %dma_wait3A_177 = arith.constant 1 : i32
          %dma_wait3A_178 = arith.constant 0 : i32
          %dma_wait3A_179 = arith.constant 0 : i32
          %dma_wait3A_180 = tpu.memref_slice %arg12[%dma_wait3A_176, %dma_wait3A_178, %dma_wait3A_179] : memref<3x256x16xf32, #tpu.memory_space<vmem>> -> memref<1x256x16xf32, #tpu.memory_space<vmem>>
          %dma_wait3A_181 = tpu.memref_squeeze %dma_wait3A_180 : memref<1x256x16xf32, #tpu.memory_space<vmem>> -> memref<256x16xf32, #tpu.memory_space<vmem>>
          %dma_wait3A_182 = arith.constant 0 : i32
          %dma_wait3A_183 = tpu.memref_slice %arg11[%dma_wait3A_177, %dma_wait3A_182] : memref<8x256xi32, #tpu.memory_space<vmem>> -> memref<1x256xi32, #tpu.memory_space<vmem>>
          %dma_wait3A_184 = tpu.memref_squeeze %dma_wait3A_183 : memref<1x256xi32, #tpu.memory_space<vmem>> -> memref<256xi32, #tpu.memory_space<vmem>>
          %dma_wait3A_185 = arith.constant 0 : i32
          %dma_wait3A_186 = arith.constant 0 : i32
          %dma_wait3A_187 = tpu.memref_slice %arg9[%dma_wait3A_185, %dma_wait3A_186] : memref<100096x16xf32, #tpu.memory_space<vmem_shared>> -> memref<100096x16xf32, #tpu.memory_space<vmem_shared>>
          tpu.wait_indirect_dma semaphore(%arg17 : memref<!tpu.dma_semaphore, #tpu.memory_space<semaphore_mem>>) src(%dma_wait3A_181 : memref<256x16xf32, #tpu.memory_space<vmem>>) dst(%dma_wait3A_187 : memref<100096x16xf32, #tpu.memory_space<vmem_shared>>)
          %dma_start3A_188 = arith.constant 4 : i32
          %dma_start3A_189 = arith.constant 1 : i32
          %dma_start3A_190 = arith.constant 0 : i32
          %dma_start3A_191 = arith.constant 0 : i32
          %dma_start3A_192 = tpu.memref_slice %arg12[%dma_start3A_189, %dma_start3A_190, %dma_start3A_191] : memref<3x256x16xf32, #tpu.memory_space<vmem>> -> memref<1x256x16xf32, #tpu.memory_space<vmem>>
          %dma_start3A_193 = tpu.memref_squeeze %dma_start3A_192 : memref<1x256x16xf32, #tpu.memory_space<vmem>> -> memref<256x16xf32, #tpu.memory_space<vmem>>
          %dma_start3A_194 = arith.constant 0 : i32
          %dma_start3A_195 = tpu.memref_slice %arg10[%dma_start3A_188, %dma_start3A_194] : memref<8x256xi32, #tpu.memory_space<vmem>> -> memref<1x256xi32, #tpu.memory_space<vmem>>
          %dma_start3A_196 = tpu.memref_squeeze %dma_start3A_195 : memref<1x256xi32, #tpu.memory_space<vmem>> -> memref<256xi32, #tpu.memory_space<vmem>>
          %dma_start3A_197 = arith.constant 0 : i32
          %dma_start3A_198 = arith.constant 0 : i32
          %dma_start3A_199 = tpu.memref_slice %arg8[%dma_start3A_197, %dma_start3A_198] : memref<100096x16xf32, #tpu.memory_space<hbm>> -> memref<100096x16xf32, #tpu.memory_space<hbm>>
          tpu.enqueue_indirect_dma source(%dma_start3A_199 : memref<100096x16xf32, #tpu.memory_space<hbm>>) target(%dma_start3A_193 : memref<256x16xf32, #tpu.memory_space<vmem>>) offsets(%dma_start3A_196 : memref<256xi32, #tpu.memory_space<vmem>>) semaphore(%arg16 : memref<!tpu.dma_semaphore, #tpu.memory_space<semaphore_mem>>)
          %dma_wait3A_200 = arith.constant 3 : i32
          %dma_wait3A_201 = arith.constant 0 : i32
          %dma_wait3A_202 = arith.constant 0 : i32
          %dma_wait3A_203 = arith.constant 0 : i32
          %dma_wait3A_204 = tpu.memref_slice %arg12[%dma_wait3A_201, %dma_wait3A_202, %dma_wait3A_203] : memref<3x256x16xf32, #tpu.memory_space<vmem>> -> memref<1x256x16xf32, #tpu.memory_space<vmem>>
          %dma_wait3A_205 = tpu.memref_squeeze %dma_wait3A_204 : memref<1x256x16xf32, #tpu.memory_space<vmem>> -> memref<256x16xf32, #tpu.memory_space<vmem>>
          %dma_wait3A_206 = arith.constant 0 : i32
          %dma_wait3A_207 = tpu.memref_slice %arg10[%dma_wait3A_200, %dma_wait3A_206] : memref<8x256xi32, #tpu.memory_space<vmem>> -> memref<1x256xi32, #tpu.memory_space<vmem>>
          %dma_wait3A_208 = tpu.memref_squeeze %dma_wait3A_207 : memref<1x256xi32, #tpu.memory_space<vmem>> -> memref<256xi32, #tpu.memory_space<vmem>>
          %dma_wait3A_209 = arith.constant 0 : i32
          %dma_wait3A_210 = arith.constant 0 : i32
          %dma_wait3A_211 = tpu.memref_slice %arg8[%dma_wait3A_209, %dma_wait3A_210] : memref<100096x16xf32, #tpu.memory_space<hbm>> -> memref<100096x16xf32, #tpu.memory_space<hbm>>
          tpu.wait_indirect_dma semaphore(%arg16 : memref<!tpu.dma_semaphore, #tpu.memory_space<semaphore_mem>>) src(%dma_wait3A_211 : memref<100096x16xf32, #tpu.memory_space<hbm>>) dst(%dma_wait3A_205 : memref<256x16xf32, #tpu.memory_space<vmem>>)
          %dma_start3A_212 = arith.constant 0 : i32
          %dma_start3A_213 = arith.constant 3 : i32
          %dma_start3A_214 = arith.constant 0 : i32
          %dma_start3A_215 = arith.constant 0 : i32
          %dma_start3A_216 = tpu.memref_slice %arg12[%dma_start3A_212, %dma_start3A_214, %dma_start3A_215] : memref<3x256x16xf32, #tpu.memory_space<vmem>> -> memref<1x256x16xf32, #tpu.memory_space<vmem>>
          %dma_start3A_217 = tpu.memref_squeeze %dma_start3A_216 : memref<1x256x16xf32, #tpu.memory_space<vmem>> -> memref<256x16xf32, #tpu.memory_space<vmem>>
          %dma_start3A_218 = arith.constant 0 : i32
          %dma_start3A_219 = tpu.memref_slice %arg11[%dma_start3A_213, %dma_start3A_218] : memref<8x256xi32, #tpu.memory_space<vmem>> -> memref<1x256xi32, #tpu.memory_space<vmem>>
          %dma_start3A_220 = tpu.memref_squeeze %dma_start3A_219 : memref<1x256xi32, #tpu.memory_space<vmem>> -> memref<256xi32, #tpu.memory_space<vmem>>
          %dma_start3A_221 = arith.constant 0 : i32
          %dma_start3A_222 = arith.constant 0 : i32
          %dma_start3A_223 = tpu.memref_slice %arg9[%dma_start3A_221, %dma_start3A_222] : memref<100096x16xf32, #tpu.memory_space<vmem_shared>> -> memref<100096x16xf32, #tpu.memory_space<vmem_shared>>
          tpu.enqueue_indirect_dma source(%dma_start3A_217 : memref<256x16xf32, #tpu.memory_space<vmem>>) target(%dma_start3A_223 : memref<100096x16xf32, #tpu.memory_space<vmem_shared>>) offsets(%dma_start3A_220 : memref<256xi32, #tpu.memory_space<vmem>>) semaphore(%arg17 : memref<!tpu.dma_semaphore, #tpu.memory_space<semaphore_mem>>) {add = true}
          %dma_wait3A_224 = arith.constant 2 : i32
          %dma_wait3A_225 = arith.constant 2 : i32
          %dma_wait3A_226 = arith.constant 0 : i32
          %dma_wait3A_227 = arith.constant 0 : i32
          %dma_wait3A_228 = tpu.memref_slice %arg12[%dma_wait3A_224, %dma_wait3A_226, %dma_wait3A_227] : memref<3x256x16xf32, #tpu.memory_space<vmem>> -> memref<1x256x16xf32, #tpu.memory_space<vmem>>
          %dma_wait3A_229 = tpu.memref_squeeze %dma_wait3A_228 : memref<1x256x16xf32, #tpu.memory_space<vmem>> -> memref<256x16xf32, #tpu.memory_space<vmem>>
          %dma_wait3A_230 = arith.constant 0 : i32
          %dma_wait3A_231 = tpu.memref_slice %arg11[%dma_wait3A_225, %dma_wait3A_230] : memref<8x256xi32, #tpu.memory_space<vmem>> -> memref<1x256xi32, #tpu.memory_space<vmem>>
          %dma_wait3A_232 = tpu.memref_squeeze %dma_wait3A_231 : memref<1x256xi32, #tpu.memory_space<vmem>> -> memref<256xi32, #tpu.memory_space<vmem>>
          %dma_wait3A_233 = arith.constant 0 : i32
          %dma_wait3A_234 = arith.constant 0 : i32
          %dma_wait3A_235 = tpu.memref_slice %arg9[%dma_wait3A_233, %dma_wait3A_234] : memref<100096x16xf32, #tpu.memory_space<vmem_shared>> -> memref<100096x16xf32, #tpu.memory_space<vmem_shared>>
          tpu.wait_indirect_dma semaphore(%arg17 : memref<!tpu.dma_semaphore, #tpu.memory_space<semaphore_mem>>) src(%dma_wait3A_229 : memref<256x16xf32, #tpu.memory_space<vmem>>) dst(%dma_wait3A_235 : memref<100096x16xf32, #tpu.memory_space<vmem_shared>>)
          %dma_start3A_236 = arith.constant 5 : i32
          %dma_start3A_237 = arith.constant 2 : i32
          %dma_start3A_238 = arith.constant 0 : i32
          %dma_start3A_239 = arith.constant 0 : i32
          %dma_start3A_240 = tpu.memref_slice %arg12[%dma_start3A_237, %dma_start3A_238, %dma_start3A_239] : memref<3x256x16xf32, #tpu.memory_space<vmem>> -> memref<1x256x16xf32, #tpu.memory_space<vmem>>
          %dma_start3A_241 = tpu.memref_squeeze %dma_start3A_240 : memref<1x256x16xf32, #tpu.memory_space<vmem>> -> memref<256x16xf32, #tpu.memory_space<vmem>>
          %dma_start3A_242 = arith.constant 0 : i32
          %dma_start3A_243 = tpu.memref_slice %arg10[%dma_start3A_236, %dma_start3A_242] : memref<8x256xi32, #tpu.memory_space<vmem>> -> memref<1x256xi32, #tpu.memory_space<vmem>>
          %dma_start3A_244 = tpu.memref_squeeze %dma_start3A_243 : memref<1x256xi32, #tpu.memory_space<vmem>> -> memref<256xi32, #tpu.memory_space<vmem>>
          %dma_start3A_245 = arith.constant 0 : i32
          %dma_start3A_246 = arith.constant 0 : i32
          %dma_start3A_247 = tpu.memref_slice %arg8[%dma_start3A_245, %dma_start3A_246] : memref<100096x16xf32, #tpu.memory_space<hbm>> -> memref<100096x16xf32, #tpu.memory_space<hbm>>
          tpu.enqueue_indirect_dma source(%dma_start3A_247 : memref<100096x16xf32, #tpu.memory_space<hbm>>) target(%dma_start3A_241 : memref<256x16xf32, #tpu.memory_space<vmem>>) offsets(%dma_start3A_244 : memref<256xi32, #tpu.memory_space<vmem>>) semaphore(%arg16 : memref<!tpu.dma_semaphore, #tpu.memory_space<semaphore_mem>>)
          %dma_wait3A_248 = arith.constant 4 : i32
          %dma_wait3A_249 = arith.constant 1 : i32
          %dma_wait3A_250 = arith.constant 0 : i32
          %dma_wait3A_251 = arith.constant 0 : i32
          %dma_wait3A_252 = tpu.memref_slice %arg12[%dma_wait3A_249, %dma_wait3A_250, %dma_wait3A_251] : memref<3x256x16xf32, #tpu.memory_space<vmem>> -> memref<1x256x16xf32, #tpu.memory_space<vmem>>
          %dma_wait3A_253 = tpu.memref_squeeze %dma_wait3A_252 : memref<1x256x16xf32, #tpu.memory_space<vmem>> -> memref<256x16xf32, #tpu.memory_space<vmem>>
          %dma_wait3A_254 = arith.constant 0 : i32
          %dma_wait3A_255 = tpu.memref_slice %arg10[%dma_wait3A_248, %dma_wait3A_254] : memref<8x256xi32, #tpu.memory_space<vmem>> -> memref<1x256xi32, #tpu.memory_space<vmem>>
          %dma_wait3A_256 = tpu.memref_squeeze %dma_wait3A_255 : memref<1x256xi32, #tpu.memory_space<vmem>> -> memref<256xi32, #tpu.memory_space<vmem>>
          %dma_wait3A_257 = arith.constant 0 : i32
          %dma_wait3A_258 = arith.constant 0 : i32
          %dma_wait3A_259 = tpu.memref_slice %arg8[%dma_wait3A_257, %dma_wait3A_258] : memref<100096x16xf32, #tpu.memory_space<hbm>> -> memref<100096x16xf32, #tpu.memory_space<hbm>>
          tpu.wait_indirect_dma semaphore(%arg16 : memref<!tpu.dma_semaphore, #tpu.memory_space<semaphore_mem>>) src(%dma_wait3A_259 : memref<100096x16xf32, #tpu.memory_space<hbm>>) dst(%dma_wait3A_253 : memref<256x16xf32, #tpu.memory_space<vmem>>)
          %dma_start3A_260 = arith.constant 1 : i32
          %dma_start3A_261 = arith.constant 4 : i32
          %dma_start3A_262 = arith.constant 0 : i32
          %dma_start3A_263 = arith.constant 0 : i32
          %dma_start3A_264 = tpu.memref_slice %arg12[%dma_start3A_260, %dma_start3A_262, %dma_start3A_263] : memref<3x256x16xf32, #tpu.memory_space<vmem>> -> memref<1x256x16xf32, #tpu.memory_space<vmem>>
          %dma_start3A_265 = tpu.memref_squeeze %dma_start3A_264 : memref<1x256x16xf32, #tpu.memory_space<vmem>> -> memref<256x16xf32, #tpu.memory_space<vmem>>
          %dma_start3A_266 = arith.constant 0 : i32
          %dma_start3A_267 = tpu.memref_slice %arg11[%dma_start3A_261, %dma_start3A_266] : memref<8x256xi32, #tpu.memory_space<vmem>> -> memref<1x256xi32, #tpu.memory_space<vmem>>
          %dma_start3A_268 = tpu.memref_squeeze %dma_start3A_267 : memref<1x256xi32, #tpu.memory_space<vmem>> -> memref<256xi32, #tpu.memory_space<vmem>>
          %dma_start3A_269 = arith.constant 0 : i32
          %dma_start3A_270 = arith.constant 0 : i32
          %dma_start3A_271 = tpu.memref_slice %arg9[%dma_start3A_269, %dma_start3A_270] : memref<100096x16xf32, #tpu.memory_space<vmem_shared>> -> memref<100096x16xf32, #tpu.memory_space<vmem_shared>>
          tpu.enqueue_indirect_dma source(%dma_start3A_265 : memref<256x16xf32, #tpu.memory_space<vmem>>) target(%dma_start3A_271 : memref<100096x16xf32, #tpu.memory_space<vmem_shared>>) offsets(%dma_start3A_268 : memref<256xi32, #tpu.memory_space<vmem>>) semaphore(%arg17 : memref<!tpu.dma_semaphore, #tpu.memory_space<semaphore_mem>>) {add = true}
          %dma_wait3A_272 = arith.constant 0 : i32
          %dma_wait3A_273 = arith.constant 3 : i32
          %dma_wait3A_274 = arith.constant 0 : i32
          %dma_wait3A_275 = arith.constant 0 : i32
          %dma_wait3A_276 = tpu.memref_slice %arg12[%dma_wait3A_272, %dma_wait3A_274, %dma_wait3A_275] : memref<3x256x16xf32, #tpu.memory_space<vmem>> -> memref<1x256x16xf32, #tpu.memory_space<vmem>>
          %dma_wait3A_277 = tpu.memref_squeeze %dma_wait3A_276 : memref<1x256x16xf32, #tpu.memory_space<vmem>> -> memref<256x16xf32, #tpu.memory_space<vmem>>
          %dma_wait3A_278 = arith.constant 0 : i32
          %dma_wait3A_279 = tpu.memref_slice %arg11[%dma_wait3A_273, %dma_wait3A_278] : memref<8x256xi32, #tpu.memory_space<vmem>> -> memref<1x256xi32, #tpu.memory_space<vmem>>
          %dma_wait3A_280 = tpu.memref_squeeze %dma_wait3A_279 : memref<1x256xi32, #tpu.memory_space<vmem>> -> memref<256xi32, #tpu.memory_space<vmem>>
          %dma_wait3A_281 = arith.constant 0 : i32
          %dma_wait3A_282 = arith.constant 0 : i32
          %dma_wait3A_283 = tpu.memref_slice %arg9[%dma_wait3A_281, %dma_wait3A_282] : memref<100096x16xf32, #tpu.memory_space<vmem_shared>> -> memref<100096x16xf32, #tpu.memory_space<vmem_shared>>
          tpu.wait_indirect_dma semaphore(%arg17 : memref<!tpu.dma_semaphore, #tpu.memory_space<semaphore_mem>>) src(%dma_wait3A_277 : memref<256x16xf32, #tpu.memory_space<vmem>>) dst(%dma_wait3A_283 : memref<100096x16xf32, #tpu.memory_space<vmem_shared>>)
          %dma_start3A_284 = arith.constant 6 : i32
          %dma_start3A_285 = arith.constant 0 : i32
          %dma_start3A_286 = arith.constant 0 : i32
          %dma_start3A_287 = arith.constant 0 : i32
          %dma_start3A_288 = tpu.memref_slice %arg12[%dma_start3A_285, %dma_start3A_286, %dma_start3A_287] : memref<3x256x16xf32, #tpu.memory_space<vmem>> -> memref<1x256x16xf32, #tpu.memory_space<vmem>>
          %dma_start3A_289 = tpu.memref_squeeze %dma_start3A_288 : memref<1x256x16xf32, #tpu.memory_space<vmem>> -> memref<256x16xf32, #tpu.memory_space<vmem>>
          %dma_start3A_290 = arith.constant 0 : i32
          %dma_start3A_291 = tpu.memref_slice %arg10[%dma_start3A_284, %dma_start3A_290] : memref<8x256xi32, #tpu.memory_space<vmem>> -> memref<1x256xi32, #tpu.memory_space<vmem>>
          %dma_start3A_292 = tpu.memref_squeeze %dma_start3A_291 : memref<1x256xi32, #tpu.memory_space<vmem>> -> memref<256xi32, #tpu.memory_space<vmem>>
          %dma_start3A_293 = arith.constant 0 : i32
          %dma_start3A_294 = arith.constant 0 : i32
          %dma_start3A_295 = tpu.memref_slice %arg8[%dma_start3A_293, %dma_start3A_294] : memref<100096x16xf32, #tpu.memory_space<hbm>> -> memref<100096x16xf32, #tpu.memory_space<hbm>>
          tpu.enqueue_indirect_dma source(%dma_start3A_295 : memref<100096x16xf32, #tpu.memory_space<hbm>>) target(%dma_start3A_289 : memref<256x16xf32, #tpu.memory_space<vmem>>) offsets(%dma_start3A_292 : memref<256xi32, #tpu.memory_space<vmem>>) semaphore(%arg16 : memref<!tpu.dma_semaphore, #tpu.memory_space<semaphore_mem>>)
          %dma_wait3A_296 = arith.constant 5 : i32
          %dma_wait3A_297 = arith.constant 2 : i32
          %dma_wait3A_298 = arith.constant 0 : i32
          %dma_wait3A_299 = arith.constant 0 : i32
          %dma_wait3A_300 = tpu.memref_slice %arg12[%dma_wait3A_297, %dma_wait3A_298, %dma_wait3A_299] : memref<3x256x16xf32, #tpu.memory_space<vmem>> -> memref<1x256x16xf32, #tpu.memory_space<vmem>>
          %dma_wait3A_301 = tpu.memref_squeeze %dma_wait3A_300 : memref<1x256x16xf32, #tpu.memory_space<vmem>> -> memref<256x16xf32, #tpu.memory_space<vmem>>
          %dma_wait3A_302 = arith.constant 0 : i32
          %dma_wait3A_303 = tpu.memref_slice %arg10[%dma_wait3A_296, %dma_wait3A_302] : memref<8x256xi32, #tpu.memory_space<vmem>> -> memref<1x256xi32, #tpu.memory_space<vmem>>
          %dma_wait3A_304 = tpu.memref_squeeze %dma_wait3A_303 : memref<1x256xi32, #tpu.memory_space<vmem>> -> memref<256xi32, #tpu.memory_space<vmem>>
          %dma_wait3A_305 = arith.constant 0 : i32
          %dma_wait3A_306 = arith.constant 0 : i32
          %dma_wait3A_307 = tpu.memref_slice %arg8[%dma_wait3A_305, %dma_wait3A_306] : memref<100096x16xf32, #tpu.memory_space<hbm>> -> memref<100096x16xf32, #tpu.memory_space<hbm>>
          tpu.wait_indirect_dma semaphore(%arg16 : memref<!tpu.dma_semaphore, #tpu.memory_space<semaphore_mem>>) src(%dma_wait3A_307 : memref<100096x16xf32, #tpu.memory_space<hbm>>) dst(%dma_wait3A_301 : memref<256x16xf32, #tpu.memory_space<vmem>>)
          %dma_start3A_308 = arith.constant 2 : i32
          %dma_start3A_309 = arith.constant 5 : i32
          %dma_start3A_310 = arith.constant 0 : i32
          %dma_start3A_311 = arith.constant 0 : i32
          %dma_start3A_312 = tpu.memref_slice %arg12[%dma_start3A_308, %dma_start3A_310, %dma_start3A_311] : memref<3x256x16xf32, #tpu.memory_space<vmem>> -> memref<1x256x16xf32, #tpu.memory_space<vmem>>
          %dma_start3A_313 = tpu.memref_squeeze %dma_start3A_312 : memref<1x256x16xf32, #tpu.memory_space<vmem>> -> memref<256x16xf32, #tpu.memory_space<vmem>>
          %dma_start3A_314 = arith.constant 0 : i32
          %dma_start3A_315 = tpu.memref_slice %arg11[%dma_start3A_309, %dma_start3A_314] : memref<8x256xi32, #tpu.memory_space<vmem>> -> memref<1x256xi32, #tpu.memory_space<vmem>>
          %dma_start3A_316 = tpu.memref_squeeze %dma_start3A_315 : memref<1x256xi32, #tpu.memory_space<vmem>> -> memref<256xi32, #tpu.memory_space<vmem>>
          %dma_start3A_317 = arith.constant 0 : i32
          %dma_start3A_318 = arith.constant 0 : i32
          %dma_start3A_319 = tpu.memref_slice %arg9[%dma_start3A_317, %dma_start3A_318] : memref<100096x16xf32, #tpu.memory_space<vmem_shared>> -> memref<100096x16xf32, #tpu.memory_space<vmem_shared>>
          tpu.enqueue_indirect_dma source(%dma_start3A_313 : memref<256x16xf32, #tpu.memory_space<vmem>>) target(%dma_start3A_319 : memref<100096x16xf32, #tpu.memory_space<vmem_shared>>) offsets(%dma_start3A_316 : memref<256xi32, #tpu.memory_space<vmem>>) semaphore(%arg17 : memref<!tpu.dma_semaphore, #tpu.memory_space<semaphore_mem>>) {add = true}
          %dma_wait3A_320 = arith.constant 1 : i32
          %dma_wait3A_321 = arith.constant 4 : i32
          %dma_wait3A_322 = arith.constant 0 : i32
          %dma_wait3A_323 = arith.constant 0 : i32
          %dma_wait3A_324 = tpu.memref_slice %arg12[%dma_wait3A_320, %dma_wait3A_322, %dma_wait3A_323] : memref<3x256x16xf32, #tpu.memory_space<vmem>> -> memref<1x256x16xf32, #tpu.memory_space<vmem>>
          %dma_wait3A_325 = tpu.memref_squeeze %dma_wait3A_324 : memref<1x256x16xf32, #tpu.memory_space<vmem>> -> memref<256x16xf32, #tpu.memory_space<vmem>>
          %dma_wait3A_326 = arith.constant 0 : i32
          %dma_wait3A_327 = tpu.memref_slice %arg11[%dma_wait3A_321, %dma_wait3A_326] : memref<8x256xi32, #tpu.memory_space<vmem>> -> memref<1x256xi32, #tpu.memory_space<vmem>>
          %dma_wait3A_328 = tpu.memref_squeeze %dma_wait3A_327 : memref<1x256xi32, #tpu.memory_space<vmem>> -> memref<256xi32, #tpu.memory_space<vmem>>
          %dma_wait3A_329 = arith.constant 0 : i32
          %dma_wait3A_330 = arith.constant 0 : i32
          %dma_wait3A_331 = tpu.memref_slice %arg9[%dma_wait3A_329, %dma_wait3A_330] : memref<100096x16xf32, #tpu.memory_space<vmem_shared>> -> memref<100096x16xf32, #tpu.memory_space<vmem_shared>>
          tpu.wait_indirect_dma semaphore(%arg17 : memref<!tpu.dma_semaphore, #tpu.memory_space<semaphore_mem>>) src(%dma_wait3A_325 : memref<256x16xf32, #tpu.memory_space<vmem>>) dst(%dma_wait3A_331 : memref<100096x16xf32, #tpu.memory_space<vmem_shared>>)
          %dma_start3A_332 = arith.constant 7 : i32
          %dma_start3A_333 = arith.constant 1 : i32
          %dma_start3A_334 = arith.constant 0 : i32
          %dma_start3A_335 = arith.constant 0 : i32
          %dma_start3A_336 = tpu.memref_slice %arg12[%dma_start3A_333, %dma_start3A_334, %dma_start3A_335] : memref<3x256x16xf32, #tpu.memory_space<vmem>> -> memref<1x256x16xf32, #tpu.memory_space<vmem>>
          %dma_start3A_337 = tpu.memref_squeeze %dma_start3A_336 : memref<1x256x16xf32, #tpu.memory_space<vmem>> -> memref<256x16xf32, #tpu.memory_space<vmem>>
          %dma_start3A_338 = arith.constant 0 : i32
          %dma_start3A_339 = tpu.memref_slice %arg10[%dma_start3A_332, %dma_start3A_338] : memref<8x256xi32, #tpu.memory_space<vmem>> -> memref<1x256xi32, #tpu.memory_space<vmem>>
          %dma_start3A_340 = tpu.memref_squeeze %dma_start3A_339 : memref<1x256xi32, #tpu.memory_space<vmem>> -> memref<256xi32, #tpu.memory_space<vmem>>
          %dma_start3A_341 = arith.constant 0 : i32
          %dma_start3A_342 = arith.constant 0 : i32
          %dma_start3A_343 = tpu.memref_slice %arg8[%dma_start3A_341, %dma_start3A_342] : memref<100096x16xf32, #tpu.memory_space<hbm>> -> memref<100096x16xf32, #tpu.memory_space<hbm>>
          tpu.enqueue_indirect_dma source(%dma_start3A_343 : memref<100096x16xf32, #tpu.memory_space<hbm>>) target(%dma_start3A_337 : memref<256x16xf32, #tpu.memory_space<vmem>>) offsets(%dma_start3A_340 : memref<256xi32, #tpu.memory_space<vmem>>) semaphore(%arg16 : memref<!tpu.dma_semaphore, #tpu.memory_space<semaphore_mem>>)
          %dma_wait3A_344 = arith.constant 6 : i32
          %dma_wait3A_345 = arith.constant 0 : i32
          %dma_wait3A_346 = arith.constant 0 : i32
          %dma_wait3A_347 = arith.constant 0 : i32
          %dma_wait3A_348 = tpu.memref_slice %arg12[%dma_wait3A_345, %dma_wait3A_346, %dma_wait3A_347] : memref<3x256x16xf32, #tpu.memory_space<vmem>> -> memref<1x256x16xf32, #tpu.memory_space<vmem>>
          %dma_wait3A_349 = tpu.memref_squeeze %dma_wait3A_348 : memref<1x256x16xf32, #tpu.memory_space<vmem>> -> memref<256x16xf32, #tpu.memory_space<vmem>>
          %dma_wait3A_350 = arith.constant 0 : i32
          %dma_wait3A_351 = tpu.memref_slice %arg10[%dma_wait3A_344, %dma_wait3A_350] : memref<8x256xi32, #tpu.memory_space<vmem>> -> memref<1x256xi32, #tpu.memory_space<vmem>>
          %dma_wait3A_352 = tpu.memref_squeeze %dma_wait3A_351 : memref<1x256xi32, #tpu.memory_space<vmem>> -> memref<256xi32, #tpu.memory_space<vmem>>
          %dma_wait3A_353 = arith.constant 0 : i32
          %dma_wait3A_354 = arith.constant 0 : i32
          %dma_wait3A_355 = tpu.memref_slice %arg8[%dma_wait3A_353, %dma_wait3A_354] : memref<100096x16xf32, #tpu.memory_space<hbm>> -> memref<100096x16xf32, #tpu.memory_space<hbm>>
          tpu.wait_indirect_dma semaphore(%arg16 : memref<!tpu.dma_semaphore, #tpu.memory_space<semaphore_mem>>) src(%dma_wait3A_355 : memref<100096x16xf32, #tpu.memory_space<hbm>>) dst(%dma_wait3A_349 : memref<256x16xf32, #tpu.memory_space<vmem>>)
          %dma_start3A_356 = arith.constant 0 : i32
          %dma_start3A_357 = arith.constant 6 : i32
          %dma_start3A_358 = arith.constant 0 : i32
          %dma_start3A_359 = arith.constant 0 : i32
          %dma_start3A_360 = tpu.memref_slice %arg12[%dma_start3A_356, %dma_start3A_358, %dma_start3A_359] : memref<3x256x16xf32, #tpu.memory_space<vmem>> -> memref<1x256x16xf32, #tpu.memory_space<vmem>>
          %dma_start3A_361 = tpu.memref_squeeze %dma_start3A_360 : memref<1x256x16xf32, #tpu.memory_space<vmem>> -> memref<256x16xf32, #tpu.memory_space<vmem>>
          %dma_start3A_362 = arith.constant 0 : i32
          %dma_start3A_363 = tpu.memref_slice %arg11[%dma_start3A_357, %dma_start3A_362] : memref<8x256xi32, #tpu.memory_space<vmem>> -> memref<1x256xi32, #tpu.memory_space<vmem>>
          %dma_start3A_364 = tpu.memref_squeeze %dma_start3A_363 : memref<1x256xi32, #tpu.memory_space<vmem>> -> memref<256xi32, #tpu.memory_space<vmem>>
          %dma_start3A_365 = arith.constant 0 : i32
          %dma_start3A_366 = arith.constant 0 : i32
          %dma_start3A_367 = tpu.memref_slice %arg9[%dma_start3A_365, %dma_start3A_366] : memref<100096x16xf32, #tpu.memory_space<vmem_shared>> -> memref<100096x16xf32, #tpu.memory_space<vmem_shared>>
          tpu.enqueue_indirect_dma source(%dma_start3A_361 : memref<256x16xf32, #tpu.memory_space<vmem>>) target(%dma_start3A_367 : memref<100096x16xf32, #tpu.memory_space<vmem_shared>>) offsets(%dma_start3A_364 : memref<256xi32, #tpu.memory_space<vmem>>) semaphore(%arg17 : memref<!tpu.dma_semaphore, #tpu.memory_space<semaphore_mem>>) {add = true}
          %dma_wait3A_368 = arith.constant 2 : i32
          %dma_wait3A_369 = arith.constant 5 : i32
          %dma_wait3A_370 = arith.constant 0 : i32
          %dma_wait3A_371 = arith.constant 0 : i32
          %dma_wait3A_372 = tpu.memref_slice %arg12[%dma_wait3A_368, %dma_wait3A_370, %dma_wait3A_371] : memref<3x256x16xf32, #tpu.memory_space<vmem>> -> memref<1x256x16xf32, #tpu.memory_space<vmem>>
          %dma_wait3A_373 = tpu.memref_squeeze %dma_wait3A_372 : memref<1x256x16xf32, #tpu.memory_space<vmem>> -> memref<256x16xf32, #tpu.memory_space<vmem>>
          %dma_wait3A_374 = arith.constant 0 : i32
          %dma_wait3A_375 = tpu.memref_slice %arg11[%dma_wait3A_369, %dma_wait3A_374] : memref<8x256xi32, #tpu.memory_space<vmem>> -> memref<1x256xi32, #tpu.memory_space<vmem>>
          %dma_wait3A_376 = tpu.memref_squeeze %dma_wait3A_375 : memref<1x256xi32, #tpu.memory_space<vmem>> -> memref<256xi32, #tpu.memory_space<vmem>>
          %dma_wait3A_377 = arith.constant 0 : i32
          %dma_wait3A_378 = arith.constant 0 : i32
          %dma_wait3A_379 = tpu.memref_slice %arg9[%dma_wait3A_377, %dma_wait3A_378] : memref<100096x16xf32, #tpu.memory_space<vmem_shared>> -> memref<100096x16xf32, #tpu.memory_space<vmem_shared>>
          tpu.wait_indirect_dma semaphore(%arg17 : memref<!tpu.dma_semaphore, #tpu.memory_space<semaphore_mem>>) src(%dma_wait3A_373 : memref<256x16xf32, #tpu.memory_space<vmem>>) dst(%dma_wait3A_379 : memref<100096x16xf32, #tpu.memory_space<vmem_shared>>)
          %dma_wait3A_380 = arith.constant 7 : i32
          %dma_wait3A_381 = arith.constant 1 : i32
          %dma_wait3A_382 = arith.constant 0 : i32
          %dma_wait3A_383 = arith.constant 0 : i32
          %dma_wait3A_384 = tpu.memref_slice %arg12[%dma_wait3A_381, %dma_wait3A_382, %dma_wait3A_383] : memref<3x256x16xf32, #tpu.memory_space<vmem>> -> memref<1x256x16xf32, #tpu.memory_space<vmem>>
          %dma_wait3A_385 = tpu.memref_squeeze %dma_wait3A_384 : memref<1x256x16xf32, #tpu.memory_space<vmem>> -> memref<256x16xf32, #tpu.memory_space<vmem>>
          %dma_wait3A_386 = arith.constant 0 : i32
          %dma_wait3A_387 = tpu.memref_slice %arg10[%dma_wait3A_380, %dma_wait3A_386] : memref<8x256xi32, #tpu.memory_space<vmem>> -> memref<1x256xi32, #tpu.memory_space<vmem>>
          %dma_wait3A_388 = tpu.memref_squeeze %dma_wait3A_387 : memref<1x256xi32, #tpu.memory_space<vmem>> -> memref<256xi32, #tpu.memory_space<vmem>>
          %dma_wait3A_389 = arith.constant 0 : i32
          %dma_wait3A_390 = arith.constant 0 : i32
          %dma_wait3A_391 = tpu.memref_slice %arg8[%dma_wait3A_389, %dma_wait3A_390] : memref<100096x16xf32, #tpu.memory_space<hbm>> -> memref<100096x16xf32, #tpu.memory_space<hbm>>
          tpu.wait_indirect_dma semaphore(%arg16 : memref<!tpu.dma_semaphore, #tpu.memory_space<semaphore_mem>>) src(%dma_wait3A_391 : memref<100096x16xf32, #tpu.memory_space<hbm>>) dst(%dma_wait3A_385 : memref<256x16xf32, #tpu.memory_space<vmem>>)
          %dma_start3A_392 = arith.constant 1 : i32
          %dma_start3A_393 = arith.constant 7 : i32
          %dma_start3A_394 = arith.constant 0 : i32
          %dma_start3A_395 = arith.constant 0 : i32
          %dma_start3A_396 = tpu.memref_slice %arg12[%dma_start3A_392, %dma_start3A_394, %dma_start3A_395] : memref<3x256x16xf32, #tpu.memory_space<vmem>> -> memref<1x256x16xf32, #tpu.memory_space<vmem>>
          %dma_start3A_397 = tpu.memref_squeeze %dma_start3A_396 : memref<1x256x16xf32, #tpu.memory_space<vmem>> -> memref<256x16xf32, #tpu.memory_space<vmem>>
          %dma_start3A_398 = arith.constant 0 : i32
          %dma_start3A_399 = tpu.memref_slice %arg11[%dma_start3A_393, %dma_start3A_398] : memref<8x256xi32, #tpu.memory_space<vmem>> -> memref<1x256xi32, #tpu.memory_space<vmem>>
          %dma_start3A_400 = tpu.memref_squeeze %dma_start3A_399 : memref<1x256xi32, #tpu.memory_space<vmem>> -> memref<256xi32, #tpu.memory_space<vmem>>
          %dma_start3A_401 = arith.constant 0 : i32
          %dma_start3A_402 = arith.constant 0 : i32
          %dma_start3A_403 = tpu.memref_slice %arg9[%dma_start3A_401, %dma_start3A_402] : memref<100096x16xf32, #tpu.memory_space<vmem_shared>> -> memref<100096x16xf32, #tpu.memory_space<vmem_shared>>
          tpu.enqueue_indirect_dma source(%dma_start3A_397 : memref<256x16xf32, #tpu.memory_space<vmem>>) target(%dma_start3A_403 : memref<100096x16xf32, #tpu.memory_space<vmem_shared>>) offsets(%dma_start3A_400 : memref<256xi32, #tpu.memory_space<vmem>>) semaphore(%arg17 : memref<!tpu.dma_semaphore, #tpu.memory_space<semaphore_mem>>) {add = true}
          %dma_wait3A_404 = arith.constant 0 : i32
          %dma_wait3A_405 = arith.constant 6 : i32
          %dma_wait3A_406 = arith.constant 0 : i32
          %dma_wait3A_407 = arith.constant 0 : i32
          %dma_wait3A_408 = tpu.memref_slice %arg12[%dma_wait3A_404, %dma_wait3A_406, %dma_wait3A_407] : memref<3x256x16xf32, #tpu.memory_space<vmem>> -> memref<1x256x16xf32, #tpu.memory_space<vmem>>
          %dma_wait3A_409 = tpu.memref_squeeze %dma_wait3A_408 : memref<1x256x16xf32, #tpu.memory_space<vmem>> -> memref<256x16xf32, #tpu.memory_space<vmem>>
          %dma_wait3A_410 = arith.constant 0 : i32
          %dma_wait3A_411 = tpu.memref_slice %arg11[%dma_wait3A_405, %dma_wait3A_410] : memref<8x256xi32, #tpu.memory_space<vmem>> -> memref<1x256xi32, #tpu.memory_space<vmem>>
          %dma_wait3A_412 = tpu.memref_squeeze %dma_wait3A_411 : memref<1x256xi32, #tpu.memory_space<vmem>> -> memref<256xi32, #tpu.memory_space<vmem>>
          %dma_wait3A_413 = arith.constant 0 : i32
          %dma_wait3A_414 = arith.constant 0 : i32
          %dma_wait3A_415 = tpu.memref_slice %arg9[%dma_wait3A_413, %dma_wait3A_414] : memref<100096x16xf32, #tpu.memory_space<vmem_shared>> -> memref<100096x16xf32, #tpu.memory_space<vmem_shared>>
          tpu.wait_indirect_dma semaphore(%arg17 : memref<!tpu.dma_semaphore, #tpu.memory_space<semaphore_mem>>) src(%dma_wait3A_409 : memref<256x16xf32, #tpu.memory_space<vmem>>) dst(%dma_wait3A_415 : memref<100096x16xf32, #tpu.memory_space<vmem_shared>>)
          %dma_wait3A_416 = arith.constant 1 : i32
          %dma_wait3A_417 = arith.constant 7 : i32
          %dma_wait3A_418 = arith.constant 0 : i32
          %dma_wait3A_419 = arith.constant 0 : i32
          %dma_wait3A_420 = tpu.memref_slice %arg12[%dma_wait3A_416, %dma_wait3A_418, %dma_wait3A_419] : memref<3x256x16xf32, #tpu.memory_space<vmem>> -> memref<1x256x16xf32, #tpu.memory_space<vmem>>
          %dma_wait3A_421 = tpu.memref_squeeze %dma_wait3A_420 : memref<1x256x16xf32, #tpu.memory_space<vmem>> -> memref<256x16xf32, #tpu.memory_space<vmem>>
          %dma_wait3A_422 = arith.constant 0 : i32
          %dma_wait3A_423 = tpu.memref_slice %arg11[%dma_wait3A_417, %dma_wait3A_422] : memref<8x256xi32, #tpu.memory_space<vmem>> -> memref<1x256xi32, #tpu.memory_space<vmem>>
          %dma_wait3A_424 = tpu.memref_squeeze %dma_wait3A_423 : memref<1x256xi32, #tpu.memory_space<vmem>> -> memref<256xi32, #tpu.memory_space<vmem>>
          %dma_wait3A_425 = arith.constant 0 : i32
          %dma_wait3A_426 = arith.constant 0 : i32
          %dma_wait3A_427 = tpu.memref_slice %arg9[%dma_wait3A_425, %dma_wait3A_426] : memref<100096x16xf32, #tpu.memory_space<vmem_shared>> -> memref<100096x16xf32, #tpu.memory_space<vmem_shared>>
          tpu.wait_indirect_dma semaphore(%arg17 : memref<!tpu.dma_semaphore, #tpu.memory_space<semaphore_mem>>) src(%dma_wait3A_421 : memref<256x16xf32, #tpu.memory_space<vmem>>) dst(%dma_wait3A_427 : memref<100096x16xf32, #tpu.memory_space<vmem_shared>>)
          %scan3A_428 = arith.constant 0 : i32
          scf.yield %scan3A_428 : i32
        }
        %scan3A_31 = arith.constant 50 : i32
        %barrier3A_32 = arith.constant 0 : index
        tpu.barrier barrier_id(%barrier3A_32)
        "tpu.trace_stop"() : () -> ()
        "tpu.trace_start"() <{level = 10 : i32, message = "p3_combine"}> : () -> ()
        %scan3A_33 = arith.constant 0 : i32
        %scan3A_34 = arith.constant 0 : i32
        %scan3A_35 = arith.constant 23 : i32
        %scan3A_36 = arith.addi %scan3A_34, %scan3A_35 : i32
        %scan3A_37 = arith.constant 1 : i32
        %scan3A_38 = scf.for %scan3A_42 = %scan3A_34 to %scan3A_36 step %scan3A_37 iter_args(%scan3A_43 = %scan3A_33) -> (i32)  : i32 {
          %mul3A_44 = arith.constant 2 : i32
          %mul3A_45 = arith.muli %mul3A_44, %scan3A_42 : i32
          %mul3A_46 = arith.constant 136 : i32
          %mul3A_47 = arith.muli %mul3A_45, %mul3A_46 : i32
          %add3A = arith.addi %mul3A_7, %mul3A_47 : i32
          %dma_start3A = arith.constant 0 : i32
          %dma_start3A_48 = arith.constant 0 : i32
          %dma_start3A_49 = arith.constant 0 : i32
          %dma_start3A_50 = tpu.memref_slice %arg14[%dma_start3A, %dma_start3A_48, %dma_start3A_49] : memref<2x136x16xf32, #tpu.memory_space<vmem>> -> memref<1x136x16xf32, #tpu.memory_space<vmem>>
          %dma_start3A_51 = tpu.memref_squeeze %dma_start3A_50 : memref<1x136x16xf32, #tpu.memory_space<vmem>> -> memref<136x16xf32, #tpu.memory_space<vmem>>
          %dma_start3A_52 = arith.constant 0 : i32
          %dma_start3A_53 = tpu.memref_slice %arg3[%add3A, %dma_start3A_52] : memref<100096x16xf32, #tpu.memory_space<hbm>> -> memref<136x16xf32, #tpu.memory_space<hbm>>
          %dma_start3A_54 = arith.constant 0 : i32
          %dma_start3A_55 = arith.constant 0 : i32
          %dma_start3A_56 = tpu.memref_slice %arg14[%dma_start3A, %dma_start3A_54, %dma_start3A_55] : memref<2x136x16xf32, #tpu.memory_space<vmem>> -> memref<1x136x16xf32, #tpu.memory_space<vmem>>
          %dma_start3A_57 = tpu.memref_squeeze %dma_start3A_56 : memref<1x136x16xf32, #tpu.memory_space<vmem>> -> memref<136x16xf32, #tpu.memory_space<vmem>>
          %dma_start3A_58 = arith.constant 0 : i32
          %dma_start3A_59 = tpu.memref_slice %arg3[%add3A, %dma_start3A_58] : memref<100096x16xf32, #tpu.memory_space<hbm>> -> memref<136x16xf32, #tpu.memory_space<hbm>>
          tpu.enqueue_dma source(%dma_start3A_59 : memref<136x16xf32, #tpu.memory_space<hbm>>) target(%dma_start3A_57 : memref<136x16xf32, #tpu.memory_space<vmem>>) target_semaphore(%arg16 : memref<!tpu.dma_semaphore, #tpu.memory_space<semaphore_mem>>)
          %dma_start3A_60 = arith.constant 0 : i32
          %dma_start3A_61 = arith.constant 0 : i32
          %dma_start3A_62 = arith.constant 0 : i32
          %dma_start3A_63 = tpu.memref_slice %arg15[%dma_start3A_60, %dma_start3A_61, %dma_start3A_62] : memref<2x136x16xf32, #tpu.memory_space<vmem>> -> memref<1x136x16xf32, #tpu.memory_space<vmem>>
          %dma_start3A_64 = tpu.memref_squeeze %dma_start3A_63 : memref<1x136x16xf32, #tpu.memory_space<vmem>> -> memref<136x16xf32, #tpu.memory_space<vmem>>
          %dma_start3A_65 = arith.constant 0 : i32
          %dma_start3A_66 = tpu.memref_slice %arg4[%add3A, %dma_start3A_65] : memref<100096x16xf32, #tpu.memory_space<hbm>> -> memref<136x16xf32, #tpu.memory_space<hbm>>
          %dma_start3A_67 = arith.constant 0 : i32
          %dma_start3A_68 = arith.constant 0 : i32
          %dma_start3A_69 = tpu.memref_slice %arg15[%dma_start3A_60, %dma_start3A_67, %dma_start3A_68] : memref<2x136x16xf32, #tpu.memory_space<vmem>> -> memref<1x136x16xf32, #tpu.memory_space<vmem>>
          %dma_start3A_70 = tpu.memref_squeeze %dma_start3A_69 : memref<1x136x16xf32, #tpu.memory_space<vmem>> -> memref<136x16xf32, #tpu.memory_space<vmem>>
          %dma_start3A_71 = arith.constant 0 : i32
          %dma_start3A_72 = tpu.memref_slice %arg4[%add3A, %dma_start3A_71] : memref<100096x16xf32, #tpu.memory_space<hbm>> -> memref<136x16xf32, #tpu.memory_space<hbm>>
          tpu.enqueue_dma source(%dma_start3A_72 : memref<136x16xf32, #tpu.memory_space<hbm>>) target(%dma_start3A_70 : memref<136x16xf32, #tpu.memory_space<vmem>>) target_semaphore(%arg16 : memref<!tpu.dma_semaphore, #tpu.memory_space<semaphore_mem>>)
          %run_scoped3A = arith.constant 0 : i32
          "tpu.region"() ({
            %run_scoped3A_227 = tpu.sem_alloc : memref<!tpu.dma_semaphore, #tpu.memory_space<semaphore_mem>>
            %dma_start3A_228 = arith.constant 0 : i32
            %dma_start3A_229 = arith.constant 0 : i32
            %dma_start3A_230 = tpu.memref_slice %arg13[%run_scoped3A, %dma_start3A_228, %dma_start3A_229] : memref<2x136x16xf32, #tpu.memory_space<vmem>> -> memref<1x136x16xf32, #tpu.memory_space<vmem>>
            %dma_start3A_231 = tpu.memref_squeeze %dma_start3A_230 : memref<1x136x16xf32, #tpu.memory_space<vmem>> -> memref<136x16xf32, #tpu.memory_space<vmem>>
            %dma_start3A_232 = arith.constant 0 : i32
            %dma_start3A_233 = tpu.memref_slice %arg9[%add3A, %dma_start3A_232] : memref<100096x16xf32, #tpu.memory_space<vmem_shared>> -> memref<136x16xf32, #tpu.memory_space<vmem_shared>>
            %dma_start3A_234 = arith.constant 0 : i32
            %dma_start3A_235 = arith.constant 0 : i32
            %dma_start3A_236 = tpu.memref_slice %arg13[%run_scoped3A, %dma_start3A_234, %dma_start3A_235] : memref<2x136x16xf32, #tpu.memory_space<vmem>> -> memref<1x136x16xf32, #tpu.memory_space<vmem>>
            %dma_start3A_237 = tpu.memref_squeeze %dma_start3A_236 : memref<1x136x16xf32, #tpu.memory_space<vmem>> -> memref<136x16xf32, #tpu.memory_space<vmem>>
            %dma_start3A_238 = arith.constant 0 : i32
            %dma_start3A_239 = tpu.memref_slice %arg9[%add3A, %dma_start3A_238] : memref<100096x16xf32, #tpu.memory_space<vmem_shared>> -> memref<136x16xf32, #tpu.memory_space<vmem_shared>>
            tpu.enqueue_dma source(%dma_start3A_239 : memref<136x16xf32, #tpu.memory_space<vmem_shared>>) target(%dma_start3A_237 : memref<136x16xf32, #tpu.memory_space<vmem>>) target_semaphore(%run_scoped3A_227 : memref<!tpu.dma_semaphore, #tpu.memory_space<semaphore_mem>>)
            %dma_wait3A_240 = arith.constant 0 : i32
            %dma_wait3A_241 = arith.constant 0 : i32
            %dma_wait3A_242 = tpu.memref_slice %arg13[%run_scoped3A, %dma_wait3A_240, %dma_wait3A_241] : memref<2x136x16xf32, #tpu.memory_space<vmem>> -> memref<1x136x16xf32, #tpu.memory_space<vmem>>
            %dma_wait3A_243 = tpu.memref_squeeze %dma_wait3A_242 : memref<1x136x16xf32, #tpu.memory_space<vmem>> -> memref<136x16xf32, #tpu.memory_space<vmem>>
            %dma_wait3A_244 = arith.constant 0 : i32
            %dma_wait3A_245 = tpu.memref_slice %arg9[%add3A, %dma_wait3A_244] : memref<100096x16xf32, #tpu.memory_space<vmem_shared>> -> memref<136x16xf32, #tpu.memory_space<vmem_shared>>
            %dma_wait3A_246 = arith.constant 0 : i32
            %dma_wait3A_247 = arith.constant 0 : i32
            %dma_wait3A_248 = tpu.memref_slice %arg13[%run_scoped3A, %dma_wait3A_246, %dma_wait3A_247] : memref<2x136x16xf32, #tpu.memory_space<vmem>> -> memref<1x136x16xf32, #tpu.memory_space<vmem>>
            %dma_wait3A_249 = tpu.memref_squeeze %dma_wait3A_248 : memref<1x136x16xf32, #tpu.memory_space<vmem>> -> memref<136x16xf32, #tpu.memory_space<vmem>>
            %dma_wait3A_250 = arith.constant 0 : i32
            %dma_wait3A_251 = tpu.memref_slice %arg9[%add3A, %dma_wait3A_250] : memref<100096x16xf32, #tpu.memory_space<vmem_shared>> -> memref<136x16xf32, #tpu.memory_space<vmem_shared>>
            tpu.wait_dma2 semaphore(%run_scoped3A_227 : memref<!tpu.dma_semaphore, #tpu.memory_space<semaphore_mem>>) src(%dma_wait3A_251 : memref<136x16xf32, #tpu.memory_space<vmem_shared>>) dst(%dma_wait3A_249 : memref<136x16xf32, #tpu.memory_space<vmem>>)
            tpu.yield
          }) : () -> ()
          %dma_wait3A = arith.constant 0 : i32
          %dma_wait3A_73 = arith.constant 0 : i32
          %dma_wait3A_74 = arith.constant 0 : i32
          %dma_wait3A_75 = tpu.memref_slice %arg14[%dma_wait3A, %dma_wait3A_73, %dma_wait3A_74] : memref<2x136x16xf32, #tpu.memory_space<vmem>> -> memref<1x136x16xf32, #tpu.memory_space<vmem>>
          %dma_wait3A_76 = tpu.memref_squeeze %dma_wait3A_75 : memref<1x136x16xf32, #tpu.memory_space<vmem>> -> memref<136x16xf32, #tpu.memory_space<vmem>>
          %dma_wait3A_77 = arith.constant 0 : i32
          %dma_wait3A_78 = tpu.memref_slice %arg3[%add3A, %dma_wait3A_77] : memref<100096x16xf32, #tpu.memory_space<hbm>> -> memref<136x16xf32, #tpu.memory_space<hbm>>
          %dma_wait3A_79 = arith.constant 0 : i32
          %dma_wait3A_80 = arith.constant 0 : i32
          %dma_wait3A_81 = tpu.memref_slice %arg14[%dma_wait3A, %dma_wait3A_79, %dma_wait3A_80] : memref<2x136x16xf32, #tpu.memory_space<vmem>> -> memref<1x136x16xf32, #tpu.memory_space<vmem>>
          %dma_wait3A_82 = tpu.memref_squeeze %dma_wait3A_81 : memref<1x136x16xf32, #tpu.memory_space<vmem>> -> memref<136x16xf32, #tpu.memory_space<vmem>>
          %dma_wait3A_83 = arith.constant 0 : i32
          %dma_wait3A_84 = tpu.memref_slice %arg3[%add3A, %dma_wait3A_83] : memref<100096x16xf32, #tpu.memory_space<hbm>> -> memref<136x16xf32, #tpu.memory_space<hbm>>
          tpu.wait_dma2 semaphore(%arg16 : memref<!tpu.dma_semaphore, #tpu.memory_space<semaphore_mem>>) src(%dma_wait3A_84 : memref<136x16xf32, #tpu.memory_space<hbm>>) dst(%dma_wait3A_82 : memref<136x16xf32, #tpu.memory_space<vmem>>)
          %dma_wait3A_85 = arith.constant 0 : i32
          %dma_wait3A_86 = arith.constant 0 : i32
          %dma_wait3A_87 = arith.constant 0 : i32
          %dma_wait3A_88 = tpu.memref_slice %arg15[%dma_wait3A_85, %dma_wait3A_86, %dma_wait3A_87] : memref<2x136x16xf32, #tpu.memory_space<vmem>> -> memref<1x136x16xf32, #tpu.memory_space<vmem>>
          %dma_wait3A_89 = tpu.memref_squeeze %dma_wait3A_88 : memref<1x136x16xf32, #tpu.memory_space<vmem>> -> memref<136x16xf32, #tpu.memory_space<vmem>>
          %dma_wait3A_90 = arith.constant 0 : i32
          %dma_wait3A_91 = tpu.memref_slice %arg4[%add3A, %dma_wait3A_90] : memref<100096x16xf32, #tpu.memory_space<hbm>> -> memref<136x16xf32, #tpu.memory_space<hbm>>
          %dma_wait3A_92 = arith.constant 0 : i32
          %dma_wait3A_93 = arith.constant 0 : i32
          %dma_wait3A_94 = tpu.memref_slice %arg15[%dma_wait3A_85, %dma_wait3A_92, %dma_wait3A_93] : memref<2x136x16xf32, #tpu.memory_space<vmem>> -> memref<1x136x16xf32, #tpu.memory_space<vmem>>
          %dma_wait3A_95 = tpu.memref_squeeze %dma_wait3A_94 : memref<1x136x16xf32, #tpu.memory_space<vmem>> -> memref<136x16xf32, #tpu.memory_space<vmem>>
          %dma_wait3A_96 = arith.constant 0 : i32
          %dma_wait3A_97 = tpu.memref_slice %arg4[%add3A, %dma_wait3A_96] : memref<100096x16xf32, #tpu.memory_space<hbm>> -> memref<136x16xf32, #tpu.memory_space<hbm>>
          tpu.wait_dma2 semaphore(%arg16 : memref<!tpu.dma_semaphore, #tpu.memory_space<semaphore_mem>>) src(%dma_wait3A_97 : memref<136x16xf32, #tpu.memory_space<hbm>>) dst(%dma_wait3A_95 : memref<136x16xf32, #tpu.memory_space<vmem>>)
          %scan3A_98 = arith.constant 0 : i32
          %scan3A_99 = arith.constant 0 : i32
          %scan3A_100 = arith.constant 34 : i32
          %scan3A_101 = arith.addi %scan3A_99, %scan3A_100 : i32
          %scan3A_102 = arith.constant 1 : i32
          %scan3A_103 = scf.for %scan3A_227 = %scan3A_99 to %scan3A_101 step %scan3A_102 iter_args(%scan3A_228 = %scan3A_98) -> (i32)  : i32 {
            %mul3A_229 = arith.constant 4 : i32
            %mul3A_230 = arith.muli %scan3A_227, %mul3A_229 : i32
            %add3A_231 = arith.constant 0 : i32
            %add3A_232 = arith.addi %mul3A_230, %add3A_231 : i32
            %get3A = arith.constant 0 : i32
            %get3A_233 = arith.index_cast %get3A : i32 to index
            %get3A_234 = arith.index_cast %add3A_232 : i32 to index
            %get3A_235 = arith.constant 0 : index
            %get3A_236 = tpu.vector_load %arg15[%get3A_233, %get3A_234, %get3A_235] {strides = array<i32>} : memref<2x136x16xf32, #tpu.memory_space<vmem>>, vector<1x1x16xf32>,
            %get3A_237 = vector.shape_cast %get3A_236 : vector<1x1x16xf32> to vector<16xf32>
            %get3A_238 = arith.constant 0 : i32
            %get3A_239 = arith.index_cast %get3A_238 : i32 to index
            %get3A_240 = arith.index_cast %add3A_232 : i32 to index
            %get3A_241 = arith.constant 0 : index
            %get3A_242 = tpu.vector_load %arg13[%get3A_239, %get3A_240, %get3A_241] {strides = array<i32>} : memref<2x136x16xf32, #tpu.memory_space<vmem>>, vector<1x1x16xf32>,
            %get3A_243 = vector.shape_cast %get3A_242 : vector<1x1x16xf32> to vector<16xf32>
            %mul3A_244 = arith.mulf %get3A_237, %get3A_243 : vector<16xf32>
            %get3A_245 = arith.constant 0 : i32
            %get3A_246 = arith.index_cast %get3A_245 : i32 to index
            %get3A_247 = arith.index_cast %add3A_232 : i32 to index
            %get3A_248 = arith.constant 0 : index
            %get3A_249 = tpu.vector_load %arg14[%get3A_246, %get3A_247, %get3A_248] {strides = array<i32>} : memref<2x136x16xf32, #tpu.memory_space<vmem>>, vector<1x1x16xf32>,
            %get3A_250 = vector.shape_cast %get3A_249 : vector<1x1x16xf32> to vector<16xf32>
            %mul3A_251 = arith.constant 1.000000e-01 : f32
            %mul3A_252 = vector.broadcast %mul3A_251 : f32 to vector<16xf32>
            %mul3A_253 = arith.mulf %mul3A_252, %get3A_250 : vector<16xf32>
            %add3A_254 = arith.addf %mul3A_244, %mul3A_253 : vector<16xf32>
            %swap3A = arith.constant 0 : i32
            %swap3A_255 = arith.index_cast %swap3A : i32 to index
            %swap3A_256 = arith.index_cast %add3A_232 : i32 to index
            %swap3A_257 = arith.constant 0 : index
            %swap3A_258 = tpu.vector_load %arg13[%swap3A_255, %swap3A_256, %swap3A_257] {strides = array<i32>} : memref<2x136x16xf32, #tpu.memory_space<vmem>>, vector<1x1x16xf32>,
            %swap3A_259 = vector.shape_cast %swap3A_258 : vector<1x1x16xf32> to vector<16xf32>
            %swap3A_260 = vector.shape_cast %add3A_254 : vector<16xf32> to vector<1x1x16xf32>
            tpu.vector_store %arg13[%swap3A_255, %swap3A_256, %swap3A_257], %swap3A_260 {strides = array<i32>} : memref<2x136x16xf32, #tpu.memory_space<vmem>>, vector<1x1x16xf32>,
            %mul3A_261 = arith.constant 4 : i32
            %mul3A_262 = arith.muli %scan3A_227, %mul3A_261 : i32
            %add3A_263 = arith.constant 1 : i32
            %add3A_264 = arith.addi %mul3A_262, %add3A_263 : i32
            %get3A_265 = arith.constant 0 : i32
            %get3A_266 = arith.index_cast %get3A_265 : i32 to index
            %get3A_267 = arith.index_cast %add3A_264 : i32 to index
            %get3A_268 = arith.constant 0 : index
            %get3A_269 = tpu.vector_load %arg15[%get3A_266, %get3A_267, %get3A_268] {strides = array<i32>} : memref<2x136x16xf32, #tpu.memory_space<vmem>>, vector<1x1x16xf32>,
            %get3A_270 = vector.shape_cast %get3A_269 : vector<1x1x16xf32> to vector<16xf32>
            %get3A_271 = arith.constant 0 : i32
            %get3A_272 = arith.index_cast %get3A_271 : i32 to index
            %get3A_273 = arith.index_cast %add3A_264 : i32 to index
            %get3A_274 = arith.constant 0 : index
            %get3A_275 = tpu.vector_load %arg13[%get3A_272, %get3A_273, %get3A_274] {strides = array<i32>} : memref<2x136x16xf32, #tpu.memory_space<vmem>>, vector<1x1x16xf32>,
            %get3A_276 = vector.shape_cast %get3A_275 : vector<1x1x16xf32> to vector<16xf32>
            %mul3A_277 = arith.mulf %get3A_270, %get3A_276 : vector<16xf32>
            %get3A_278 = arith.constant 0 : i32
            %get3A_279 = arith.index_cast %get3A_278 : i32 to index
            %get3A_280 = arith.index_cast %add3A_264 : i32 to index
            %get3A_281 = arith.constant 0 : index
            %get3A_282 = tpu.vector_load %arg14[%get3A_279, %get3A_280, %get3A_281] {strides = array<i32>} : memref<2x136x16xf32, #tpu.memory_space<vmem>>, vector<1x1x16xf32>,
            %get3A_283 = vector.shape_cast %get3A_282 : vector<1x1x16xf32> to vector<16xf32>
            %mul3A_284 = arith.constant 1.000000e-01 : f32
            %mul3A_285 = vector.broadcast %mul3A_284 : f32 to vector<16xf32>
            %mul3A_286 = arith.mulf %mul3A_285, %get3A_283 : vector<16xf32>
            %add3A_287 = arith.addf %mul3A_277, %mul3A_286 : vector<16xf32>
            %swap3A_288 = arith.constant 0 : i32
            %swap3A_289 = arith.index_cast %swap3A_288 : i32 to index
            %swap3A_290 = arith.index_cast %add3A_264 : i32 to index
            %swap3A_291 = arith.constant 0 : index
            %swap3A_292 = tpu.vector_load %arg13[%swap3A_289, %swap3A_290, %swap3A_291] {strides = array<i32>} : memref<2x136x16xf32, #tpu.memory_space<vmem>>, vector<1x1x16xf32>,
            %swap3A_293 = vector.shape_cast %swap3A_292 : vector<1x1x16xf32> to vector<16xf32>
            %swap3A_294 = vector.shape_cast %add3A_287 : vector<16xf32> to vector<1x1x16xf32>
            tpu.vector_store %arg13[%swap3A_289, %swap3A_290, %swap3A_291], %swap3A_294 {strides = array<i32>} : memref<2x136x16xf32, #tpu.memory_space<vmem>>, vector<1x1x16xf32>,
            %mul3A_295 = arith.constant 4 : i32
            %mul3A_296 = arith.muli %scan3A_227, %mul3A_295 : i32
            %add3A_297 = arith.constant 2 : i32
            %add3A_298 = arith.addi %mul3A_296, %add3A_297 : i32
            %get3A_299 = arith.constant 0 : i32
            %get3A_300 = arith.index_cast %get3A_299 : i32 to index
            %get3A_301 = arith.index_cast %add3A_298 : i32 to index
            %get3A_302 = arith.constant 0 : index
            %get3A_303 = tpu.vector_load %arg15[%get3A_300, %get3A_301, %get3A_302] {strides = array<i32>} : memref<2x136x16xf32, #tpu.memory_space<vmem>>, vector<1x1x16xf32>,
            %get3A_304 = vector.shape_cast %get3A_303 : vector<1x1x16xf32> to vector<16xf32>
            %get3A_305 = arith.constant 0 : i32
            %get3A_306 = arith.index_cast %get3A_305 : i32 to index
            %get3A_307 = arith.index_cast %add3A_298 : i32 to index
            %get3A_308 = arith.constant 0 : index
            %get3A_309 = tpu.vector_load %arg13[%get3A_306, %get3A_307, %get3A_308] {strides = array<i32>} : memref<2x136x16xf32, #tpu.memory_space<vmem>>, vector<1x1x16xf32>,
            %get3A_310 = vector.shape_cast %get3A_309 : vector<1x1x16xf32> to vector<16xf32>
            %mul3A_311 = arith.mulf %get3A_304, %get3A_310 : vector<16xf32>
            %get3A_312 = arith.constant 0 : i32
            %get3A_313 = arith.index_cast %get3A_312 : i32 to index
            %get3A_314 = arith.index_cast %add3A_298 : i32 to index
            %get3A_315 = arith.constant 0 : index
            %get3A_316 = tpu.vector_load %arg14[%get3A_313, %get3A_314, %get3A_315] {strides = array<i32>} : memref<2x136x16xf32, #tpu.memory_space<vmem>>, vector<1x1x16xf32>,
            %get3A_317 = vector.shape_cast %get3A_316 : vector<1x1x16xf32> to vector<16xf32>
            %mul3A_318 = arith.constant 1.000000e-01 : f32
            %mul3A_319 = vector.broadcast %mul3A_318 : f32 to vector<16xf32>
            %mul3A_320 = arith.mulf %mul3A_319, %get3A_317 : vector<16xf32>
            %add3A_321 = arith.addf %mul3A_311, %mul3A_320 : vector<16xf32>
            %swap3A_322 = arith.constant 0 : i32
            %swap3A_323 = arith.index_cast %swap3A_322 : i32 to index
            %swap3A_324 = arith.index_cast %add3A_298 : i32 to index
            %swap3A_325 = arith.constant 0 : index
            %swap3A_326 = tpu.vector_load %arg13[%swap3A_323, %swap3A_324, %swap3A_325] {strides = array<i32>} : memref<2x136x16xf32, #tpu.memory_space<vmem>>, vector<1x1x16xf32>,
            %swap3A_327 = vector.shape_cast %swap3A_326 : vector<1x1x16xf32> to vector<16xf32>
            %swap3A_328 = vector.shape_cast %add3A_321 : vector<16xf32> to vector<1x1x16xf32>
            tpu.vector_store %arg13[%swap3A_323, %swap3A_324, %swap3A_325], %swap3A_328 {strides = array<i32>} : memref<2x136x16xf32, #tpu.memory_space<vmem>>, vector<1x1x16xf32>,
            %mul3A_329 = arith.constant 4 : i32
            %mul3A_330 = arith.muli %scan3A_227, %mul3A_329 : i32
            %add3A_331 = arith.constant 3 : i32
            %add3A_332 = arith.addi %mul3A_330, %add3A_331 : i32
            %get3A_333 = arith.constant 0 : i32
            %get3A_334 = arith.index_cast %get3A_333 : i32 to index
            %get3A_335 = arith.index_cast %add3A_332 : i32 to index
            %get3A_336 = arith.constant 0 : index
            %get3A_337 = tpu.vector_load %arg15[%get3A_334, %get3A_335, %get3A_336] {strides = array<i32>} : memref<2x136x16xf32, #tpu.memory_space<vmem>>, vector<1x1x16xf32>,
            %get3A_338 = vector.shape_cast %get3A_337 : vector<1x1x16xf32> to vector<16xf32>
            %get3A_339 = arith.constant 0 : i32
            %get3A_340 = arith.index_cast %get3A_339 : i32 to index
            %get3A_341 = arith.index_cast %add3A_332 : i32 to index
            %get3A_342 = arith.constant 0 : index
            %get3A_343 = tpu.vector_load %arg13[%get3A_340, %get3A_341, %get3A_342] {strides = array<i32>} : memref<2x136x16xf32, #tpu.memory_space<vmem>>, vector<1x1x16xf32>,
            %get3A_344 = vector.shape_cast %get3A_343 : vector<1x1x16xf32> to vector<16xf32>
            %mul3A_345 = arith.mulf %get3A_338, %get3A_344 : vector<16xf32>
            %get3A_346 = arith.constant 0 : i32
            %get3A_347 = arith.index_cast %get3A_346 : i32 to index
            %get3A_348 = arith.index_cast %add3A_332 : i32 to index
            %get3A_349 = arith.constant 0 : index
            %get3A_350 = tpu.vector_load %arg14[%get3A_347, %get3A_348, %get3A_349] {strides = array<i32>} : memref<2x136x16xf32, #tpu.memory_space<vmem>>, vector<1x1x16xf32>,
            %get3A_351 = vector.shape_cast %get3A_350 : vector<1x1x16xf32> to vector<16xf32>
            %mul3A_352 = arith.constant 1.000000e-01 : f32
            %mul3A_353 = vector.broadcast %mul3A_352 : f32 to vector<16xf32>
            %mul3A_354 = arith.mulf %mul3A_353, %get3A_351 : vector<16xf32>
            %add3A_355 = arith.addf %mul3A_345, %mul3A_354 : vector<16xf32>
            %swap3A_356 = arith.constant 0 : i32
            %swap3A_357 = arith.index_cast %swap3A_356 : i32 to index
            %swap3A_358 = arith.index_cast %add3A_332 : i32 to index
            %swap3A_359 = arith.constant 0 : index
            %swap3A_360 = tpu.vector_load %arg13[%swap3A_357, %swap3A_358, %swap3A_359] {strides = array<i32>} : memref<2x136x16xf32, #tpu.memory_space<vmem>>, vector<1x1x16xf32>,
            %swap3A_361 = vector.shape_cast %swap3A_360 : vector<1x1x16xf32> to vector<16xf32>
            %swap3A_362 = vector.shape_cast %add3A_355 : vector<16xf32> to vector<1x1x16xf32>
            tpu.vector_store %arg13[%swap3A_357, %swap3A_358, %swap3A_359], %swap3A_362 {strides = array<i32>} : memref<2x136x16xf32, #tpu.memory_space<vmem>>, vector<1x1x16xf32>,
            %scan3A_363 = arith.constant 0 : i32
            scf.yield %scan3A_363 : i32
          }
          %scan3A_104 = arith.constant 34 : i32
          %dma_start3A_105 = arith.constant 0 : i32
          %dma_start3A_106 = arith.constant 0 : i32
          %dma_start3A_107 = arith.constant 0 : i32
          %dma_start3A_108 = tpu.memref_slice %arg13[%dma_start3A_105, %dma_start3A_106, %dma_start3A_107] : memref<2x136x16xf32, #tpu.memory_space<vmem>> -> memref<1x136x16xf32, #tpu.memory_space<vmem>>
          %dma_start3A_109 = tpu.memref_squeeze %dma_start3A_108 : memref<1x136x16xf32, #tpu.memory_space<vmem>> -> memref<136x16xf32, #tpu.memory_space<vmem>>
          %dma_start3A_110 = arith.constant 0 : i32
          %dma_start3A_111 = tpu.memref_slice %arg8[%add3A, %dma_start3A_110] : memref<100096x16xf32, #tpu.memory_space<hbm>> -> memref<136x16xf32, #tpu.memory_space<hbm>>
          %dma_start3A_112 = arith.constant 0 : i32
          %dma_start3A_113 = tpu.memref_slice %arg8[%add3A, %dma_start3A_112] : memref<100096x16xf32, #tpu.memory_space<hbm>> -> memref<136x16xf32, #tpu.memory_space<hbm>>
          %dma_start3A_114 = arith.constant 0 : i32
          %dma_start3A_115 = arith.constant 0 : i32
          %dma_start3A_116 = tpu.memref_slice %arg13[%dma_start3A_105, %dma_start3A_114, %dma_start3A_115] : memref<2x136x16xf32, #tpu.memory_space<vmem>> -> memref<1x136x16xf32, #tpu.memory_space<vmem>>
          %dma_start3A_117 = tpu.memref_squeeze %dma_start3A_116 : memref<1x136x16xf32, #tpu.memory_space<vmem>> -> memref<136x16xf32, #tpu.memory_space<vmem>>
          tpu.enqueue_dma source(%dma_start3A_117 : memref<136x16xf32, #tpu.memory_space<vmem>>) target(%dma_start3A_113 : memref<136x16xf32, #tpu.memory_space<hbm>>) target_semaphore(%arg17 : memref<!tpu.dma_semaphore, #tpu.memory_space<semaphore_mem>>)
          %run_scoped3A_118 = arith.constant 0 : i32
          "tpu.region"() ({
            %run_scoped3A_227 = tpu.sem_alloc : memref<!tpu.dma_semaphore, #tpu.memory_space<semaphore_mem>>
            %dma_start3A_228 = arith.constant 0 : i32
            %dma_start3A_229 = arith.constant 0 : i32
            %dma_start3A_230 = tpu.memref_slice %arg13[%run_scoped3A_118, %dma_start3A_228, %dma_start3A_229] : memref<2x136x16xf32, #tpu.memory_space<vmem>> -> memref<1x136x16xf32, #tpu.memory_space<vmem>>
            %dma_start3A_231 = tpu.memref_squeeze %dma_start3A_230 : memref<1x136x16xf32, #tpu.memory_space<vmem>> -> memref<136x16xf32, #tpu.memory_space<vmem>>
            %dma_start3A_232 = arith.constant 0 : i32
            %dma_start3A_233 = tpu.memref_slice %arg9[%add3A, %dma_start3A_232] : memref<100096x16xf32, #tpu.memory_space<vmem_shared>> -> memref<136x16xf32, #tpu.memory_space<vmem_shared>>
            %dma_start3A_234 = arith.constant 0 : i32
            %dma_start3A_235 = tpu.memref_slice %arg9[%add3A, %dma_start3A_234] : memref<100096x16xf32, #tpu.memory_space<vmem_shared>> -> memref<136x16xf32, #tpu.memory_space<vmem_shared>>
            %dma_start3A_236 = arith.constant 0 : i32
            %dma_start3A_237 = arith.constant 0 : i32
            %dma_start3A_238 = tpu.memref_slice %arg13[%run_scoped3A_118, %dma_start3A_236, %dma_start3A_237] : memref<2x136x16xf32, #tpu.memory_space<vmem>> -> memref<1x136x16xf32, #tpu.memory_space<vmem>>
            %dma_start3A_239 = tpu.memref_squeeze %dma_start3A_238 : memref<1x136x16xf32, #tpu.memory_space<vmem>> -> memref<136x16xf32, #tpu.memory_space<vmem>>
            tpu.enqueue_dma source(%dma_start3A_239 : memref<136x16xf32, #tpu.memory_space<vmem>>) target(%dma_start3A_235 : memref<136x16xf32, #tpu.memory_space<vmem_shared>>) target_semaphore(%run_scoped3A_227 : memref<!tpu.dma_semaphore, #tpu.memory_space<semaphore_mem>>)
            %dma_wait3A_240 = arith.constant 0 : i32
            %dma_wait3A_241 = arith.constant 0 : i32
            %dma_wait3A_242 = tpu.memref_slice %arg13[%run_scoped3A_118, %dma_wait3A_240, %dma_wait3A_241] : memref<2x136x16xf32, #tpu.memory_space<vmem>> -> memref<1x136x16xf32, #tpu.memory_space<vmem>>
            %dma_wait3A_243 = tpu.memref_squeeze %dma_wait3A_242 : memref<1x136x16xf32, #tpu.memory_space<vmem>> -> memref<136x16xf32, #tpu.memory_space<vmem>>
            %dma_wait3A_244 = arith.constant 0 : i32
            %dma_wait3A_245 = tpu.memref_slice %arg9[%add3A, %dma_wait3A_244] : memref<100096x16xf32, #tpu.memory_space<vmem_shared>> -> memref<136x16xf32, #tpu.memory_space<vmem_shared>>
            %dma_wait3A_246 = arith.constant 0 : i32
            %dma_wait3A_247 = tpu.memref_slice %arg9[%add3A, %dma_wait3A_246] : memref<100096x16xf32, #tpu.memory_space<vmem_shared>> -> memref<136x16xf32, #tpu.memory_space<vmem_shared>>
            %dma_wait3A_248 = arith.constant 0 : i32
            %dma_wait3A_249 = arith.constant 0 : i32
            %dma_wait3A_250 = tpu.memref_slice %arg13[%run_scoped3A_118, %dma_wait3A_248, %dma_wait3A_249] : memref<2x136x16xf32, #tpu.memory_space<vmem>> -> memref<1x136x16xf32, #tpu.memory_space<vmem>>
            %dma_wait3A_251 = tpu.memref_squeeze %dma_wait3A_250 : memref<1x136x16xf32, #tpu.memory_space<vmem>> -> memref<136x16xf32, #tpu.memory_space<vmem>>
            tpu.wait_dma2 semaphore(%run_scoped3A_227 : memref<!tpu.dma_semaphore, #tpu.memory_space<semaphore_mem>>) src(%dma_wait3A_251 : memref<136x16xf32, #tpu.memory_space<vmem>>) dst(%dma_wait3A_247 : memref<136x16xf32, #tpu.memory_space<vmem_shared>>)
            tpu.yield
          }) : () -> ()
          %mul3A_119 = arith.constant 2 : i32
          %mul3A_120 = arith.muli %mul3A_119, %scan3A_42 : i32
          %add3A_121 = arith.constant 1 : i32
          %add3A_122 = arith.addi %mul3A_120, %add3A_121 : i32
          %mul3A_123 = arith.constant 136 : i32
          %mul3A_124 = arith.muli %add3A_122, %mul3A_123 : i32
          %add3A_125 = arith.addi %mul3A_7, %mul3A_124 : i32
          %dma_start3A_126 = arith.constant 1 : i32
          %dma_start3A_127 = arith.constant 0 : i32
          %dma_start3A_128 = arith.constant 0 : i32
          %dma_start3A_129 = tpu.memref_slice %arg14[%dma_start3A_126, %dma_start3A_127, %dma_start3A_128] : memref<2x136x16xf32, #tpu.memory_space<vmem>> -> memref<1x136x16xf32, #tpu.memory_space<vmem>>
          %dma_start3A_130 = tpu.memref_squeeze %dma_start3A_129 : memref<1x136x16xf32, #tpu.memory_space<vmem>> -> memref<136x16xf32, #tpu.memory_space<vmem>>
          %dma_start3A_131 = arith.constant 0 : i32
          %dma_start3A_132 = tpu.memref_slice %arg3[%add3A_125, %dma_start3A_131] : memref<100096x16xf32, #tpu.memory_space<hbm>> -> memref<136x16xf32, #tpu.memory_space<hbm>>
          %dma_start3A_133 = arith.constant 0 : i32
          %dma_start3A_134 = arith.constant 0 : i32
          %dma_start3A_135 = tpu.memref_slice %arg14[%dma_start3A_126, %dma_start3A_133, %dma_start3A_134] : memref<2x136x16xf32, #tpu.memory_space<vmem>> -> memref<1x136x16xf32, #tpu.memory_space<vmem>>
          %dma_start3A_136 = tpu.memref_squeeze %dma_start3A_135 : memref<1x136x16xf32, #tpu.memory_space<vmem>> -> memref<136x16xf32, #tpu.memory_space<vmem>>
          %dma_start3A_137 = arith.constant 0 : i32
          %dma_start3A_138 = tpu.memref_slice %arg3[%add3A_125, %dma_start3A_137] : memref<100096x16xf32, #tpu.memory_space<hbm>> -> memref<136x16xf32, #tpu.memory_space<hbm>>
          tpu.enqueue_dma source(%dma_start3A_138 : memref<136x16xf32, #tpu.memory_space<hbm>>) target(%dma_start3A_136 : memref<136x16xf32, #tpu.memory_space<vmem>>) target_semaphore(%arg16 : memref<!tpu.dma_semaphore, #tpu.memory_space<semaphore_mem>>)
          %dma_start3A_139 = arith.constant 1 : i32
          %dma_start3A_140 = arith.constant 0 : i32
          %dma_start3A_141 = arith.constant 0 : i32
          %dma_start3A_142 = tpu.memref_slice %arg15[%dma_start3A_139, %dma_start3A_140, %dma_start3A_141] : memref<2x136x16xf32, #tpu.memory_space<vmem>> -> memref<1x136x16xf32, #tpu.memory_space<vmem>>
          %dma_start3A_143 = tpu.memref_squeeze %dma_start3A_142 : memref<1x136x16xf32, #tpu.memory_space<vmem>> -> memref<136x16xf32, #tpu.memory_space<vmem>>
          %dma_start3A_144 = arith.constant 0 : i32
          %dma_start3A_145 = tpu.memref_slice %arg4[%add3A_125, %dma_start3A_144] : memref<100096x16xf32, #tpu.memory_space<hbm>> -> memref<136x16xf32, #tpu.memory_space<hbm>>
          %dma_start3A_146 = arith.constant 0 : i32
          %dma_start3A_147 = arith.constant 0 : i32
          %dma_start3A_148 = tpu.memref_slice %arg15[%dma_start3A_139, %dma_start3A_146, %dma_start3A_147] : memref<2x136x16xf32, #tpu.memory_space<vmem>> -> memref<1x136x16xf32, #tpu.memory_space<vmem>>
          %dma_start3A_149 = tpu.memref_squeeze %dma_start3A_148 : memref<1x136x16xf32, #tpu.memory_space<vmem>> -> memref<136x16xf32, #tpu.memory_space<vmem>>
          %dma_start3A_150 = arith.constant 0 : i32
          %dma_start3A_151 = tpu.memref_slice %arg4[%add3A_125, %dma_start3A_150] : memref<100096x16xf32, #tpu.memory_space<hbm>> -> memref<136x16xf32, #tpu.memory_space<hbm>>
          tpu.enqueue_dma source(%dma_start3A_151 : memref<136x16xf32, #tpu.memory_space<hbm>>) target(%dma_start3A_149 : memref<136x16xf32, #tpu.memory_space<vmem>>) target_semaphore(%arg16 : memref<!tpu.dma_semaphore, #tpu.memory_space<semaphore_mem>>)
          %run_scoped3A_152 = arith.constant 1 : i32
          "tpu.region"() ({
            %run_scoped3A_227 = tpu.sem_alloc : memref<!tpu.dma_semaphore, #tpu.memory_space<semaphore_mem>>
            %dma_start3A_228 = arith.constant 0 : i32
            %dma_start3A_229 = arith.constant 0 : i32
            %dma_start3A_230 = tpu.memref_slice %arg13[%run_scoped3A_152, %dma_start3A_228, %dma_start3A_229] : memref<2x136x16xf32, #tpu.memory_space<vmem>> -> memref<1x136x16xf32, #tpu.memory_space<vmem>>
            %dma_start3A_231 = tpu.memref_squeeze %dma_start3A_230 : memref<1x136x16xf32, #tpu.memory_space<vmem>> -> memref<136x16xf32, #tpu.memory_space<vmem>>
            %dma_start3A_232 = arith.constant 0 : i32
            %dma_start3A_233 = tpu.memref_slice %arg9[%add3A_125, %dma_start3A_232] : memref<100096x16xf32, #tpu.memory_space<vmem_shared>> -> memref<136x16xf32, #tpu.memory_space<vmem_shared>>
            %dma_start3A_234 = arith.constant 0 : i32
            %dma_start3A_235 = arith.constant 0 : i32
            %dma_start3A_236 = tpu.memref_slice %arg13[%run_scoped3A_152, %dma_start3A_234, %dma_start3A_235] : memref<2x136x16xf32, #tpu.memory_space<vmem>> -> memref<1x136x16xf32, #tpu.memory_space<vmem>>
            %dma_start3A_237 = tpu.memref_squeeze %dma_start3A_236 : memref<1x136x16xf32, #tpu.memory_space<vmem>> -> memref<136x16xf32, #tpu.memory_space<vmem>>
            %dma_start3A_238 = arith.constant 0 : i32
            %dma_start3A_239 = tpu.memref_slice %arg9[%add3A_125, %dma_start3A_238] : memref<100096x16xf32, #tpu.memory_space<vmem_shared>> -> memref<136x16xf32, #tpu.memory_space<vmem_shared>>
            tpu.enqueue_dma source(%dma_start3A_239 : memref<136x16xf32, #tpu.memory_space<vmem_shared>>) target(%dma_start3A_237 : memref<136x16xf32, #tpu.memory_space<vmem>>) target_semaphore(%run_scoped3A_227 : memref<!tpu.dma_semaphore, #tpu.memory_space<semaphore_mem>>)
            %dma_wait3A_240 = arith.constant 0 : i32
            %dma_wait3A_241 = arith.constant 0 : i32
            %dma_wait3A_242 = tpu.memref_slice %arg13[%run_scoped3A_152, %dma_wait3A_240, %dma_wait3A_241] : memref<2x136x16xf32, #tpu.memory_space<vmem>> -> memref<1x136x16xf32, #tpu.memory_space<vmem>>
            %dma_wait3A_243 = tpu.memref_squeeze %dma_wait3A_242 : memref<1x136x16xf32, #tpu.memory_space<vmem>> -> memref<136x16xf32, #tpu.memory_space<vmem>>
            %dma_wait3A_244 = arith.constant 0 : i32
            %dma_wait3A_245 = tpu.memref_slice %arg9[%add3A_125, %dma_wait3A_244] : memref<100096x16xf32, #tpu.memory_space<vmem_shared>> -> memref<136x16xf32, #tpu.memory_space<vmem_shared>>
            %dma_wait3A_246 = arith.constant 0 : i32
            %dma_wait3A_247 = arith.constant 0 : i32
            %dma_wait3A_248 = tpu.memref_slice %arg13[%run_scoped3A_152, %dma_wait3A_246, %dma_wait3A_247] : memref<2x136x16xf32, #tpu.memory_space<vmem>> -> memref<1x136x16xf32, #tpu.memory_space<vmem>>
            %dma_wait3A_249 = tpu.memref_squeeze %dma_wait3A_248 : memref<1x136x16xf32, #tpu.memory_space<vmem>> -> memref<136x16xf32, #tpu.memory_space<vmem>>
            %dma_wait3A_250 = arith.constant 0 : i32
            %dma_wait3A_251 = tpu.memref_slice %arg9[%add3A_125, %dma_wait3A_250] : memref<100096x16xf32, #tpu.memory_space<vmem_shared>> -> memref<136x16xf32, #tpu.memory_space<vmem_shared>>
            tpu.wait_dma2 semaphore(%run_scoped3A_227 : memref<!tpu.dma_semaphore, #tpu.memory_space<semaphore_mem>>) src(%dma_wait3A_251 : memref<136x16xf32, #tpu.memory_space<vmem_shared>>) dst(%dma_wait3A_249 : memref<136x16xf32, #tpu.memory_space<vmem>>)
            tpu.yield
          }) : () -> ()
          %dma_wait3A_153 = arith.constant 1 : i32
          %dma_wait3A_154 = arith.constant 0 : i32
          %dma_wait3A_155 = arith.constant 0 : i32
          %dma_wait3A_156 = tpu.memref_slice %arg14[%dma_wait3A_153, %dma_wait3A_154, %dma_wait3A_155] : memref<2x136x16xf32, #tpu.memory_space<vmem>> -> memref<1x136x16xf32, #tpu.memory_space<vmem>>
          %dma_wait3A_157 = tpu.memref_squeeze %dma_wait3A_156 : memref<1x136x16xf32, #tpu.memory_space<vmem>> -> memref<136x16xf32, #tpu.memory_space<vmem>>
          %dma_wait3A_158 = arith.constant 0 : i32
          %dma_wait3A_159 = tpu.memref_slice %arg3[%add3A_125, %dma_wait3A_158] : memref<100096x16xf32, #tpu.memory_space<hbm>> -> memref<136x16xf32, #tpu.memory_space<hbm>>
          %dma_wait3A_160 = arith.constant 0 : i32
          %dma_wait3A_161 = arith.constant 0 : i32
          %dma_wait3A_162 = tpu.memref_slice %arg14[%dma_wait3A_153, %dma_wait3A_160, %dma_wait3A_161] : memref<2x136x16xf32, #tpu.memory_space<vmem>> -> memref<1x136x16xf32, #tpu.memory_space<vmem>>
          %dma_wait3A_163 = tpu.memref_squeeze %dma_wait3A_162 : memref<1x136x16xf32, #tpu.memory_space<vmem>> -> memref<136x16xf32, #tpu.memory_space<vmem>>
          %dma_wait3A_164 = arith.constant 0 : i32
          %dma_wait3A_165 = tpu.memref_slice %arg3[%add3A_125, %dma_wait3A_164] : memref<100096x16xf32, #tpu.memory_space<hbm>> -> memref<136x16xf32, #tpu.memory_space<hbm>>
          tpu.wait_dma2 semaphore(%arg16 : memref<!tpu.dma_semaphore, #tpu.memory_space<semaphore_mem>>) src(%dma_wait3A_165 : memref<136x16xf32, #tpu.memory_space<hbm>>) dst(%dma_wait3A_163 : memref<136x16xf32, #tpu.memory_space<vmem>>)
          %dma_wait3A_166 = arith.constant 1 : i32
          %dma_wait3A_167 = arith.constant 0 : i32
          %dma_wait3A_168 = arith.constant 0 : i32
          %dma_wait3A_169 = tpu.memref_slice %arg15[%dma_wait3A_166, %dma_wait3A_167, %dma_wait3A_168] : memref<2x136x16xf32, #tpu.memory_space<vmem>> -> memref<1x136x16xf32, #tpu.memory_space<vmem>>
          %dma_wait3A_170 = tpu.memref_squeeze %dma_wait3A_169 : memref<1x136x16xf32, #tpu.memory_space<vmem>> -> memref<136x16xf32, #tpu.memory_space<vmem>>
          %dma_wait3A_171 = arith.constant 0 : i32
          %dma_wait3A_172 = tpu.memref_slice %arg4[%add3A_125, %dma_wait3A_171] : memref<100096x16xf32, #tpu.memory_space<hbm>> -> memref<136x16xf32, #tpu.memory_space<hbm>>
          %dma_wait3A_173 = arith.constant 0 : i32
          %dma_wait3A_174 = arith.constant 0 : i32
          %dma_wait3A_175 = tpu.memref_slice %arg15[%dma_wait3A_166, %dma_wait3A_173, %dma_wait3A_174] : memref<2x136x16xf32, #tpu.memory_space<vmem>> -> memref<1x136x16xf32, #tpu.memory_space<vmem>>
          %dma_wait3A_176 = tpu.memref_squeeze %dma_wait3A_175 : memref<1x136x16xf32, #tpu.memory_space<vmem>> -> memref<136x16xf32, #tpu.memory_space<vmem>>
          %dma_wait3A_177 = arith.constant 0 : i32
          %dma_wait3A_178 = tpu.memref_slice %arg4[%add3A_125, %dma_wait3A_177] : memref<100096x16xf32, #tpu.memory_space<hbm>> -> memref<136x16xf32, #tpu.memory_space<hbm>>
          tpu.wait_dma2 semaphore(%arg16 : memref<!tpu.dma_semaphore, #tpu.memory_space<semaphore_mem>>) src(%dma_wait3A_178 : memref<136x16xf32, #tpu.memory_space<hbm>>) dst(%dma_wait3A_176 : memref<136x16xf32, #tpu.memory_space<vmem>>)
          %scan3A_179 = arith.constant 0 : i32
          %scan3A_180 = arith.constant 0 : i32
          %scan3A_181 = arith.constant 34 : i32
          %scan3A_182 = arith.addi %scan3A_180, %scan3A_181 : i32
          %scan3A_183 = arith.constant 1 : i32
          %scan3A_184 = scf.for %scan3A_227 = %scan3A_180 to %scan3A_182 step %scan3A_183 iter_args(%scan3A_228 = %scan3A_179) -> (i32)  : i32 {
            %mul3A_229 = arith.constant 4 : i32
            %mul3A_230 = arith.muli %scan3A_227, %mul3A_229 : i32
            %add3A_231 = arith.constant 0 : i32
            %add3A_232 = arith.addi %mul3A_230, %add3A_231 : i32
            %get3A = arith.constant 1 : i32
            %get3A_233 = arith.index_cast %get3A : i32 to index
            %get3A_234 = arith.index_cast %add3A_232 : i32 to index
            %get3A_235 = arith.constant 0 : index
            %get3A_236 = tpu.vector_load %arg15[%get3A_233, %get3A_234, %get3A_235] {strides = array<i32>} : memref<2x136x16xf32, #tpu.memory_space<vmem>>, vector<1x1x16xf32>,
            %get3A_237 = vector.shape_cast %get3A_236 : vector<1x1x16xf32> to vector<16xf32>
            %get3A_238 = arith.constant 1 : i32
            %get3A_239 = arith.index_cast %get3A_238 : i32 to index
            %get3A_240 = arith.index_cast %add3A_232 : i32 to index
            %get3A_241 = arith.constant 0 : index
            %get3A_242 = tpu.vector_load %arg13[%get3A_239, %get3A_240, %get3A_241] {strides = array<i32>} : memref<2x136x16xf32, #tpu.memory_space<vmem>>, vector<1x1x16xf32>,
            %get3A_243 = vector.shape_cast %get3A_242 : vector<1x1x16xf32> to vector<16xf32>
            %mul3A_244 = arith.mulf %get3A_237, %get3A_243 : vector<16xf32>
            %get3A_245 = arith.constant 1 : i32
            %get3A_246 = arith.index_cast %get3A_245 : i32 to index
            %get3A_247 = arith.index_cast %add3A_232 : i32 to index
            %get3A_248 = arith.constant 0 : index
            %get3A_249 = tpu.vector_load %arg14[%get3A_246, %get3A_247, %get3A_248] {strides = array<i32>} : memref<2x136x16xf32, #tpu.memory_space<vmem>>, vector<1x1x16xf32>,
            %get3A_250 = vector.shape_cast %get3A_249 : vector<1x1x16xf32> to vector<16xf32>
            %mul3A_251 = arith.constant 1.000000e-01 : f32
            %mul3A_252 = vector.broadcast %mul3A_251 : f32 to vector<16xf32>
            %mul3A_253 = arith.mulf %mul3A_252, %get3A_250 : vector<16xf32>
            %add3A_254 = arith.addf %mul3A_244, %mul3A_253 : vector<16xf32>
            %swap3A = arith.constant 1 : i32
            %swap3A_255 = arith.index_cast %swap3A : i32 to index
            %swap3A_256 = arith.index_cast %add3A_232 : i32 to index
            %swap3A_257 = arith.constant 0 : index
            %swap3A_258 = tpu.vector_load %arg13[%swap3A_255, %swap3A_256, %swap3A_257] {strides = array<i32>} : memref<2x136x16xf32, #tpu.memory_space<vmem>>, vector<1x1x16xf32>,
            %swap3A_259 = vector.shape_cast %swap3A_258 : vector<1x1x16xf32> to vector<16xf32>
            %swap3A_260 = vector.shape_cast %add3A_254 : vector<16xf32> to vector<1x1x16xf32>
            tpu.vector_store %arg13[%swap3A_255, %swap3A_256, %swap3A_257], %swap3A_260 {strides = array<i32>} : memref<2x136x16xf32, #tpu.memory_space<vmem>>, vector<1x1x16xf32>,
            %mul3A_261 = arith.constant 4 : i32
            %mul3A_262 = arith.muli %scan3A_227, %mul3A_261 : i32
            %add3A_263 = arith.constant 1 : i32
            %add3A_264 = arith.addi %mul3A_262, %add3A_263 : i32
            %get3A_265 = arith.constant 1 : i32
            %get3A_266 = arith.index_cast %get3A_265 : i32 to index
            %get3A_267 = arith.index_cast %add3A_264 : i32 to index
            %get3A_268 = arith.constant 0 : index
            %get3A_269 = tpu.vector_load %arg15[%get3A_266, %get3A_267, %get3A_268] {strides = array<i32>} : memref<2x136x16xf32, #tpu.memory_space<vmem>>, vector<1x1x16xf32>,
            %get3A_270 = vector.shape_cast %get3A_269 : vector<1x1x16xf32> to vector<16xf32>
            %get3A_271 = arith.constant 1 : i32
            %get3A_272 = arith.index_cast %get3A_271 : i32 to index
            %get3A_273 = arith.index_cast %add3A_264 : i32 to index
            %get3A_274 = arith.constant 0 : index
            %get3A_275 = tpu.vector_load %arg13[%get3A_272, %get3A_273, %get3A_274] {strides = array<i32>} : memref<2x136x16xf32, #tpu.memory_space<vmem>>, vector<1x1x16xf32>,
            %get3A_276 = vector.shape_cast %get3A_275 : vector<1x1x16xf32> to vector<16xf32>
            %mul3A_277 = arith.mulf %get3A_270, %get3A_276 : vector<16xf32>
            %get3A_278 = arith.constant 1 : i32
            %get3A_279 = arith.index_cast %get3A_278 : i32 to index
            %get3A_280 = arith.index_cast %add3A_264 : i32 to index
            %get3A_281 = arith.constant 0 : index
            %get3A_282 = tpu.vector_load %arg14[%get3A_279, %get3A_280, %get3A_281] {strides = array<i32>} : memref<2x136x16xf32, #tpu.memory_space<vmem>>, vector<1x1x16xf32>,
            %get3A_283 = vector.shape_cast %get3A_282 : vector<1x1x16xf32> to vector<16xf32>
            %mul3A_284 = arith.constant 1.000000e-01 : f32
            %mul3A_285 = vector.broadcast %mul3A_284 : f32 to vector<16xf32>
            %mul3A_286 = arith.mulf %mul3A_285, %get3A_283 : vector<16xf32>
            %add3A_287 = arith.addf %mul3A_277, %mul3A_286 : vector<16xf32>
            %swap3A_288 = arith.constant 1 : i32
            %swap3A_289 = arith.index_cast %swap3A_288 : i32 to index
            %swap3A_290 = arith.index_cast %add3A_264 : i32 to index
            %swap3A_291 = arith.constant 0 : index
            %swap3A_292 = tpu.vector_load %arg13[%swap3A_289, %swap3A_290, %swap3A_291] {strides = array<i32>} : memref<2x136x16xf32, #tpu.memory_space<vmem>>, vector<1x1x16xf32>,
            %swap3A_293 = vector.shape_cast %swap3A_292 : vector<1x1x16xf32> to vector<16xf32>
            %swap3A_294 = vector.shape_cast %add3A_287 : vector<16xf32> to vector<1x1x16xf32>
            tpu.vector_store %arg13[%swap3A_289, %swap3A_290, %swap3A_291], %swap3A_294 {strides = array<i32>} : memref<2x136x16xf32, #tpu.memory_space<vmem>>, vector<1x1x16xf32>,
            %mul3A_295 = arith.constant 4 : i32
            %mul3A_296 = arith.muli %scan3A_227, %mul3A_295 : i32
            %add3A_297 = arith.constant 2 : i32
            %add3A_298 = arith.addi %mul3A_296, %add3A_297 : i32
            %get3A_299 = arith.constant 1 : i32
            %get3A_300 = arith.index_cast %get3A_299 : i32 to index
            %get3A_301 = arith.index_cast %add3A_298 : i32 to index
            %get3A_302 = arith.constant 0 : index
            %get3A_303 = tpu.vector_load %arg15[%get3A_300, %get3A_301, %get3A_302] {strides = array<i32>} : memref<2x136x16xf32, #tpu.memory_space<vmem>>, vector<1x1x16xf32>,
            %get3A_304 = vector.shape_cast %get3A_303 : vector<1x1x16xf32> to vector<16xf32>
            %get3A_305 = arith.constant 1 : i32
            %get3A_306 = arith.index_cast %get3A_305 : i32 to index
            %get3A_307 = arith.index_cast %add3A_298 : i32 to index
            %get3A_308 = arith.constant 0 : index
            %get3A_309 = tpu.vector_load %arg13[%get3A_306, %get3A_307, %get3A_308] {strides = array<i32>} : memref<2x136x16xf32, #tpu.memory_space<vmem>>, vector<1x1x16xf32>,
            %get3A_310 = vector.shape_cast %get3A_309 : vector<1x1x16xf32> to vector<16xf32>
            %mul3A_311 = arith.mulf %get3A_304, %get3A_310 : vector<16xf32>
            %get3A_312 = arith.constant 1 : i32
            %get3A_313 = arith.index_cast %get3A_312 : i32 to index
            %get3A_314 = arith.index_cast %add3A_298 : i32 to index
            %get3A_315 = arith.constant 0 : index
            %get3A_316 = tpu.vector_load %arg14[%get3A_313, %get3A_314, %get3A_315] {strides = array<i32>} : memref<2x136x16xf32, #tpu.memory_space<vmem>>, vector<1x1x16xf32>,
            %get3A_317 = vector.shape_cast %get3A_316 : vector<1x1x16xf32> to vector<16xf32>
            %mul3A_318 = arith.constant 1.000000e-01 : f32
            %mul3A_319 = vector.broadcast %mul3A_318 : f32 to vector<16xf32>
            %mul3A_320 = arith.mulf %mul3A_319, %get3A_317 : vector<16xf32>
            %add3A_321 = arith.addf %mul3A_311, %mul3A_320 : vector<16xf32>
            %swap3A_322 = arith.constant 1 : i32
            %swap3A_323 = arith.index_cast %swap3A_322 : i32 to index
            %swap3A_324 = arith.index_cast %add3A_298 : i32 to index
            %swap3A_325 = arith.constant 0 : index
            %swap3A_326 = tpu.vector_load %arg13[%swap3A_323, %swap3A_324, %swap3A_325] {strides = array<i32>} : memref<2x136x16xf32, #tpu.memory_space<vmem>>, vector<1x1x16xf32>,
            %swap3A_327 = vector.shape_cast %swap3A_326 : vector<1x1x16xf32> to vector<16xf32>
            %swap3A_328 = vector.shape_cast %add3A_321 : vector<16xf32> to vector<1x1x16xf32>
            tpu.vector_store %arg13[%swap3A_323, %swap3A_324, %swap3A_325], %swap3A_328 {strides = array<i32>} : memref<2x136x16xf32, #tpu.memory_space<vmem>>, vector<1x1x16xf32>,
            %mul3A_329 = arith.constant 4 : i32
            %mul3A_330 = arith.muli %scan3A_227, %mul3A_329 : i32
            %add3A_331 = arith.constant 3 : i32
            %add3A_332 = arith.addi %mul3A_330, %add3A_331 : i32
            %get3A_333 = arith.constant 1 : i32
            %get3A_334 = arith.index_cast %get3A_333 : i32 to index
            %get3A_335 = arith.index_cast %add3A_332 : i32 to index
            %get3A_336 = arith.constant 0 : index
            %get3A_337 = tpu.vector_load %arg15[%get3A_334, %get3A_335, %get3A_336] {strides = array<i32>} : memref<2x136x16xf32, #tpu.memory_space<vmem>>, vector<1x1x16xf32>,
            %get3A_338 = vector.shape_cast %get3A_337 : vector<1x1x16xf32> to vector<16xf32>
            %get3A_339 = arith.constant 1 : i32
            %get3A_340 = arith.index_cast %get3A_339 : i32 to index
            %get3A_341 = arith.index_cast %add3A_332 : i32 to index
            %get3A_342 = arith.constant 0 : index
            %get3A_343 = tpu.vector_load %arg13[%get3A_340, %get3A_341, %get3A_342] {strides = array<i32>} : memref<2x136x16xf32, #tpu.memory_space<vmem>>, vector<1x1x16xf32>,
            %get3A_344 = vector.shape_cast %get3A_343 : vector<1x1x16xf32> to vector<16xf32>
            %mul3A_345 = arith.mulf %get3A_338, %get3A_344 : vector<16xf32>
            %get3A_346 = arith.constant 1 : i32
            %get3A_347 = arith.index_cast %get3A_346 : i32 to index
            %get3A_348 = arith.index_cast %add3A_332 : i32 to index
            %get3A_349 = arith.constant 0 : index
            %get3A_350 = tpu.vector_load %arg14[%get3A_347, %get3A_348, %get3A_349] {strides = array<i32>} : memref<2x136x16xf32, #tpu.memory_space<vmem>>, vector<1x1x16xf32>,
            %get3A_351 = vector.shape_cast %get3A_350 : vector<1x1x16xf32> to vector<16xf32>
            %mul3A_352 = arith.constant 1.000000e-01 : f32
            %mul3A_353 = vector.broadcast %mul3A_352 : f32 to vector<16xf32>
            %mul3A_354 = arith.mulf %mul3A_353, %get3A_351 : vector<16xf32>
            %add3A_355 = arith.addf %mul3A_345, %mul3A_354 : vector<16xf32>
            %swap3A_356 = arith.constant 1 : i32
            %swap3A_357 = arith.index_cast %swap3A_356 : i32 to index
            %swap3A_358 = arith.index_cast %add3A_332 : i32 to index
            %swap3A_359 = arith.constant 0 : index
            %swap3A_360 = tpu.vector_load %arg13[%swap3A_357, %swap3A_358, %swap3A_359] {strides = array<i32>} : memref<2x136x16xf32, #tpu.memory_space<vmem>>, vector<1x1x16xf32>,
            %swap3A_361 = vector.shape_cast %swap3A_360 : vector<1x1x16xf32> to vector<16xf32>
            %swap3A_362 = vector.shape_cast %add3A_355 : vector<16xf32> to vector<1x1x16xf32>
            tpu.vector_store %arg13[%swap3A_357, %swap3A_358, %swap3A_359], %swap3A_362 {strides = array<i32>} : memref<2x136x16xf32, #tpu.memory_space<vmem>>, vector<1x1x16xf32>,
            %scan3A_363 = arith.constant 0 : i32
            scf.yield %scan3A_363 : i32
          }
          %scan3A_185 = arith.constant 34 : i32
          %dma_start3A_186 = arith.constant 1 : i32
          %dma_start3A_187 = arith.constant 0 : i32
          %dma_start3A_188 = arith.constant 0 : i32
          %dma_start3A_189 = tpu.memref_slice %arg13[%dma_start3A_186, %dma_start3A_187, %dma_start3A_188] : memref<2x136x16xf32, #tpu.memory_space<vmem>> -> memref<1x136x16xf32, #tpu.memory_space<vmem>>
          %dma_start3A_190 = tpu.memref_squeeze %dma_start3A_189 : memref<1x136x16xf32, #tpu.memory_space<vmem>> -> memref<136x16xf32, #tpu.memory_space<vmem>>
          %dma_start3A_191 = arith.constant 0 : i32
          %dma_start3A_192 = tpu.memref_slice %arg8[%add3A_125, %dma_start3A_191] : memref<100096x16xf32, #tpu.memory_space<hbm>> -> memref<136x16xf32, #tpu.memory_space<hbm>>
          %dma_start3A_193 = arith.constant 0 : i32
          %dma_start3A_194 = tpu.memref_slice %arg8[%add3A_125, %dma_start3A_193] : memref<100096x16xf32, #tpu.memory_space<hbm>> -> memref<136x16xf32, #tpu.memory_space<hbm>>
          %dma_start3A_195 = arith.constant 0 : i32
          %dma_start3A_196 = arith.constant 0 : i32
          %dma_start3A_197 = tpu.memref_slice %arg13[%dma_start3A_186, %dma_start3A_195, %dma_start3A_196] : memref<2x136x16xf32, #tpu.memory_space<vmem>> -> memref<1x136x16xf32, #tpu.memory_space<vmem>>
          %dma_start3A_198 = tpu.memref_squeeze %dma_start3A_197 : memref<1x136x16xf32, #tpu.memory_space<vmem>> -> memref<136x16xf32, #tpu.memory_space<vmem>>
          tpu.enqueue_dma source(%dma_start3A_198 : memref<136x16xf32, #tpu.memory_space<vmem>>) target(%dma_start3A_194 : memref<136x16xf32, #tpu.memory_space<hbm>>) target_semaphore(%arg17 : memref<!tpu.dma_semaphore, #tpu.memory_space<semaphore_mem>>)
          %run_scoped3A_199 = arith.constant 1 : i32
          "tpu.region"() ({
            %run_scoped3A_227 = tpu.sem_alloc : memref<!tpu.dma_semaphore, #tpu.memory_space<semaphore_mem>>
            %dma_start3A_228 = arith.constant 0 : i32
            %dma_start3A_229 = arith.constant 0 : i32
            %dma_start3A_230 = tpu.memref_slice %arg13[%run_scoped3A_199, %dma_start3A_228, %dma_start3A_229] : memref<2x136x16xf32, #tpu.memory_space<vmem>> -> memref<1x136x16xf32, #tpu.memory_space<vmem>>
            %dma_start3A_231 = tpu.memref_squeeze %dma_start3A_230 : memref<1x136x16xf32, #tpu.memory_space<vmem>> -> memref<136x16xf32, #tpu.memory_space<vmem>>
            %dma_start3A_232 = arith.constant 0 : i32
            %dma_start3A_233 = tpu.memref_slice %arg9[%add3A_125, %dma_start3A_232] : memref<100096x16xf32, #tpu.memory_space<vmem_shared>> -> memref<136x16xf32, #tpu.memory_space<vmem_shared>>
            %dma_start3A_234 = arith.constant 0 : i32
            %dma_start3A_235 = tpu.memref_slice %arg9[%add3A_125, %dma_start3A_234] : memref<100096x16xf32, #tpu.memory_space<vmem_shared>> -> memref<136x16xf32, #tpu.memory_space<vmem_shared>>
            %dma_start3A_236 = arith.constant 0 : i32
            %dma_start3A_237 = arith.constant 0 : i32
            %dma_start3A_238 = tpu.memref_slice %arg13[%run_scoped3A_199, %dma_start3A_236, %dma_start3A_237] : memref<2x136x16xf32, #tpu.memory_space<vmem>> -> memref<1x136x16xf32, #tpu.memory_space<vmem>>
            %dma_start3A_239 = tpu.memref_squeeze %dma_start3A_238 : memref<1x136x16xf32, #tpu.memory_space<vmem>> -> memref<136x16xf32, #tpu.memory_space<vmem>>
            tpu.enqueue_dma source(%dma_start3A_239 : memref<136x16xf32, #tpu.memory_space<vmem>>) target(%dma_start3A_235 : memref<136x16xf32, #tpu.memory_space<vmem_shared>>) target_semaphore(%run_scoped3A_227 : memref<!tpu.dma_semaphore, #tpu.memory_space<semaphore_mem>>)
            %dma_wait3A_240 = arith.constant 0 : i32
            %dma_wait3A_241 = arith.constant 0 : i32
            %dma_wait3A_242 = tpu.memref_slice %arg13[%run_scoped3A_199, %dma_wait3A_240, %dma_wait3A_241] : memref<2x136x16xf32, #tpu.memory_space<vmem>> -> memref<1x136x16xf32, #tpu.memory_space<vmem>>
            %dma_wait3A_243 = tpu.memref_squeeze %dma_wait3A_242 : memref<1x136x16xf32, #tpu.memory_space<vmem>> -> memref<136x16xf32, #tpu.memory_space<vmem>>
            %dma_wait3A_244 = arith.constant 0 : i32
            %dma_wait3A_245 = tpu.memref_slice %arg9[%add3A_125, %dma_wait3A_244] : memref<100096x16xf32, #tpu.memory_space<vmem_shared>> -> memref<136x16xf32, #tpu.memory_space<vmem_shared>>
            %dma_wait3A_246 = arith.constant 0 : i32
            %dma_wait3A_247 = tpu.memref_slice %arg9[%add3A_125, %dma_wait3A_246] : memref<100096x16xf32, #tpu.memory_space<vmem_shared>> -> memref<136x16xf32, #tpu.memory_space<vmem_shared>>
            %dma_wait3A_248 = arith.constant 0 : i32
            %dma_wait3A_249 = arith.constant 0 : i32
            %dma_wait3A_250 = tpu.memref_slice %arg13[%run_scoped3A_199, %dma_wait3A_248, %dma_wait3A_249] : memref<2x136x16xf32, #tpu.memory_space<vmem>> -> memref<1x136x16xf32, #tpu.memory_space<vmem>>
            %dma_wait3A_251 = tpu.memref_squeeze %dma_wait3A_250 : memref<1x136x16xf32, #tpu.memory_space<vmem>> -> memref<136x16xf32, #tpu.memory_space<vmem>>
            tpu.wait_dma2 semaphore(%run_scoped3A_227 : memref<!tpu.dma_semaphore, #tpu.memory_space<semaphore_mem>>) src(%dma_wait3A_251 : memref<136x16xf32, #tpu.memory_space<vmem>>) dst(%dma_wait3A_247 : memref<136x16xf32, #tpu.memory_space<vmem_shared>>)
            tpu.yield
          }) : () -> ()
          %dma_wait3A_200 = arith.constant 0 : i32
          %dma_wait3A_201 = arith.constant 0 : i32
          %dma_wait3A_202 = arith.constant 0 : i32
          %dma_wait3A_203 = tpu.memref_slice %arg13[%dma_wait3A_200, %dma_wait3A_201, %dma_wait3A_202] : memref<2x136x16xf32, #tpu.memory_space<vmem>> -> memref<1x136x16xf32, #tpu.memory_space<vmem>>
          %dma_wait3A_204 = tpu.memref_squeeze %dma_wait3A_203 : memref<1x136x16xf32, #tpu.memory_space<vmem>> -> memref<136x16xf32, #tpu.memory_space<vmem>>
          %dma_wait3A_205 = arith.constant 0 : i32
          %dma_wait3A_206 = tpu.memref_slice %arg8[%add3A, %dma_wait3A_205] : memref<100096x16xf32, #tpu.memory_space<hbm>> -> memref<136x16xf32, #tpu.memory_space<hbm>>
          %dma_wait3A_207 = arith.constant 0 : i32
          %dma_wait3A_208 = tpu.memref_slice %arg8[%add3A, %dma_wait3A_207] : memref<100096x16xf32, #tpu.memory_space<hbm>> -> memref<136x16xf32, #tpu.memory_space<hbm>>
          %dma_wait3A_209 = arith.constant 0 : i32
          %dma_wait3A_210 = arith.constant 0 : i32
          %dma_wait3A_211 = tpu.memref_slice %arg13[%dma_wait3A_200, %dma_wait3A_209, %dma_wait3A_210] : memref<2x136x16xf32, #tpu.memory_space<vmem>> -> memref<1x136x16xf32, #tpu.memory_space<vmem>>
          %dma_wait3A_212 = tpu.memref_squeeze %dma_wait3A_211 : memref<1x136x16xf32, #tpu.memory_space<vmem>> -> memref<136x16xf32, #tpu.memory_space<vmem>>
          tpu.wait_dma2 semaphore(%arg17 : memref<!tpu.dma_semaphore, #tpu.memory_space<semaphore_mem>>) src(%dma_wait3A_212 : memref<136x16xf32, #tpu.memory_space<vmem>>) dst(%dma_wait3A_208 : memref<136x16xf32, #tpu.memory_space<hbm>>)
          %dma_wait3A_213 = arith.constant 1 : i32
          %dma_wait3A_214 = arith.constant 0 : i32
          %dma_wait3A_215 = arith.constant 0 : i32
          %dma_wait3A_216 = tpu.memref_slice %arg13[%dma_wait3A_213, %dma_wait3A_214, %dma_wait3A_215] : memref<2x136x16xf32, #tpu.memory_space<vmem>> -> memref<1x136x16xf32, #tpu.memory_space<vmem>>
          %dma_wait3A_217 = tpu.memref_squeeze %dma_wait3A_216 : memref<1x136x16xf32, #tpu.memory_space<vmem>> -> memref<136x16xf32, #tpu.memory_space<vmem>>
          %dma_wait3A_218 = arith.constant 0 : i32
          %dma_wait3A_219 = tpu.memref_slice %arg8[%add3A_125, %dma_wait3A_218] : memref<100096x16xf32, #tpu.memory_space<hbm>> -> memref<136x16xf32, #tpu.memory_space<hbm>>
          %dma_wait3A_220 = arith.constant 0 : i32
          %dma_wait3A_221 = tpu.memref_slice %arg8[%add3A_125, %dma_wait3A_220] : memref<100096x16xf32, #tpu.memory_space<hbm>> -> memref<136x16xf32, #tpu.memory_space<hbm>>
          %dma_wait3A_222 = arith.constant 0 : i32
          %dma_wait3A_223 = arith.constant 0 : i32
          %dma_wait3A_224 = tpu.memref_slice %arg13[%dma_wait3A_213, %dma_wait3A_222, %dma_wait3A_223] : memref<2x136x16xf32, #tpu.memory_space<vmem>> -> memref<1x136x16xf32, #tpu.memory_space<vmem>>
          %dma_wait3A_225 = tpu.memref_squeeze %dma_wait3A_224 : memref<1x136x16xf32, #tpu.memory_space<vmem>> -> memref<136x16xf32, #tpu.memory_space<vmem>>
          tpu.wait_dma2 semaphore(%arg17 : memref<!tpu.dma_semaphore, #tpu.memory_space<semaphore_mem>>) src(%dma_wait3A_225 : memref<136x16xf32, #tpu.memory_space<vmem>>) dst(%dma_wait3A_221 : memref<136x16xf32, #tpu.memory_space<hbm>>)
          %scan3A_226 = arith.constant 0 : i32
          scf.yield %scan3A_226 : i32
        }
        %scan3A_39 = arith.constant 23 : i32
        %barrier3A_40 = arith.constant 0 : index
        tpu.barrier barrier_id(%barrier3A_40)
        "tpu.trace_stop"() : () -> ()
        %scan3A_41 = arith.constant 0 : i32
        scf.yield %scan3A_41 : i32
      }
      %scan3A_22 = arith.constant 10 : i32
    } else {
    }
    return
  }
}

#map = affine_map<(d0, d1) -> (0, 0)>
#map1 = affine_map<(d0, d1) -> (0)>
module attributes {stable_mosaic.version = 14 : i64} {
  func.func @_deg_body(%arg0: i32, %arg1: i32, %arg2: memref<6400x256xi32, #tpu.memory_space<hbm>>, %arg3: memref<100096xf32, #tpu.memory_space<hbm>>, %arg4: memref<100096xf32, #tpu.memory_space<hbm>>, %arg5: memref<100096xf32, #tpu.memory_space<vmem_shared>>, %arg6: memref<6256xf32, #tpu.memory_space<vmem>>, %arg7: memref<256xf32, #tpu.memory_space<vmem>>, %arg8: memref<1x256xi32, #tpu.memory_space<vmem>>) attributes {dimension_semantics = [#tpu.dimension_semantics<core_parallel>, #tpu.dimension_semantics<subcore_parallel>], iteration_bounds = array<i64: 2, 16>, scalar_prefetch = 0 : i64, scratch_operands = 4 : i64, tpu.core_type = #tpu.core_type<sc_vector_subcore>, window_params = [{transform_indices = #map}, {transform_indices = #map1}, {transform_indices = #map1}]} {
    %scan3A = arith.constant 0 : i32
    %scan3A_0 = arith.constant 0 : i32
    %scan3A_1 = arith.constant 391 : i32
    %scan3A_2 = arith.addi %scan3A_0, %scan3A_1 : i32
    %scan3A_3 = arith.constant 1 : i32
    %scan3A_4 = scf.for %scan3A_35 = %scan3A_0 to %scan3A_2 step %scan3A_3 iter_args(%scan3A_36 = %scan3A) -> (i32)  : i32 {
      %broadcast_in_dim3A = arith.constant 0.000000e+00 : f32
      %broadcast_in_dim3A_37 = vector.broadcast %broadcast_in_dim3A : f32 to vector<16xf32>
      %mul3A_38 = arith.constant 16 : i32
      %mul3A_39 = arith.muli %scan3A_35, %mul3A_38 : i32
      %swap3A = arith.index_cast %mul3A_39 : i32 to index
      %swap3A_40 = tpu.vector_load %arg6[%swap3A] {strides = array<i32>} : memref<6256xf32, #tpu.memory_space<vmem>>, vector<16xf32>,
      %swap3A_41 = vector.shape_cast %swap3A_40 : vector<16xf32> to vector<16xf32>
      %swap3A_42 = vector.shape_cast %broadcast_in_dim3A_37 : vector<16xf32> to vector<16xf32>
      tpu.vector_store %arg6[%swap3A], %swap3A_42 {strides = array<i32>} : memref<6256xf32, #tpu.memory_space<vmem>>, vector<16xf32>,
      %scan3A_43 = arith.constant 0 : i32
      scf.yield %scan3A_43 : i32
    }
    %scan3A_5 = arith.constant 391 : i32
    %scan3A_6 = arith.constant 0 : i32
    %scan3A_7 = arith.constant 0 : i32
    %scan3A_8 = arith.constant 16 : i32
    %scan3A_9 = arith.addi %scan3A_7, %scan3A_8 : i32
    %scan3A_10 = arith.constant 1 : i32
    %scan3A_11 = scf.for %scan3A_35 = %scan3A_7 to %scan3A_9 step %scan3A_10 iter_args(%scan3A_36 = %scan3A_6) -> (i32)  : i32 {
      %broadcast_in_dim3A = arith.constant 1.000000e+00 : f32
      %broadcast_in_dim3A_37 = vector.broadcast %broadcast_in_dim3A : f32 to vector<16xf32>
      %mul3A_38 = arith.constant 16 : i32
      %mul3A_39 = arith.muli %scan3A_35, %mul3A_38 : i32
      %swap3A = arith.index_cast %mul3A_39 : i32 to index
      %swap3A_40 = tpu.vector_load %arg7[%swap3A] {strides = array<i32>} : memref<256xf32, #tpu.memory_space<vmem>>, vector<16xf32>,
      %swap3A_41 = vector.shape_cast %swap3A_40 : vector<16xf32> to vector<16xf32>
      %swap3A_42 = vector.shape_cast %broadcast_in_dim3A_37 : vector<16xf32> to vector<16xf32>
      tpu.vector_store %arg7[%swap3A], %swap3A_42 {strides = array<i32>} : memref<256xf32, #tpu.memory_space<vmem>>, vector<16xf32>,
      %scan3A_43 = arith.constant 0 : i32
      scf.yield %scan3A_43 : i32
    }
    %scan3A_12 = arith.constant 16 : i32
    %mul3A = arith.constant 6256 : i32
    %mul3A_13 = arith.muli %arg1, %mul3A : i32
    "tpu.region"() ({
      %run_scoped3A = tpu.sem_alloc : memref<!tpu.dma_semaphore, #tpu.memory_space<semaphore_mem>>
      %dma_start3A = tpu.memref_slice %arg5[%mul3A_13] : memref<100096xf32, #tpu.memory_space<vmem_shared>> -> memref<6256xf32, #tpu.memory_space<vmem_shared>>
      %dma_start3A_35 = tpu.memref_slice %arg5[%mul3A_13] : memref<100096xf32, #tpu.memory_space<vmem_shared>> -> memref<6256xf32, #tpu.memory_space<vmem_shared>>
      tpu.enqueue_dma source(%arg6 : memref<6256xf32, #tpu.memory_space<vmem>>) target(%dma_start3A_35 : memref<6256xf32, #tpu.memory_space<vmem_shared>>) target_semaphore(%run_scoped3A : memref<!tpu.dma_semaphore, #tpu.memory_space<semaphore_mem>>)
      %dma_wait3A = tpu.memref_slice %arg5[%mul3A_13] : memref<100096xf32, #tpu.memory_space<vmem_shared>> -> memref<6256xf32, #tpu.memory_space<vmem_shared>>
      %dma_wait3A_36 = tpu.memref_slice %arg5[%mul3A_13] : memref<100096xf32, #tpu.memory_space<vmem_shared>> -> memref<6256xf32, #tpu.memory_space<vmem_shared>>
      tpu.wait_dma2 semaphore(%run_scoped3A : memref<!tpu.dma_semaphore, #tpu.memory_space<semaphore_mem>>) src(%arg6 : memref<6256xf32, #tpu.memory_space<vmem>>) dst(%dma_wait3A_36 : memref<6256xf32, #tpu.memory_space<vmem_shared>>)
      tpu.yield
    }) : () -> ()
    %barrier3A = arith.constant 0 : index
    tpu.barrier barrier_id(%barrier3A)
    %mul3A_14 = arith.constant 2 : i32
    %mul3A_15 = arith.muli %arg1, %mul3A_14 : i32
    %add3A = arith.addi %mul3A_15, %arg0 : i32
    %mul3A_16 = arith.constant 200 : i32
    %mul3A_17 = arith.muli %add3A, %mul3A_16 : i32
    %scan3A_18 = arith.constant 0 : i32
    %scan3A_19 = arith.constant 0 : i32
    %scan3A_20 = arith.constant 200 : i32
    %scan3A_21 = arith.addi %scan3A_19, %scan3A_20 : i32
    %scan3A_22 = arith.constant 1 : i32
    %scan3A_23 = scf.for %scan3A_35 = %scan3A_19 to %scan3A_21 step %scan3A_22 iter_args(%scan3A_36 = %scan3A_18) -> (i32)  : i32 {
      %add3A_37 = arith.addi %mul3A_17, %scan3A_35 : i32
      %run_scoped3A = arith.constant 0 : i32
      "tpu.region"() ({
        %run_scoped3A_40 = tpu.sem_alloc : memref<!tpu.dma_semaphore, #tpu.memory_space<semaphore_mem>>
        %dma_start3A = arith.constant 0 : i32
        %dma_start3A_41 = tpu.memref_slice %arg8[%run_scoped3A, %dma_start3A] : memref<1x256xi32, #tpu.memory_space<vmem>> -> memref<1x256xi32, #tpu.memory_space<vmem>>
        %dma_start3A_42 = tpu.memref_squeeze %dma_start3A_41 : memref<1x256xi32, #tpu.memory_space<vmem>> -> memref<256xi32, #tpu.memory_space<vmem>>
        %dma_start3A_43 = arith.constant 0 : i32
        %dma_start3A_44 = tpu.memref_slice %arg2[%add3A_37, %dma_start3A_43] : memref<6400x256xi32, #tpu.memory_space<hbm>> -> memref<1x256xi32, #tpu.memory_space<hbm>>
        %dma_start3A_45 = tpu.memref_squeeze %dma_start3A_44 : memref<1x256xi32, #tpu.memory_space<hbm>> -> memref<256xi32, #tpu.memory_space<hbm>>
        %dma_start3A_46 = arith.constant 0 : i32
        %dma_start3A_47 = tpu.memref_slice %arg8[%run_scoped3A, %dma_start3A_46] : memref<1x256xi32, #tpu.memory_space<vmem>> -> memref<1x256xi32, #tpu.memory_space<vmem>>
        %dma_start3A_48 = tpu.memref_squeeze %dma_start3A_47 : memref<1x256xi32, #tpu.memory_space<vmem>> -> memref<256xi32, #tpu.memory_space<vmem>>
        %dma_start3A_49 = arith.constant 0 : i32
        %dma_start3A_50 = tpu.memref_slice %arg2[%add3A_37, %dma_start3A_49] : memref<6400x256xi32, #tpu.memory_space<hbm>> -> memref<1x256xi32, #tpu.memory_space<hbm>>
        %dma_start3A_51 = tpu.memref_squeeze %dma_start3A_50 : memref<1x256xi32, #tpu.memory_space<hbm>> -> memref<256xi32, #tpu.memory_space<hbm>>
        tpu.enqueue_dma source(%dma_start3A_51 : memref<256xi32, #tpu.memory_space<hbm>>) target(%dma_start3A_48 : memref<256xi32, #tpu.memory_space<vmem>>) target_semaphore(%run_scoped3A_40 : memref<!tpu.dma_semaphore, #tpu.memory_space<semaphore_mem>>)
        %dma_wait3A = arith.constant 0 : i32
        %dma_wait3A_52 = tpu.memref_slice %arg8[%run_scoped3A, %dma_wait3A] : memref<1x256xi32, #tpu.memory_space<vmem>> -> memref<1x256xi32, #tpu.memory_space<vmem>>
        %dma_wait3A_53 = tpu.memref_squeeze %dma_wait3A_52 : memref<1x256xi32, #tpu.memory_space<vmem>> -> memref<256xi32, #tpu.memory_space<vmem>>
        %dma_wait3A_54 = arith.constant 0 : i32
        %dma_wait3A_55 = tpu.memref_slice %arg2[%add3A_37, %dma_wait3A_54] : memref<6400x256xi32, #tpu.memory_space<hbm>> -> memref<1x256xi32, #tpu.memory_space<hbm>>
        %dma_wait3A_56 = tpu.memref_squeeze %dma_wait3A_55 : memref<1x256xi32, #tpu.memory_space<hbm>> -> memref<256xi32, #tpu.memory_space<hbm>>
        %dma_wait3A_57 = arith.constant 0 : i32
        %dma_wait3A_58 = tpu.memref_slice %arg8[%run_scoped3A, %dma_wait3A_57] : memref<1x256xi32, #tpu.memory_space<vmem>> -> memref<1x256xi32, #tpu.memory_space<vmem>>
        %dma_wait3A_59 = tpu.memref_squeeze %dma_wait3A_58 : memref<1x256xi32, #tpu.memory_space<vmem>> -> memref<256xi32, #tpu.memory_space<vmem>>
        %dma_wait3A_60 = arith.constant 0 : i32
        %dma_wait3A_61 = tpu.memref_slice %arg2[%add3A_37, %dma_wait3A_60] : memref<6400x256xi32, #tpu.memory_space<hbm>> -> memref<1x256xi32, #tpu.memory_space<hbm>>
        %dma_wait3A_62 = tpu.memref_squeeze %dma_wait3A_61 : memref<1x256xi32, #tpu.memory_space<hbm>> -> memref<256xi32, #tpu.memory_space<hbm>>
        tpu.wait_dma2 semaphore(%run_scoped3A_40 : memref<!tpu.dma_semaphore, #tpu.memory_space<semaphore_mem>>) src(%dma_wait3A_62 : memref<256xi32, #tpu.memory_space<hbm>>) dst(%dma_wait3A_59 : memref<256xi32, #tpu.memory_space<vmem>>)
        tpu.yield
      }) : () -> ()
      %run_scoped3A_38 = arith.constant 0 : i32
      "tpu.region"() ({
        %run_scoped3A_40 = tpu.sem_alloc : memref<!tpu.dma_semaphore, #tpu.memory_space<semaphore_mem>>
        %dma_start3A = arith.constant 0 : i32
        %dma_start3A_41 = tpu.memref_slice %arg8[%run_scoped3A_38, %dma_start3A] : memref<1x256xi32, #tpu.memory_space<vmem>> -> memref<1x256xi32, #tpu.memory_space<vmem>>
        %dma_start3A_42 = tpu.memref_squeeze %dma_start3A_41 : memref<1x256xi32, #tpu.memory_space<vmem>> -> memref<256xi32, #tpu.memory_space<vmem>>
        %dma_start3A_43 = arith.constant 0 : i32
        %dma_start3A_44 = tpu.memref_slice %arg5[%dma_start3A_43] : memref<100096xf32, #tpu.memory_space<vmem_shared>> -> memref<100096xf32, #tpu.memory_space<vmem_shared>>
        tpu.enqueue_indirect_dma source(%arg7 : memref<256xf32, #tpu.memory_space<vmem>>) target(%dma_start3A_44 : memref<100096xf32, #tpu.memory_space<vmem_shared>>) offsets(%dma_start3A_42 : memref<256xi32, #tpu.memory_space<vmem>>) semaphore(%run_scoped3A_40 : memref<!tpu.dma_semaphore, #tpu.memory_space<semaphore_mem>>) {add = true}
        %dma_wait3A = arith.constant 0 : i32
        %dma_wait3A_45 = tpu.memref_slice %arg8[%run_scoped3A_38, %dma_wait3A] : memref<1x256xi32, #tpu.memory_space<vmem>> -> memref<1x256xi32, #tpu.memory_space<vmem>>
        %dma_wait3A_46 = tpu.memref_squeeze %dma_wait3A_45 : memref<1x256xi32, #tpu.memory_space<vmem>> -> memref<256xi32, #tpu.memory_space<vmem>>
        %dma_wait3A_47 = arith.constant 0 : i32
        %dma_wait3A_48 = tpu.memref_slice %arg5[%dma_wait3A_47] : memref<100096xf32, #tpu.memory_space<vmem_shared>> -> memref<100096xf32, #tpu.memory_space<vmem_shared>>
        tpu.wait_indirect_dma semaphore(%run_scoped3A_40 : memref<!tpu.dma_semaphore, #tpu.memory_space<semaphore_mem>>) src(%arg7 : memref<256xf32, #tpu.memory_space<vmem>>) dst(%dma_wait3A_48 : memref<100096xf32, #tpu.memory_space<vmem_shared>>)
        tpu.yield
      }) : () -> ()
      %scan3A_39 = arith.constant 0 : i32
      scf.yield %scan3A_39 : i32
    }
    %scan3A_24 = arith.constant 200 : i32
    %barrier3A_25 = arith.constant 0 : index
    tpu.barrier barrier_id(%barrier3A_25)
    %mul3A_26 = arith.constant 6256 : i32
    %mul3A_27 = arith.muli %arg1, %mul3A_26 : i32
    %eq3A = arith.constant 0 : i32
    %eq3A_28 = arith.cmpi eq, %arg0, %eq3A : i32
    %convert_element_type3A = arith.extui %eq3A_28 : i1 to i32
    %cond3A = arith.constant 0 : i32
    %cond3A_29 = arith.cmpi ne, %convert_element_type3A, %cond3A : i32
    scf.if %cond3A_29 {
      "tpu.region"() ({
        %run_scoped3A = tpu.sem_alloc : memref<!tpu.dma_semaphore, #tpu.memory_space<semaphore_mem>>
        %dma_start3A = tpu.memref_slice %arg3[%mul3A_27] : memref<100096xf32, #tpu.memory_space<hbm>> -> memref<6256xf32, #tpu.memory_space<hbm>>
        %dma_start3A_35 = tpu.memref_slice %arg5[%mul3A_27] : memref<100096xf32, #tpu.memory_space<vmem_shared>> -> memref<6256xf32, #tpu.memory_space<vmem_shared>>
        tpu.enqueue_dma source(%dma_start3A_35 : memref<6256xf32, #tpu.memory_space<vmem_shared>>) target(%dma_start3A : memref<6256xf32, #tpu.memory_space<hbm>>) target_semaphore(%run_scoped3A : memref<!tpu.dma_semaphore, #tpu.memory_space<semaphore_mem>>)
        %dma_wait3A = tpu.memref_slice %arg3[%mul3A_27] : memref<100096xf32, #tpu.memory_space<hbm>> -> memref<6256xf32, #tpu.memory_space<hbm>>
        %dma_wait3A_36 = tpu.memref_slice %arg5[%mul3A_27] : memref<100096xf32, #tpu.memory_space<vmem_shared>> -> memref<6256xf32, #tpu.memory_space<vmem_shared>>
        tpu.wait_dma2 semaphore(%run_scoped3A : memref<!tpu.dma_semaphore, #tpu.memory_space<semaphore_mem>>) src(%dma_wait3A_36 : memref<6256xf32, #tpu.memory_space<vmem_shared>>) dst(%dma_wait3A : memref<6256xf32, #tpu.memory_space<hbm>>)
        tpu.yield
      }) : () -> ()
    } else {
    }
    %eq3A_30 = arith.constant 1 : i32
    %eq3A_31 = arith.cmpi eq, %arg0, %eq3A_30 : i32
    %convert_element_type3A_32 = arith.extui %eq3A_31 : i1 to i32
    %cond3A_33 = arith.constant 0 : i32
    %cond3A_34 = arith.cmpi ne, %convert_element_type3A_32, %cond3A_33 : i32
    scf.if %cond3A_34 {
      "tpu.region"() ({
        %run_scoped3A = tpu.sem_alloc : memref<!tpu.dma_semaphore, #tpu.memory_space<semaphore_mem>>
        %dma_start3A = tpu.memref_slice %arg4[%mul3A_27] : memref<100096xf32, #tpu.memory_space<hbm>> -> memref<6256xf32, #tpu.memory_space<hbm>>
        %dma_start3A_35 = tpu.memref_slice %arg5[%mul3A_27] : memref<100096xf32, #tpu.memory_space<vmem_shared>> -> memref<6256xf32, #tpu.memory_space<vmem_shared>>
        tpu.enqueue_dma source(%dma_start3A_35 : memref<6256xf32, #tpu.memory_space<vmem_shared>>) target(%dma_start3A : memref<6256xf32, #tpu.memory_space<hbm>>) target_semaphore(%run_scoped3A : memref<!tpu.dma_semaphore, #tpu.memory_space<semaphore_mem>>)
        %dma_wait3A = tpu.memref_slice %arg4[%mul3A_27] : memref<100096xf32, #tpu.memory_space<hbm>> -> memref<6256xf32, #tpu.memory_space<hbm>>
        %dma_wait3A_36 = tpu.memref_slice %arg5[%mul3A_27] : memref<100096xf32, #tpu.memory_space<vmem_shared>> -> memref<6256xf32, #tpu.memory_space<vmem_shared>>
        tpu.wait_dma2 semaphore(%run_scoped3A : memref<!tpu.dma_semaphore, #tpu.memory_space<semaphore_mem>>) src(%dma_wait3A_36 : memref<6256xf32, #tpu.memory_space<vmem_shared>>) dst(%dma_wait3A : memref<6256xf32, #tpu.memory_space<hbm>>)
        tpu.yield
      }) : () -> ()
    } else {
    }
    return
  }
}

module attributes {stable_mosaic.version = 14 : i64} {
  func.func @_mlp_body(%arg0: i32, %arg1: memref<2000x128xf32, #tpu.memory_space<vmem>>, %arg2: memref<128x128xf32, #tpu.memory_space<vmem>>, %arg3: memref<1x128xf32, #tpu.memory_space<vmem>>, %arg4: memref<128x32xf32, #tpu.memory_space<vmem>>, %arg5: memref<1x32xf32, #tpu.memory_space<vmem>>, %arg6: memref<2000x32xf32, #tpu.memory_space<vmem>>) attributes {dimension_semantics = [#tpu.dimension_semantics<arbitrary>], iteration_bounds = array<i64: 50>, scalar_prefetch = 0 : i64, scratch_operands = 0 : i64, tpu.core_type = #tpu.core_type<tc>, window_params = [{transform_indices = @transform_0, window_bounds = array<i64: 2000, 128>}, {pipeline_mode = #tpu.pipeline_mode<synchronous>, transform_indices = @transform_1, window_bounds = array<i64: 128, 128>}, {pipeline_mode = #tpu.pipeline_mode<synchronous>, transform_indices = @transform_2, window_bounds = array<i64: 1, 128>}, {pipeline_mode = #tpu.pipeline_mode<synchronous>, transform_indices = @transform_3, window_bounds = array<i64: 128, 32>}, {pipeline_mode = #tpu.pipeline_mode<synchronous>, transform_indices = @transform_4, window_bounds = array<i64: 1, 32>}, {transform_indices = @transform_5, window_bounds = array<i64: 2000, 32>}]} {
    %get3A = arith.constant 0 : index
    %get3A_0 = arith.constant 0 : index
    %get3A_1 = vector.load %arg1[%get3A, %get3A_0] : memref<2000x128xf32, #tpu.memory_space<vmem>>, vector<2000x128xf32>
    %get3A_2 = arith.constant 0 : index
    %get3A_3 = arith.constant 0 : index
    %get3A_4 = vector.load %arg2[%get3A_2, %get3A_3] : memref<128x128xf32, #tpu.memory_space<vmem>>, vector<128x128xf32>
    %dot_general3A = arith.constant dense<0.000000e+00> : vector<2000x128xf32>
    %dot_general3A_5 = tpu.matmul %get3A_1, %get3A_4, %dot_general3A {dimension_numbers = #tpu.dot_dimension_numbers<[1], [0], [0], [1], [0, 0, 1, 1], [], []>, transpose_lhs_hint = false} : vector<2000x128xf32>, vector<128x128xf32>, vector<2000x128xf32> -> vector<2000x128xf32>
    %get3A_6 = arith.constant 0 : index
    %get3A_7 = arith.constant 0 : index
    %get3A_8 = vector.load %arg3[%get3A_6, %get3A_7] : memref<1x128xf32, #tpu.memory_space<vmem>>, vector<1x128xf32>
    %add3A = vector.broadcast %get3A_8 : vector<1x128xf32> to vector<2000x128xf32>
    %add3A_9 = arith.addf %dot_general3A_5, %add3A : vector<2000x128xf32>
    %max3A = arith.constant 0.000000e+00 : f32
    %max3A_10 = vector.broadcast %max3A : f32 to vector<2000x128xf32>
    %max3A_11 = arith.maximumf %add3A_9, %max3A_10 : vector<2000x128xf32>
    %get3A_12 = arith.constant 0 : index
    %get3A_13 = arith.constant 0 : index
    %get3A_14 = vector.load %arg4[%get3A_12, %get3A_13] : memref<128x32xf32, #tpu.memory_space<vmem>>, vector<128x32xf32>
    %dot_general3A_15 = arith.constant dense<0.000000e+00> : vector<2000x32xf32>
    %dot_general3A_16 = tpu.matmul %max3A_11, %get3A_14, %dot_general3A_15 {dimension_numbers = #tpu.dot_dimension_numbers<[1], [0], [0], [1], [0, 0, 1, 1], [], []>, transpose_lhs_hint = false} : vector<2000x128xf32>, vector<128x32xf32>, vector<2000x32xf32> -> vector<2000x32xf32>
    %get3A_17 = arith.constant 0 : index
    %get3A_18 = arith.constant 0 : index
    %get3A_19 = vector.load %arg5[%get3A_17, %get3A_18] : memref<1x32xf32, #tpu.memory_space<vmem>>, vector<1x32xf32>
    %add3A_20 = vector.broadcast %get3A_19 : vector<1x32xf32> to vector<2000x32xf32>
    %add3A_21 = arith.addf %dot_general3A_16, %add3A_20 : vector<2000x32xf32>
    %swap3A = arith.constant 0 : index
    %swap3A_22 = arith.constant 0 : index
    %swap3A_23 = vector.load %arg6[%swap3A, %swap3A_22] : memref<2000x32xf32, #tpu.memory_space<vmem>>, vector<2000x32xf32>
    tpu.vector_store %arg6[%swap3A, %swap3A_22], %add3A_21 {strides = array<i32>} : memref<2000x32xf32, #tpu.memory_space<vmem>>, vector<2000x32xf32>,
    return
  }
  func.func @transform_0(%arg0: i32) -> (i32, i32) {
    %c0_i32 = arith.constant 0 : i32
    %c0_i32_0 = arith.constant 0 : i32
    return %arg0, %c0_i32 : i32, i32
  }
  func.func @transform_1(%arg0: i32) -> (i32, i32) {
    %c0_i32 = arith.constant 0 : i32
    %c0_i32_0 = arith.constant 0 : i32
    %c0_i32_1 = arith.constant 0 : i32
    return %c0_i32, %c0_i32_0 : i32, i32
  }
  func.func @transform_2(%arg0: i32) -> (i32, i32) {
    %c0_i32 = arith.constant 0 : i32
    %c0_i32_0 = arith.constant 0 : i32
    %c0_i32_1 = arith.constant 0 : i32
    return %c0_i32, %c0_i32_0 : i32, i32
  }
  func.func @transform_3(%arg0: i32) -> (i32, i32) {
    %c0_i32 = arith.constant 0 : i32
    %c0_i32_0 = arith.constant 0 : i32
    %c0_i32_1 = arith.constant 0 : i32
    return %c0_i32, %c0_i32_0 : i32, i32
  }
  func.func @transform_4(%arg0: i32) -> (i32, i32) {
    %c0_i32 = arith.constant 0 : i32
    %c0_i32_0 = arith.constant 0 : i32
    %c0_i32_1 = arith.constant 0 : i32
    return %c0_i32, %c0_i32_0 : i32, i32
  }
  func.func @transform_5(%arg0: i32) -> (i32, i32) {
    %c0_i32 = arith.constant 0 : i32
    %c0_i32_0 = arith.constant 0 : i32
    return %arg0, %c0_i32 : i32, i32
  }
}

module attributes {stable_mosaic.version = 14 : i64} {
  func.func @_norm_body(%arg0: i32, %arg1: memref<2000x32xf32, #tpu.memory_space<vmem>>, %arg2: memref<2000x1xf32, #tpu.memory_space<vmem>>, %arg3: memref<2000x1xf32, #tpu.memory_space<vmem>>, %arg4: memref<2000x16xf32, #tpu.memory_space<vmem>>, %arg5: memref<2000x16xf32, #tpu.memory_space<vmem>>, %arg6: memref<2000x16xf32, #tpu.memory_space<vmem>>, %arg7: memref<2000x1xf32, #tpu.memory_space<vmem>>) attributes {dimension_semantics = [#tpu.dimension_semantics<arbitrary>], iteration_bounds = array<i64: 50>, scalar_prefetch = 0 : i64, scratch_operands = 0 : i64, tpu.core_type = #tpu.core_type<tc>, window_params = [{transform_indices = @transform_0, window_bounds = array<i64: 2000, 32>}, {transform_indices = @transform_1, window_bounds = array<i64: 2000, 1>}, {transform_indices = @transform_2, window_bounds = array<i64: 2000, 1>}, {transform_indices = @transform_3, window_bounds = array<i64: 2000, 16>}, {transform_indices = @transform_4, window_bounds = array<i64: 2000, 16>}, {transform_indices = @transform_5, window_bounds = array<i64: 2000, 16>}, {transform_indices = @transform_6, window_bounds = array<i64: 2000, 1>}]} {
    %get3A = arith.constant 0 : index
    %get3A_0 = arith.constant 0 : index
    %get3A_1 = vector.load %arg2[%get3A, %get3A_0] : memref<2000x1xf32, #tpu.memory_space<vmem>>, vector<2000x1xf32>
    %get3A_2 = arith.constant 0 : index
    %get3A_3 = arith.constant 0 : index
    %get3A_4 = vector.load %arg3[%get3A_2, %get3A_3] : memref<2000x1xf32, #tpu.memory_space<vmem>>, vector<2000x1xf32>
    %add3A = arith.addf %get3A_1, %get3A_4 : vector<2000x1xf32>
    %add3A_5 = arith.constant 1.000000e+00 : f32
    %add3A_6 = vector.broadcast %add3A_5 : f32 to vector<2000x1xf32>
    %add3A_7 = arith.addf %add3A, %add3A_6 : vector<2000x1xf32>
    %rsqrt3A = math.rsqrt %add3A_7 : vector<2000x1xf32>
    %get3A_8 = arith.constant 0 : index
    %get3A_9 = arith.constant 0 : index
    %get3A_10 = vector.load %arg1[%get3A_8, %get3A_9] : memref<2000x32xf32, #tpu.memory_space<vmem>>, vector<2000x32xf32>
    %slice3A = vector.extract_strided_slice %get3A_10 {offsets = [0, 0], sizes = [2000, 16], strides = [1, 1]} : vector<2000x32xf32> to vector<2000x16xf32>
    %mul3A = vector.broadcast %rsqrt3A : vector<2000x1xf32> to vector<2000x16xf32>
    %mul3A_11 = arith.mulf %slice3A, %mul3A : vector<2000x16xf32>
    %swap3A = arith.constant 0 : index
    %swap3A_12 = arith.constant 0 : index
    %swap3A_13 = vector.load %arg4[%swap3A, %swap3A_12] : memref<2000x16xf32, #tpu.memory_space<vmem>>, vector<2000x16xf32>
    tpu.vector_store %arg4[%swap3A, %swap3A_12], %mul3A_11 {strides = array<i32>} : memref<2000x16xf32, #tpu.memory_space<vmem>>, vector<2000x16xf32>,
    %slice3A_14 = vector.extract_strided_slice %get3A_10 {offsets = [0, 16], sizes = [2000, 16], strides = [1, 1]} : vector<2000x32xf32> to vector<2000x16xf32>
    %mul3A_15 = vector.broadcast %rsqrt3A : vector<2000x1xf32> to vector<2000x16xf32>
    %mul3A_16 = arith.mulf %slice3A_14, %mul3A_15 : vector<2000x16xf32>
    %swap3A_17 = arith.constant 0 : index
    %swap3A_18 = arith.constant 0 : index
    %swap3A_19 = vector.load %arg5[%swap3A_17, %swap3A_18] : memref<2000x16xf32, #tpu.memory_space<vmem>>, vector<2000x16xf32>
    tpu.vector_store %arg5[%swap3A_17, %swap3A_18], %mul3A_16 {strides = array<i32>} : memref<2000x16xf32, #tpu.memory_space<vmem>>, vector<2000x16xf32>,
    %mul3A_20 = arith.constant 0.899999976 : f32
    %mul3A_21 = vector.broadcast %mul3A_20 : f32 to vector<2000x1xf32>
    %mul3A_22 = arith.mulf %mul3A_21, %rsqrt3A : vector<2000x1xf32>
    %mul3A_23 = arith.mulf %mul3A_22, %rsqrt3A : vector<2000x1xf32>
    %broadcast_in_dim3A = vector.shape_cast %mul3A_23 : vector<2000x1xf32> to vector<2000x1xf32>
    %broadcast_in_dim3A_24 = vector.broadcast %broadcast_in_dim3A : vector<2000x1xf32> to vector<2000x16xf32>
    %swap3A_25 = arith.constant 0 : index
    %swap3A_26 = arith.constant 0 : index
    %swap3A_27 = vector.load %arg6[%swap3A_25, %swap3A_26] : memref<2000x16xf32, #tpu.memory_space<vmem>>, vector<2000x16xf32>
    tpu.vector_store %arg6[%swap3A_25, %swap3A_26], %broadcast_in_dim3A_24 {strides = array<i32>} : memref<2000x16xf32, #tpu.memory_space<vmem>>, vector<2000x16xf32>,
    %mul3A_28 = arith.mulf %add3A_7, %rsqrt3A : vector<2000x1xf32>
    %swap3A_29 = arith.constant 0 : index
    %swap3A_30 = arith.constant 0 : index
    %swap3A_31 = vector.load %arg7[%swap3A_29, %swap3A_30] : memref<2000x1xf32, #tpu.memory_space<vmem>>, vector<2000x1xf32>
    tpu.vector_store %arg7[%swap3A_29, %swap3A_30], %mul3A_28 {strides = array<i32>} : memref<2000x1xf32, #tpu.memory_space<vmem>>, vector<2000x1xf32>,
    return
  }
  func.func @transform_0(%arg0: i32) -> (i32, i32) {
    %c0_i32 = arith.constant 0 : i32
    %c0_i32_0 = arith.constant 0 : i32
    return %arg0, %c0_i32 : i32, i32
  }
  func.func @transform_1(%arg0: i32) -> (i32, i32) {
    %c0_i32 = arith.constant 0 : i32
    %c0_i32_0 = arith.constant 0 : i32
    return %arg0, %c0_i32 : i32, i32
  }
  func.func @transform_2(%arg0: i32) -> (i32, i32) {
    %c0_i32 = arith.constant 0 : i32
    %c0_i32_0 = arith.constant 0 : i32
    return %arg0, %c0_i32 : i32, i32
  }
  func.func @transform_3(%arg0: i32) -> (i32, i32) {
    %c0_i32 = arith.constant 0 : i32
    %c0_i32_0 = arith.constant 0 : i32
    return %arg0, %c0_i32 : i32, i32
  }
  func.func @transform_4(%arg0: i32) -> (i32, i32) {
    %c0_i32 = arith.constant 0 : i32
    %c0_i32_0 = arith.constant 0 : i32
    return %arg0, %c0_i32 : i32, i32
  }
  func.func @transform_5(%arg0: i32) -> (i32, i32) {
    %c0_i32 = arith.constant 0 : i32
    %c0_i32_0 = arith.constant 0 : i32
    return %arg0, %c0_i32 : i32, i32
  }
  func.func @transform_6(%arg0: i32) -> (i32, i32) {
    %c0_i32 = arith.constant 0 : i32
    %c0_i32_0 = arith.constant 0 : i32
    return %arg0, %c0_i32 : i32, i32
  }
}

module attributes {stable_mosaic.version = 14 : i64} {
  func.func @_soft_body(%arg0: i32, %arg1: memref<2000x16xf32, #tpu.memory_space<vmem>>, %arg2: memref<2000x16xf32, #tpu.memory_space<vmem>>, %arg3: memref<2000x1xf32, #tpu.memory_space<vmem>>, %arg4: memref<2000x32xf32, #tpu.memory_space<vmem>>) attributes {dimension_semantics = [#tpu.dimension_semantics<arbitrary>], iteration_bounds = array<i64: 50>, scalar_prefetch = 0 : i64, scratch_operands = 0 : i64, tpu.core_type = #tpu.core_type<tc>, window_params = [{transform_indices = @transform_0, window_bounds = array<i64: 2000, 16>}, {transform_indices = @transform_1, window_bounds = array<i64: 2000, 16>}, {transform_indices = @transform_2, window_bounds = array<i64: 2000, 1>}, {transform_indices = @transform_3, window_bounds = array<i64: 2000, 32>}]} {
    %get3A = arith.constant 0 : index
    %get3A_0 = arith.constant 0 : index
    %get3A_1 = vector.load %arg3[%get3A, %get3A_0] : memref<2000x1xf32, #tpu.memory_space<vmem>>, vector<2000x1xf32>
    %get3A_2 = arith.constant 0 : index
    %get3A_3 = arith.constant 0 : index
    %get3A_4 = vector.load %arg1[%get3A_2, %get3A_3] : memref<2000x16xf32, #tpu.memory_space<vmem>>, vector<2000x16xf32>
    %mul3A = vector.broadcast %get3A_1 : vector<2000x1xf32> to vector<2000x16xf32>
    %mul3A_5 = arith.mulf %get3A_4, %mul3A : vector<2000x16xf32>
    %get3A_6 = arith.constant 0 : index
    %get3A_7 = arith.constant 0 : index
    %get3A_8 = vector.load %arg2[%get3A_6, %get3A_7] : memref<2000x16xf32, #tpu.memory_space<vmem>>, vector<2000x16xf32>
    %mul3A_9 = vector.broadcast %get3A_1 : vector<2000x1xf32> to vector<2000x16xf32>
    %mul3A_10 = arith.mulf %get3A_8, %mul3A_9 : vector<2000x16xf32>
    %concatenate3A = tpu.concatenate %mul3A_5, %mul3A_10 in 1 : vector<2000x16xf32>, vector<2000x16xf32> -> vector<2000x32xf32>
    %reduce_max3A = arith.constant dense<0xFF800000> : vector<2000xf32>
    %reduce_max3A_11 = vector.multi_reduction <maximumf>, %concatenate3A, %reduce_max3A [1] : vector<2000x32xf32> to vector<2000xf32>
    %broadcast_in_dim3A = vector.shape_cast %reduce_max3A_11 : vector<2000xf32> to vector<2000x1xf32>
    %sub3A = vector.broadcast %broadcast_in_dim3A : vector<2000x1xf32> to vector<2000x32xf32>
    %sub3A_12 = arith.subf %concatenate3A, %sub3A : vector<2000x32xf32>
    %exp3A = math.exp %sub3A_12 : vector<2000x32xf32>
    %reduce_sum3A = arith.constant dense<0.000000e+00> : vector<2000xf32>
    %reduce_sum3A_13 = vector.multi_reduction <add>, %exp3A, %reduce_sum3A [1] : vector<2000x32xf32> to vector<2000xf32>
    %broadcast_in_dim3A_14 = vector.shape_cast %reduce_sum3A_13 : vector<2000xf32> to vector<2000x1xf32>
    %div3A = vector.broadcast %broadcast_in_dim3A_14 : vector<2000x1xf32> to vector<2000x32xf32>
    %div3A_15 = arith.divf %exp3A, %div3A : vector<2000x32xf32>
    %swap3A = arith.constant 0 : index
    %swap3A_16 = arith.constant 0 : index
    %swap3A_17 = vector.load %arg4[%swap3A, %swap3A_16] : memref<2000x32xf32, #tpu.memory_space<vmem>>, vector<2000x32xf32>
    tpu.vector_store %arg4[%swap3A, %swap3A_16], %div3A_15 {strides = array<i32>} : memref<2000x32xf32, #tpu.memory_space<vmem>>, vector<2000x32xf32>,
    return
  }
  func.func @transform_0(%arg0: i32) -> (i32, i32) {
    %c0_i32 = arith.constant 0 : i32
    %c0_i32_0 = arith.constant 0 : i32
    return %arg0, %c0_i32 : i32, i32
  }
  func.func @transform_1(%arg0: i32) -> (i32, i32) {
    %c0_i32 = arith.constant 0 : i32
    %c0_i32_0 = arith.constant 0 : i32
    return %arg0, %c0_i32 : i32, i32
  }
  func.func @transform_2(%arg0: i32) -> (i32, i32) {
    %c0_i32 = arith.constant 0 : i32
    %c0_i32_0 = arith.constant 0 : i32
    return %arg0, %c0_i32 : i32, i32
  }
  func.func @transform_3(%arg0: i32) -> (i32, i32) {
    %c0_i32 = arith.constant 0 : i32
    %c0_i32_0 = arith.constant 0 : i32
    return %arg0, %c0_i32 : i32, i32
  }
}

</mosaic_0001>

<sc_bundles>
// kernel: kernel.10.cloned.1.call-start
scs
__scs_entry_jumppad:
0x0: {  	(pc) =	sbr.rel $0x88, $3  }
0x1: {  	(tag) =	ssettag $0x0;
	lr =	simm.s32 $0x1  }
0x2: {  	[smem:$0x3F9B] =	sst lr;
	_ =	strace $0xD0000000  }
0x3: {  	_ = 	snop  }
0x4: {  	_ = 	snop  }
0x5: {  	_ = 	snop  }
0x6: {  	_ = 	snop  }
0x7: {  	_ = 	snop  }
__scs_overlays_trampoline_lowered:
0x8: {  	[smem:$0x3FAA] =	sst s0  }
0x9: {  	[smem:$0x3FAB] =	sst s1  }
0xa: {  	[smem:$0x3FAC] =	sst s2  }
0xb: {  	[smem:$0x3FAD] =	sst s3  }
0xc: {  	[smem:$0x3FAE] =	sst s4  }
0xd: {  	[smem:$0x3FAF] =	sst s5  }
0xe: {  	[smem:$0x3FB0] =	sst s6  }
0xf: {  	[smem:$0x3FB1] =	sst s7  }
0x10: {  	[smem:$0x3FB2] =	sst s8  }
0x11: {  	[smem:$0x3FB3] =	sst s9;
	s0 =	simm.s32 @!p0 $0x0  }
0x12: {  	s1 =	sld [smem:$0x3F99];
	s0 =	simm.s32 @p0 $0x1  }
0x13: {  	[smem:$0x3FB4] =	sst s0;
	s0 =	simm.s32 @!p1 $0x0  }
0x14: {  	s2 =	sld [smem:$0x3F98];
	s0 =	simm.s32 @p1 $0x1  }
0x15: {  	[smem:$0x3FB5] =	sst s0;
	s0 =	simm.s32 @!p2 $0x0  }
0x16: {  	s3 =	sld [smem:$0x3FDB];
	s0 =	simm.s32 @p2 $0x1  }
0x17: {  	s4 =	simm.s32 $0x1BF5;
	[smem:$0x3FB7] =	sst s0  }
0x18: {  	s0 =	sld [smem:$0x3F9A];
	_ =	swait.ge [sflag:s4], $0x0  }
0x19: {  	s7 =	sld [smem:$0x3F9B]  }
0x1a: {  	s8 =	sadd.s32 $0xFFFFE003, lr  }
0x1b: {  	s9 =	sadd.s32 $0xFFFFFEF7, lr;
	s5 =	simm.s32 $0xFFFFFFFF;
	p2 =	slt.u32 s8, $0xFFFFF086  }
0x1c: {  	p1 =	slt.u32 s9, $0xF7A;
	s5 =	simm.s32 @!p2 $0x0  }
0x1d: {  	s5 =	simm.s32 @p1 $0x1;
	p0 =	seq.s32 s7, s2  }
0x1e: {  	s7 =	smul.u32 @!p0 $0xF7A, s2;
	p2 =	seq.s32 @!p0 s5, $0x0  }
0x1f: {  	s9 =	smul.u32 $0xF7A, s1;
	s8 =	simm.s32 @!p0 $0x1BF5;
	p2 =	por !p2, p0  }
0x20: {  	[sflag:s8] =	ssyncset.s32 @!p0 $0xFFFFF086;
	s6 =	sadd.s32 @!p0 s3, s7;
	s7 =	simm.s32 @!p0 $0x108  }
0x21: {  	s3 =	sadd.s32 s3, s9;
	s6 =	sadd.s32 @!p0 $0x88, s6;
	s7 =	simm.s32 @p2 $0x1082  }
0x22: {  	[simem:s7], [sflag:s8] =	dma.local @!p0 [hbm:s6], $0xF7A  }
0x23: {  	s9 =	sor.u32 $0xD0000000, s2;
	s6 =	simm.s32 $0x108;
	_ =	swait.ge @!p0 [sflag:s8], $0x0  }
0x24: {  	s3 =	sadd.s32 $0x88, s3;
	s6 =	simm.s32 @!p1 $0x1082;
	[sflag:s4] =	ssyncset.s32 $0xFFFFF086  }
0x25: {  	[simem:s6], [sflag:s4] =	dma.local [hbm:s3], $0xF7A  }
0x26: {  	[smem:$0x3F9B] =	sst s1;
	(tag) =	ssettag s2;
	_ =	strace s9  }
0x27: {  	s1 =	sld [smem:$0x3FAB]  }
0x28: {  	s2 =	sld [smem:$0x3FAC]  }
0x29: {  	s4 =	sld [smem:$0x3FAE]  }
0x2a: {  	p0 =	seq.s32 s5, $0x0;
	s5 =	sld [smem:$0x3FAF]  }
0x2b: {  	s6 =	sld [smem:$0x3FB0]  }
0x2c: {  	s7 =	sld [smem:$0x3FB1]  }
0x2d: {  	s3 =	simm.s32 $0x108;
	s8 =	sld [smem:$0x3FB2]  }
0x2e: {  	s3 =	simm.s32 @!p0 $0x1082;
	s9 =	sld [smem:$0x3FB3]  }
0x2f: {  	lr =	sadd.s32 s0, s3;
	s0 =	sld [smem:$0x3FAA]  }
0x30: {  	s3 =	sld [smem:$0x3FAD]  }
0x31: {  	[smem:$0x3FB6] =	sst s10  }
0x32: {  	s10 =	sld [smem:$0x3FB4];
	_ =	sdelay $0x3  }
0x33: {  	p0 =	seq.s32 s10, $0x1;
	s10 =	sld [smem:$0x3FB6];
	_ =	sdelay $0x3  }
0x34: {  	[smem:$0x3FB6] =	sst s10  }
0x35: {  	s10 =	sld [smem:$0x3FB5];
	_ =	sdelay $0x3  }
0x36: {  	p1 =	seq.s32 s10, $0x1;
	s10 =	sld [smem:$0x3FB6];
	_ =	sdelay $0x3  }
0x37: {  	[smem:$0x3FB6] =	sst s10  }
0x38: {  	s10 =	sld [smem:$0x3FB7]  }
0x39: {  	_ = 	snop;
	(pc) =	sbr.ind lr, $3  }
0x3a: {  	_ = 	snop  }
0x3b: {  	_ = 	snop  }
0x3c: {  	p2 =	seq.s32 s10, $0x1;
	s10 =	sld [smem:$0x3FB6]  }
0x3d: {  	_ =	shalt  }
0x3e: {  	_ =	shalt  }
0x3f: {  	_ =	shalt  }
0x40: {  	_ =	shalt  }
0x41: {  	_ =	shalt  }
0x42: {  	_ =	shalt  }
0x43: {  	_ =	shalt  }
0x44: {  	_ =	shalt  }
0x45: {  	_ =	shalt  }
0x46: {  	_ =	shalt  }
0x47: {  	_ =	shalt  }
0x48: {  	_ =	shalt  }
0x49: {  	_ =	shalt  }
0x4a: {  	_ =	shalt  }
0x4b: {  	_ =	shalt  }
0x4c: {  	_ =	shalt  }
0x4d: {  	_ =	shalt  }
0x4e: {  	_ =	shalt  }
0x4f: {  	_ =	shalt  }
0x50: {  	_ =	shalt  }
0x51: {  	_ =	shalt  }
0x52: {  	_ =	shalt  }
0x53: {  	_ =	shalt  }
0x54: {  	_ =	shalt  }
0x55: {  	_ =	shalt  }
0x56: {  	_ =	shalt  }
0x57: {  	_ =	shalt  }
0x58: {  	_ =	shalt  }
0x59: {  	_ =	shalt  }
0x5a: {  	_ =	shalt  }
0x5b: {  	_ =	shalt  }
0x5c: {  	_ =	shalt  }
0x5d: {  	_ =	shalt  }
0x5e: {  	_ =	shalt  }
0x5f: {  	_ =	shalt  }
0x60: {  	_ =	shalt  }
0x61: {  	_ =	shalt  }
0x62: {  	_ =	shalt  }
0x63: {  	_ =	shalt  }
0x64: {  	_ =	shalt  }
0x65: {  	_ =	shalt  }
0x66: {  	_ =	shalt  }
0x67: {  	_ =	shalt  }
0x68: {  	_ =	shalt  }
0x69: {  	_ =	shalt  }
0x6a: {  	_ =	shalt  }
0x6b: {  	_ =	shalt  }
0x6c: {  	_ =	shalt  }
0x6d: {  	_ =	shalt  }
0x6e: {  	_ =	shalt  }
0x6f: {  	_ =	shalt  }
0x70: {  	_ =	shalt  }
0x71: {  	_ =	shalt  }
0x72: {  	_ =	shalt  }
0x73: {  	_ =	shalt  }
0x74: {  	_ =	shalt  }
0x75: {  	_ =	shalt  }
0x76: {  	_ =	shalt  }
0x77: {  	_ =	shalt  }
0x78: {  	_ =	shalt  }
0x79: {  	_ =	shalt  }
0x7a: {  	_ =	shalt  }
0x7b: {  	_ =	shalt  }
0x7c: {  	_ =	shalt  }
0x7d: {  	_ =	shalt  }
0x7e: {  	_ =	shalt  }
0x7f: {  	_ =	shalt  }
0x80: {  	_ =	shalt  }
0x81: {  	_ =	shalt  }
0x82: {  	_ =	shalt  }
0x83: {  	_ =	shalt  }
0x84: {  	_ =	shalt  }
0x85: {  	_ =	shalt  }
0x86: {  	_ =	shalt  }
0x87: {  	_ =	shalt  }
.Lfunc_end0:
.L_simem_size_0:
called_computation.1_lowered:
.L_overlay_start_0:
0x88: {  	s2 =	sld [smem:$0x3FD9]  }
0x89: {  	s3 =	sld [smem:$0x3FFE];
	_ =	sdelay $0x1  }
0x8a: {  	s1 =	srdreg.scid  }
0x8b: {  	s0 =	sand.u32 $0x1, s1  }
0x8c: {  	s17 =	sshll.u32 s0, $0xA;
	s2 =	sadd.s32 s3, s2  }
0x8d: {  	s2 =	sadd.s32 s2, s17  }
0x8e: {  	[smem:$0x3FC2] =	sst s2  }
0x8f: {  	_ = 	snop  }
0x90: {  	s2 =	sld [smem:$0x3FD0];
	(tm) =	ssettm $0x1  }
0x91: {  	s18 =	sld [smem:$0x3FFB];
	_ =	sdelay $0x3  }
0x92: {  	_ =	strace s18  }
0x93: {  	s3 =	sld [smem:$0x3FFC];
	_ =	sdelay $0x3  }
0x94: {  	_ =	strace s3  }
0x95: {  	s3 =	sld [smem:$0x3FFD];
	_ =	sdelay $0x3  }
0x96: {  	_ =	strace s3  }
0x97: {  	_ =	strace $0x8FFFFFFF  }
0x98: {  	s19 =	sld [smem:$0x3FDB];
	_ =	sdelay $0x1  }
0x99: {  	s4 =	simm.s32 $_scs_section_size  }
0x9a: {  	s5 =	simm.s32 $_size__tile_overlayer_lowered;
	s6 =	simm.s32 $_tile_overlayer_lowered  }
0x9b: {  	s22 =	simm.s32 $0x1BFF;
	s21 =	sshll.u32 s6, $0x1;
	s3 =	sadd.s32 s4, s19  }
0x9c: {  	s7 =	simm.s32 $0x0;
	s20 =	sshll.u32 s5, $0x1;
	s5 =	sadd.s32 s21, s3  }
0x9d: {  	[timem:s7], [sflag:s22] =	dma.local [hbm:s5], s20  }
0x9e: {  	_ =	swait.ge [sflag:s22], s20  }
0x9f: {  	s4 =	ssub.s32 $0x0, s20;
	[sflag:s22] =	ssyncset.done $0x0  }
0xa0: {  	[sflag:s22] =	ssyncadd.s32 s4;
	_ =	sdelay $0x1  }
0xa1: {  	s23 =	simm.s32 $0x1B8B  }
0xa2: {  	_ =	swait.ge [sflag:s23], $0x1  }
0xa3: {  	[sflag:s23] =	ssyncset.done $0x0  }
0xa4: {  	s25 =	simm.s32 $0x1B8E;
	s24 =	sld [smem:$0x3FFE];
	[sflag:s23] =	ssyncadd.s32 $0xFFFFFFFF  }
0xa5: {  	s26 =	simm.s32 $execute0_lowered;
	[smem:$0x3FD2] =	sst s25  }
0xa6: {  	s5 =	sshll.u32 s26, $0x1;
	_ =	strace $0x80000049;
	[dreg:$0x1] =	wrdreg $0xFFFFFFFF  }
0xa7: {  	s28 =	simm.s32 $_size_execute0_lowered;
	s3 =	sadd.s32 s3, s5;
	[dreg:$0x0] =	wrdreg $0x0  }
0xa8: {  	s5 =	sshll.u32 s28, $0x1;
	[dreg:$0x2] =	wrdreg s3  }
0xa9: {  	[dreg:$0x3] =	wrdreg s5  }
0xaa: {  	[dreg:$0x4] =	wrdreg $0xC0  }
0xab: {  	_ =	task [dreg:s7], $0x5FFFF  }
0xac: {  	[dreg:$0x1] =	wrdreg $0xFFFFFFFF  }
0xad: {  	[dreg:$0x0] =	wrdreg $0x60  }
0xae: {  	[dreg:$0x2] =	wrdreg s24  }
0xaf: {  	[dreg:$0x3] =	wrdreg s2  }
0xb0: {  	[dreg:$0x4] =	wrdreg $0x0  }
0xb1: {  	[dreg:$0x5] =	wrdreg $0x9  }
0xb2: {  	_ =	task.clear_ibuf [dreg:s7], $0x6FFFF;
	_ =	strace $0x90000049  }
0xb3: {  	s29 =	simm.s32 $0x9;
	_ =	strace $0x8000004F  }
0xb4: {  	_ =	swait.ge [sflag:s29], $0x1  }
0xb5: {  	[sflag:s29] =	ssyncadd.s32 $0xFFFFFFFF  }
0xb6: {  	_ =	strace $0x9000004F  }
0xb7: {  	_ =	sfence  }
0xb8: {  	s30 =	sld [smem:$0x0];
	_ =	sdelay $0x2  }
0xb9: {  	s31 =	sshll.u32 s1, $0xD;
	s1 =	sshrl.u32 s1, $0x2  }
0xba: {  	s3 =	sand.u32 $0x4000, s31;
	s1 =	sadd.s32 s1, s30  }
0xbb: {  	s0 =	sor.u32 s3, s0;
	s1 =	sshll.u32 s1, $0x11  }
0xbc: {  	s0 =	sor.u32 s1, s0  }
0xbd: {  	s0 =	sadd.s32 $0x8F2B, s0  }
0xbe: {  	[sflag:s0] =	ssyncadd.remote.s32 $0x1  }
0xbf: {  	_ =	sfence.sel $0xFFFF  }
0xc0: {  	[dreg:$0x0] =	wrdreg $0xFFFFFFFF;
	(pc) =	sbr.abs _section_cstart, $3  }
0xc1: {  	[dreg:$0x1] =	wrdreg $0xFFFFFFFF  }
0xc2: {  	_ =	task.clear_ibuf [dreg:s7], $0x2FFFF;
	_ =	strace $0x9FFFFFFF  }
0xc3: {  	(tm) =	ssettm $0x7FFFFFFF  }
tec
execute0_lowered:
.L_overlay_start_1:
0x0: {  	(tag) =	ssettag $0x1  }
0x1: {  	s0 =	rddreg [dreg:$0x0]  }
0x2: {  	s1 =	rddreg [dreg:$0x1]  }
0x3: {  	s2 =	rddreg [dreg:$0x2];
	s3 =	simm.s32 $0x0;
	s12 =	stileid.u32  }
0x4: {  	s5 =	srdreg.scid;
	s15 =	simm.s32 $0x1C700;
	s28 =	simm.s32 $0x1  }
0x5: {  	s30 =	simm.s32 $0x1B700;
	[smem:$0x7FF] =	sst s3;
	s4 =	smul.u32 $0x3200, s12  }
0x6: {  	s13 =	sadd.s32 $0x222600, s0;
	s14 =	sadd.s32 $0x1F1800, s0;
	s5 =	sand.u32 $0x1, s5  }
0x7: {  	s6 =	sadd.s32 $0x1C0A00, s0;
	s7 =	sadd.s32 $0x39A00, s0;
	s11 =	smul.u32 $0x61C00, s12  }
0x8: {  	s22 =	smul.u32 $0x1870, s12;
	_ =	strace $0x8000004A;
	[dreg:$0x9] =	wrdreg s6  }
0x9: {  	s8 =	sadd.s32 $0x6A800, s0;
	s24 =	smul.u32 $0x30E0, s12;
	[dreg:$0x7] =	wrdreg s13  }
0xa: {  	s9 =	ssub.s32 $0x2, s5;
	p0 =	seq.s32 s5, $0x1;
	[dreg:$0x8] =	wrdreg s14  }
0xb: {  	s5 =	simm.s32 $0x18700;
	s20 =	sadd.s32 s4, s0;
	s10 =	sshrl.u32 s9, $0x1  }
0xc: {  	s23 =	sshrl.u32 s11, $0x2;
	[dreg:$0xa] =	wrdreg s22;
	s19 =	sadd.s32 s24, s13  }
0xd: {  	s25 =	sadd.s32 s24, s7;
	s4 =	sadd.s32 s4, s1;
	[dreg:$0x4] =	wrdreg s19  }
0xe: {  	s29 =	sadd.s32 s24, s14;
	s6 =	sadd.s32 s24, s8;
	[dreg:$0xe] =	wrdreg s25  }
0xf: {  	s24 =	simm.s32 $0x19700;
	s11 =	simm.s32 $0x18800;
	[dreg:$0x5] =	wrdreg s29  }
0x10: {  	s21 =	ssub.s32 s9, s10;
	s10 =	sadd.s32 $0x88, s22;
	[dreg:$0xf] =	wrdreg s6  }
.Ltmp0:
0x11: {  	s26 =	sadd.s32 s23, s2;
	[dreg:$0x10] =	wrdreg s4;
	(pc) =	sbr.rel .LBB2_1-.Ltmp0, $4  }
0x12: {  	s31 =	sadd.s32 $0x7A00, s20;
	s20 =	simm.s32 $0x3;
	[dreg:$0xb] =	wrdreg s10  }
0x13: {  	s9 =	simm.s32 $0x18F00;
	s23 =	simm.s32 $0x100;
	[dreg:$0xd] =	wrdreg s26  }
0x14: {  	s0 =	smax.u32 s21, $0x1;
	[dreg:$0x6] =	wrdreg s31;
	s26 =	simm.s32 $0x1A700  }
0x15: {  	s10 =	simm.s32 $0x0;
	[dreg:$0xc] =	wrdreg s0;
	s0 =	simm.s32 $0x2  }
.LBB2_26:
0x16: {  	s10 =	rddreg [dreg:$0x11]  }
0x17: {  	s1 =	rddreg [dreg:$0xc];
	s10 =	sadd.s32 $0x1, s10  }
0x18: {  	p1 =	sne.s32 s10, s1  }
.Ltmp1:
0x19: {  	_ = 	snop;
	(pc) =	sbr.rel @!p1 .LBB2_27-.Ltmp1, $4  }
0x1a: {  	s19 =	rddreg [dreg:$0x4]  }
0x1b: {  	s25 =	rddreg [dreg:$0xe]  }
0x1c: {  	s29 =	rddreg [dreg:$0x5]  }
0x1d: {  	s6 =	rddreg [dreg:$0xf]  }
.LBB2_1:
.Ltmp2:
0x1e: {  	(pc) =	sbr.rel @!p0 .LBB2_2-.Ltmp2, $2  }
0x1f: {  	_ =	sdelay $0x2  }
0x20: {  	[dreg:$0x11] =	wrdreg s10  }
0x21: {  	s1 =	sadd.s32 $0x0, s29  }
0x22: {  	[tilespmem:s15], [sflag:$0x3] =	stream.linear.gather [hbm4b:s1+s3], $0x880, $0x38;
	[tilespmem:$0x1FA00] =	vst v63  }
0x23: {  	_ =	swait.ge [sflag:s20], $0x880  }
0x24: {  	[sflag:s20] =	ssyncset.done $0x0  }
0x25: {  	s19 =	rddreg [dreg:$0xd];
	[sflag:s20] =	ssyncadd.s32 $0xFFFFF780  }
0x26: {  	[spmem:s19] =	stream.linear.scatter [tilespmem:s15], [sflag:$0x3], $0x880, $0x38;
	[tilespmem:$0x1FA00] =	vst v63  }
0x27: {  	_ =	swait.ge [sflag:s20], $0x880  }
0x28: {  	[sflag:s20] =	ssyncset.done $0x0  }
0x29: {  	s31 =	sadd.s32 $0x0, s6;
	s10 =	smov.u32 s6;
	[sflag:s20] =	ssyncadd.s32 $0xFFFFF780  }
0x2a: {  	[hbm4b:s31+s3] =	stream.linear.scatter [tilespmem:s15], [sflag:$0x3], $0x880, $0x38;
	[tilespmem:$0x1FA00] =	vst v63  }
0x2b: {  	s6 =	simm.s32 $0x110;
	s25 =	simm.s32 $0x220;
	_ =	swait.ge [sflag:s20], $0x880  }
0x2c: {  	s12 =	simm.s32 $0x1C700;
	s19 =	sadd.s32 $0x880, s19;
	[sflag:s20] =	ssyncset.done $0x0  }
.LBB2_15:
0x2d: {  	s1 =	sadd.s32 s6, s29;
	[sflag:s20] =	ssyncadd.s32 $0xFFFFF780  }
0x2e: {  	[tilespmem:s12], [sflag:$0x3] =	stream.linear.gather [hbm4b:s1+s3], $0x880, $0x38;
	[tilespmem:$0x1FA00] =	vst v63  }
0x2f: {  	_ =	swait.ge [sflag:s20], $0x880  }
0x30: {  	[sflag:s20] =	ssyncset.done $0x0  }
0x31: {  	[sflag:s20] =	ssyncadd.s32 $0xFFFFF780  }
0x32: {  	[spmem:s19] =	stream.linear.scatter [tilespmem:s12], [sflag:$0x3], $0x880, $0x38;
	[tilespmem:$0x1FA00] =	vst v63  }
0x33: {  	p1 =	sne.s32 s25, $0x2FD0;
	_ =	swait.ge [sflag:s20], $0x880  }
.Ltmp3:
0x34: {  	s29 =	smov.u32 s25;
	[sflag:s20] =	ssyncset.done $0x0;
	(pc) =	sbr.rel @p1 .LBB2_15-.Ltmp3, $4  }
0x35: {  	s31 =	sadd.s32 $0x110, s25;
	s25 =	sadd.s32 s6, s10;
	[sflag:s20] =	ssyncadd.s32 $0xFFFFF780  }
0x36: {  	[hbm4b:s25+s3] =	stream.linear.scatter [tilespmem:s12], [sflag:$0x3], $0x880, $0x38;
	[tilespmem:$0x1FA00] =	vst v63  }
0x37: {  	s6 =	smov.u32 s29;
	s29 =	rddreg [dreg:$0x5];
	_ =	swait.ge [sflag:s20], $0x880  }
0x38: {  	s19 =	sadd.s32 $0x880, s19;
	s25 =	smov.u32 s31;
	[sflag:s20] =	ssyncset.done $0x0  }
0x39: {  	s1 =	sadd.s32 s6, s29;
	[sflag:s20] =	ssyncadd.s32 $0xFFFFF780  }
0x3a: {  	[tilespmem:s12], [sflag:$0x3] =	stream.linear.gather [hbm4b:s1+s3], $0x880, $0x38;
	[tilespmem:$0x1FA00] =	vst v63  }
0x3b: {  	_ =	swait.ge [sflag:s20], $0x880  }
0x3c: {  	[sflag:s20] =	ssyncset.done $0x0  }
0x3d: {  	[sflag:s20] =	ssyncadd.s32 $0xFFFFF780  }
0x3e: {  	[spmem:s19] =	stream.linear.scatter [tilespmem:s12], [sflag:$0x3], $0x880, $0x38;
	[tilespmem:$0x1FA00] =	vst v63  }
0x3f: {  	_ =	swait.ge [sflag:s20], $0x880  }
0x40: {  	[sflag:s20] =	ssyncset.done $0x0  }
0x41: {  	s31 =	sadd.s32 s6, s10;
	[sflag:s20] =	ssyncadd.s32 $0xFFFFF780  }
0x42: {  	[hbm4b:s31+s3] =	stream.linear.scatter [tilespmem:s12], [sflag:$0x3], $0x880, $0x38;
	[tilespmem:$0x1FA00] =	vst v63  }
0x43: {  	_ =	swait.ge [sflag:s20], $0x880  }
0x44: {  	[sflag:s20] =	ssyncset.done $0x0  }
0x45: {  	[sflag:s20] =	ssyncadd.s32 $0xFFFFF780  }
0x46: {  	s1 =	simm.s32 $0x0;
	[bflag:$0x0] =	sbarrier.arrive $0xFFFF  }
.LBB2_17:
0x47: {  	[dreg:$0x13] =	wrdreg s1  }
0x48: {  	_ =	strace $0x8000004D  }
0x49: {  	s19 =	rddreg [dreg:$0x6]  }
0x4a: {  	s25 =	sadd.s32 $0x0, s19  }
0x4b: {  	[tilespmem:s5], [sflag:$0x3] =	stream.linear.gather [hbm4b:s25+s3], $0x800, $0x200038;
	[tilespmem:$0x1FA00] =	vst v63  }
0x4c: {  	_ =	swait.ge [sflag:s20], $0x800  }
0x4d: {  	[sflag:s20] =	ssyncset.done $0x0  }
0x4e: {  	s29 =	sadd.s32 $0x0, s4;
	[sflag:s20] =	ssyncadd.s32 $0xFFFFF800  }
0x4f: {  	[tilespmem:s9], [sflag:$0x3] =	stream.linear.gather [hbm4b:s29+s3], $0x800, $0x200038;
	[tilespmem:$0x1FA00] =	vst v63  }
0x50: {  	_ =	swait.ge [sflag:s20], $0x800  }
0x51: {  	[sflag:s20] =	ssyncset.done $0x0  }
0x52: {  	[sflag:s20] =	ssyncadd.s32 $0xFFFFF800  }
0x53: {  	[tilespmem:s24], [sflag:$0x1] =	stream.indirect.gather [hbm4b:s8+s23], $0x10, s5, s23, $0x2000b8;
	[tilespmem:$0x1FA00] =	vst v63  }
0x54: {  	_ = 	snop  }
0x55: {  	[tilespmem:s26], [sflag:$0x1] =	stream.indirect.gather [hbm4b:s8+s23], $0x10, s11, s23, $0x2000b8;
	[tilespmem:$0x1FA00] =	vst v63  }
0x56: {  	_ =	swait.ge [sflag:s28], $0x1000  }
0x57: {  	[sflag:s28] =	ssyncset.done $0x0  }
0x58: {  	[sflag:s28] =	ssyncadd.s32 $0xFFFFF000  }
0x59: {  	[spmem:s2] =	stream.indirect.scatter.add.f32 [tilespmem:s24], [sflag:$0x2], $0x10, s9, s23, $0x2000b8;
	[tilespmem:$0x1FA00] =	vst v63  }
0x5a: {  	s6 =	simm.s32 $0x18900  }
0x5b: {  	[tilespmem:s30], [sflag:$0x1] =	stream.indirect.gather [hbm4b:s8+s23], $0x10, s6, s23, $0x2000b8;
	[tilespmem:$0x1FA00] =	vst v63  }
0x5c: {  	_ =	swait.ge [sflag:s28], $0x1000  }
0x5d: {  	[sflag:s28] =	ssyncset.done $0x0  }
0x5e: {  	s31 =	simm.s32 $0x19000;
	[sflag:s28] =	ssyncadd.s32 $0xFFFFF000  }
0x5f: {  	[spmem:s2] =	stream.indirect.scatter.add.f32 [tilespmem:s26], [sflag:$0x2], $0x10, s31, s23, $0x2000b8;
	[tilespmem:$0x1FA00] =	vst v63  }
0x60: {  	_ =	swait.ge [sflag:s0], $0x1000  }
0x61: {  	[sflag:s0] =	ssyncset.done $0x0  }
0x62: {  	s12 =	simm.s32 $0x18A00;
	[sflag:s0] =	ssyncadd.s32 $0xFFFFF000  }
0x63: {  	[tilespmem:s24], [sflag:$0x1] =	stream.indirect.gather [hbm4b:s8+s23], $0x10, s12, s23, $0x2000b8;
	[tilespmem:$0x1FA00] =	vst v63  }
0x64: {  	_ =	swait.ge [sflag:s28], $0x1000  }
0x65: {  	[sflag:s28] =	ssyncset.done $0x0  }
0x66: {  	s13 =	simm.s32 $0x19100;
	[sflag:s28] =	ssyncadd.s32 $0xFFFFF000  }
0x67: {  	[spmem:s2] =	stream.indirect.scatter.add.f32 [tilespmem:s30], [sflag:$0x2], $0x10, s13, s23, $0x2000b8;
	[tilespmem:$0x1FA00] =	vst v63  }
0x68: {  	_ =	swait.ge [sflag:s0], $0x1000  }
0x69: {  	[sflag:s0] =	ssyncset.done $0x0  }
0x6a: {  	s14 =	simm.s32 $0x18B00;
	[sflag:s0] =	ssyncadd.s32 $0xFFFFF000  }
0x6b: {  	[tilespmem:s26], [sflag:$0x1] =	stream.indirect.gather [hbm4b:s8+s23], $0x10, s14, s23, $0x2000b8;
	[tilespmem:$0x1FA00] =	vst v63  }
0x6c: {  	_ =	swait.ge [sflag:s28], $0x1000  }
0x6d: {  	[sflag:s28] =	ssyncset.done $0x0  }
0x6e: {  	s17 =	simm.s32 $0x19200;
	[sflag:s28] =	ssyncadd.s32 $0xFFFFF000  }
0x6f: {  	[spmem:s2] =	stream.indirect.scatter.add.f32 [tilespmem:s24], [sflag:$0x2], $0x10, s17, s23, $0x2000b8;
	[tilespmem:$0x1FA00] =	vst v63  }
0x70: {  	_ =	swait.ge [sflag:s0], $0x1000  }
0x71: {  	[sflag:s0] =	ssyncset.done $0x0  }
0x72: {  	s15 =	simm.s32 $0x18C00;
	[sflag:s0] =	ssyncadd.s32 $0xFFFFF000  }
0x73: {  	[tilespmem:s30], [sflag:$0x1] =	stream.indirect.gather [hbm4b:s8+s23], $0x10, s15, s23, $0x2000b8;
	[tilespmem:$0x1FA00] =	vst v63  }
0x74: {  	_ =	swait.ge [sflag:s28], $0x1000  }
0x75: {  	[sflag:s28] =	ssyncset.done $0x0  }
0x76: {  	s25 =	simm.s32 $0x19300;
	[sflag:s28] =	ssyncadd.s32 $0xFFFFF000  }
0x77: {  	[spmem:s2] =	stream.indirect.scatter.add.f32 [tilespmem:s26], [sflag:$0x2], $0x10, s25, s23, $0x2000b8;
	[tilespmem:$0x1FA00] =	vst v63  }
0x78: {  	_ =	swait.ge [sflag:s0], $0x1000  }
0x79: {  	[sflag:s0] =	ssyncset.done $0x0  }
0x7a: {  	s9 =	simm.s32 $0x18D00;
	[sflag:s0] =	ssyncadd.s32 $0xFFFFF000  }
0x7b: {  	[tilespmem:s24], [sflag:$0x1] =	stream.indirect.gather [hbm4b:s8+s23], $0x10, s9, s23, $0x2000b8;
	[tilespmem:$0x1FA00] =	vst v63  }
0x7c: {  	_ =	swait.ge [sflag:s28], $0x1000  }
0x7d: {  	[sflag:s28] =	ssyncset.done $0x0  }
0x7e: {  	s1 =	simm.s32 $0x19400;
	[sflag:s28] =	ssyncadd.s32 $0xFFFFF000  }
0x7f: {  	[spmem:s2] =	stream.indirect.scatter.add.f32 [tilespmem:s30], [sflag:$0x2], $0x10, s1, s23, $0x2000b8;
	[tilespmem:$0x1FA00] =	vst v63  }
0x80: {  	_ =	swait.ge [sflag:s0], $0x1000  }
0x81: {  	[sflag:s0] =	ssyncset.done $0x0  }
0x82: {  	s10 =	simm.s32 $0x18E00;
	[sflag:s0] =	ssyncadd.s32 $0xFFFFF000  }
0x83: {  	[tilespmem:s26], [sflag:$0x1] =	stream.indirect.gather [hbm4b:s8+s23], $0x10, s10, s23, $0x2000b8;
	[tilespmem:$0x1FA00] =	vst v63  }
0x84: {  	_ =	swait.ge [sflag:s28], $0x1000  }
0x85: {  	[sflag:s28] =	ssyncset.done $0x0  }
0x86: {  	s6 =	simm.s32 $0x19500;
	[sflag:s28] =	ssyncadd.s32 $0xFFFFF000  }
0x87: {  	[spmem:s2] =	stream.indirect.scatter.add.f32 [tilespmem:s24], [sflag:$0x2], $0x10, s6, s23, $0x2000b8;
	[tilespmem:$0x1FA00] =	vst v63  }
0x88: {  	_ =	swait.ge [sflag:s0], $0x1000  }
0x89: {  	[sflag:s0] =	ssyncset.done $0x0  }
0x8a: {  	[sflag:s0] =	ssyncadd.s32 $0xFFFFF000  }
0x8b: {  	s22 =	simm.s32 $0x18700;
	s21 =	simm.s32 $0x18F00;
	_ =	swait.ge [sflag:s28], $0x1000  }
0x8c: {  	s16 =	smov.u32 s4;
	s4 =	simm.s32 $0x19100;
	[sflag:s28] =	ssyncset.done $0x0  }
0x8d: {  	s18 =	simm.s32 $0x19300;
	s29 =	simm.s32 $0x19600;
	[sflag:s28] =	ssyncadd.s32 $0xFFFFF000  }
0x8e: {  	[spmem:s2] =	stream.indirect.scatter.add.f32 [tilespmem:s26], [sflag:$0x2], $0x10, s29, s23, $0x2000b8;
	[tilespmem:$0x1FA00] =	vst v63  }
0x8f: {  	s3 =	simm.s32 $0x0;
	s5 =	simm.s32 $0x19400;
	_ =	swait.ge [sflag:s0], $0x1000  }
0x90: {  	s13 =	simm.s32 $0x18B00;
	s14 =	simm.s32 $0x19200;
	[sflag:s0] =	ssyncset.done $0x0  }
0x91: {  	s17 =	simm.s32 $0x18C00;
	s15 =	simm.s32 $0x19600;
	[sflag:s0] =	ssyncadd.s32 $0xFFFFF000  }
0x92: {  	s25 =	simm.s32 $0x200;
	s9 =	simm.s32 $0x18E00;
	_ =	swait.ge [sflag:s0], $0x1000  }
0x93: {  	s10 =	simm.s32 $0x19500;
	s6 =	simm.s32 $0x100;
	[sflag:s0] =	ssyncset.done $0x0  }
.LBB2_18:
0x94: {  	s1 =	sadd.s32 s6, s19;
	[sflag:s0] =	ssyncadd.s32 $0xFFFFF000  }
0x95: {  	[tilespmem:s22], [sflag:$0x3] =	stream.linear.gather [hbm4b:s1+s3], $0x800, $0x200038;
	[tilespmem:$0x1FA00] =	vst v63  }
0x96: {  	_ =	swait.ge [sflag:s20], $0x800  }
0x97: {  	s29 =	smov.u32 s25;
	s19 =	sadd.s32 $0x100, s25;
	[sflag:s20] =	ssyncset.done $0x0  }
0x98: {  	p1 =	sne.s32 s25, $0x3100;
	s25 =	sadd.s32 s6, s16;
	[sflag:s20] =	ssyncadd.s32 $0xFFFFF800  }
0x99: {  	[tilespmem:s21], [sflag:$0x3] =	stream.linear.gather [hbm4b:s25+s3], $0x800, $0x200038;
	[tilespmem:$0x1FA00] =	vst v63  }
0x9a: {  	_ =	swait.ge [sflag:s20], $0x800  }
0x9b: {  	[sflag:s20] =	ssyncset.done $0x0  }
0x9c: {  	[sflag:s20] =	ssyncadd.s32 $0xFFFFF800  }
0x9d: {  	[tilespmem:s24], [sflag:$0x1] =	stream.indirect.gather [hbm4b:s8+s23], $0x10, s22, s23, $0x2000b8;
	[tilespmem:$0x1FA00] =	vst v63  }
0x9e: {  	_ = 	snop  }
0x9f: {  	[tilespmem:s26], [sflag:$0x1] =	stream.indirect.gather [hbm4b:s8+s23], $0x10, s11, s23, $0x2000b8;
	[tilespmem:$0x1FA00] =	vst v63  }
0xa0: {  	_ =	swait.ge [sflag:s28], $0x1000  }
0xa1: {  	[sflag:s28] =	ssyncset.done $0x0  }
0xa2: {  	[sflag:s28] =	ssyncadd.s32 $0xFFFFF000  }
0xa3: {  	[spmem:s2] =	stream.indirect.scatter.add.f32 [tilespmem:s24], [sflag:$0x2], $0x10, s21, s23, $0x2000b8;
	[tilespmem:$0x1FA00] =	vst v63  }
0xa4: {  	s6 =	smov.u32 s29;
	s29 =	simm.s32 $0x18900  }
0xa5: {  	[tilespmem:s30], [sflag:$0x1] =	stream.indirect.gather [hbm4b:s8+s23], $0x10, s29, s23, $0x2000b8;
	[tilespmem:$0x1FA00] =	vst v63  }
0xa6: {  	_ =	swait.ge [sflag:s28], $0x1000  }
0xa7: {  	[sflag:s28] =	ssyncset.done $0x0  }
0xa8: {  	[sflag:s28] =	ssyncadd.s32 $0xFFFFF000  }
0xa9: {  	[spmem:s2] =	stream.indirect.scatter.add.f32 [tilespmem:s26], [sflag:$0x2], $0x10, s31, s23, $0x2000b8;
	[tilespmem:$0x1FA00] =	vst v63  }
0xaa: {  	_ =	swait.ge [sflag:s0], $0x1000  }
0xab: {  	[sflag:s0] =	ssyncset.done $0x0  }
0xac: {  	[sflag:s0] =	ssyncadd.s32 $0xFFFFF000  }
0xad: {  	[tilespmem:s24], [sflag:$0x1] =	stream.indirect.gather [hbm4b:s8+s23], $0x10, s12, s23, $0x2000b8;
	[tilespmem:$0x1FA00] =	vst v63  }
0xae: {  	_ =	swait.ge [sflag:s28], $0x1000  }
0xaf: {  	[sflag:s28] =	ssyncset.done $0x0  }
0xb0: {  	[sflag:s28] =	ssyncadd.s32 $0xFFFFF000  }
0xb1: {  	[spmem:s2] =	stream.indirect.scatter.add.f32 [tilespmem:s30], [sflag:$0x2], $0x10, s4, s23, $0x2000b8;
	[tilespmem:$0x1FA00] =	vst v63  }
0xb2: {  	_ =	swait.ge [sflag:s0], $0x1000  }
0xb3: {  	[sflag:s0] =	ssyncset.done $0x0  }
0xb4: {  	[sflag:s0] =	ssyncadd.s32 $0xFFFFF000  }
0xb5: {  	[tilespmem:s26], [sflag:$0x1] =	stream.indirect.gather [hbm4b:s8+s23], $0x10, s13, s23, $0x2000b8;
	[tilespmem:$0x1FA00] =	vst v63  }
0xb6: {  	_ =	swait.ge [sflag:s28], $0x1000  }
0xb7: {  	[sflag:s28] =	ssyncset.done $0x0  }
0xb8: {  	[sflag:s28] =	ssyncadd.s32 $0xFFFFF000  }
0xb9: {  	[spmem:s2] =	stream.indirect.scatter.add.f32 [tilespmem:s24], [sflag:$0x2], $0x10, s14, s23, $0x2000b8;
	[tilespmem:$0x1FA00] =	vst v63  }
0xba: {  	_ =	swait.ge [sflag:s0], $0x1000  }
0xbb: {  	[sflag:s0] =	ssyncset.done $0x0  }
0xbc: {  	[sflag:s0] =	ssyncadd.s32 $0xFFFFF000  }
0xbd: {  	[tilespmem:s30], [sflag:$0x1] =	stream.indirect.gather [hbm4b:s8+s23], $0x10, s17, s23, $0x2000b8;
	[tilespmem:$0x1FA00] =	vst v63  }
0xbe: {  	_ =	swait.ge [sflag:s28], $0x1000  }
0xbf: {  	[sflag:s28] =	ssyncset.done $0x0  }
0xc0: {  	[sflag:s28] =	ssyncadd.s32 $0xFFFFF000  }
0xc1: {  	[spmem:s2] =	stream.indirect.scatter.add.f32 [tilespmem:s26], [sflag:$0x2], $0x10, s18, s23, $0x2000b8;
	[tilespmem:$0x1FA00] =	vst v63  }
0xc2: {  	_ =	swait.ge [sflag:s0], $0x1000  }
0xc3: {  	[sflag:s0] =	ssyncset.done $0x0  }
0xc4: {  	s25 =	simm.s32 $0x18D00;
	[sflag:s0] =	ssyncadd.s32 $0xFFFFF000  }
0xc5: {  	[tilespmem:s24], [sflag:$0x1] =	stream.indirect.gather [hbm4b:s8+s23], $0x10, s25, s23, $0x2000b8;
	[tilespmem:$0x1FA00] =	vst v63  }
0xc6: {  	_ =	swait.ge [sflag:s28], $0x1000  }
0xc7: {  	[sflag:s28] =	ssyncset.done $0x0  }
0xc8: {  	[sflag:s28] =	ssyncadd.s32 $0xFFFFF000  }
0xc9: {  	[spmem:s2] =	stream.indirect.scatter.add.f32 [tilespmem:s30], [sflag:$0x2], $0x10, s5, s23, $0x2000b8;
	[tilespmem:$0x1FA00] =	vst v63  }
0xca: {  	_ =	swait.ge [sflag:s0], $0x1000  }
0xcb: {  	[sflag:s0] =	ssyncset.done $0x0  }
0xcc: {  	[sflag:s0] =	ssyncadd.s32 $0xFFFFF000  }
0xcd: {  	[tilespmem:s26], [sflag:$0x1] =	stream.indirect.gather [hbm4b:s8+s23], $0x10, s9, s23, $0x2000b8;
	[tilespmem:$0x1FA00] =	vst v63  }
0xce: {  	_ =	swait.ge [sflag:s28], $0x1000  }
0xcf: {  	[sflag:s28] =	ssyncset.done $0x0  }
0xd0: {  	[sflag:s28] =	ssyncadd.s32 $0xFFFFF000  }
0xd1: {  	[spmem:s2] =	stream.indirect.scatter.add.f32 [tilespmem:s24], [sflag:$0x2], $0x10, s10, s23, $0x2000b8;
	[tilespmem:$0x1FA00] =	vst v63  }
0xd2: {  	_ =	swait.ge [sflag:s0], $0x1000  }
0xd3: {  	[sflag:s0] =	ssyncset.done $0x0  }
0xd4: {  	[sflag:s0] =	ssyncadd.s32 $0xFFFFF000  }
0xd5: {  	_ =	swait.ge [sflag:s28], $0x1000  }
0xd6: {  	[sflag:s28] =	ssyncset.done $0x0  }
0xd7: {  	[sflag:s28] =	ssyncadd.s32 $0xFFFFF000  }
0xd8: {  	[spmem:s2] =	stream.indirect.scatter.add.f32 [tilespmem:s26], [sflag:$0x2], $0x10, s15, s23, $0x2000b8;
	[tilespmem:$0x1FA00] =	vst v63  }
.Ltmp4:
0xd9: {  	_ =	swait.ge [sflag:s0], $0x1000;
	(pc) =	sbr.rel @p1 .LBB2_18-.Ltmp4, $4  }
0xda: {  	[sflag:s0] =	ssyncset.done $0x0  }
0xdb: {  	[sflag:s0] =	ssyncadd.s32 $0xFFFFF000  }
0xdc: {  	_ =	swait.ge [sflag:s0], $0x1000  }
0xdd: {  	s25 =	smov.u32 s19;
	[sflag:s0] =	ssyncset.done $0x0;
	s19 =	rddreg [dreg:$0x6]  }
0xde: {  	s1 =	sadd.s32 s6, s19;
	[sflag:s0] =	ssyncadd.s32 $0xFFFFF000  }
0xdf: {  	[tilespmem:s22], [sflag:$0x3] =	stream.linear.gather [hbm4b:s1+s3], $0x800, $0x200038;
	[tilespmem:$0x1FA00] =	vst v63  }
0xe0: {  	_ =	swait.ge [sflag:s20], $0x800  }
0xe1: {  	[sflag:s20] =	ssyncset.done $0x0  }
0xe2: {  	s25 =	sadd.s32 s6, s16;
	[sflag:s20] =	ssyncadd.s32 $0xFFFFF800  }
0xe3: {  	[tilespmem:s21], [sflag:$0x3] =	stream.linear.gather [hbm4b:s25+s3], $0x800, $0x200038;
	[tilespmem:$0x1FA00] =	vst v63  }
0xe4: {  	_ =	swait.ge [sflag:s20], $0x800  }
0xe5: {  	[sflag:s20] =	ssyncset.done $0x0  }
0xe6: {  	[sflag:s20] =	ssyncadd.s32 $0xFFFFF800  }
0xe7: {  	[tilespmem:s24], [sflag:$0x1] =	stream.indirect.gather [hbm4b:s8+s23], $0x10, s22, s23, $0x2000b8;
	[tilespmem:$0x1FA00] =	vst v63  }
0xe8: {  	_ = 	snop  }
0xe9: {  	[tilespmem:s26], [sflag:$0x1] =	stream.indirect.gather [hbm4b:s8+s23], $0x10, s11, s23, $0x2000b8;
	[tilespmem:$0x1FA00] =	vst v63  }
0xea: {  	_ =	swait.ge [sflag:s28], $0x1000  }
0xeb: {  	[sflag:s28] =	ssyncset.done $0x0  }
0xec: {  	[sflag:s28] =	ssyncadd.s32 $0xFFFFF000  }
0xed: {  	[spmem:s2] =	stream.indirect.scatter.add.f32 [tilespmem:s24], [sflag:$0x2], $0x10, s21, s23, $0x2000b8;
	[tilespmem:$0x1FA00] =	vst v63  }
0xee: {  	_ = 	snop  }
0xef: {  	[tilespmem:s30], [sflag:$0x1] =	stream.indirect.gather [hbm4b:s8+s23], $0x10, s29, s23, $0x2000b8;
	[tilespmem:$0x1FA00] =	vst v63  }
0xf0: {  	_ =	swait.ge [sflag:s28], $0x1000  }
0xf1: {  	[sflag:s28] =	ssyncset.done $0x0  }
0xf2: {  	[sflag:s28] =	ssyncadd.s32 $0xFFFFF000  }
0xf3: {  	[spmem:s2] =	stream.indirect.scatter.add.f32 [tilespmem:s26], [sflag:$0x2], $0x10, s31, s23, $0x2000b8;
	[tilespmem:$0x1FA00] =	vst v63  }
0xf4: {  	_ =	swait.ge [sflag:s0], $0x1000  }
0xf5: {  	[sflag:s0] =	ssyncset.done $0x0  }
0xf6: {  	[sflag:s0] =	ssyncadd.s32 $0xFFFFF000  }
0xf7: {  	[tilespmem:s24], [sflag:$0x1] =	stream.indirect.gather [hbm4b:s8+s23], $0x10, s12, s23, $0x2000b8;
	[tilespmem:$0x1FA00] =	vst v63  }
0xf8: {  	_ =	swait.ge [sflag:s28], $0x1000  }
0xf9: {  	[sflag:s28] =	ssyncset.done $0x0  }
0xfa: {  	[sflag:s28] =	ssyncadd.s32 $0xFFFFF000  }
0xfb: {  	[spmem:s2] =	stream.indirect.scatter.add.f32 [tilespmem:s30], [sflag:$0x2], $0x10, s4, s23, $0x2000b8;
	[tilespmem:$0x1FA00] =	vst v63  }
0xfc: {  	_ =	swait.ge [sflag:s0], $0x1000  }
0xfd: {  	[sflag:s0] =	ssyncset.done $0x0  }
0xfe: {  	[sflag:s0] =	ssyncadd.s32 $0xFFFFF000  }
0xff: {  	[tilespmem:s26], [sflag:$0x1] =	stream.indirect.gather [hbm4b:s8+s23], $0x10, s13, s23, $0x2000b8;
	[tilespmem:$0x1FA00] =	vst v63  }
0x100: {  	_ =	swait.ge [sflag:s28], $0x1000  }
0x101: {  	[sflag:s28] =	ssyncset.done $0x0  }
0x102: {  	[sflag:s28] =	ssyncadd.s32 $0xFFFFF000  }
0x103: {  	[spmem:s2] =	stream.indirect.scatter.add.f32 [tilespmem:s24], [sflag:$0x2], $0x10, s14, s23, $0x2000b8;
	[tilespmem:$0x1FA00] =	vst v63  }
0x104: {  	_ =	swait.ge [sflag:s0], $0x1000  }
0x105: {  	[sflag:s0] =	ssyncset.done $0x0  }
0x106: {  	[sflag:s0] =	ssyncadd.s32 $0xFFFFF000  }
0x107: {  	[tilespmem:s30], [sflag:$0x1] =	stream.indirect.gather [hbm4b:s8+s23], $0x10, s17, s23, $0x2000b8;
	[tilespmem:$0x1FA00] =	vst v63  }
0x108: {  	_ =	swait.ge [sflag:s28], $0x1000  }
0x109: {  	[sflag:s28] =	ssyncset.done $0x0  }
0x10a: {  	[sflag:s28] =	ssyncadd.s32 $0xFFFFF000  }
0x10b: {  	[spmem:s2] =	stream.indirect.scatter.add.f32 [tilespmem:s26], [sflag:$0x2], $0x10, s18, s23, $0x2000b8;
	[tilespmem:$0x1FA00] =	vst v63  }
0x10c: {  	_ =	swait.ge [sflag:s0], $0x1000  }
0x10d: {  	[sflag:s0] =	ssyncset.done $0x0  }
0x10e: {  	s31 =	simm.s32 $0x18D00;
	[sflag:s0] =	ssyncadd.s32 $0xFFFFF000  }
0x10f: {  	[tilespmem:s24], [sflag:$0x1] =	stream.indirect.gather [hbm4b:s8+s23], $0x10, s31, s23, $0x2000b8;
	[tilespmem:$0x1FA00] =	vst v63  }
0x110: {  	_ =	swait.ge [sflag:s28], $0x1000  }
0x111: {  	[sflag:s28] =	ssyncset.done $0x0  }
0x112: {  	[sflag:s28] =	ssyncadd.s32 $0xFFFFF000  }
0x113: {  	[spmem:s2] =	stream.indirect.scatter.add.f32 [tilespmem:s30], [sflag:$0x2], $0x10, s5, s23, $0x2000b8;
	[tilespmem:$0x1FA00] =	vst v63  }
0x114: {  	_ =	swait.ge [sflag:s0], $0x1000  }
0x115: {  	[sflag:s0] =	ssyncset.done $0x0  }
0x116: {  	[sflag:s0] =	ssyncadd.s32 $0xFFFFF000  }
0x117: {  	[tilespmem:s26], [sflag:$0x1] =	stream.indirect.gather [hbm4b:s8+s23], $0x10, s9, s23, $0x2000b8;
	[tilespmem:$0x1FA00] =	vst v63  }
0x118: {  	_ =	swait.ge [sflag:s28], $0x1000  }
0x119: {  	[sflag:s28] =	ssyncset.done $0x0  }
0x11a: {  	[sflag:s28] =	ssyncadd.s32 $0xFFFFF000  }
0x11b: {  	[spmem:s2] =	stream.indirect.scatter.add.f32 [tilespmem:s24], [sflag:$0x2], $0x10, s10, s23, $0x2000b8;
	[tilespmem:$0x1FA00] =	vst v63  }
0x11c: {  	_ =	swait.ge [sflag:s0], $0x1000  }
0x11d: {  	[sflag:s0] =	ssyncset.done $0x0  }
0x11e: {  	[sflag:s0] =	ssyncadd.s32 $0xFFFFF000  }
0x11f: {  	_ =	swait.ge [sflag:s28], $0x1000  }
0x120: {  	[sflag:s28] =	ssyncset.done $0x0  }
0x121: {  	[sflag:s28] =	ssyncadd.s32 $0xFFFFF000  }
0x122: {  	[spmem:s2] =	stream.indirect.scatter.add.f32 [tilespmem:s26], [sflag:$0x2], $0x10, s15, s23, $0x2000b8;
	[tilespmem:$0x1FA00] =	vst v63  }
0x123: {  	_ =	swait.ge [sflag:s0], $0x1000  }
0x124: {  	[sflag:s0] =	ssyncset.done $0x0  }
0x125: {  	[sflag:s0] =	ssyncadd.s32 $0xFFFFF000  }
0x126: {  	s16 =	simm.s32 $0x0;
	_ =	swait.ge [sflag:s0], $0x1000  }
0x127: {  	s6 =	simm.s32 $0x0;
	s3 =	simm.s32 $0x0;
	[sflag:s0] =	ssyncset.done $0x0  }
0x128: {  	s12 =	simm.s32 $0x1E080;
	s4 =	simm.s32 $0x1D800;
	[sflag:s0] =	ssyncadd.s32 $0xFFFFF000  }
0x129: {  	s13 =	simm.s32 $0x1F180;
	s14 =	simm.s32 $0x1CF80;
	[bflag:$0x0] =	sbarrier.arrive $0xFFFF  }
0x12a: {  	s5 =	simm.s32 $0x18700;
	s9 =	simm.s32 $0x18F00;
	_ =	strace $0x9000004D  }
0x12b: {  	s10 =	simm.s32 $0x1E900;
	s15 =	simm.s32 $0x1C700;
	_ =	strace $0x8000004E  }
.LBB2_20:
0x12c: {  	s17 =	smul.u32 $0x110, s6  }
0x12d: {  	s1 =	rddreg [dreg:$0xa]  }
0x12e: {  	s1 =	sadd.s32 s1, s17  }
0x12f: {  	s25 =	rddreg [dreg:$0x8];
	s19 =	sshll.u32 s1, $0x1  }
0x130: {  	s22 =	rddreg [dreg:$0x9];
	s1 =	sshll.u32 s1, $0x4;
	s25 =	sadd.s32 s25, s19  }
0x131: {  	[tilespmem:s4], [sflag:$0x1] =	stream.linear.gather [hbm4b:s25+s16], $0x880, $0x200038;
	[tilespmem:$0x1FA00] =	vst v63  }
0x132: {  	s1 =	sand.u32 $0x3FFFFFF0, s1;
	s25 =	sadd.s32 s22, s19  }
0x133: {  	[tilespmem:s10], [sflag:$0x1] =	stream.linear.gather [hbm4b:s25+s16], $0x880, $0x200038;
	[tilespmem:$0x1FA00] =	vst v63  }
0x134: {  	s25 =	sadd.s32 s1, s2  }
0x135: {  	[tilespmem:s15], [sflag:$0x3] =	stream.linear.gather [spmem:s25], $0x880, $0x200038;
	[tilespmem:$0x1FA00] =	vst v63  }
0x136: {  	_ =	swait.ge [sflag:s20], $0x880  }
0x137: {  	[sflag:s20] =	ssyncset.done $0x0  }
0x138: {  	[sflag:s20] =	ssyncadd.s32 $0xFFFFF780  }
0x139: {  	_ =	swait.ge [sflag:s28], $0x880  }
0x13a: {  	[sflag:s28] =	ssyncset.done $0x0  }
0x13b: {  	[sflag:s28] =	ssyncadd.s32 $0xFFFFF780  }
0x13c: {  	_ =	swait.ge [sflag:s28], $0x880  }
0x13d: {  	[sflag:s28] =	ssyncset.done $0x0  }
0x13e: {  	s29 =	simm.s32 $0x0;
	[sflag:s28] =	ssyncadd.s32 $0xFFFFF780  }
0x13f: {  	v7 =	vld [tilespmem:s29+$0x1E900]  }
0x140: {  	v0 =	vld [tilespmem:s29+$0x1D800]  }
0x141: {  	v1 =	vld [tilespmem:s29+$0x1E910]  }
0x142: {  	v2 =	vld [tilespmem:s29+$0x1D810]  }
0x143: {  	v3 =	vld [tilespmem:s29+$0x1E920]  }
0x144: {  	v4 =	vld [tilespmem:s29+$0x1D820]  }
0x145: {  	v5 =	vld [tilespmem:s29+$0x1E930]  }
0x146: {  	v6 =	vld [tilespmem:s29+$0x1D830]  }
0x147: {  	v10 =	vld [tilespmem:s29+$0x1C700]  }
0x148: {  	v9 =	vld [tilespmem:s29+$0x1C710]  }
0x149: {  	s31 =	simm.s32 $0x100;
	v8 =	vld [tilespmem:s29+$0x1C720]  }
.LBB2_21:
0x14a: {  	s1 =	sshra.s32 s31, $0x2;
	p1 =	sne.s32 s31, $0x2100;
	v11 =	vld [tilespmem:s29+$0x1C730]  }
0x14b: {  	v12 =	vld [tilespmem:s1+$0x1E900]  }
0x14c: {  	v7 =	vmul.f32 v10, v7;
	v10 =	vmul.f32 $1.000000010e-01, v0;
	v0 =	vld [tilespmem:s1+$0x1D800]  }
0x14d: {  	v13 =	vmul.f32 $1.000000010e-01, v2;
	v9 =	vmul.f32 v9, v1;
	v1 =	vld [tilespmem:s1+$0x1E910]  }
0x14e: {  	v2 =	vld [tilespmem:s1+$0x1D810];
	v14 =	vadd.f32 v10, v7;
	v8 =	vmul.f32 v8, v3;
	v10 =	vmul.f32 $1.000000010e-01, v4  }
0x14f: {  	v6 =	vmul.f32 $1.000000010e-01, v6;
	v3 =	vld [tilespmem:s1+$0x1E920];
	v9 =	vadd.f32 v13, v9;
	v11 =	vmul.f32 v11, v5  }
0x150: {  	v4 =	vld [tilespmem:s1+$0x1D820];
	[tilespmem:s29+$0x1C700] =	vst v14;
	v8 =	vadd.f32 v10, v8;
	v7 =	vmov v12  }
.Ltmp5:
0x151: {  	v5 =	vld [tilespmem:s1+$0x1E930];
	[tilespmem:s29+$0x1C710] =	vst v9;
	v9 =	vadd.f32 v6, v11;
	(pc) =	sbr.rel @p1 .LBB2_21-.Ltmp5, $4  }
0x152: {  	v6 =	vld [tilespmem:s1+$0x1D830];
	[tilespmem:s29+$0x1C720] =	vst v8  }
0x153: {  	v10 =	vld [tilespmem:s1+$0x1C700];
	[tilespmem:s29+$0x1C730] =	vst v9;
	s29 =	smov.u32 s1  }
0x154: {  	v9 =	vld [tilespmem:s29+$0x1C710]  }
0x155: {  	s31 =	sadd.s32 $0x100, s31;
	v8 =	vld [tilespmem:s29+$0x1C720]  }
0x156: {  	v11 =	vld [tilespmem:s29+$0x1C730];
	_ =	sdelay $0x1  }
0x157: {  	v0 =	vmul.f32 $1.000000010e-01, v0;
	v7 =	vmul.f32 v10, v7  }
0x158: {  	v2 =	vmul.f32 $1.000000010e-01, v2;
	v1 =	vmul.f32 v9, v1  }
0x159: {  	v4 =	vmul.f32 $1.000000010e-01, v4;
	v0 =	vadd.f32 v0, v7;
	v3 =	vmul.f32 v8, v3  }
0x15a: {  	v1 =	vadd.f32 v2, v1;
	v2 =	vmul.f32 v11, v5;
	v5 =	vmul.f32 $1.000000010e-01, v6  }
0x15b: {  	[tilespmem:s29+$0x1C700] =	vst v0;
	v0 =	vadd.f32 v4, v3  }
0x15c: {  	[tilespmem:s29+$0x1C710] =	vst v1;
	v1 =	vadd.f32 v5, v2  }
0x15d: {  	[tilespmem:s29+$0x1C720] =	vst v0  }
0x15e: {  	s1 =	sadd.s32 s8, s19;
	s11 =	simm.s32 $0x1C700;
	[tilespmem:s29+$0x1C730] =	vst v1;
	s29 =	simm.s32 $0x0  }
0x15f: {  	[hbm4b:s1+s29] =	stream.linear.scatter [tilespmem:s11], [sflag:$0x2], $0x880, $0x200038;
	[tilespmem:$0x1FA00] =	vst v63  }
0x160: {  	_ = 	snop  }
0x161: {  	[spmem:s25] =	stream.linear.scatter [tilespmem:s11], [sflag:$0x3], $0x880, $0x200038;
	[tilespmem:$0x1FA00] =	vst v63  }
0x162: {  	_ =	swait.ge [sflag:s20], $0x880  }
0x163: {  	s19 =	rddreg [dreg:$0xb]  }
0x164: {  	s21 =	rddreg [dreg:$0x8];
	s1 =	sadd.s32 s17, s19  }
0x165: {  	[sflag:s20] =	ssyncset.done $0x0;
	s22 =	rddreg [dreg:$0x9];
	s19 =	sshll.u32 s1, $0x1  }
0x166: {  	[sflag:s20] =	ssyncadd.s32 $0xFFFFF780;
	s1 =	sshll.u32 s1, $0x4;
	s25 =	sadd.s32 s21, s19  }
0x167: {  	[tilespmem:s12], [sflag:$0x1] =	stream.linear.gather [hbm4b:s25+s29], $0x880, $0x200038;
	[tilespmem:$0x1FA00] =	vst v63  }
0x168: {  	s1 =	sand.u32 $0x3FFFFFF0, s1;
	s25 =	sadd.s32 s22, s19  }
0x169: {  	[tilespmem:s13], [sflag:$0x1] =	stream.linear.gather [hbm4b:s25+s29], $0x880, $0x200038;
	[tilespmem:$0x1FA00] =	vst v63  }
0x16a: {  	s25 =	sadd.s32 s1, s2  }
0x16b: {  	[tilespmem:s14], [sflag:$0x3] =	stream.linear.gather [spmem:s25], $0x880, $0x200038;
	[tilespmem:$0x1FA00] =	vst v63  }
0x16c: {  	_ =	swait.ge [sflag:s20], $0x880  }
0x16d: {  	[sflag:s20] =	ssyncset.done $0x0  }
0x16e: {  	[sflag:s20] =	ssyncadd.s32 $0xFFFFF780  }
0x16f: {  	_ =	swait.ge [sflag:s28], $0x880  }
0x170: {  	[sflag:s28] =	ssyncset.done $0x0  }
0x171: {  	[sflag:s28] =	ssyncadd.s32 $0xFFFFF780  }
0x172: {  	_ =	swait.ge [sflag:s28], $0x880  }
0x173: {  	[sflag:s28] =	ssyncset.done $0x0  }
0x174: {  	s29 =	simm.s32 $0x0;
	[sflag:s28] =	ssyncadd.s32 $0xFFFFF780  }
0x175: {  	v7 =	vld [tilespmem:s29+$0x1F180]  }
0x176: {  	v0 =	vld [tilespmem:s29+$0x1E080]  }
0x177: {  	v1 =	vld [tilespmem:s29+$0x1F190]  }
0x178: {  	v2 =	vld [tilespmem:s29+$0x1E090]  }
0x179: {  	v3 =	vld [tilespmem:s29+$0x1F1A0]  }
0x17a: {  	v4 =	vld [tilespmem:s29+$0x1E0A0]  }
0x17b: {  	v5 =	vld [tilespmem:s29+$0x1F1B0]  }
0x17c: {  	v6 =	vld [tilespmem:s29+$0x1E0B0]  }
0x17d: {  	v10 =	vld [tilespmem:s29+$0x1CF80]  }
0x17e: {  	v9 =	vld [tilespmem:s29+$0x1CF90]  }
0x17f: {  	s31 =	simm.s32 $0x100;
	v8 =	vld [tilespmem:s29+$0x1CFA0]  }
.LBB2_23:
0x180: {  	s1 =	sshra.s32 s31, $0x2;
	p1 =	sne.s32 s31, $0x2100;
	v11 =	vld [tilespmem:s29+$0x1CFB0]  }
0x181: {  	v12 =	vld [tilespmem:s1+$0x1F180]  }
0x182: {  	v7 =	vmul.f32 v10, v7;
	v10 =	vmul.f32 $1.000000010e-01, v0;
	v0 =	vld [tilespmem:s1+$0x1E080]  }
0x183: {  	v13 =	vmul.f32 $1.000000010e-01, v2;
	v9 =	vmul.f32 v9, v1;
	v1 =	vld [tilespmem:s1+$0x1F190]  }
0x184: {  	v2 =	vld [tilespmem:s1+$0x1E090];
	v14 =	vadd.f32 v10, v7;
	v8 =	vmul.f32 v8, v3;
	v10 =	vmul.f32 $1.000000010e-01, v4  }
0x185: {  	v6 =	vmul.f32 $1.000000010e-01, v6;
	v3 =	vld [tilespmem:s1+$0x1F1A0];
	v9 =	vadd.f32 v13, v9;
	v11 =	vmul.f32 v11, v5  }
0x186: {  	v4 =	vld [tilespmem:s1+$0x1E0A0];
	[tilespmem:s29+$0x1CF80] =	vst v14;
	v8 =	vadd.f32 v10, v8;
	v7 =	vmov v12  }
.Ltmp6:
0x187: {  	v5 =	vld [tilespmem:s1+$0x1F1B0];
	[tilespmem:s29+$0x1CF90] =	vst v9;
	v9 =	vadd.f32 v6, v11;
	(pc) =	sbr.rel @p1 .LBB2_23-.Ltmp6, $4  }
0x188: {  	v6 =	vld [tilespmem:s1+$0x1E0B0];
	[tilespmem:s29+$0x1CFA0] =	vst v8  }
0x189: {  	v10 =	vld [tilespmem:s1+$0x1CF80];
	[tilespmem:s29+$0x1CFB0] =	vst v9;
	s29 =	smov.u32 s1  }
0x18a: {  	v9 =	vld [tilespmem:s29+$0x1CF90]  }
0x18b: {  	s31 =	sadd.s32 $0x100, s31;
	v8 =	vld [tilespmem:s29+$0x1CFA0]  }
0x18c: {  	v11 =	vld [tilespmem:s29+$0x1CFB0];
	_ =	sdelay $0x1  }
0x18d: {  	v0 =	vmul.f32 $1.000000010e-01, v0;
	v7 =	vmul.f32 v10, v7  }
0x18e: {  	v2 =	vmul.f32 $1.000000010e-01, v2;
	v1 =	vmul.f32 v9, v1  }
0x18f: {  	v4 =	vmul.f32 $1.000000010e-01, v4;
	v0 =	vadd.f32 v0, v7;
	v3 =	vmul.f32 v8, v3  }
0x190: {  	v61 =	vmul.f32 $1.000000010e-01, v6;
	v1 =	vadd.f32 v2, v1;
	v60 =	vmul.f32 v11, v5  }
0x191: {  	[tilespmem:s29+$0x1CF80] =	vst v0;
	v62 =	vadd.f32 v4, v3  }
0x192: {  	[tilespmem:s29+$0x1CF90] =	vst v1;
	v63 =	vadd.f32 v61, v60  }
0x193: {  	[tilespmem:s29+$0x1CFA0] =	vst v62  }
0x194: {  	s1 =	sadd.s32 s8, s19;
	[tilespmem:s29+$0x1CFB0] =	vst v63  }
0x195: {  	[hbm4b:s1+s3] =	stream.linear.scatter [tilespmem:s14], [sflag:$0x2], $0x880, $0x200038;
	[tilespmem:$0x1FA00] =	vst v63  }
0x196: {  	_ = 	snop  }
0x197: {  	[spmem:s25] =	stream.linear.scatter [tilespmem:s14], [sflag:$0x3], $0x880, $0x200038;
	[tilespmem:$0x1FA00] =	vst v63  }
0x198: {  	_ =	swait.ge [sflag:s20], $0x880  }
0x199: {  	[sflag:s20] =	ssyncset.done $0x0  }
0x19a: {  	s6 =	sadd.s32 $0x1, s6;
	[sflag:s20] =	ssyncadd.s32 $0xFFFFF780  }
0x19b: {  	p1 =	sne.s32 s6, $0x17;
	_ =	swait.ge [sflag:s0], $0x880  }
.Ltmp7:
0x19c: {  	[sflag:s0] =	ssyncset.done $0x0;
	(pc) =	sbr.rel @p1 .LBB2_20-.Ltmp7, $4  }
0x19d: {  	[sflag:s0] =	ssyncadd.s32 $0xFFFFF780  }
0x19e: {  	_ =	swait.ge [sflag:s0], $0x880  }
0x19f: {  	[sflag:s0] =	ssyncset.done $0x0  }
0x1a0: {  	s15 =	simm.s32 $0x1C700;
	s11 =	simm.s32 $0x18800;
	[sflag:s0] =	ssyncadd.s32 $0xFFFFF780  }
0x1a1: {  	s1 =	rddreg [dreg:$0x13]  }
0x1a2: {  	s1 =	sadd.s32 $0x1, s1  }
0x1a3: {  	p1 =	sne.s32 s1, $0xA  }
.Ltmp8:
0x1a4: {  	_ = 	snop;
	(pc) =	sbr.rel @p1 .LBB2_17-.Ltmp8, $4  }
.Ltmp9:
0x1a5: {  	_ = 	snop;
	(pc) =	sbr.rel @!p1 .LBB2_26-.Ltmp9, $4  }
0x1a6: {  	[bflag:$0x0] =	sbarrier.arrive $0xFFFF  }
0x1a7: {  	_ =	strace $0x9000004E  }
0x1a8: {  	s4 =	rddreg [dreg:$0x10]  }
0x1a9: {  	_ = 	snop  }
.LBB2_2:
0x1aa: {  	s6 =	sadd.s32 $0x0, s19  }
0x1ab: {  	[tilespmem:s15], [sflag:$0x3] =	stream.linear.gather [hbm4b:s6+s3], $0x880, $0x38;
	[tilespmem:$0x1FA00] =	vst v63  }
0x1ac: {  	_ =	swait.ge [sflag:s20], $0x880  }
0x1ad: {  	[sflag:s20] =	ssyncset.done $0x0  }
0x1ae: {  	s1 =	rddreg [dreg:$0xd];
	[sflag:s20] =	ssyncadd.s32 $0xFFFFF780  }
0x1af: {  	[spmem:s1] =	stream.linear.scatter [tilespmem:s15], [sflag:$0x3], $0x880, $0x38;
	[tilespmem:$0x1FA00] =	vst v63  }
0x1b0: {  	_ =	swait.ge [sflag:s20], $0x880  }
0x1b1: {  	[sflag:s20] =	ssyncset.done $0x0  }
0x1b2: {  	s31 =	sadd.s32 $0x0, s25;
	[sflag:s20] =	ssyncadd.s32 $0xFFFFF780  }
0x1b3: {  	[hbm4b:s31+s3] =	stream.linear.scatter [tilespmem:s15], [sflag:$0x3], $0x880, $0x38;
	[tilespmem:$0x1FA00] =	vst v63  }
0x1b4: {  	s12 =	smov.u32 s25;
	s25 =	simm.s32 $0x220;
	_ =	swait.ge [sflag:s20], $0x880  }
0x1b5: {  	s6 =	simm.s32 $0x110;
	s19 =	sadd.s32 $0x880, s1;
	[sflag:s20] =	ssyncset.done $0x0  }
.LBB2_3:
0x1b6: {  	s1 =	rddreg [dreg:$0x4]  }
0x1b7: {  	[sflag:s20] =	ssyncadd.s32 $0xFFFFF780;
	s11 =	simm.s32 $0x1C700;
	s29 =	sadd.s32 s6, s1  }
0x1b8: {  	[tilespmem:s11], [sflag:$0x3] =	stream.linear.gather [hbm4b:s29+s3], $0x880, $0x38;
	[tilespmem:$0x1FA00] =	vst v63  }
0x1b9: {  	s29 =	rddreg [dreg:$0x4];
	_ =	swait.ge [sflag:s20], $0x880  }
0x1ba: {  	[sflag:s20] =	ssyncset.done $0x0  }
0x1bb: {  	[sflag:s20] =	ssyncadd.s32 $0xFFFFF780  }
0x1bc: {  	[spmem:s19] =	stream.linear.scatter [tilespmem:s11], [sflag:$0x3], $0x880, $0x38;
	[tilespmem:$0x1FA00] =	vst v63  }
0x1bd: {  	p1 =	sne.s32 s25, $0x2FD0;
	_ =	swait.ge [sflag:s20], $0x880  }
.Ltmp10:
0x1be: {  	s31 =	smov.u32 s25;
	[sflag:s20] =	ssyncset.done $0x0;
	(pc) =	sbr.rel @p1 .LBB2_3-.Ltmp10, $4  }
0x1bf: {  	s22 =	sadd.s32 s6, s12;
	s10 =	simm.s32 $0x1C700;
	[sflag:s20] =	ssyncadd.s32 $0xFFFFF780  }
0x1c0: {  	[hbm4b:s22+s3] =	stream.linear.scatter [tilespmem:s10], [sflag:$0x3], $0x880, $0x38;
	[tilespmem:$0x1FA00] =	vst v63  }
0x1c1: {  	s21 =	sadd.s32 $0x110, s25;
	s6 =	smov.u32 s31;
	_ =	swait.ge [sflag:s20], $0x880  }
0x1c2: {  	s25 =	smov.u32 s21;
	s19 =	sadd.s32 $0x880, s19;
	[sflag:s20] =	ssyncset.done $0x0  }
0x1c3: {  	s1 =	sadd.s32 s6, s29;
	[sflag:s20] =	ssyncadd.s32 $0xFFFFF780  }
0x1c4: {  	[tilespmem:s10], [sflag:$0x3] =	stream.linear.gather [hbm4b:s1+s3], $0x880, $0x38;
	[tilespmem:$0x1FA00] =	vst v63  }
0x1c5: {  	_ =	swait.ge [sflag:s20], $0x880  }
0x1c6: {  	[sflag:s20] =	ssyncset.done $0x0  }
0x1c7: {  	[sflag:s20] =	ssyncadd.s32 $0xFFFFF780  }
0x1c8: {  	[spmem:s19] =	stream.linear.scatter [tilespmem:s10], [sflag:$0x3], $0x880, $0x38;
	[tilespmem:$0x1FA00] =	vst v63  }
0x1c9: {  	_ =	swait.ge [sflag:s20], $0x880  }
0x1ca: {  	[sflag:s20] =	ssyncset.done $0x0  }
0x1cb: {  	s31 =	sadd.s32 s6, s12;
	[sflag:s20] =	ssyncadd.s32 $0xFFFFF780  }
0x1cc: {  	[hbm4b:s31+s3] =	stream.linear.scatter [tilespmem:s10], [sflag:$0x3], $0x880, $0x38;
	[tilespmem:$0x1FA00] =	vst v63  }
0x1cd: {  	_ =	swait.ge [sflag:s20], $0x880  }
0x1ce: {  	[sflag:s20] =	ssyncset.done $0x0  }
0x1cf: {  	[sflag:s20] =	ssyncadd.s32 $0xFFFFF780  }
0x1d0: {  	s11 =	simm.s32 $0x18800;
	s1 =	simm.s32 $0x0;
	[bflag:$0x0] =	sbarrier.arrive $0xFFFF  }
.LBB2_5:
0x1d1: {  	[dreg:$0x12] =	wrdreg s1  }
0x1d2: {  	_ =	strace $0x8000004B  }
0x1d3: {  	s19 =	rddreg [dreg:$0x6]  }
0x1d4: {  	s22 =	sadd.s32 $0x0, s19  }
0x1d5: {  	[tilespmem:s5], [sflag:$0x3] =	stream.linear.gather [hbm4b:s22+s3], $0x800, $0x200038;
	[tilespmem:$0x1FA00] =	vst v63  }
0x1d6: {  	_ =	swait.ge [sflag:s20], $0x800  }
0x1d7: {  	[sflag:s20] =	ssyncset.done $0x0  }
0x1d8: {  	s25 =	sadd.s32 $0x0, s4;
	[sflag:s20] =	ssyncadd.s32 $0xFFFFF800  }
0x1d9: {  	[tilespmem:s9], [sflag:$0x3] =	stream.linear.gather [hbm4b:s25+s3], $0x800, $0x200038;
	[tilespmem:$0x1FA00] =	vst v63  }
0x1da: {  	_ =	swait.ge [sflag:s20], $0x800  }
0x1db: {  	[sflag:s20] =	ssyncset.done $0x0  }
0x1dc: {  	[sflag:s20] =	ssyncadd.s32 $0xFFFFF800  }
0x1dd: {  	[tilespmem:s24], [sflag:$0x1] =	stream.indirect.gather [hbm4b:s7+s23], $0x10, s5, s23, $0x2000b8;
	[tilespmem:$0x1FA00] =	vst v63  }
0x1de: {  	_ = 	snop  }
0x1df: {  	[tilespmem:s26], [sflag:$0x1] =	stream.indirect.gather [hbm4b:s7+s23], $0x10, s11, s23, $0x2000b8;
	[tilespmem:$0x1FA00] =	vst v63  }
0x1e0: {  	_ =	swait.ge [sflag:s28], $0x1000  }
0x1e1: {  	[sflag:s28] =	ssyncset.done $0x0  }
0x1e2: {  	[sflag:s28] =	ssyncadd.s32 $0xFFFFF000  }
0x1e3: {  	[spmem:s2] =	stream.indirect.scatter.add.f32 [tilespmem:s24], [sflag:$0x2], $0x10, s9, s23, $0x2000b8;
	[tilespmem:$0x1FA00] =	vst v63  }
0x1e4: {  	s29 =	simm.s32 $0x18900  }
0x1e5: {  	[tilespmem:s30], [sflag:$0x1] =	stream.indirect.gather [hbm4b:s7+s23], $0x10, s29, s23, $0x2000b8;
	[tilespmem:$0x1FA00] =	vst v63  }
0x1e6: {  	_ =	swait.ge [sflag:s28], $0x1000  }
0x1e7: {  	[sflag:s28] =	ssyncset.done $0x0  }
0x1e8: {  	s31 =	simm.s32 $0x19000;
	[sflag:s28] =	ssyncadd.s32 $0xFFFFF000  }
0x1e9: {  	[spmem:s2] =	stream.indirect.scatter.add.f32 [tilespmem:s26], [sflag:$0x2], $0x10, s31, s23, $0x2000b8;
	[tilespmem:$0x1FA00] =	vst v63  }
0x1ea: {  	_ =	swait.ge [sflag:s0], $0x1000  }
0x1eb: {  	[sflag:s0] =	ssyncset.done $0x0  }
0x1ec: {  	s12 =	simm.s32 $0x18A00;
	[sflag:s0] =	ssyncadd.s32 $0xFFFFF000  }
0x1ed: {  	[tilespmem:s24], [sflag:$0x1] =	stream.indirect.gather [hbm4b:s7+s23], $0x10, s12, s23, $0x2000b8;
	[tilespmem:$0x1FA00] =	vst v63  }
0x1ee: {  	_ =	swait.ge [sflag:s28], $0x1000  }
0x1ef: {  	[sflag:s28] =	ssyncset.done $0x0  }
0x1f0: {  	s13 =	simm.s32 $0x19100;
	[sflag:s28] =	ssyncadd.s32 $0xFFFFF000  }
0x1f1: {  	[spmem:s2] =	stream.indirect.scatter.add.f32 [tilespmem:s30], [sflag:$0x2], $0x10, s13, s23, $0x2000b8;
	[tilespmem:$0x1FA00] =	vst v63  }
0x1f2: {  	_ =	swait.ge [sflag:s0], $0x1000  }
0x1f3: {  	[sflag:s0] =	ssyncset.done $0x0  }
0x1f4: {  	s14 =	simm.s32 $0x18B00;
	[sflag:s0] =	ssyncadd.s32 $0xFFFFF000  }
0x1f5: {  	[tilespmem:s26], [sflag:$0x1] =	stream.indirect.gather [hbm4b:s7+s23], $0x10, s14, s23, $0x2000b8;
	[tilespmem:$0x1FA00] =	vst v63  }
0x1f6: {  	_ =	swait.ge [sflag:s28], $0x1000  }
0x1f7: {  	[sflag:s28] =	ssyncset.done $0x0  }
0x1f8: {  	s17 =	simm.s32 $0x19200;
	[sflag:s28] =	ssyncadd.s32 $0xFFFFF000  }
0x1f9: {  	[spmem:s2] =	stream.indirect.scatter.add.f32 [tilespmem:s24], [sflag:$0x2], $0x10, s17, s23, $0x2000b8;
	[tilespmem:$0x1FA00] =	vst v63  }
0x1fa: {  	_ =	swait.ge [sflag:s0], $0x1000  }
0x1fb: {  	[sflag:s0] =	ssyncset.done $0x0  }
0x1fc: {  	s16 =	simm.s32 $0x18C00;
	[sflag:s0] =	ssyncadd.s32 $0xFFFFF000  }
0x1fd: {  	[tilespmem:s30], [sflag:$0x1] =	stream.indirect.gather [hbm4b:s7+s23], $0x10, s16, s23, $0x2000b8;
	[tilespmem:$0x1FA00] =	vst v63  }
0x1fe: {  	_ =	swait.ge [sflag:s28], $0x1000  }
0x1ff: {  	[sflag:s28] =	ssyncset.done $0x0  }
0x200: {  	s15 =	simm.s32 $0x19300;
	[sflag:s28] =	ssyncadd.s32 $0xFFFFF000  }
0x201: {  	[spmem:s2] =	stream.indirect.scatter.add.f32 [tilespmem:s26], [sflag:$0x2], $0x10, s15, s23, $0x2000b8;
	[tilespmem:$0x1FA00] =	vst v63  }
0x202: {  	_ =	swait.ge [sflag:s0], $0x1000  }
0x203: {  	[sflag:s0] =	ssyncset.done $0x0  }
0x204: {  	s25 =	simm.s32 $0x18D00;
	[sflag:s0] =	ssyncadd.s32 $0xFFFFF000  }
0x205: {  	[tilespmem:s24], [sflag:$0x1] =	stream.indirect.gather [hbm4b:s7+s23], $0x10, s25, s23, $0x2000b8;
	[tilespmem:$0x1FA00] =	vst v63  }
0x206: {  	_ =	swait.ge [sflag:s28], $0x1000  }
0x207: {  	[sflag:s28] =	ssyncset.done $0x0  }
0x208: {  	s1 =	simm.s32 $0x19400;
	[sflag:s28] =	ssyncadd.s32 $0xFFFFF000  }
0x209: {  	[spmem:s2] =	stream.indirect.scatter.add.f32 [tilespmem:s30], [sflag:$0x2], $0x10, s1, s23, $0x2000b8;
	[tilespmem:$0x1FA00] =	vst v63  }
0x20a: {  	_ =	swait.ge [sflag:s0], $0x1000  }
0x20b: {  	[sflag:s0] =	ssyncset.done $0x0  }
0x20c: {  	s10 =	simm.s32 $0x18E00;
	[sflag:s0] =	ssyncadd.s32 $0xFFFFF000  }
0x20d: {  	[tilespmem:s26], [sflag:$0x1] =	stream.indirect.gather [hbm4b:s7+s23], $0x10, s10, s23, $0x2000b8;
	[tilespmem:$0x1FA00] =	vst v63  }
0x20e: {  	_ =	swait.ge [sflag:s28], $0x1000  }
0x20f: {  	[sflag:s28] =	ssyncset.done $0x0  }
0x210: {  	s6 =	simm.s32 $0x19500;
	[sflag:s28] =	ssyncadd.s32 $0xFFFFF000  }
0x211: {  	[spmem:s2] =	stream.indirect.scatter.add.f32 [tilespmem:s24], [sflag:$0x2], $0x10, s6, s23, $0x2000b8;
	[tilespmem:$0x1FA00] =	vst v63  }
0x212: {  	_ =	swait.ge [sflag:s0], $0x1000  }
0x213: {  	[sflag:s0] =	ssyncset.done $0x0  }
0x214: {  	[sflag:s0] =	ssyncadd.s32 $0xFFFFF000  }
0x215: {  	s21 =	simm.s32 $0x18F00;
	_ =	swait.ge [sflag:s28], $0x1000  }
0x216: {  	s18 =	simm.s32 $0x19300;
	s22 =	simm.s32 $0x18700;
	[sflag:s28] =	ssyncset.done $0x0  }
0x217: {  	s3 =	simm.s32 $0x0;
	s29 =	simm.s32 $0x19600;
	[sflag:s28] =	ssyncadd.s32 $0xFFFFF000  }
0x218: {  	[spmem:s2] =	stream.indirect.scatter.add.f32 [tilespmem:s26], [sflag:$0x2], $0x10, s29, s23, $0x2000b8;
	[tilespmem:$0x1FA00] =	vst v63  }
0x219: {  	s5 =	simm.s32 $0x19100;
	s9 =	simm.s32 $0x18E00;
	_ =	swait.ge [sflag:s0], $0x1000  }
0x21a: {  	s13 =	simm.s32 $0x18B00;
	s14 =	simm.s32 $0x19200;
	[sflag:s0] =	ssyncset.done $0x0  }
0x21b: {  	s17 =	simm.s32 $0x18C00;
	s16 =	simm.s32 $0x18D00;
	[sflag:s0] =	ssyncadd.s32 $0xFFFFF000  }
0x21c: {  	s15 =	simm.s32 $0x19600;
	s25 =	simm.s32 $0x200;
	_ =	swait.ge [sflag:s0], $0x1000  }
0x21d: {  	s10 =	simm.s32 $0x19500;
	s6 =	simm.s32 $0x100;
	[sflag:s0] =	ssyncset.done $0x0  }
.LBB2_6:
0x21e: {  	s1 =	sadd.s32 s6, s19;
	[sflag:s0] =	ssyncadd.s32 $0xFFFFF000  }
0x21f: {  	[tilespmem:s22], [sflag:$0x3] =	stream.linear.gather [hbm4b:s1+s3], $0x800, $0x200038;
	[tilespmem:$0x1FA00] =	vst v63  }
0x220: {  	_ =	swait.ge [sflag:s20], $0x800  }
0x221: {  	s29 =	smov.u32 s25;
	s19 =	sadd.s32 $0x100, s25;
	[sflag:s20] =	ssyncset.done $0x0  }
0x222: {  	p1 =	sne.s32 s25, $0x3100;
	s25 =	sadd.s32 s6, s4;
	[sflag:s20] =	ssyncadd.s32 $0xFFFFF800  }
0x223: {  	[tilespmem:s21], [sflag:$0x3] =	stream.linear.gather [hbm4b:s25+s3], $0x800, $0x200038;
	[tilespmem:$0x1FA00] =	vst v63  }
0x224: {  	_ =	swait.ge [sflag:s20], $0x800  }
0x225: {  	[sflag:s20] =	ssyncset.done $0x0  }
0x226: {  	[sflag:s20] =	ssyncadd.s32 $0xFFFFF800  }
0x227: {  	[tilespmem:s24], [sflag:$0x1] =	stream.indirect.gather [hbm4b:s7+s23], $0x10, s22, s23, $0x2000b8;
	[tilespmem:$0x1FA00] =	vst v63  }
0x228: {  	_ = 	snop  }
0x229: {  	[tilespmem:s26], [sflag:$0x1] =	stream.indirect.gather [hbm4b:s7+s23], $0x10, s11, s23, $0x2000b8;
	[tilespmem:$0x1FA00] =	vst v63  }
0x22a: {  	_ =	swait.ge [sflag:s28], $0x1000  }
0x22b: {  	[sflag:s28] =	ssyncset.done $0x0  }
0x22c: {  	[sflag:s28] =	ssyncadd.s32 $0xFFFFF000  }
0x22d: {  	[spmem:s2] =	stream.indirect.scatter.add.f32 [tilespmem:s24], [sflag:$0x2], $0x10, s21, s23, $0x2000b8;
	[tilespmem:$0x1FA00] =	vst v63  }
0x22e: {  	s6 =	smov.u32 s29;
	s29 =	simm.s32 $0x18900  }
0x22f: {  	[tilespmem:s30], [sflag:$0x1] =	stream.indirect.gather [hbm4b:s7+s23], $0x10, s29, s23, $0x2000b8;
	[tilespmem:$0x1FA00] =	vst v63  }
0x230: {  	_ =	swait.ge [sflag:s28], $0x1000  }
0x231: {  	[sflag:s28] =	ssyncset.done $0x0  }
0x232: {  	[sflag:s28] =	ssyncadd.s32 $0xFFFFF000  }
0x233: {  	[spmem:s2] =	stream.indirect.scatter.add.f32 [tilespmem:s26], [sflag:$0x2], $0x10, s31, s23, $0x2000b8;
	[tilespmem:$0x1FA00] =	vst v63  }
0x234: {  	_ =	swait.ge [sflag:s0], $0x1000  }
0x235: {  	[sflag:s0] =	ssyncset.done $0x0  }
0x236: {  	[sflag:s0] =	ssyncadd.s32 $0xFFFFF000  }
0x237: {  	[tilespmem:s24], [sflag:$0x1] =	stream.indirect.gather [hbm4b:s7+s23], $0x10, s12, s23, $0x2000b8;
	[tilespmem:$0x1FA00] =	vst v63  }
0x238: {  	_ =	swait.ge [sflag:s28], $0x1000  }
0x239: {  	[sflag:s28] =	ssyncset.done $0x0  }
0x23a: {  	[sflag:s28] =	ssyncadd.s32 $0xFFFFF000  }
0x23b: {  	[spmem:s2] =	stream.indirect.scatter.add.f32 [tilespmem:s30], [sflag:$0x2], $0x10, s5, s23, $0x2000b8;
	[tilespmem:$0x1FA00] =	vst v63  }
0x23c: {  	_ =	swait.ge [sflag:s0], $0x1000  }
0x23d: {  	[sflag:s0] =	ssyncset.done $0x0  }
0x23e: {  	[sflag:s0] =	ssyncadd.s32 $0xFFFFF000  }
0x23f: {  	[tilespmem:s26], [sflag:$0x1] =	stream.indirect.gather [hbm4b:s7+s23], $0x10, s13, s23, $0x2000b8;
	[tilespmem:$0x1FA00] =	vst v63  }
0x240: {  	_ =	swait.ge [sflag:s28], $0x1000  }
0x241: {  	[sflag:s28] =	ssyncset.done $0x0  }
0x242: {  	[sflag:s28] =	ssyncadd.s32 $0xFFFFF000  }
0x243: {  	[spmem:s2] =	stream.indirect.scatter.add.f32 [tilespmem:s24], [sflag:$0x2], $0x10, s14, s23, $0x2000b8;
	[tilespmem:$0x1FA00] =	vst v63  }
0x244: {  	_ =	swait.ge [sflag:s0], $0x1000  }
0x245: {  	[sflag:s0] =	ssyncset.done $0x0  }
0x246: {  	[sflag:s0] =	ssyncadd.s32 $0xFFFFF000  }
0x247: {  	[tilespmem:s30], [sflag:$0x1] =	stream.indirect.gather [hbm4b:s7+s23], $0x10, s17, s23, $0x2000b8;
	[tilespmem:$0x1FA00] =	vst v63  }
0x248: {  	_ =	swait.ge [sflag:s28], $0x1000  }
0x249: {  	[sflag:s28] =	ssyncset.done $0x0  }
0x24a: {  	[sflag:s28] =	ssyncadd.s32 $0xFFFFF000  }
0x24b: {  	[spmem:s2] =	stream.indirect.scatter.add.f32 [tilespmem:s26], [sflag:$0x2], $0x10, s18, s23, $0x2000b8;
	[tilespmem:$0x1FA00] =	vst v63  }
0x24c: {  	_ =	swait.ge [sflag:s0], $0x1000  }
0x24d: {  	[sflag:s0] =	ssyncset.done $0x0  }
0x24e: {  	[sflag:s0] =	ssyncadd.s32 $0xFFFFF000  }
0x24f: {  	[tilespmem:s24], [sflag:$0x1] =	stream.indirect.gather [hbm4b:s7+s23], $0x10, s16, s23, $0x2000b8;
	[tilespmem:$0x1FA00] =	vst v63  }
0x250: {  	_ =	swait.ge [sflag:s28], $0x1000  }
0x251: {  	[sflag:s28] =	ssyncset.done $0x0  }
0x252: {  	s25 =	simm.s32 $0x19400;
	[sflag:s28] =	ssyncadd.s32 $0xFFFFF000  }
0x253: {  	[spmem:s2] =	stream.indirect.scatter.add.f32 [tilespmem:s30], [sflag:$0x2], $0x10, s25, s23, $0x2000b8;
	[tilespmem:$0x1FA00] =	vst v63  }
0x254: {  	_ =	swait.ge [sflag:s0], $0x1000  }
0x255: {  	[sflag:s0] =	ssyncset.done $0x0  }
0x256: {  	[sflag:s0] =	ssyncadd.s32 $0xFFFFF000  }
0x257: {  	[tilespmem:s26], [sflag:$0x1] =	stream.indirect.gather [hbm4b:s7+s23], $0x10, s9, s23, $0x2000b8;
	[tilespmem:$0x1FA00] =	vst v63  }
0x258: {  	_ =	swait.ge [sflag:s28], $0x1000  }
0x259: {  	[sflag:s28] =	ssyncset.done $0x0  }
0x25a: {  	[sflag:s28] =	ssyncadd.s32 $0xFFFFF000  }
0x25b: {  	[spmem:s2] =	stream.indirect.scatter.add.f32 [tilespmem:s24], [sflag:$0x2], $0x10, s10, s23, $0x2000b8;
	[tilespmem:$0x1FA00] =	vst v63  }
0x25c: {  	_ =	swait.ge [sflag:s0], $0x1000  }
0x25d: {  	[sflag:s0] =	ssyncset.done $0x0  }
0x25e: {  	[sflag:s0] =	ssyncadd.s32 $0xFFFFF000  }
0x25f: {  	_ =	swait.ge [sflag:s28], $0x1000  }
0x260: {  	[sflag:s28] =	ssyncset.done $0x0  }
0x261: {  	[sflag:s28] =	ssyncadd.s32 $0xFFFFF000  }
0x262: {  	[spmem:s2] =	stream.indirect.scatter.add.f32 [tilespmem:s26], [sflag:$0x2], $0x10, s15, s23, $0x2000b8;
	[tilespmem:$0x1FA00] =	vst v63  }
.Ltmp11:
0x263: {  	_ =	swait.ge [sflag:s0], $0x1000;
	(pc) =	sbr.rel @p1 .LBB2_6-.Ltmp11, $4  }
0x264: {  	[sflag:s0] =	ssyncset.done $0x0  }
0x265: {  	[sflag:s0] =	ssyncadd.s32 $0xFFFFF000  }
0x266: {  	_ =	swait.ge [sflag:s0], $0x1000  }
0x267: {  	s25 =	smov.u32 s19;
	[sflag:s0] =	ssyncset.done $0x0;
	s19 =	rddreg [dreg:$0x6]  }
0x268: {  	s1 =	sadd.s32 s6, s19;
	[sflag:s0] =	ssyncadd.s32 $0xFFFFF000  }
0x269: {  	[tilespmem:s22], [sflag:$0x3] =	stream.linear.gather [hbm4b:s1+s3], $0x800, $0x200038;
	[tilespmem:$0x1FA00] =	vst v63  }
0x26a: {  	_ =	swait.ge [sflag:s20], $0x800  }
0x26b: {  	[sflag:s20] =	ssyncset.done $0x0  }
0x26c: {  	s25 =	sadd.s32 s6, s4;
	[sflag:s20] =	ssyncadd.s32 $0xFFFFF800  }
0x26d: {  	[tilespmem:s21], [sflag:$0x3] =	stream.linear.gather [hbm4b:s25+s3], $0x800, $0x200038;
	[tilespmem:$0x1FA00] =	vst v63  }
0x26e: {  	_ =	swait.ge [sflag:s20], $0x800  }
0x26f: {  	[sflag:s20] =	ssyncset.done $0x0  }
0x270: {  	[sflag:s20] =	ssyncadd.s32 $0xFFFFF800  }
0x271: {  	[tilespmem:s24], [sflag:$0x1] =	stream.indirect.gather [hbm4b:s7+s23], $0x10, s22, s23, $0x2000b8;
	[tilespmem:$0x1FA00] =	vst v63  }
0x272: {  	_ = 	snop  }
0x273: {  	[tilespmem:s26], [sflag:$0x1] =	stream.indirect.gather [hbm4b:s7+s23], $0x10, s11, s23, $0x2000b8;
	[tilespmem:$0x1FA00] =	vst v63  }
0x274: {  	_ =	swait.ge [sflag:s28], $0x1000  }
0x275: {  	[sflag:s28] =	ssyncset.done $0x0  }
0x276: {  	[sflag:s28] =	ssyncadd.s32 $0xFFFFF000  }
0x277: {  	[spmem:s2] =	stream.indirect.scatter.add.f32 [tilespmem:s24], [sflag:$0x2], $0x10, s21, s23, $0x2000b8;
	[tilespmem:$0x1FA00] =	vst v63  }
0x278: {  	_ = 	snop  }
0x279: {  	[tilespmem:s30], [sflag:$0x1] =	stream.indirect.gather [hbm4b:s7+s23], $0x10, s29, s23, $0x2000b8;
	[tilespmem:$0x1FA00] =	vst v63  }
0x27a: {  	_ =	swait.ge [sflag:s28], $0x1000  }
0x27b: {  	[sflag:s28] =	ssyncset.done $0x0  }
0x27c: {  	[sflag:s28] =	ssyncadd.s32 $0xFFFFF000  }
0x27d: {  	[spmem:s2] =	stream.indirect.scatter.add.f32 [tilespmem:s26], [sflag:$0x2], $0x10, s31, s23, $0x2000b8;
	[tilespmem:$0x1FA00] =	vst v63  }
0x27e: {  	_ =	swait.ge [sflag:s0], $0x1000  }
0x27f: {  	[sflag:s0] =	ssyncset.done $0x0  }
0x280: {  	[sflag:s0] =	ssyncadd.s32 $0xFFFFF000  }
0x281: {  	[tilespmem:s24], [sflag:$0x1] =	stream.indirect.gather [hbm4b:s7+s23], $0x10, s12, s23, $0x2000b8;
	[tilespmem:$0x1FA00] =	vst v63  }
0x282: {  	_ =	swait.ge [sflag:s28], $0x1000  }
0x283: {  	[sflag:s28] =	ssyncset.done $0x0  }
0x284: {  	[sflag:s28] =	ssyncadd.s32 $0xFFFFF000  }
0x285: {  	[spmem:s2] =	stream.indirect.scatter.add.f32 [tilespmem:s30], [sflag:$0x2], $0x10, s5, s23, $0x2000b8;
	[tilespmem:$0x1FA00] =	vst v63  }
0x286: {  	_ =	swait.ge [sflag:s0], $0x1000  }
0x287: {  	[sflag:s0] =	ssyncset.done $0x0  }
0x288: {  	[sflag:s0] =	ssyncadd.s32 $0xFFFFF000  }
0x289: {  	[tilespmem:s26], [sflag:$0x1] =	stream.indirect.gather [hbm4b:s7+s23], $0x10, s13, s23, $0x2000b8;
	[tilespmem:$0x1FA00] =	vst v63  }
0x28a: {  	_ =	swait.ge [sflag:s28], $0x1000  }
0x28b: {  	[sflag:s28] =	ssyncset.done $0x0  }
0x28c: {  	[sflag:s28] =	ssyncadd.s32 $0xFFFFF000  }
0x28d: {  	[spmem:s2] =	stream.indirect.scatter.add.f32 [tilespmem:s24], [sflag:$0x2], $0x10, s14, s23, $0x2000b8;
	[tilespmem:$0x1FA00] =	vst v63  }
0x28e: {  	_ =	swait.ge [sflag:s0], $0x1000  }
0x28f: {  	[sflag:s0] =	ssyncset.done $0x0  }
0x290: {  	[sflag:s0] =	ssyncadd.s32 $0xFFFFF000  }
0x291: {  	[tilespmem:s30], [sflag:$0x1] =	stream.indirect.gather [hbm4b:s7+s23], $0x10, s17, s23, $0x2000b8;
	[tilespmem:$0x1FA00] =	vst v63  }
0x292: {  	_ =	swait.ge [sflag:s28], $0x1000  }
0x293: {  	[sflag:s28] =	ssyncset.done $0x0  }
0x294: {  	[sflag:s28] =	ssyncadd.s32 $0xFFFFF000  }
0x295: {  	[spmem:s2] =	stream.indirect.scatter.add.f32 [tilespmem:s26], [sflag:$0x2], $0x10, s18, s23, $0x2000b8;
	[tilespmem:$0x1FA00] =	vst v63  }
0x296: {  	_ =	swait.ge [sflag:s0], $0x1000  }
0x297: {  	[sflag:s0] =	ssyncset.done $0x0  }
0x298: {  	[sflag:s0] =	ssyncadd.s32 $0xFFFFF000  }
0x299: {  	[tilespmem:s24], [sflag:$0x1] =	stream.indirect.gather [hbm4b:s7+s23], $0x10, s16, s23, $0x2000b8;
	[tilespmem:$0x1FA00] =	vst v63  }
0x29a: {  	_ =	swait.ge [sflag:s28], $0x1000  }
0x29b: {  	[sflag:s28] =	ssyncset.done $0x0  }
0x29c: {  	s31 =	simm.s32 $0x19400;
	[sflag:s28] =	ssyncadd.s32 $0xFFFFF000  }
0x29d: {  	[spmem:s2] =	stream.indirect.scatter.add.f32 [tilespmem:s30], [sflag:$0x2], $0x10, s31, s23, $0x2000b8;
	[tilespmem:$0x1FA00] =	vst v63  }
0x29e: {  	_ =	swait.ge [sflag:s0], $0x1000  }
0x29f: {  	[sflag:s0] =	ssyncset.done $0x0  }
0x2a0: {  	[sflag:s0] =	ssyncadd.s32 $0xFFFFF000  }
0x2a1: {  	[tilespmem:s26], [sflag:$0x1] =	stream.indirect.gather [hbm4b:s7+s23], $0x10, s9, s23, $0x2000b8;
	[tilespmem:$0x1FA00] =	vst v63  }
0x2a2: {  	_ =	swait.ge [sflag:s28], $0x1000  }
0x2a3: {  	[sflag:s28] =	ssyncset.done $0x0  }
0x2a4: {  	[sflag:s28] =	ssyncadd.s32 $0xFFFFF000  }
0x2a5: {  	[spmem:s2] =	stream.indirect.scatter.add.f32 [tilespmem:s24], [sflag:$0x2], $0x10, s10, s23, $0x2000b8;
	[tilespmem:$0x1FA00] =	vst v63  }
0x2a6: {  	_ =	swait.ge [sflag:s0], $0x1000  }
0x2a7: {  	[sflag:s0] =	ssyncset.done $0x0  }
0x2a8: {  	[sflag:s0] =	ssyncadd.s32 $0xFFFFF000  }
0x2a9: {  	_ =	swait.ge [sflag:s28], $0x1000  }
0x2aa: {  	[sflag:s28] =	ssyncset.done $0x0  }
0x2ab: {  	[sflag:s28] =	ssyncadd.s32 $0xFFFFF000  }
0x2ac: {  	[spmem:s2] =	stream.indirect.scatter.add.f32 [tilespmem:s26], [sflag:$0x2], $0x10, s15, s23, $0x2000b8;
	[tilespmem:$0x1FA00] =	vst v63  }
0x2ad: {  	_ =	swait.ge [sflag:s0], $0x1000  }
0x2ae: {  	[sflag:s0] =	ssyncset.done $0x0  }
0x2af: {  	[sflag:s0] =	ssyncadd.s32 $0xFFFFF000  }
0x2b0: {  	_ =	swait.ge [sflag:s0], $0x1000  }
0x2b1: {  	s6 =	simm.s32 $0x0;
	[sflag:s0] =	ssyncset.done $0x0  }
0x2b2: {  	s4 =	simm.s32 $0x1D800;
	s3 =	simm.s32 $0x0;
	[sflag:s0] =	ssyncadd.s32 $0xFFFFF000  }
0x2b3: {  	s12 =	simm.s32 $0x1CF80;
	s5 =	simm.s32 $0x1E900;
	[bflag:$0x0] =	sbarrier.arrive $0xFFFF  }
0x2b4: {  	s13 =	simm.s32 $0x0;
	s9 =	simm.s32 $0x1E080;
	_ =	strace $0x9000004B  }
0x2b5: {  	s10 =	simm.s32 $0x1F180;
	s15 =	simm.s32 $0x1C700;
	_ =	strace $0x8000004C  }
.LBB2_8:
0x2b6: {  	s14 =	smul.u32 $0x110, s6  }
0x2b7: {  	s1 =	rddreg [dreg:$0xa]  }
0x2b8: {  	s1 =	sadd.s32 s1, s14  }
0x2b9: {  	s25 =	rddreg [dreg:$0x7];
	s19 =	sshll.u32 s1, $0x1  }
0x2ba: {  	s22 =	rddreg [dreg:$0x9];
	s1 =	sshll.u32 s1, $0x4;
	s25 =	sadd.s32 s25, s19  }
0x2bb: {  	[tilespmem:s4], [sflag:$0x1] =	stream.linear.gather [hbm4b:s25+s13], $0x880, $0x200038;
	[tilespmem:$0x1FA00] =	vst v63  }
0x2bc: {  	s1 =	sand.u32 $0x3FFFFFF0, s1;
	s25 =	sadd.s32 s22, s19  }
0x2bd: {  	[tilespmem:s5], [sflag:$0x1] =	stream.linear.gather [hbm4b:s25+s13], $0x880, $0x200038;
	[tilespmem:$0x1FA00] =	vst v63  }
0x2be: {  	s25 =	sadd.s32 s1, s2  }
0x2bf: {  	[tilespmem:s15], [sflag:$0x3] =	stream.linear.gather [spmem:s25], $0x880, $0x200038;
	[tilespmem:$0x1FA00] =	vst v63  }
0x2c0: {  	_ =	swait.ge [sflag:s20], $0x880  }
0x2c1: {  	[sflag:s20] =	ssyncset.done $0x0  }
0x2c2: {  	[sflag:s20] =	ssyncadd.s32 $0xFFFFF780  }
0x2c3: {  	_ =	swait.ge [sflag:s28], $0x880  }
0x2c4: {  	[sflag:s28] =	ssyncset.done $0x0  }
0x2c5: {  	[sflag:s28] =	ssyncadd.s32 $0xFFFFF780  }
0x2c6: {  	_ =	swait.ge [sflag:s28], $0x880  }
0x2c7: {  	[sflag:s28] =	ssyncset.done $0x0  }
0x2c8: {  	s29 =	simm.s32 $0x0;
	[sflag:s28] =	ssyncadd.s32 $0xFFFFF780  }
0x2c9: {  	v7 =	vld [tilespmem:s29+$0x1E900]  }
0x2ca: {  	v0 =	vld [tilespmem:s29+$0x1D800]  }
0x2cb: {  	v1 =	vld [tilespmem:s29+$0x1E910]  }
0x2cc: {  	v2 =	vld [tilespmem:s29+$0x1D810]  }
0x2cd: {  	v3 =	vld [tilespmem:s29+$0x1E920]  }
0x2ce: {  	v4 =	vld [tilespmem:s29+$0x1D820]  }
0x2cf: {  	v5 =	vld [tilespmem:s29+$0x1E930]  }
0x2d0: {  	v6 =	vld [tilespmem:s29+$0x1D830]  }
0x2d1: {  	v10 =	vld [tilespmem:s29+$0x1C700]  }
0x2d2: {  	v9 =	vld [tilespmem:s29+$0x1C710]  }
0x2d3: {  	s31 =	simm.s32 $0x100;
	v8 =	vld [tilespmem:s29+$0x1C720]  }
.LBB2_9:
0x2d4: {  	s1 =	sshra.s32 s31, $0x2;
	p1 =	sne.s32 s31, $0x2100;
	v11 =	vld [tilespmem:s29+$0x1C730]  }
0x2d5: {  	v12 =	vld [tilespmem:s1+$0x1E900]  }
0x2d6: {  	v7 =	vmul.f32 v10, v7;
	v10 =	vmul.f32 $1.000000010e-01, v0;
	v0 =	vld [tilespmem:s1+$0x1D800]  }
0x2d7: {  	v13 =	vmul.f32 $1.000000010e-01, v2;
	v9 =	vmul.f32 v9, v1;
	v1 =	vld [tilespmem:s1+$0x1E910]  }
0x2d8: {  	v2 =	vld [tilespmem:s1+$0x1D810];
	v14 =	vadd.f32 v10, v7;
	v8 =	vmul.f32 v8, v3;
	v10 =	vmul.f32 $1.000000010e-01, v4  }
0x2d9: {  	v6 =	vmul.f32 $1.000000010e-01, v6;
	v3 =	vld [tilespmem:s1+$0x1E920];
	v9 =	vadd.f32 v13, v9;
	v11 =	vmul.f32 v11, v5  }
0x2da: {  	v4 =	vld [tilespmem:s1+$0x1D820];
	[tilespmem:s29+$0x1C700] =	vst v14;
	v8 =	vadd.f32 v10, v8;
	v7 =	vmov v12  }
.Ltmp12:
0x2db: {  	v5 =	vld [tilespmem:s1+$0x1E930];
	[tilespmem:s29+$0x1C710] =	vst v9;
	v9 =	vadd.f32 v6, v11;
	(pc) =	sbr.rel @p1 .LBB2_9-.Ltmp12, $4  }
0x2dc: {  	v6 =	vld [tilespmem:s1+$0x1D830];
	[tilespmem:s29+$0x1C720] =	vst v8  }
0x2dd: {  	v10 =	vld [tilespmem:s1+$0x1C700];
	[tilespmem:s29+$0x1C730] =	vst v9;
	s29 =	smov.u32 s1  }
0x2de: {  	v9 =	vld [tilespmem:s29+$0x1C710]  }
0x2df: {  	s31 =	sadd.s32 $0x100, s31;
	v8 =	vld [tilespmem:s29+$0x1C720]  }
0x2e0: {  	v11 =	vld [tilespmem:s29+$0x1C730];
	_ =	sdelay $0x1  }
0x2e1: {  	v0 =	vmul.f32 $1.000000010e-01, v0;
	v7 =	vmul.f32 v10, v7  }
0x2e2: {  	v2 =	vmul.f32 $1.000000010e-01, v2;
	v1 =	vmul.f32 v9, v1  }
0x2e3: {  	v4 =	vmul.f32 $1.000000010e-01, v4;
	v0 =	vadd.f32 v0, v7;
	v3 =	vmul.f32 v8, v3  }
0x2e4: {  	v1 =	vadd.f32 v2, v1;
	v2 =	vmul.f32 v11, v5;
	v5 =	vmul.f32 $1.000000010e-01, v6  }
0x2e5: {  	[tilespmem:s29+$0x1C700] =	vst v0;
	v0 =	vadd.f32 v4, v3  }
0x2e6: {  	[tilespmem:s29+$0x1C710] =	vst v1;
	v1 =	vadd.f32 v5, v2  }
0x2e7: {  	[tilespmem:s29+$0x1C720] =	vst v0  }
0x2e8: {  	s1 =	sadd.s32 s7, s19;
	s11 =	simm.s32 $0x1C700;
	[tilespmem:s29+$0x1C730] =	vst v1;
	s29 =	simm.s32 $0x0  }
0x2e9: {  	[hbm4b:s1+s29] =	stream.linear.scatter [tilespmem:s11], [sflag:$0x2], $0x880, $0x200038;
	[tilespmem:$0x1FA00] =	vst v63  }
0x2ea: {  	_ = 	snop  }
0x2eb: {  	[spmem:s25] =	stream.linear.scatter [tilespmem:s11], [sflag:$0x3], $0x880, $0x200038;
	[tilespmem:$0x1FA00] =	vst v63  }
0x2ec: {  	_ =	swait.ge [sflag:s20], $0x880  }
0x2ed: {  	s19 =	rddreg [dreg:$0xb]  }
0x2ee: {  	s21 =	rddreg [dreg:$0x7];
	s1 =	sadd.s32 s14, s19  }
0x2ef: {  	[sflag:s20] =	ssyncset.done $0x0;
	s22 =	rddreg [dreg:$0x9];
	s19 =	sshll.u32 s1, $0x1  }
0x2f0: {  	[sflag:s20] =	ssyncadd.s32 $0xFFFFF780;
	s1 =	sshll.u32 s1, $0x4;
	s25 =	sadd.s32 s21, s19  }
0x2f1: {  	[tilespmem:s9], [sflag:$0x1] =	stream.linear.gather [hbm4b:s25+s29], $0x880, $0x200038;
	[tilespmem:$0x1FA00] =	vst v63  }
0x2f2: {  	s1 =	sand.u32 $0x3FFFFFF0, s1;
	s25 =	sadd.s32 s22, s19  }
0x2f3: {  	[tilespmem:s10], [sflag:$0x1] =	stream.linear.gather [hbm4b:s25+s29], $0x880, $0x200038;
	[tilespmem:$0x1FA00] =	vst v63  }
0x2f4: {  	s25 =	sadd.s32 s1, s2  }
0x2f5: {  	[tilespmem:s12], [sflag:$0x3] =	stream.linear.gather [spmem:s25], $0x880, $0x200038;
	[tilespmem:$0x1FA00] =	vst v63  }
0x2f6: {  	_ =	swait.ge [sflag:s20], $0x880  }
0x2f7: {  	[sflag:s20] =	ssyncset.done $0x0  }
0x2f8: {  	[sflag:s20] =	ssyncadd.s32 $0xFFFFF780  }
0x2f9: {  	_ =	swait.ge [sflag:s28], $0x880  }
0x2fa: {  	[sflag:s28] =	ssyncset.done $0x0  }
0x2fb: {  	[sflag:s28] =	ssyncadd.s32 $0xFFFFF780  }
0x2fc: {  	_ =	swait.ge [sflag:s28], $0x880  }
0x2fd: {  	[sflag:s28] =	ssyncset.done $0x0  }
0x2fe: {  	s29 =	simm.s32 $0x0;
	[sflag:s28] =	ssyncadd.s32 $0xFFFFF780  }
0x2ff: {  	v7 =	vld [tilespmem:s29+$0x1F180]  }
0x300: {  	v0 =	vld [tilespmem:s29+$0x1E080]  }
0x301: {  	v1 =	vld [tilespmem:s29+$0x1F190]  }
0x302: {  	v2 =	vld [tilespmem:s29+$0x1E090]  }
0x303: {  	v3 =	vld [tilespmem:s29+$0x1F1A0]  }
0x304: {  	v4 =	vld [tilespmem:s29+$0x1E0A0]  }
0x305: {  	v5 =	vld [tilespmem:s29+$0x1F1B0]  }
0x306: {  	v6 =	vld [tilespmem:s29+$0x1E0B0]  }
0x307: {  	v10 =	vld [tilespmem:s29+$0x1CF80]  }
0x308: {  	v9 =	vld [tilespmem:s29+$0x1CF90]  }
0x309: {  	s31 =	simm.s32 $0x100;
	v8 =	vld [tilespmem:s29+$0x1CFA0]  }
.LBB2_11:
0x30a: {  	s1 =	sshra.s32 s31, $0x2;
	p1 =	sne.s32 s31, $0x2100;
	v11 =	vld [tilespmem:s29+$0x1CFB0]  }
0x30b: {  	v12 =	vld [tilespmem:s1+$0x1F180]  }
0x30c: {  	v7 =	vmul.f32 v10, v7;
	v10 =	vmul.f32 $1.000000010e-01, v0;
	v0 =	vld [tilespmem:s1+$0x1E080]  }
0x30d: {  	v13 =	vmul.f32 $1.000000010e-01, v2;
	v9 =	vmul.f32 v9, v1;
	v1 =	vld [tilespmem:s1+$0x1F190]  }
0x30e: {  	v2 =	vld [tilespmem:s1+$0x1E090];
	v14 =	vadd.f32 v10, v7;
	v8 =	vmul.f32 v8, v3;
	v10 =	vmul.f32 $1.000000010e-01, v4  }
0x30f: {  	v6 =	vmul.f32 $1.000000010e-01, v6;
	v3 =	vld [tilespmem:s1+$0x1F1A0];
	v9 =	vadd.f32 v13, v9;
	v11 =	vmul.f32 v11, v5  }
0x310: {  	v4 =	vld [tilespmem:s1+$0x1E0A0];
	[tilespmem:s29+$0x1CF80] =	vst v14;
	v8 =	vadd.f32 v10, v8;
	v7 =	vmov v12  }
.Ltmp13:
0x311: {  	v5 =	vld [tilespmem:s1+$0x1F1B0];
	[tilespmem:s29+$0x1CF90] =	vst v9;
	v9 =	vadd.f32 v6, v11;
	(pc) =	sbr.rel @p1 .LBB2_11-.Ltmp13, $4  }
0x312: {  	v6 =	vld [tilespmem:s1+$0x1E0B0];
	[tilespmem:s29+$0x1CFA0] =	vst v8  }
0x313: {  	v10 =	vld [tilespmem:s1+$0x1CF80];
	[tilespmem:s29+$0x1CFB0] =	vst v9;
	s29 =	smov.u32 s1  }
0x314: {  	v9 =	vld [tilespmem:s29+$0x1CF90]  }
0x315: {  	s31 =	sadd.s32 $0x100, s31;
	v8 =	vld [tilespmem:s29+$0x1CFA0]  }
0x316: {  	v11 =	vld [tilespmem:s29+$0x1CFB0];
	_ =	sdelay $0x1  }
0x317: {  	v0 =	vmul.f32 $1.000000010e-01, v0;
	v7 =	vmul.f32 v10, v7  }
0x318: {  	v2 =	vmul.f32 $1.000000010e-01, v2;
	v1 =	vmul.f32 v9, v1  }
0x319: {  	v4 =	vmul.f32 $1.000000010e-01, v4;
	v0 =	vadd.f32 v0, v7;
	v3 =	vmul.f32 v8, v3  }
0x31a: {  	v61 =	vmul.f32 $1.000000010e-01, v6;
	v1 =	vadd.f32 v2, v1;
	v60 =	vmul.f32 v11, v5  }
0x31b: {  	[tilespmem:s29+$0x1CF80] =	vst v0;
	v62 =	vadd.f32 v4, v3  }
0x31c: {  	[tilespmem:s29+$0x1CF90] =	vst v1;
	v63 =	vadd.f32 v61, v60  }
0x31d: {  	[tilespmem:s29+$0x1CFA0] =	vst v62  }
0x31e: {  	s1 =	sadd.s32 s7, s19;
	[tilespmem:s29+$0x1CFB0] =	vst v63  }
0x31f: {  	[hbm4b:s1+s3] =	stream.linear.scatter [tilespmem:s12], [sflag:$0x2], $0x880, $0x200038;
	[tilespmem:$0x1FA00] =	vst v63  }
0x320: {  	_ = 	snop  }
0x321: {  	[spmem:s25] =	stream.linear.scatter [tilespmem:s12], [sflag:$0x3], $0x880, $0x200038;
	[tilespmem:$0x1FA00] =	vst v63  }
0x322: {  	_ =	swait.ge [sflag:s20], $0x880  }
0x323: {  	[sflag:s20] =	ssyncset.done $0x0  }
0x324: {  	s6 =	sadd.s32 $0x1, s6;
	[sflag:s20] =	ssyncadd.s32 $0xFFFFF780  }
0x325: {  	p1 =	sne.s32 s6, $0x17;
	_ =	swait.ge [sflag:s0], $0x880  }
.Ltmp14:
0x326: {  	[sflag:s0] =	ssyncset.done $0x0;
	(pc) =	sbr.rel @p1 .LBB2_8-.Ltmp14, $4  }
0x327: {  	[sflag:s0] =	ssyncadd.s32 $0xFFFFF780  }
0x328: {  	_ =	swait.ge [sflag:s0], $0x880  }
0x329: {  	[sflag:s0] =	ssyncset.done $0x0  }
0x32a: {  	s15 =	simm.s32 $0x1C700;
	s11 =	simm.s32 $0x18800;
	[sflag:s0] =	ssyncadd.s32 $0xFFFFF780  }
0x32b: {  	s1 =	rddreg [dreg:$0x12]  }
0x32c: {  	s1 =	sadd.s32 $0x1, s1  }
0x32d: {  	p1 =	seq.s32 s1, $0xA  }
.Ltmp15:
0x32e: {  	_ = 	snop;
	(pc) =	sbr.rel @!p1 .LBB2_5-.Ltmp15, $4  }
.Ltmp16:
0x32f: {  	_ = 	snop;
	(pc) =	sbr.rel @p1 .LBB2_26-.Ltmp16, $4  }
0x330: {  	[bflag:$0x0] =	sbarrier.arrive $0xFFFF  }
0x331: {  	_ =	strace $0x9000004C  }
0x332: {  	s5 =	simm.s32 $0x18700;
	s9 =	simm.s32 $0x18F00;
	s4 =	rddreg [dreg:$0x10]  }
0x333: {  	_ = 	snop  }
.LBB2_27:
0x334: {  	_ =	sfence.sel $0x180000  }
0x335: {  	[bflag:$0x0] =	sbarrier.arrive $0xFFFF  }
0x336: {  	_ =	strace $0x9000004A  }
0x337: {  	s0 =	stileid.u32;
	[bflag:$0x2] =	sbarrier.arrive $0xFFFF  }
0x338: {  	p0 =	sne.s32 s0, $0x0;
	s0 =	rddreg [dreg:$0x3]  }
0x339: {  	s0 =	sadd.s32 @!p0 $0x100000, s0  }
0x33a: {  	[sflag:s0] =	ssyncadd.tile.s32 @!p0 $0x1;
	_ =	shalt  }
.Lfunc_end2:
_tile_overlayer_lowered:
.L_overlay_start_2:
0x33b: {  	(tag) =	ssettag $0x2  }
0x33c: {  	s0 =	rddreg [dreg:$0x0];
	s2 =	stileid.u32  }
0x33d: {  	s1 =	rddreg [dreg:$0x1];
	p0 =	sne.s32 s2, $0x0  }
0x33e: {  	s3 =	rddreg [dreg:$0x2];
	[bflag:$0x3] =	sbarrier.arrive $0xFFFF;
	s2 =	simm.s32 @!p0 $0x1C03  }
0x33f: {  	[timem:s3], [sflag:s2] =	dma.local @!p0 [hbm:s0], s1  }
0x340: {  	s0 =	simm.s32 @!p0 $0x3  }
0x341: {  	_ =	swait.ge @!p0 [sflag:s0], s1  }
0x342: {  	s1 =	ssub.s32 @!p0 $0x0, s1;
	[sflag:s0] =	ssyncset.done @!p0 $0x0  }
0x343: {  	[sflag:s0] =	ssyncadd.s32 @!p0 s1  }
0x344: {  	[bflag:$0x3] =	sbarrier.arrive $0xFFFF  }
0x345: {  	_ =	shalt  }

// kernel: kernel.7.cloned.1.call-start
scs
__scs_entry_jumppad:
0x0: {  	(pc) =	sbr.rel $0x88, $3  }
0x1: {  	(tag) =	ssettag $0x0;
	lr =	simm.s32 $0x1  }
0x2: {  	[smem:$0x3F9B] =	sst lr;
	_ =	strace $0xD0000000  }
0x3: {  	_ = 	snop  }
0x4: {  	_ = 	snop  }
0x5: {  	_ = 	snop  }
0x6: {  	_ = 	snop  }
0x7: {  	_ = 	snop  }
__scs_overlays_trampoline_lowered:
0x8: {  	[smem:$0x3FAA] =	sst s0  }
0x9: {  	[smem:$0x3FAB] =	sst s1  }
0xa: {  	[smem:$0x3FAC] =	sst s2  }
0xb: {  	[smem:$0x3FAD] =	sst s3  }
0xc: {  	[smem:$0x3FAE] =	sst s4  }
0xd: {  	[smem:$0x3FAF] =	sst s5  }
0xe: {  	[smem:$0x3FB0] =	sst s6  }
0xf: {  	[smem:$0x3FB1] =	sst s7  }
0x10: {  	[smem:$0x3FB2] =	sst s8  }
0x11: {  	[smem:$0x3FB3] =	sst s9;
	s0 =	simm.s32 @!p0 $0x0  }
0x12: {  	s1 =	sld [smem:$0x3F99];
	s0 =	simm.s32 @p0 $0x1  }
0x13: {  	[smem:$0x3FB4] =	sst s0;
	s0 =	simm.s32 @!p1 $0x0  }
0x14: {  	s2 =	sld [smem:$0x3F98];
	s0 =	simm.s32 @p1 $0x1  }
0x15: {  	[smem:$0x3FB5] =	sst s0;
	s0 =	simm.s32 @!p2 $0x0  }
0x16: {  	s3 =	sld [smem:$0x3FDB];
	s0 =	simm.s32 @p2 $0x1  }
0x17: {  	s4 =	simm.s32 $0x1BF5;
	[smem:$0x3FB7] =	sst s0  }
0x18: {  	s0 =	sld [smem:$0x3F9A];
	_ =	swait.ge [sflag:s4], $0x0  }
0x19: {  	s7 =	sld [smem:$0x3F9B]  }
0x1a: {  	s8 =	sadd.s32 $0xFFFFE003, lr  }
0x1b: {  	s9 =	sadd.s32 $0xFFFFFEF7, lr;
	s5 =	simm.s32 $0xFFFFFFFF;
	p2 =	slt.u32 s8, $0xFFFFF086  }
0x1c: {  	p1 =	slt.u32 s9, $0xF7A;
	s5 =	simm.s32 @!p2 $0x0  }
0x1d: {  	s5 =	simm.s32 @p1 $0x1;
	p0 =	seq.s32 s7, s2  }
0x1e: {  	s7 =	smul.u32 @!p0 $0xF7A, s2;
	p2 =	seq.s32 @!p0 s5, $0x0  }
0x1f: {  	s9 =	smul.u32 $0xF7A, s1;
	s8 =	simm.s32 @!p0 $0x1BF5;
	p2 =	por !p2, p0  }
0x20: {  	[sflag:s8] =	ssyncset.s32 @!p0 $0xFFFFF086;
	s6 =	sadd.s32 @!p0 s3, s7;
	s7 =	simm.s32 @!p0 $0x108  }
0x21: {  	s3 =	sadd.s32 s3, s9;
	s6 =	sadd.s32 @!p0 $0x88, s6;
	s7 =	simm.s32 @p2 $0x1082  }
0x22: {  	[simem:s7], [sflag:s8] =	dma.local @!p0 [hbm:s6], $0xF7A  }
0x23: {  	s9 =	sor.u32 $0xD0000000, s2;
	s6 =	simm.s32 $0x108;
	_ =	swait.ge @!p0 [sflag:s8], $0x0  }
0x24: {  	s3 =	sadd.s32 $0x88, s3;
	s6 =	simm.s32 @!p1 $0x1082;
	[sflag:s4] =	ssyncset.s32 $0xFFFFF086  }
0x25: {  	[simem:s6], [sflag:s4] =	dma.local [hbm:s3], $0xF7A  }
0x26: {  	[smem:$0x3F9B] =	sst s1;
	(tag) =	ssettag s2;
	_ =	strace s9  }
0x27: {  	s1 =	sld [smem:$0x3FAB]  }
0x28: {  	s2 =	sld [smem:$0x3FAC]  }
0x29: {  	s4 =	sld [smem:$0x3FAE]  }
0x2a: {  	p0 =	seq.s32 s5, $0x0;
	s5 =	sld [smem:$0x3FAF]  }
0x2b: {  	s6 =	sld [smem:$0x3FB0]  }
0x2c: {  	s7 =	sld [smem:$0x3FB1]  }
0x2d: {  	s3 =	simm.s32 $0x108;
	s8 =	sld [smem:$0x3FB2]  }
0x2e: {  	s3 =	simm.s32 @!p0 $0x1082;
	s9 =	sld [smem:$0x3FB3]  }
0x2f: {  	lr =	sadd.s32 s0, s3;
	s0 =	sld [smem:$0x3FAA]  }
0x30: {  	s3 =	sld [smem:$0x3FAD]  }
0x31: {  	[smem:$0x3FB6] =	sst s10  }
0x32: {  	s10 =	sld [smem:$0x3FB4];
	_ =	sdelay $0x3  }
0x33: {  	p0 =	seq.s32 s10, $0x1;
	s10 =	sld [smem:$0x3FB6];
	_ =	sdelay $0x3  }
0x34: {  	[smem:$0x3FB6] =	sst s10  }
0x35: {  	s10 =	sld [smem:$0x3FB5];
	_ =	sdelay $0x3  }
0x36: {  	p1 =	seq.s32 s10, $0x1;
	s10 =	sld [smem:$0x3FB6];
	_ =	sdelay $0x3  }
0x37: {  	[smem:$0x3FB6] =	sst s10  }
0x38: {  	s10 =	sld [smem:$0x3FB7]  }
0x39: {  	_ = 	snop;
	(pc) =	sbr.ind lr, $3  }
0x3a: {  	_ = 	snop  }
0x3b: {  	_ = 	snop  }
0x3c: {  	p2 =	seq.s32 s10, $0x1;
	s10 =	sld [smem:$0x3FB6]  }
0x3d: {  	_ =	shalt  }
0x3e: {  	_ =	shalt  }
0x3f: {  	_ =	shalt  }
0x40: {  	_ =	shalt  }
0x41: {  	_ =	shalt  }
0x42: {  	_ =	shalt  }
0x43: {  	_ =	shalt  }
0x44: {  	_ =	shalt  }
0x45: {  	_ =	shalt  }
0x46: {  	_ =	shalt  }
0x47: {  	_ =	shalt  }
0x48: {  	_ =	shalt  }
0x49: {  	_ =	shalt  }
0x4a: {  	_ =	shalt  }
0x4b: {  	_ =	shalt  }
0x4c: {  	_ =	shalt  }
0x4d: {  	_ =	shalt  }
0x4e: {  	_ =	shalt  }
0x4f: {  	_ =	shalt  }
0x50: {  	_ =	shalt  }
0x51: {  	_ =	shalt  }
0x52: {  	_ =	shalt  }
0x53: {  	_ =	shalt  }
0x54: {  	_ =	shalt  }
0x55: {  	_ =	shalt  }
0x56: {  	_ =	shalt  }
0x57: {  	_ =	shalt  }
0x58: {  	_ =	shalt  }
0x59: {  	_ =	shalt  }
0x5a: {  	_ =	shalt  }
0x5b: {  	_ =	shalt  }
0x5c: {  	_ =	shalt  }
0x5d: {  	_ =	shalt  }
0x5e: {  	_ =	shalt  }
0x5f: {  	_ =	shalt  }
0x60: {  	_ =	shalt  }
0x61: {  	_ =	shalt  }
0x62: {  	_ =	shalt  }
0x63: {  	_ =	shalt  }
0x64: {  	_ =	shalt  }
0x65: {  	_ =	shalt  }
0x66: {  	_ =	shalt  }
0x67: {  	_ =	shalt  }
0x68: {  	_ =	shalt  }
0x69: {  	_ =	shalt  }
0x6a: {  	_ =	shalt  }
0x6b: {  	_ =	shalt  }
0x6c: {  	_ =	shalt  }
0x6d: {  	_ =	shalt  }
0x6e: {  	_ =	shalt  }
0x6f: {  	_ =	shalt  }
0x70: {  	_ =	shalt  }
0x71: {  	_ =	shalt  }
0x72: {  	_ =	shalt  }
0x73: {  	_ =	shalt  }
0x74: {  	_ =	shalt  }
0x75: {  	_ =	shalt  }
0x76: {  	_ =	shalt  }
0x77: {  	_ =	shalt  }
0x78: {  	_ =	shalt  }
0x79: {  	_ =	shalt  }
0x7a: {  	_ =	shalt  }
0x7b: {  	_ =	shalt  }
0x7c: {  	_ =	shalt  }
0x7d: {  	_ =	shalt  }
0x7e: {  	_ =	shalt  }
0x7f: {  	_ =	shalt  }
0x80: {  	_ =	shalt  }
0x81: {  	_ =	shalt  }
0x82: {  	_ =	shalt  }
0x83: {  	_ =	shalt  }
0x84: {  	_ =	shalt  }
0x85: {  	_ =	shalt  }
0x86: {  	_ =	shalt  }
0x87: {  	_ =	shalt  }
.Lfunc_end0:
.L_simem_size_0:
called_computation_lowered:
.L_overlay_start_0:
0x88: {  	s2 =	sld [smem:$0x3FD9]  }
0x89: {  	s3 =	sld [smem:$0x3FFE];
	_ =	sdelay $0x1  }
0x8a: {  	s1 =	srdreg.scid  }
0x8b: {  	s0 =	sand.u32 $0x1, s1  }
0x8c: {  	s17 =	sshll.u32 s0, $0xA;
	s2 =	sadd.s32 s3, s2  }
0x8d: {  	s2 =	sadd.s32 s2, s17  }
0x8e: {  	[smem:$0x3FC2] =	sst s2  }
0x8f: {  	_ = 	snop  }
0x90: {  	s2 =	sld [smem:$0x3FD0];
	(tm) =	ssettm $0x1  }
0x91: {  	s18 =	sld [smem:$0x3FFB];
	_ =	sdelay $0x3  }
0x92: {  	_ =	strace s18  }
0x93: {  	s3 =	sld [smem:$0x3FFC];
	_ =	sdelay $0x3  }
0x94: {  	_ =	strace s3  }
0x95: {  	s3 =	sld [smem:$0x3FFD];
	_ =	sdelay $0x3  }
0x96: {  	_ =	strace s3  }
0x97: {  	_ =	strace $0x8FFFFFFF  }
0x98: {  	s19 =	sld [smem:$0x3FDB];
	_ =	sdelay $0x1  }
0x99: {  	s4 =	simm.s32 $_scs_section_size  }
0x9a: {  	s5 =	simm.s32 $_size__tile_overlayer_lowered;
	s6 =	simm.s32 $_tile_overlayer_lowered  }
0x9b: {  	s22 =	simm.s32 $0x1BFF;
	s21 =	sshll.u32 s6, $0x1;
	s3 =	sadd.s32 s4, s19  }
0x9c: {  	s7 =	simm.s32 $0x0;
	s20 =	sshll.u32 s5, $0x1;
	s5 =	sadd.s32 s21, s3  }
0x9d: {  	[timem:s7], [sflag:s22] =	dma.local [hbm:s5], s20  }
0x9e: {  	_ =	swait.ge [sflag:s22], s20  }
0x9f: {  	s4 =	ssub.s32 $0x0, s20;
	[sflag:s22] =	ssyncset.done $0x0  }
0xa0: {  	[sflag:s22] =	ssyncadd.s32 s4;
	_ =	sdelay $0x1  }
0xa1: {  	s23 =	simm.s32 $0x1B8B  }
0xa2: {  	_ =	swait.ge [sflag:s23], $0x1  }
0xa3: {  	[sflag:s23] =	ssyncset.done $0x0  }
0xa4: {  	s25 =	simm.s32 $0x1B8E;
	s24 =	sld [smem:$0x3FFE];
	[sflag:s23] =	ssyncadd.s32 $0xFFFFFFFF  }
0xa5: {  	s26 =	simm.s32 $execute0_lowered;
	[smem:$0x3FD2] =	sst s25  }
0xa6: {  	s5 =	sshll.u32 s26, $0x1;
	_ =	strace $0x80000046;
	[dreg:$0x1] =	wrdreg $0xFFFFFFFF  }
0xa7: {  	s28 =	simm.s32 $_size_execute0_lowered;
	s3 =	sadd.s32 s3, s5;
	[dreg:$0x0] =	wrdreg $0x0  }
0xa8: {  	s5 =	sshll.u32 s28, $0x1;
	[dreg:$0x2] =	wrdreg s3  }
0xa9: {  	[dreg:$0x3] =	wrdreg s5  }
0xaa: {  	[dreg:$0x4] =	wrdreg $0xC0  }
0xab: {  	_ =	task [dreg:s7], $0x5FFFF  }
0xac: {  	[dreg:$0x1] =	wrdreg $0xFFFFFFFF  }
0xad: {  	[dreg:$0x0] =	wrdreg $0x60  }
0xae: {  	[dreg:$0x2] =	wrdreg s2  }
0xaf: {  	[dreg:$0x3] =	wrdreg s24  }
0xb0: {  	[dreg:$0x4] =	wrdreg $0x0  }
0xb1: {  	[dreg:$0x5] =	wrdreg $0x9  }
0xb2: {  	_ =	task.clear_ibuf [dreg:s7], $0x6FFFF;
	_ =	strace $0x90000046  }
0xb3: {  	s29 =	simm.s32 $0x9;
	_ =	strace $0x80000048  }
0xb4: {  	_ =	swait.ge [sflag:s29], $0x1  }
0xb5: {  	[sflag:s29] =	ssyncadd.s32 $0xFFFFFFFF  }
0xb6: {  	_ =	strace $0x90000048  }
0xb7: {  	_ =	sfence  }
0xb8: {  	s30 =	sld [smem:$0x0];
	_ =	sdelay $0x2  }
0xb9: {  	s31 =	sshll.u32 s1, $0xD;
	s1 =	sshrl.u32 s1, $0x2  }
0xba: {  	s3 =	sand.u32 $0x4000, s31;
	s1 =	sadd.s32 s1, s30  }
0xbb: {  	s0 =	sor.u32 s3, s0;
	s1 =	sshll.u32 s1, $0x11  }
0xbc: {  	s0 =	sor.u32 s1, s0  }
0xbd: {  	s0 =	sadd.s32 $0x8F2B, s0  }
0xbe: {  	[sflag:s0] =	ssyncadd.remote.s32 $0x1  }
0xbf: {  	_ =	sfence.sel $0xFFFF  }
0xc0: {  	[dreg:$0x0] =	wrdreg $0xFFFFFFFF;
	(pc) =	sbr.abs _section_cstart, $3  }
0xc1: {  	[dreg:$0x1] =	wrdreg $0xFFFFFFFF  }
0xc2: {  	_ =	task.clear_ibuf [dreg:s7], $0x2FFFF;
	_ =	strace $0x9FFFFFFF  }
0xc3: {  	(tm) =	ssettm $0x7FFFFFFF  }
tec
execute0_lowered:
.L_overlay_start_1:
0x0: {  	(tag) =	ssettag $0x1  }
0x1: {  	s5 =	rddreg [dreg:$0x0]  }
0x2: {  	s6 =	rddreg [dreg:$0x1]  }
0x3: {  	s0 =	srdreg.scid;
	s1 =	rddreg [dreg:$0x2];
	s3 =	simm.s32 $0x0  }
0x4: {  	s2 =	stileid.u32;
	s10 =	simm.s32 $0x4800;
	s12 =	simm.s32 $0x30E0  }
0x5: {  	s7 =	sand.u32 $0x1, s0;
	s0 =	rddreg [dreg:$0x3];
	s9 =	smul.u32 $0x1870, s2  }
0x6: {  	s15 =	simm.s32 $0x0;
	[smem:$0x7FF] =	sst s3;
	s11 =	smul.u32 $0x3200, s2  }
0x7: {  	s13 =	sshll.u32 s2, $0x6;
	s4 =	ssub.s32 $0x2, s7;
	_ =	strace $0x80000047  }
0x8: {  	p0 =	seq.s32 s7, $0x1;
	s7 =	smul.u32 $0x1900, s7;
	s13 =	sor.u32 $0x1C01, s13  }
0x9: {  	s8 =	sshrl.u32 s4, $0x1;
	s10 =	simm.s32 @!p0 $0x1600;
	s31 =	sadd.s32 s11, s5  }
0xa: {  	s11 =	simm.s32 $0x100;
	s8 =	ssub.s32 s4, s8;
	s4 =	sadd.s32 s9, s1  }
0xb: {  	s9 =	sshrl.u32 s9, $0x3;
	s6 =	sadd.s32 s10, s6;
	s7 =	sadd.s32 s7, s31  }
0xc: {  	s10 =	simm.s32 $0x31E0;
	s5 =	smax.u32 s8, $0x1;
	s6 =	sadd.s32 s6, s9  }
0xd: {  	v0 =	vimm.f32 $0.0e+00;
	v1 =	vimm.f32 $1.000000000e+00;
	s8 =	simm.s32 $0x1870;
	s9 =	simm.s32 $0x1;
	s14 =	sshrl.u32 s4, $0x3  }
.LBB2_1:
0xe: {  	s16 =	simm.s32 $0x40;
	s17 =	simm.s32 $0x0  }
.LBB2_2:
0xf: {  	p0 =	sne.s32 s16, $0x6180;
	[tilespmem:s17+$0x1870] =	vst v0;
	s17 =	smov.u32 s16;
	s16 =	sadd.s32 $0x40, s16  }
.Ltmp0:
0x10: {  	(pc) =	sbr.rel @p0 .LBB2_2-.Ltmp0, $2  }
0x11: {  	_ =	sdelay $0x2  }
0x12: {  	s17 =	sshra.s32 s17, $0x2  }
0x13: {  	[tilespmem:s17+$0x1870] =	vst v0  }
0x14: {  	[tilespmem:$0x30E0] =	vst v1  }
0x15: {  	[tilespmem:$0x30F0] =	vst v1  }
0x16: {  	[tilespmem:$0x3100] =	vst v1  }
0x17: {  	[tilespmem:$0x3110] =	vst v1  }
0x18: {  	[tilespmem:$0x3120] =	vst v1  }
0x19: {  	[tilespmem:$0x3130] =	vst v1  }
0x1a: {  	[tilespmem:$0x3140] =	vst v1  }
0x1b: {  	[tilespmem:$0x3150] =	vst v1  }
0x1c: {  	[tilespmem:$0x3160] =	vst v1  }
0x1d: {  	[tilespmem:$0x3170] =	vst v1  }
0x1e: {  	[tilespmem:$0x3180] =	vst v1  }
0x1f: {  	[tilespmem:$0x3190] =	vst v1  }
0x20: {  	[tilespmem:$0x31A0] =	vst v1  }
0x21: {  	[tilespmem:$0x31B0] =	vst v1  }
0x22: {  	[tilespmem:$0x31C0] =	vst v1  }
0x23: {  	[tilespmem:$0x31D0] =	vst v1  }
0x24: {  	[spmem:s4] =	stream.linear.scatter [tilespmem:s8], [sflag:$0x1], $0x1870, $0x38;
	[tilespmem:$0x32E0] =	vst v63  }
0x25: {  	_ =	swait.ge [sflag:s9], $0x1870  }
0x26: {  	[sflag:s9] =	ssyncset.done $0x0  }
0x27: {  	[sflag:s9] =	ssyncadd.s32 $0xFFFFE790  }
0x28: {  	s16 =	sadd.s32 $0x0, s7;
	[bflag:$0x0] =	sbarrier.arrive $0xFFFF  }
0x29: {  	[tilespmem:s10], [sflag:$0x1] =	stream.linear.gather [hbm4b:s16+s3], $0x100, $0x38;
	[tilespmem:$0x32E0] =	vst v63  }
0x2a: {  	_ =	swait.ge [sflag:s9], $0x100  }
0x2b: {  	[sflag:s9] =	ssyncset.done $0x0  }
0x2c: {  	[sflag:s9] =	ssyncadd.s32 $0xFFFFFF00  }
0x2d: {  	[spmem:s1] =	stream.indirect.scatter.add.f32 [tilespmem:s12], [sflag:$0x1], $0x1, s10, s11, $0xb8;
	[tilespmem:$0x32E0] =	vst v63  }
0x2e: {  	_ =	swait.ge [sflag:s9], $0x100  }
0x2f: {  	s17 =	simm.s32 $0x40;
	s16 =	simm.s32 $0x20;
	[sflag:s9] =	ssyncset.done $0x0  }
.LBB2_4:
0x30: {  	s18 =	sadd.s32 s16, s7  }
0x31: {  	[sflag:s9] =	ssyncadd.s32 $0xFFFFFF00;
	s16 =	smov.u32 s17;
	s19 =	sadd.s32 $0x20, s17  }
0x32: {  	[tilespmem:s10], [sflag:$0x1] =	stream.linear.gather [hbm4b:s18+s3], $0x100, $0x38;
	[tilespmem:$0x32E0] =	vst v63  }
0x33: {  	p0 =	sne.s32 s17, $0x18E0;
	_ =	swait.ge [sflag:s9], $0x100  }
.Ltmp1:
0x34: {  	[sflag:s9] =	ssyncset.done $0x0;
	(pc) =	sbr.rel @p0 .LBB2_4-.Ltmp1, $4  }
0x35: {  	[sflag:s9] =	ssyncadd.s32 $0xFFFFFF00  }
0x36: {  	[spmem:s1] =	stream.indirect.scatter.add.f32 [tilespmem:s12], [sflag:$0x1], $0x1, s10, s11, $0xb8;
	[tilespmem:$0x32E0] =	vst v63  }
0x37: {  	_ =	swait.ge [sflag:s9], $0x100  }
0x38: {  	s17 =	smov.u32 s19;
	[sflag:s9] =	ssyncset.done $0x0  }
0x39: {  	s16 =	sadd.s32 s16, s7;
	[sflag:s9] =	ssyncadd.s32 $0xFFFFFF00  }
0x3a: {  	[tilespmem:s10], [sflag:$0x1] =	stream.linear.gather [hbm4b:s16+s3], $0x100, $0x38;
	[tilespmem:$0x32E0] =	vst v63  }
0x3b: {  	_ =	swait.ge [sflag:s9], $0x100  }
0x3c: {  	[sflag:s9] =	ssyncset.done $0x0  }
0x3d: {  	[sflag:s9] =	ssyncadd.s32 $0xFFFFFF00  }
0x3e: {  	[spmem:s1] =	stream.indirect.scatter.add.f32 [tilespmem:s12], [sflag:$0x1], $0x1, s10, s11, $0xb8;
	[tilespmem:$0x32E0] =	vst v63  }
0x3f: {  	_ =	swait.ge [sflag:s9], $0x100  }
0x40: {  	s15 =	sadd.s32 $0x1, s15;
	[sflag:s9] =	ssyncset.done $0x0  }
0x41: {  	p0 =	sne.s32 s15, s5;
	[sflag:s9] =	ssyncadd.s32 $0xFFFFFF00  }
.Ltmp2:
0x42: {  	[bflag:$0x0] =	sbarrier.arrive $0xFFFF;
	(pc) =	sbr.rel @p0 .LBB2_1-.Ltmp2, $4  }
0x43: {  	[hbm:s6], [sflag:s13] =	dma.local [spmem:s14], $0x30E  }
0x44: {  	_ =	swait.ge [sflag:s9], $0x30E  }
0x45: {  	[sflag:s9] =	ssyncset.done $0x0  }
0x46: {  	[sflag:s9] =	ssyncadd.s32 $0xFFFFFCF2  }
0x47: {  	_ =	sfence.sel $0x180000  }
0x48: {  	[bflag:$0x0] =	sbarrier.arrive $0xFFFF  }
0x49: {  	p0 =	sne.s32 s2, $0x0;
	_ =	strace $0x90000047  }
0x4a: {  	s0 =	sadd.s32 @!p0 $0x100000, s0;
	[bflag:$0x2] =	sbarrier.arrive $0xFFFF  }
0x4b: {  	[sflag:s0] =	ssyncadd.tile.s32 @!p0 $0x1;
	_ =	shalt  }
.Lfunc_end2:
_tile_overlayer_lowered:
.L_overlay_start_2:
0x4c: {  	(tag) =	ssettag $0x2  }
0x4d: {  	s0 =	rddreg [dreg:$0x0];
	s2 =	stileid.u32  }
0x4e: {  	s1 =	rddreg [dreg:$0x1];
	p0 =	sne.s32 s2, $0x0  }
0x4f: {  	s3 =	rddreg [dreg:$0x2];
	[bflag:$0x3] =	sbarrier.arrive $0xFFFF;
	s2 =	simm.s32 @!p0 $0x1C01  }
0x50: {  	[timem:s3], [sflag:s2] =	dma.local @!p0 [hbm:s0], s1  }
0x51: {  	s0 =	simm.s32 @!p0 $0x1  }
0x52: {  	_ =	swait.ge @!p0 [sflag:s0], s1  }
0x53: {  	s1 =	ssub.s32 @!p0 $0x0, s1;
	[sflag:s0] =	ssyncset.done @!p0 $0x0  }
0x54: {  	[sflag:s0] =	ssyncadd.s32 @!p0 s1  }
0x55: {  	[bflag:$0x3] =	sbarrier.arrive $0xFFFF  }
0x56: {  	_ =	shalt  }

</sc_bundles>
